<compile_context>
chip_gen: v7x
topology: tpu7x:2x2x1
jax: 0.10.2.dev20260603
libtpu: 0.0.44.dev20260713+nightly
codegen_flags: <defaults>
</compile_context>

<pallas_src>
import jax
import jax.numpy as jnp
from jax import lax
from jax.experimental import pallas as pl
from jax.experimental.pallas import tpu as pltpu
from jax.experimental.pallas import tpu_sc as plsc

_NUM_EMBED = 1000000
_EMBED_DIM = 32
_BATCH = 16384
_FIELDS = 26
_PADW = 128

_NC = 2
_NS = 16
_NW = _NC * _NS

_BLK = 128
_NBB = _BATCH // _BLK
_UNITS = _FIELDS * _NBB
_UPW = _UNITS // _NW
_EHI = _EMBED_DIM // 8
_NRB = 4
_QUADS = _UPW // _NRB


def _gather_body(table_hbm, idx_hbm, out_hbm, idx_v, *rest):
    rows = rest[:_NRB]
    tb = rest[_NRB:_NRB + 2]
    gs = rest[_NRB + 2:2 * _NRB + 2]
    ws = rest[2 * _NRB + 2:2 * _NRB + 4]

    wid = lax.axis_index("s") * _NC + lax.axis_index("c")
    u0 = wid * _UPW
    iota = lax.iota(jnp.int32, 16)
    pltpu.sync_copy(idx_hbm.at[pl.ds(u0 * _BLK, _UPW * _BLK)], idx_v)

    def fire(u, j):
        pltpu.async_copy(
            table_hbm.at[idx_v.at[pl.ds(u * _BLK, _BLK)]], rows[j], gs[j])

    def drain_gather(j):
        pltpu.make_async_copy(
            table_hbm.at[pl.ds(0, _BLK)], rows[j], gs[j]).wait()

    ridx = [grp * 16 + iota for grp in range(8)]

    def transpose(j, p):
        @plsc.parallel_loop(0, _EMBED_DIM, unroll=4)
        def _(e):
            ce = jnp.full((16,), e, jnp.int32)
            vs = [plsc.load_gather(rows[j], [ridx[grp], ce])
                  for grp in range(8)]
            for grp in range(8):
                tb[p][e, pl.ds(grp * 16, 16)] = vs[grp]

    def write(g, p):
        f = g // _NBB
        bb = g - f * _NBB
        for ehi in range(_EHI):
            pltpu.async_copy(tb[p].at[pl.ds(ehi * 8, 8)],
                             out_hbm.at[f, ehi, bb], ws[p])

    def drain_write(p):
        pltpu.make_async_copy(
            tb[p], out_hbm.at[0, pl.ds(0, _EHI), 0], ws[p]).wait()

    for j in range(_NRB - 1):
        fire(j, j)

    @pl.loop(0, _QUADS - 1)
    def _(t):
        for j in range(_NRB):
            u = _NRB * t + j
            fire(u + _NRB - 1, (j + _NRB - 1) % _NRB)
            drain_gather(j)

            @pl.when(u > 1)
            def _():
                drain_write(j % 2)

            transpose(j, j % 2)
            write(u0 + u, j % 2)

    base = _NRB * (_QUADS - 1)
    fire(base + _NRB - 1, _NRB - 1)
    for j in range(_NRB):
        u = base + j
        drain_gather(j)
        drain_write(j % 2)
        transpose(j, j % 2)
        write(u0 + u, j % 2)
    drain_write(0)
    drain_write(1)


@jax.jit
def _gather(table, idx_t):
    mesh = plsc.VectorSubcoreMesh(core_axis_name="c", subcore_axis_name="s")
    out5 = pl.kernel(
        _gather_body,
        out_type=jax.ShapeDtypeStruct((_FIELDS, _EHI, _NBB, 8, _BLK),
                                      jnp.float32),
        mesh=mesh,
        scratch_types=(
            [pltpu.VMEM((_UPW * _BLK,), jnp.int32)]
            + [pltpu.VMEM((_BLK, _EMBED_DIM), jnp.float32)] * _NRB
            + [pltpu.VMEM((_EMBED_DIM, _BLK), jnp.float32)] * 2
            + [pltpu.SemaphoreType.DMA] * (_NRB + 2)
        ),
        compiler_params=pltpu.CompilerParams(use_tc_tiling_on_sc=False,
                                             needs_layout_passes=False),
    )(table, idx_t)
    return out5.transpose(2, 4, 0, 1, 3).reshape(_BATCH, _FIELDS, _EMBED_DIM)


def kernel(x, table):
    tpad = jnp.pad(table, ((0, 0), (0, _PADW - _EMBED_DIM)))
    t4 = tpad.reshape(_NUM_EMBED * (_PADW // _EMBED_DIM), _EMBED_DIM)
    idx4 = x.T.astype(jnp.int32).reshape(-1) * (_PADW // _EMBED_DIM)
    return _gather(t4, idx4)

# --- scband reference (transcript-rebuilt; emitter-appended) ---
"""Pipeline reference for scband-awesome-embed-54803782697059 (READ-ONLY COPY).

The authoritative reference and input builder live on the scoring server;
editing this copy changes nothing except your own understanding.
"""

import jax, jax.numpy as jnp
import numpy as np

NUM_EMBED = 1000000
EMBED_DIM = 32
BATCH = 16384
FIELDS = 26

def setup_inputs(seed: int = 0) -> dict:
    key = jax.random.key(seed)
    k1, k2 = jax.random.split(key)
    x = jax.random.randint(k1, (BATCH, FIELDS), 0, NUM_EMBED, dtype=jnp.int64)
    # nn.Embedding default init: N(0, 1)
    table = jax.random.normal(k2, (NUM_EMBED, EMBED_DIM), dtype=jnp.float32)
    return {"x": x, "table": table}

def reference(x, table):
    idx = x.astype(jnp.int64)
    return jnp.take(table, idx, axis=0)

if __name__ == "__main__":
    import jax
    _d = setup_inputs()
    print(jax.jit(kernel)(*tuple(_d.values())))

</pallas_src>

<mosaic_0001>
#map = affine_map<(d0, d1) -> (0, 0)>
#map1 = affine_map<(d0, d1) -> (0)>
#map2 = affine_map<(d0, d1) -> (0, 0, 0, 0, 0)>
module attributes {stable_mosaic.version = 14 : i64} {
  func.func @_gather_body(%arg0: i32, %arg1: i32, %arg2: memref<4000000x32xf32, #tpu.memory_space<hbm>>, %arg3: memref<425984xi32, #tpu.memory_space<hbm>>, %arg4: memref<26x4x128x8x128xf32, #tpu.memory_space<hbm>>, %arg5: memref<13312xi32, #tpu.memory_space<vmem>>, %arg6: memref<128x32xf32, #tpu.memory_space<vmem>>, %arg7: memref<128x32xf32, #tpu.memory_space<vmem>>, %arg8: memref<128x32xf32, #tpu.memory_space<vmem>>, %arg9: memref<128x32xf32, #tpu.memory_space<vmem>>, %arg10: memref<32x128xf32, #tpu.memory_space<vmem>>, %arg11: memref<32x128xf32, #tpu.memory_space<vmem>>, %arg12: memref<!tpu.dma_semaphore, #tpu.memory_space<semaphore_mem>>, %arg13: memref<!tpu.dma_semaphore, #tpu.memory_space<semaphore_mem>>, %arg14: memref<!tpu.dma_semaphore, #tpu.memory_space<semaphore_mem>>, %arg15: memref<!tpu.dma_semaphore, #tpu.memory_space<semaphore_mem>>, %arg16: memref<!tpu.dma_semaphore, #tpu.memory_space<semaphore_mem>>, %arg17: memref<!tpu.dma_semaphore, #tpu.memory_space<semaphore_mem>>) attributes {dimension_semantics = [#tpu.dimension_semantics<core_parallel>, #tpu.dimension_semantics<subcore_parallel>], iteration_bounds = array<i64: 2, 16>, scalar_prefetch = 0 : i64, scratch_operands = 13 : i64, tpu.core_type = #tpu.core_type<sc_vector_subcore>, window_params = [{transform_indices = #map}, {transform_indices = #map1}, {transform_indices = #map2}]} {
    %mul3A = arith.constant 2 : i32
    %mul3A_0 = arith.muli %arg1, %mul3A : i32
    %add3A = arith.addi %mul3A_0, %arg0 : i32
    %mul3A_1 = arith.constant 104 : i32
    %mul3A_2 = arith.muli %add3A, %mul3A_1 : i32
    %iota3A = tpu.iota {dimensions = array<i32: 0>} : vector<16xi32>
    %mul3A_3 = arith.constant 128 : i32
    %mul3A_4 = arith.muli %mul3A_2, %mul3A_3 : i32
    "tpu.region"() ({
      %run_scoped3A = tpu.sem_alloc : memref<!tpu.dma_semaphore, #tpu.memory_space<semaphore_mem>>
      %dma_start3A_506 = tpu.memref_slice %arg3[%mul3A_4] : memref<425984xi32, #tpu.memory_space<hbm>> -> memref<13312xi32, #tpu.memory_space<hbm>>
      %dma_start3A_507 = tpu.memref_slice %arg3[%mul3A_4] : memref<425984xi32, #tpu.memory_space<hbm>> -> memref<13312xi32, #tpu.memory_space<hbm>>
      tpu.enqueue_dma source(%dma_start3A_507 : memref<13312xi32, #tpu.memory_space<hbm>>) target(%arg5 : memref<13312xi32, #tpu.memory_space<vmem>>) target_semaphore(%run_scoped3A : memref<!tpu.dma_semaphore, #tpu.memory_space<semaphore_mem>>)
      %dma_wait3A_508 = tpu.memref_slice %arg3[%mul3A_4] : memref<425984xi32, #tpu.memory_space<hbm>> -> memref<13312xi32, #tpu.memory_space<hbm>>
      %dma_wait3A_509 = tpu.memref_slice %arg3[%mul3A_4] : memref<425984xi32, #tpu.memory_space<hbm>> -> memref<13312xi32, #tpu.memory_space<hbm>>
      tpu.wait_dma2 semaphore(%run_scoped3A : memref<!tpu.dma_semaphore, #tpu.memory_space<semaphore_mem>>) src(%dma_wait3A_509 : memref<13312xi32, #tpu.memory_space<hbm>>) dst(%arg5 : memref<13312xi32, #tpu.memory_space<vmem>>)
      tpu.yield
    }) : () -> ()
    %add3A_5 = arith.constant 0 : i32
    %add3A_6 = vector.broadcast %add3A_5 : i32 to vector<16xi32>
    %add3A_7 = arith.addi %add3A_6, %iota3A : vector<16xi32>
    %add3A_8 = arith.constant 16 : i32
    %add3A_9 = vector.broadcast %add3A_8 : i32 to vector<16xi32>
    %add3A_10 = arith.addi %add3A_9, %iota3A : vector<16xi32>
    %add3A_11 = arith.constant 32 : i32
    %add3A_12 = vector.broadcast %add3A_11 : i32 to vector<16xi32>
    %add3A_13 = arith.addi %add3A_12, %iota3A : vector<16xi32>
    %add3A_14 = arith.constant 48 : i32
    %add3A_15 = vector.broadcast %add3A_14 : i32 to vector<16xi32>
    %add3A_16 = arith.addi %add3A_15, %iota3A : vector<16xi32>
    %add3A_17 = arith.constant 64 : i32
    %add3A_18 = vector.broadcast %add3A_17 : i32 to vector<16xi32>
    %add3A_19 = arith.addi %add3A_18, %iota3A : vector<16xi32>
    %add3A_20 = arith.constant 80 : i32
    %add3A_21 = vector.broadcast %add3A_20 : i32 to vector<16xi32>
    %add3A_22 = arith.addi %add3A_21, %iota3A : vector<16xi32>
    %add3A_23 = arith.constant 96 : i32
    %add3A_24 = vector.broadcast %add3A_23 : i32 to vector<16xi32>
    %add3A_25 = arith.addi %add3A_24, %iota3A : vector<16xi32>
    %add3A_26 = arith.constant 112 : i32
    %add3A_27 = vector.broadcast %add3A_26 : i32 to vector<16xi32>
    %add3A_28 = arith.addi %add3A_27, %iota3A : vector<16xi32>
    %dma_start3A = arith.constant 0 : i32
    %dma_start3A_29 = tpu.memref_slice %arg5[%dma_start3A] : memref<13312xi32, #tpu.memory_space<vmem>> -> memref<128xi32, #tpu.memory_space<vmem>>
    %dma_start3A_30 = arith.constant 0 : i32
    %dma_start3A_31 = arith.constant 0 : i32
    %dma_start3A_32 = tpu.memref_slice %arg2[%dma_start3A_30, %dma_start3A_31] : memref<4000000x32xf32, #tpu.memory_space<hbm>> -> memref<4000000x32xf32, #tpu.memory_space<hbm>>
    tpu.enqueue_indirect_dma source(%dma_start3A_32 : memref<4000000x32xf32, #tpu.memory_space<hbm>>) target(%arg6 : memref<128x32xf32, #tpu.memory_space<vmem>>) offsets(%dma_start3A_29 : memref<128xi32, #tpu.memory_space<vmem>>) semaphore(%arg12 : memref<!tpu.dma_semaphore, #tpu.memory_space<semaphore_mem>>)
    %dma_start3A_33 = arith.constant 128 : i32
    %dma_start3A_34 = tpu.memref_slice %arg5[%dma_start3A_33] : memref<13312xi32, #tpu.memory_space<vmem>> -> memref<128xi32, #tpu.memory_space<vmem>>
    %dma_start3A_35 = arith.constant 0 : i32
    %dma_start3A_36 = arith.constant 0 : i32
    %dma_start3A_37 = tpu.memref_slice %arg2[%dma_start3A_35, %dma_start3A_36] : memref<4000000x32xf32, #tpu.memory_space<hbm>> -> memref<4000000x32xf32, #tpu.memory_space<hbm>>
    tpu.enqueue_indirect_dma source(%dma_start3A_37 : memref<4000000x32xf32, #tpu.memory_space<hbm>>) target(%arg7 : memref<128x32xf32, #tpu.memory_space<vmem>>) offsets(%dma_start3A_34 : memref<128xi32, #tpu.memory_space<vmem>>) semaphore(%arg13 : memref<!tpu.dma_semaphore, #tpu.memory_space<semaphore_mem>>)
    %dma_start3A_38 = arith.constant 256 : i32
    %dma_start3A_39 = tpu.memref_slice %arg5[%dma_start3A_38] : memref<13312xi32, #tpu.memory_space<vmem>> -> memref<128xi32, #tpu.memory_space<vmem>>
    %dma_start3A_40 = arith.constant 0 : i32
    %dma_start3A_41 = arith.constant 0 : i32
    %dma_start3A_42 = tpu.memref_slice %arg2[%dma_start3A_40, %dma_start3A_41] : memref<4000000x32xf32, #tpu.memory_space<hbm>> -> memref<4000000x32xf32, #tpu.memory_space<hbm>>
    tpu.enqueue_indirect_dma source(%dma_start3A_42 : memref<4000000x32xf32, #tpu.memory_space<hbm>>) target(%arg8 : memref<128x32xf32, #tpu.memory_space<vmem>>) offsets(%dma_start3A_39 : memref<128xi32, #tpu.memory_space<vmem>>) semaphore(%arg14 : memref<!tpu.dma_semaphore, #tpu.memory_space<semaphore_mem>>)
    %scan3A = arith.constant 0 : i32
    %scan3A_43 = arith.constant 25 : i32
    %scan3A_44 = arith.addi %scan3A, %scan3A_43 : i32
    %scan3A_45 = arith.constant 1 : i32
    scf.for %scan3A_506 = %scan3A to %scan3A_44 step %scan3A_45  : i32 {
      %mul3A_507 = arith.constant 1 : i32
      %mul3A_508 = arith.muli %scan3A_506, %mul3A_507 : i32
      %add3A_509 = arith.constant 0 : i32
      %add3A_510 = arith.addi %add3A_509, %mul3A_508 : i32
      %mul3A_511 = arith.constant 4 : i32
      %mul3A_512 = arith.muli %mul3A_511, %add3A_510 : i32
      %add3A_513 = arith.constant 0 : i32
      %add3A_514 = arith.addi %mul3A_512, %add3A_513 : i32
      %add3A_515 = arith.constant 4 : i32
      %add3A_516 = arith.addi %add3A_514, %add3A_515 : i32
      %sub3A_517 = arith.constant 1 : i32
      %sub3A_518 = arith.subi %add3A_516, %sub3A_517 : i32
      %mul3A_519 = arith.constant 128 : i32
      %mul3A_520 = arith.muli %sub3A_518, %mul3A_519 : i32
      %dma_start3A_521 = tpu.memref_slice %arg5[%mul3A_520] : memref<13312xi32, #tpu.memory_space<vmem>> -> memref<128xi32, #tpu.memory_space<vmem>>
      %dma_start3A_522 = arith.constant 0 : i32
      %dma_start3A_523 = arith.constant 0 : i32
      %dma_start3A_524 = tpu.memref_slice %arg2[%dma_start3A_522, %dma_start3A_523] : memref<4000000x32xf32, #tpu.memory_space<hbm>> -> memref<4000000x32xf32, #tpu.memory_space<hbm>>
      tpu.enqueue_indirect_dma source(%dma_start3A_524 : memref<4000000x32xf32, #tpu.memory_space<hbm>>) target(%arg9 : memref<128x32xf32, #tpu.memory_space<vmem>>) offsets(%dma_start3A_521 : memref<128xi32, #tpu.memory_space<vmem>>) semaphore(%arg15 : memref<!tpu.dma_semaphore, #tpu.memory_space<semaphore_mem>>)
      %dma_wait3A_525 = arith.constant 0 : i32
      %dma_wait3A_526 = arith.constant 0 : i32
      %dma_wait3A_527 = tpu.memref_slice %arg2[%dma_wait3A_525, %dma_wait3A_526] : memref<4000000x32xf32, #tpu.memory_space<hbm>> -> memref<128x32xf32, #tpu.memory_space<hbm>>
      %dma_wait3A_528 = arith.constant 0 : i32
      %dma_wait3A_529 = arith.constant 0 : i32
      %dma_wait3A_530 = tpu.memref_slice %arg2[%dma_wait3A_528, %dma_wait3A_529] : memref<4000000x32xf32, #tpu.memory_space<hbm>> -> memref<128x32xf32, #tpu.memory_space<hbm>>
      tpu.wait_dma2 semaphore(%arg12 : memref<!tpu.dma_semaphore, #tpu.memory_space<semaphore_mem>>) src(%dma_wait3A_530 : memref<128x32xf32, #tpu.memory_space<hbm>>) dst(%arg6 : memref<128x32xf32, #tpu.memory_space<vmem>>)
      %gt3A = arith.constant 1 : i32
      %gt3A_531 = arith.cmpi sgt, %add3A_514, %gt3A : i32
      %convert_element_type3A = arith.extui %gt3A_531 : i1 to i32
      %cond3A = arith.constant 0 : i32
      %cond3A_532 = arith.cmpi ne, %convert_element_type3A, %cond3A : i32
      scf.if %cond3A_532 {
        %dma_wait3A_972 = arith.constant 0 : i32
        %dma_wait3A_973 = arith.constant 0 : i32
        %dma_wait3A_974 = arith.constant 0 : i32
        %dma_wait3A_975 = arith.constant 0 : i32
        %dma_wait3A_976 = arith.constant 0 : i32
        %dma_wait3A_977 = tpu.memref_slice %arg4[%dma_wait3A_972, %dma_wait3A_974, %dma_wait3A_973, %dma_wait3A_975, %dma_wait3A_976] : memref<26x4x128x8x128xf32, #tpu.memory_space<hbm>> -> memref<1x4x1x8x128xf32, #tpu.memory_space<hbm>>
        %dma_wait3A_978 = tpu.memref_squeeze %dma_wait3A_977 : memref<1x4x1x8x128xf32, #tpu.memory_space<hbm>> -> memref<4x8x128xf32, #tpu.memory_space<hbm>>
        %dma_wait3A_979 = arith.constant 0 : i32
        %dma_wait3A_980 = arith.constant 0 : i32
        %dma_wait3A_981 = arith.constant 0 : i32
        %dma_wait3A_982 = tpu.memref_slice %arg4[%dma_wait3A_972, %dma_wait3A_979, %dma_wait3A_973, %dma_wait3A_980, %dma_wait3A_981] : memref<26x4x128x8x128xf32, #tpu.memory_space<hbm>> -> memref<1x4x1x8x128xf32, #tpu.memory_space<hbm>>
        %dma_wait3A_983 = tpu.memref_squeeze %dma_wait3A_982 : memref<1x4x1x8x128xf32, #tpu.memory_space<hbm>> -> memref<4x8x128xf32, #tpu.memory_space<hbm>>
        tpu.wait_dma2 semaphore(%arg16 : memref<!tpu.dma_semaphore, #tpu.memory_space<semaphore_mem>>) src(%arg10 : memref<32x128xf32, #tpu.memory_space<vmem>>) dst(%dma_wait3A_983 : memref<4x8x128xf32, #tpu.memory_space<hbm>>)
      } else {
      }
      %parallel_loop3A_533 = arith.constant 0 : i32
      %parallel_loop3A_534 = arith.constant 32 : i32
      %parallel_loop3A_535 = arith.constant 1 : i32
      scf.for %parallel_loop3A_972 = %parallel_loop3A_533 to %parallel_loop3A_534 step %parallel_loop3A_535  : i32 {
        %parallel_loop3A_973 = vector.broadcast %parallel_loop3A_972 : i32 to vector<16xi32>
        %parallel_loop3A_974 = tpu.vector_load_idx %arg6[%add3A_7, %parallel_loop3A_973] : memref<128x32xf32, #tpu.memory_space<vmem>>[vector<16xi32>, vector<16xi32>], vector<16xf32>,
        %parallel_loop3A_975 = tpu.vector_load_idx %arg6[%add3A_10, %parallel_loop3A_973] : memref<128x32xf32, #tpu.memory_space<vmem>>[vector<16xi32>, vector<16xi32>], vector<16xf32>,
        %parallel_loop3A_976 = tpu.vector_load_idx %arg6[%add3A_13, %parallel_loop3A_973] : memref<128x32xf32, #tpu.memory_space<vmem>>[vector<16xi32>, vector<16xi32>], vector<16xf32>,
        %parallel_loop3A_977 = tpu.vector_load_idx %arg6[%add3A_16, %parallel_loop3A_973] : memref<128x32xf32, #tpu.memory_space<vmem>>[vector<16xi32>, vector<16xi32>], vector<16xf32>,
        %parallel_loop3A_978 = tpu.vector_load_idx %arg6[%add3A_19, %parallel_loop3A_973] : memref<128x32xf32, #tpu.memory_space<vmem>>[vector<16xi32>, vector<16xi32>], vector<16xf32>,
        %parallel_loop3A_979 = tpu.vector_load_idx %arg6[%add3A_22, %parallel_loop3A_973] : memref<128x32xf32, #tpu.memory_space<vmem>>[vector<16xi32>, vector<16xi32>], vector<16xf32>,
        %parallel_loop3A_980 = tpu.vector_load_idx %arg6[%add3A_25, %parallel_loop3A_973] : memref<128x32xf32, #tpu.memory_space<vmem>>[vector<16xi32>, vector<16xi32>], vector<16xf32>,
        %parallel_loop3A_981 = tpu.vector_load_idx %arg6[%add3A_28, %parallel_loop3A_973] : memref<128x32xf32, #tpu.memory_space<vmem>>[vector<16xi32>, vector<16xi32>], vector<16xf32>,
        %parallel_loop3A_982 = arith.index_cast %parallel_loop3A_972 : i32 to index
        %parallel_loop3A_983 = arith.constant 0 : index
        %parallel_loop3A_984 = tpu.vector_load %arg10[%parallel_loop3A_982, %parallel_loop3A_983] {strides = array<i32>} : memref<32x128xf32, #tpu.memory_space<vmem>>, vector<16xf32>,
        tpu.vector_store %arg10[%parallel_loop3A_982, %parallel_loop3A_983], %parallel_loop3A_974 {strides = array<i32>} : memref<32x128xf32, #tpu.memory_space<vmem>>, vector<16xf32>,
        %parallel_loop3A_985 = arith.index_cast %parallel_loop3A_972 : i32 to index
        %parallel_loop3A_986 = arith.constant 16 : index
        %parallel_loop3A_987 = tpu.vector_load %arg10[%parallel_loop3A_985, %parallel_loop3A_986] {strides = array<i32>} : memref<32x128xf32, #tpu.memory_space<vmem>>, vector<16xf32>,
        tpu.vector_store %arg10[%parallel_loop3A_985, %parallel_loop3A_986], %parallel_loop3A_975 {strides = array<i32>} : memref<32x128xf32, #tpu.memory_space<vmem>>, vector<16xf32>,
        %parallel_loop3A_988 = arith.index_cast %parallel_loop3A_972 : i32 to index
        %parallel_loop3A_989 = arith.constant 32 : index
        %parallel_loop3A_990 = tpu.vector_load %arg10[%parallel_loop3A_988, %parallel_loop3A_989] {strides = array<i32>} : memref<32x128xf32, #tpu.memory_space<vmem>>, vector<16xf32>,
        tpu.vector_store %arg10[%parallel_loop3A_988, %parallel_loop3A_989], %parallel_loop3A_976 {strides = array<i32>} : memref<32x128xf32, #tpu.memory_space<vmem>>, vector<16xf32>,
        %parallel_loop3A_991 = arith.index_cast %parallel_loop3A_972 : i32 to index
        %parallel_loop3A_992 = arith.constant 48 : index
        %parallel_loop3A_993 = tpu.vector_load %arg10[%parallel_loop3A_991, %parallel_loop3A_992] {strides = array<i32>} : memref<32x128xf32, #tpu.memory_space<vmem>>, vector<16xf32>,
        tpu.vector_store %arg10[%parallel_loop3A_991, %parallel_loop3A_992], %parallel_loop3A_977 {strides = array<i32>} : memref<32x128xf32, #tpu.memory_space<vmem>>, vector<16xf32>,
        %parallel_loop3A_994 = arith.index_cast %parallel_loop3A_972 : i32 to index
        %parallel_loop3A_995 = arith.constant 64 : index
        %parallel_loop3A_996 = tpu.vector_load %arg10[%parallel_loop3A_994, %parallel_loop3A_995] {strides = array<i32>} : memref<32x128xf32, #tpu.memory_space<vmem>>, vector<16xf32>,
        tpu.vector_store %arg10[%parallel_loop3A_994, %parallel_loop3A_995], %parallel_loop3A_978 {strides = array<i32>} : memref<32x128xf32, #tpu.memory_space<vmem>>, vector<16xf32>,
        %parallel_loop3A_997 = arith.index_cast %parallel_loop3A_972 : i32 to index
        %parallel_loop3A_998 = arith.constant 80 : index
        %parallel_loop3A_999 = tpu.vector_load %arg10[%parallel_loop3A_997, %parallel_loop3A_998] {strides = array<i32>} : memref<32x128xf32, #tpu.memory_space<vmem>>, vector<16xf32>,
        tpu.vector_store %arg10[%parallel_loop3A_997, %parallel_loop3A_998], %parallel_loop3A_979 {strides = array<i32>} : memref<32x128xf32, #tpu.memory_space<vmem>>, vector<16xf32>,
        %parallel_loop3A_1000 = arith.index_cast %parallel_loop3A_972 : i32 to index
        %parallel_loop3A_1001 = arith.constant 96 : index
        %parallel_loop3A_1002 = tpu.vector_load %arg10[%parallel_loop3A_1000, %parallel_loop3A_1001] {strides = array<i32>} : memref<32x128xf32, #tpu.memory_space<vmem>>, vector<16xf32>,
        tpu.vector_store %arg10[%parallel_loop3A_1000, %parallel_loop3A_1001], %parallel_loop3A_980 {strides = array<i32>} : memref<32x128xf32, #tpu.memory_space<vmem>>, vector<16xf32>,
        %parallel_loop3A_1003 = arith.index_cast %parallel_loop3A_972 : i32 to index
        %parallel_loop3A_1004 = arith.constant 112 : index
        %parallel_loop3A_1005 = tpu.vector_load %arg10[%parallel_loop3A_1003, %parallel_loop3A_1004] {strides = array<i32>} : memref<32x128xf32, #tpu.memory_space<vmem>>, vector<16xf32>,
        tpu.vector_store %arg10[%parallel_loop3A_1003, %parallel_loop3A_1004], %parallel_loop3A_981 {strides = array<i32>} : memref<32x128xf32, #tpu.memory_space<vmem>>, vector<16xf32>,
      } {sc.loop_unroll_factor = 4 : i64, sc.parallel_access}
      %add3A_536 = arith.addi %mul3A_2, %add3A_514 : i32
      %jit3A_537 = arith.constant 128 : i32
      %div3A_538 = arith.divsi %add3A_536, %jit3A_537 : i32
      %sign3A_539 = arith.constant 0 : i32
      %sign3A_540 = arith.cmpi sgt, %add3A_536, %sign3A_539 : i32
      %sign3A_541 = arith.extui %sign3A_540 : i1 to i32
      %sign3A_542 = arith.constant 0 : i32
      %sign3A_543 = arith.cmpi slt, %add3A_536, %sign3A_542 : i32
      %sign3A_544 = arith.extui %sign3A_543 : i1 to i32
      %sign3A_545 = arith.subi %sign3A_541, %sign3A_544 : i32
      %sign3A_546 = arith.constant 0 : i32
      %sign3A_547 = arith.cmpi sgt, %jit3A_537, %sign3A_546 : i32
      %sign3A_548 = arith.extui %sign3A_547 : i1 to i32
      %sign3A_549 = arith.constant 0 : i32
      %sign3A_550 = arith.cmpi slt, %jit3A_537, %sign3A_549 : i32
      %sign3A_551 = arith.extui %sign3A_550 : i1 to i32
      %sign3A_552 = arith.subi %sign3A_548, %sign3A_551 : i32
      %ne3A_553 = arith.cmpi ne, %sign3A_545, %sign3A_552 : i32
      %rem3A_554 = arith.remsi %add3A_536, %jit3A_537 : i32
      %ne3A_555 = arith.constant 0 : i32
      %ne3A_556 = arith.cmpi ne, %rem3A_554, %ne3A_555 : i32
      %and3A_557 = arith.andi %ne3A_553, %ne3A_556 : i1
      %sub3A_558 = arith.constant 1 : i32
      %sub3A_559 = arith.subi %div3A_538, %sub3A_558 : i32
      %select_n3A_560 = arith.select %and3A_557, %sub3A_559, %div3A_538 : i32
      %mul3A_561 = arith.constant 128 : i32
      %mul3A_562 = arith.muli %select_n3A_560, %mul3A_561 : i32
      %sub3A_563 = arith.subi %add3A_536, %mul3A_562 : i32
      %dma_start3A_564 = arith.constant 0 : i32
      %dma_start3A_565 = arith.constant 0 : i32
      %dma_start3A_566 = arith.constant 0 : i32
      %dma_start3A_567 = tpu.memref_slice %arg10[%dma_start3A_565, %dma_start3A_566] : memref<32x128xf32, #tpu.memory_space<vmem>> -> memref<8x128xf32, #tpu.memory_space<vmem>>
      %dma_start3A_568 = arith.constant 0 : i32
      %dma_start3A_569 = arith.constant 0 : i32
      %dma_start3A_570 = tpu.memref_slice %arg4[%select_n3A_560, %dma_start3A_564, %sub3A_563, %dma_start3A_568, %dma_start3A_569] : memref<26x4x128x8x128xf32, #tpu.memory_space<hbm>> -> memref<1x1x1x8x128xf32, #tpu.memory_space<hbm>>
      %dma_start3A_571 = tpu.memref_squeeze %dma_start3A_570 : memref<1x1x1x8x128xf32, #tpu.memory_space<hbm>> -> memref<8x128xf32, #tpu.memory_space<hbm>>
      %dma_start3A_572 = arith.constant 0 : i32
      %dma_start3A_573 = arith.constant 0 : i32
      %dma_start3A_574 = tpu.memref_slice %arg4[%select_n3A_560, %dma_start3A_564, %sub3A_563, %dma_start3A_572, %dma_start3A_573] : memref<26x4x128x8x128xf32, #tpu.memory_space<hbm>> -> memref<1x1x1x8x128xf32, #tpu.memory_space<hbm>>
      %dma_start3A_575 = tpu.memref_squeeze %dma_start3A_574 : memref<1x1x1x8x128xf32, #tpu.memory_space<hbm>> -> memref<8x128xf32, #tpu.memory_space<hbm>>
      %dma_start3A_576 = arith.constant 0 : i32
      %dma_start3A_577 = arith.constant 0 : i32
      %dma_start3A_578 = tpu.memref_slice %arg10[%dma_start3A_576, %dma_start3A_577] : memref<32x128xf32, #tpu.memory_space<vmem>> -> memref<8x128xf32, #tpu.memory_space<vmem>>
      tpu.enqueue_dma source(%dma_start3A_578 : memref<8x128xf32, #tpu.memory_space<vmem>>) target(%dma_start3A_575 : memref<8x128xf32, #tpu.memory_space<hbm>>) target_semaphore(%arg16 : memref<!tpu.dma_semaphore, #tpu.memory_space<semaphore_mem>>)
      %dma_start3A_579 = arith.constant 1 : i32
      %dma_start3A_580 = arith.constant 8 : i32
      %dma_start3A_581 = arith.constant 0 : i32
      %dma_start3A_582 = tpu.memref_slice %arg10[%dma_start3A_580, %dma_start3A_581] : memref<32x128xf32, #tpu.memory_space<vmem>> -> memref<8x128xf32, #tpu.memory_space<vmem>>
      %dma_start3A_583 = arith.constant 0 : i32
      %dma_start3A_584 = arith.constant 0 : i32
      %dma_start3A_585 = tpu.memref_slice %arg4[%select_n3A_560, %dma_start3A_579, %sub3A_563, %dma_start3A_583, %dma_start3A_584] : memref<26x4x128x8x128xf32, #tpu.memory_space<hbm>> -> memref<1x1x1x8x128xf32, #tpu.memory_space<hbm>>
      %dma_start3A_586 = tpu.memref_squeeze %dma_start3A_585 : memref<1x1x1x8x128xf32, #tpu.memory_space<hbm>> -> memref<8x128xf32, #tpu.memory_space<hbm>>
      %dma_start3A_587 = arith.constant 0 : i32
      %dma_start3A_588 = arith.constant 0 : i32
      %dma_start3A_589 = tpu.memref_slice %arg4[%select_n3A_560, %dma_start3A_579, %sub3A_563, %dma_start3A_587, %dma_start3A_588] : memref<26x4x128x8x128xf32, #tpu.memory_space<hbm>> -> memref<1x1x1x8x128xf32, #tpu.memory_space<hbm>>
      %dma_start3A_590 = tpu.memref_squeeze %dma_start3A_589 : memref<1x1x1x8x128xf32, #tpu.memory_space<hbm>> -> memref<8x128xf32, #tpu.memory_space<hbm>>
      %dma_start3A_591 = arith.constant 8 : i32
      %dma_start3A_592 = arith.constant 0 : i32
      %dma_start3A_593 = tpu.memref_slice %arg10[%dma_start3A_591, %dma_start3A_592] : memref<32x128xf32, #tpu.memory_space<vmem>> -> memref<8x128xf32, #tpu.memory_space<vmem>>
      tpu.enqueue_dma source(%dma_start3A_593 : memref<8x128xf32, #tpu.memory_space<vmem>>) target(%dma_start3A_590 : memref<8x128xf32, #tpu.memory_space<hbm>>) target_semaphore(%arg16 : memref<!tpu.dma_semaphore, #tpu.memory_space<semaphore_mem>>)
      %dma_start3A_594 = arith.constant 2 : i32
      %dma_start3A_595 = arith.constant 16 : i32
      %dma_start3A_596 = arith.constant 0 : i32
      %dma_start3A_597 = tpu.memref_slice %arg10[%dma_start3A_595, %dma_start3A_596] : memref<32x128xf32, #tpu.memory_space<vmem>> -> memref<8x128xf32, #tpu.memory_space<vmem>>
      %dma_start3A_598 = arith.constant 0 : i32
      %dma_start3A_599 = arith.constant 0 : i32
      %dma_start3A_600 = tpu.memref_slice %arg4[%select_n3A_560, %dma_start3A_594, %sub3A_563, %dma_start3A_598, %dma_start3A_599] : memref<26x4x128x8x128xf32, #tpu.memory_space<hbm>> -> memref<1x1x1x8x128xf32, #tpu.memory_space<hbm>>
      %dma_start3A_601 = tpu.memref_squeeze %dma_start3A_600 : memref<1x1x1x8x128xf32, #tpu.memory_space<hbm>> -> memref<8x128xf32, #tpu.memory_space<hbm>>
      %dma_start3A_602 = arith.constant 0 : i32
      %dma_start3A_603 = arith.constant 0 : i32
      %dma_start3A_604 = tpu.memref_slice %arg4[%select_n3A_560, %dma_start3A_594, %sub3A_563, %dma_start3A_602, %dma_start3A_603] : memref<26x4x128x8x128xf32, #tpu.memory_space<hbm>> -> memref<1x1x1x8x128xf32, #tpu.memory_space<hbm>>
      %dma_start3A_605 = tpu.memref_squeeze %dma_start3A_604 : memref<1x1x1x8x128xf32, #tpu.memory_space<hbm>> -> memref<8x128xf32, #tpu.memory_space<hbm>>
      %dma_start3A_606 = arith.constant 16 : i32
      %dma_start3A_607 = arith.constant 0 : i32
      %dma_start3A_608 = tpu.memref_slice %arg10[%dma_start3A_606, %dma_start3A_607] : memref<32x128xf32, #tpu.memory_space<vmem>> -> memref<8x128xf32, #tpu.memory_space<vmem>>
      tpu.enqueue_dma source(%dma_start3A_608 : memref<8x128xf32, #tpu.memory_space<vmem>>) target(%dma_start3A_605 : memref<8x128xf32, #tpu.memory_space<hbm>>) target_semaphore(%arg16 : memref<!tpu.dma_semaphore, #tpu.memory_space<semaphore_mem>>)
      %dma_start3A_609 = arith.constant 3 : i32
      %dma_start3A_610 = arith.constant 24 : i32
      %dma_start3A_611 = arith.constant 0 : i32
      %dma_start3A_612 = tpu.memref_slice %arg10[%dma_start3A_610, %dma_start3A_611] : memref<32x128xf32, #tpu.memory_space<vmem>> -> memref<8x128xf32, #tpu.memory_space<vmem>>
      %dma_start3A_613 = arith.constant 0 : i32
      %dma_start3A_614 = arith.constant 0 : i32
      %dma_start3A_615 = tpu.memref_slice %arg4[%select_n3A_560, %dma_start3A_609, %sub3A_563, %dma_start3A_613, %dma_start3A_614] : memref<26x4x128x8x128xf32, #tpu.memory_space<hbm>> -> memref<1x1x1x8x128xf32, #tpu.memory_space<hbm>>
      %dma_start3A_616 = tpu.memref_squeeze %dma_start3A_615 : memref<1x1x1x8x128xf32, #tpu.memory_space<hbm>> -> memref<8x128xf32, #tpu.memory_space<hbm>>
      %dma_start3A_617 = arith.constant 0 : i32
      %dma_start3A_618 = arith.constant 0 : i32
      %dma_start3A_619 = tpu.memref_slice %arg4[%select_n3A_560, %dma_start3A_609, %sub3A_563, %dma_start3A_617, %dma_start3A_618] : memref<26x4x128x8x128xf32, #tpu.memory_space<hbm>> -> memref<1x1x1x8x128xf32, #tpu.memory_space<hbm>>
      %dma_start3A_620 = tpu.memref_squeeze %dma_start3A_619 : memref<1x1x1x8x128xf32, #tpu.memory_space<hbm>> -> memref<8x128xf32, #tpu.memory_space<hbm>>
      %dma_start3A_621 = arith.constant 24 : i32
      %dma_start3A_622 = arith.constant 0 : i32
      %dma_start3A_623 = tpu.memref_slice %arg10[%dma_start3A_621, %dma_start3A_622] : memref<32x128xf32, #tpu.memory_space<vmem>> -> memref<8x128xf32, #tpu.memory_space<vmem>>
      tpu.enqueue_dma source(%dma_start3A_623 : memref<8x128xf32, #tpu.memory_space<vmem>>) target(%dma_start3A_620 : memref<8x128xf32, #tpu.memory_space<hbm>>) target_semaphore(%arg16 : memref<!tpu.dma_semaphore, #tpu.memory_space<semaphore_mem>>)
      %mul3A_624 = arith.constant 4 : i32
      %mul3A_625 = arith.muli %mul3A_624, %add3A_510 : i32
      %add3A_626 = arith.constant 1 : i32
      %add3A_627 = arith.addi %mul3A_625, %add3A_626 : i32
      %add3A_628 = arith.constant 4 : i32
      %add3A_629 = arith.addi %add3A_627, %add3A_628 : i32
      %sub3A_630 = arith.constant 1 : i32
      %sub3A_631 = arith.subi %add3A_629, %sub3A_630 : i32
      %mul3A_632 = arith.constant 128 : i32
      %mul3A_633 = arith.muli %sub3A_631, %mul3A_632 : i32
      %dma_start3A_634 = tpu.memref_slice %arg5[%mul3A_633] : memref<13312xi32, #tpu.memory_space<vmem>> -> memref<128xi32, #tpu.memory_space<vmem>>
      %dma_start3A_635 = arith.constant 0 : i32
      %dma_start3A_636 = arith.constant 0 : i32
      %dma_start3A_637 = tpu.memref_slice %arg2[%dma_start3A_635, %dma_start3A_636] : memref<4000000x32xf32, #tpu.memory_space<hbm>> -> memref<4000000x32xf32, #tpu.memory_space<hbm>>
      tpu.enqueue_indirect_dma source(%dma_start3A_637 : memref<4000000x32xf32, #tpu.memory_space<hbm>>) target(%arg6 : memref<128x32xf32, #tpu.memory_space<vmem>>) offsets(%dma_start3A_634 : memref<128xi32, #tpu.memory_space<vmem>>) semaphore(%arg12 : memref<!tpu.dma_semaphore, #tpu.memory_space<semaphore_mem>>)
      %dma_wait3A_638 = arith.constant 0 : i32
      %dma_wait3A_639 = arith.constant 0 : i32
      %dma_wait3A_640 = tpu.memref_slice %arg2[%dma_wait3A_638, %dma_wait3A_639] : memref<4000000x32xf32, #tpu.memory_space<hbm>> -> memref<128x32xf32, #tpu.memory_space<hbm>>
      %dma_wait3A_641 = arith.constant 0 : i32
      %dma_wait3A_642 = arith.constant 0 : i32
      %dma_wait3A_643 = tpu.memref_slice %arg2[%dma_wait3A_641, %dma_wait3A_642] : memref<4000000x32xf32, #tpu.memory_space<hbm>> -> memref<128x32xf32, #tpu.memory_space<hbm>>
      tpu.wait_dma2 semaphore(%arg13 : memref<!tpu.dma_semaphore, #tpu.memory_space<semaphore_mem>>) src(%dma_wait3A_643 : memref<128x32xf32, #tpu.memory_space<hbm>>) dst(%arg7 : memref<128x32xf32, #tpu.memory_space<vmem>>)
      %gt3A_644 = arith.constant 1 : i32
      %gt3A_645 = arith.cmpi sgt, %add3A_627, %gt3A_644 : i32
      %convert_element_type3A_646 = arith.extui %gt3A_645 : i1 to i32
      %cond3A_647 = arith.constant 0 : i32
      %cond3A_648 = arith.cmpi ne, %convert_element_type3A_646, %cond3A_647 : i32
      scf.if %cond3A_648 {
        %dma_wait3A_972 = arith.constant 0 : i32
        %dma_wait3A_973 = arith.constant 0 : i32
        %dma_wait3A_974 = arith.constant 0 : i32
        %dma_wait3A_975 = arith.constant 0 : i32
        %dma_wait3A_976 = arith.constant 0 : i32
        %dma_wait3A_977 = tpu.memref_slice %arg4[%dma_wait3A_972, %dma_wait3A_974, %dma_wait3A_973, %dma_wait3A_975, %dma_wait3A_976] : memref<26x4x128x8x128xf32, #tpu.memory_space<hbm>> -> memref<1x4x1x8x128xf32, #tpu.memory_space<hbm>>
        %dma_wait3A_978 = tpu.memref_squeeze %dma_wait3A_977 : memref<1x4x1x8x128xf32, #tpu.memory_space<hbm>> -> memref<4x8x128xf32, #tpu.memory_space<hbm>>
        %dma_wait3A_979 = arith.constant 0 : i32
        %dma_wait3A_980 = arith.constant 0 : i32
        %dma_wait3A_981 = arith.constant 0 : i32
        %dma_wait3A_982 = tpu.memref_slice %arg4[%dma_wait3A_972, %dma_wait3A_979, %dma_wait3A_973, %dma_wait3A_980, %dma_wait3A_981] : memref<26x4x128x8x128xf32, #tpu.memory_space<hbm>> -> memref<1x4x1x8x128xf32, #tpu.memory_space<hbm>>
        %dma_wait3A_983 = tpu.memref_squeeze %dma_wait3A_982 : memref<1x4x1x8x128xf32, #tpu.memory_space<hbm>> -> memref<4x8x128xf32, #tpu.memory_space<hbm>>
        tpu.wait_dma2 semaphore(%arg17 : memref<!tpu.dma_semaphore, #tpu.memory_space<semaphore_mem>>) src(%arg11 : memref<32x128xf32, #tpu.memory_space<vmem>>) dst(%dma_wait3A_983 : memref<4x8x128xf32, #tpu.memory_space<hbm>>)
      } else {
      }
      %parallel_loop3A_649 = arith.constant 0 : i32
      %parallel_loop3A_650 = arith.constant 32 : i32
      %parallel_loop3A_651 = arith.constant 1 : i32
      scf.for %parallel_loop3A_972 = %parallel_loop3A_649 to %parallel_loop3A_650 step %parallel_loop3A_651  : i32 {
        %parallel_loop3A_973 = vector.broadcast %parallel_loop3A_972 : i32 to vector<16xi32>
        %parallel_loop3A_974 = tpu.vector_load_idx %arg7[%add3A_7, %parallel_loop3A_973] : memref<128x32xf32, #tpu.memory_space<vmem>>[vector<16xi32>, vector<16xi32>], vector<16xf32>,
        %parallel_loop3A_975 = tpu.vector_load_idx %arg7[%add3A_10, %parallel_loop3A_973] : memref<128x32xf32, #tpu.memory_space<vmem>>[vector<16xi32>, vector<16xi32>], vector<16xf32>,
        %parallel_loop3A_976 = tpu.vector_load_idx %arg7[%add3A_13, %parallel_loop3A_973] : memref<128x32xf32, #tpu.memory_space<vmem>>[vector<16xi32>, vector<16xi32>], vector<16xf32>,
        %parallel_loop3A_977 = tpu.vector_load_idx %arg7[%add3A_16, %parallel_loop3A_973] : memref<128x32xf32, #tpu.memory_space<vmem>>[vector<16xi32>, vector<16xi32>], vector<16xf32>,
        %parallel_loop3A_978 = tpu.vector_load_idx %arg7[%add3A_19, %parallel_loop3A_973] : memref<128x32xf32, #tpu.memory_space<vmem>>[vector<16xi32>, vector<16xi32>], vector<16xf32>,
        %parallel_loop3A_979 = tpu.vector_load_idx %arg7[%add3A_22, %parallel_loop3A_973] : memref<128x32xf32, #tpu.memory_space<vmem>>[vector<16xi32>, vector<16xi32>], vector<16xf32>,
        %parallel_loop3A_980 = tpu.vector_load_idx %arg7[%add3A_25, %parallel_loop3A_973] : memref<128x32xf32, #tpu.memory_space<vmem>>[vector<16xi32>, vector<16xi32>], vector<16xf32>,
        %parallel_loop3A_981 = tpu.vector_load_idx %arg7[%add3A_28, %parallel_loop3A_973] : memref<128x32xf32, #tpu.memory_space<vmem>>[vector<16xi32>, vector<16xi32>], vector<16xf32>,
        %parallel_loop3A_982 = arith.index_cast %parallel_loop3A_972 : i32 to index
        %parallel_loop3A_983 = arith.constant 0 : index
        %parallel_loop3A_984 = tpu.vector_load %arg11[%parallel_loop3A_982, %parallel_loop3A_983] {strides = array<i32>} : memref<32x128xf32, #tpu.memory_space<vmem>>, vector<16xf32>,
        tpu.vector_store %arg11[%parallel_loop3A_982, %parallel_loop3A_983], %parallel_loop3A_974 {strides = array<i32>} : memref<32x128xf32, #tpu.memory_space<vmem>>, vector<16xf32>,
        %parallel_loop3A_985 = arith.index_cast %parallel_loop3A_972 : i32 to index
        %parallel_loop3A_986 = arith.constant 16 : index
        %parallel_loop3A_987 = tpu.vector_load %arg11[%parallel_loop3A_985, %parallel_loop3A_986] {strides = array<i32>} : memref<32x128xf32, #tpu.memory_space<vmem>>, vector<16xf32>,
        tpu.vector_store %arg11[%parallel_loop3A_985, %parallel_loop3A_986], %parallel_loop3A_975 {strides = array<i32>} : memref<32x128xf32, #tpu.memory_space<vmem>>, vector<16xf32>,
        %parallel_loop3A_988 = arith.index_cast %parallel_loop3A_972 : i32 to index
        %parallel_loop3A_989 = arith.constant 32 : index
        %parallel_loop3A_990 = tpu.vector_load %arg11[%parallel_loop3A_988, %parallel_loop3A_989] {strides = array<i32>} : memref<32x128xf32, #tpu.memory_space<vmem>>, vector<16xf32>,
        tpu.vector_store %arg11[%parallel_loop3A_988, %parallel_loop3A_989], %parallel_loop3A_976 {strides = array<i32>} : memref<32x128xf32, #tpu.memory_space<vmem>>, vector<16xf32>,
        %parallel_loop3A_991 = arith.index_cast %parallel_loop3A_972 : i32 to index
        %parallel_loop3A_992 = arith.constant 48 : index
        %parallel_loop3A_993 = tpu.vector_load %arg11[%parallel_loop3A_991, %parallel_loop3A_992] {strides = array<i32>} : memref<32x128xf32, #tpu.memory_space<vmem>>, vector<16xf32>,
        tpu.vector_store %arg11[%parallel_loop3A_991, %parallel_loop3A_992], %parallel_loop3A_977 {strides = array<i32>} : memref<32x128xf32, #tpu.memory_space<vmem>>, vector<16xf32>,
        %parallel_loop3A_994 = arith.index_cast %parallel_loop3A_972 : i32 to index
        %parallel_loop3A_995 = arith.constant 64 : index
        %parallel_loop3A_996 = tpu.vector_load %arg11[%parallel_loop3A_994, %parallel_loop3A_995] {strides = array<i32>} : memref<32x128xf32, #tpu.memory_space<vmem>>, vector<16xf32>,
        tpu.vector_store %arg11[%parallel_loop3A_994, %parallel_loop3A_995], %parallel_loop3A_978 {strides = array<i32>} : memref<32x128xf32, #tpu.memory_space<vmem>>, vector<16xf32>,
        %parallel_loop3A_997 = arith.index_cast %parallel_loop3A_972 : i32 to index
        %parallel_loop3A_998 = arith.constant 80 : index
        %parallel_loop3A_999 = tpu.vector_load %arg11[%parallel_loop3A_997, %parallel_loop3A_998] {strides = array<i32>} : memref<32x128xf32, #tpu.memory_space<vmem>>, vector<16xf32>,
        tpu.vector_store %arg11[%parallel_loop3A_997, %parallel_loop3A_998], %parallel_loop3A_979 {strides = array<i32>} : memref<32x128xf32, #tpu.memory_space<vmem>>, vector<16xf32>,
        %parallel_loop3A_1000 = arith.index_cast %parallel_loop3A_972 : i32 to index
        %parallel_loop3A_1001 = arith.constant 96 : index
        %parallel_loop3A_1002 = tpu.vector_load %arg11[%parallel_loop3A_1000, %parallel_loop3A_1001] {strides = array<i32>} : memref<32x128xf32, #tpu.memory_space<vmem>>, vector<16xf32>,
        tpu.vector_store %arg11[%parallel_loop3A_1000, %parallel_loop3A_1001], %parallel_loop3A_980 {strides = array<i32>} : memref<32x128xf32, #tpu.memory_space<vmem>>, vector<16xf32>,
        %parallel_loop3A_1003 = arith.index_cast %parallel_loop3A_972 : i32 to index
        %parallel_loop3A_1004 = arith.constant 112 : index
        %parallel_loop3A_1005 = tpu.vector_load %arg11[%parallel_loop3A_1003, %parallel_loop3A_1004] {strides = array<i32>} : memref<32x128xf32, #tpu.memory_space<vmem>>, vector<16xf32>,
        tpu.vector_store %arg11[%parallel_loop3A_1003, %parallel_loop3A_1004], %parallel_loop3A_981 {strides = array<i32>} : memref<32x128xf32, #tpu.memory_space<vmem>>, vector<16xf32>,
      } {sc.loop_unroll_factor = 4 : i64, sc.parallel_access}
      %add3A_652 = arith.addi %mul3A_2, %add3A_627 : i32
      %jit3A_653 = arith.constant 128 : i32
      %div3A_654 = arith.divsi %add3A_652, %jit3A_653 : i32
      %sign3A_655 = arith.constant 0 : i32
      %sign3A_656 = arith.cmpi sgt, %add3A_652, %sign3A_655 : i32
      %sign3A_657 = arith.extui %sign3A_656 : i1 to i32
      %sign3A_658 = arith.constant 0 : i32
      %sign3A_659 = arith.cmpi slt, %add3A_652, %sign3A_658 : i32
      %sign3A_660 = arith.extui %sign3A_659 : i1 to i32
      %sign3A_661 = arith.subi %sign3A_657, %sign3A_660 : i32
      %sign3A_662 = arith.constant 0 : i32
      %sign3A_663 = arith.cmpi sgt, %jit3A_653, %sign3A_662 : i32
      %sign3A_664 = arith.extui %sign3A_663 : i1 to i32
      %sign3A_665 = arith.constant 0 : i32
      %sign3A_666 = arith.cmpi slt, %jit3A_653, %sign3A_665 : i32
      %sign3A_667 = arith.extui %sign3A_666 : i1 to i32
      %sign3A_668 = arith.subi %sign3A_664, %sign3A_667 : i32
      %ne3A_669 = arith.cmpi ne, %sign3A_661, %sign3A_668 : i32
      %rem3A_670 = arith.remsi %add3A_652, %jit3A_653 : i32
      %ne3A_671 = arith.constant 0 : i32
      %ne3A_672 = arith.cmpi ne, %rem3A_670, %ne3A_671 : i32
      %and3A_673 = arith.andi %ne3A_669, %ne3A_672 : i1
      %sub3A_674 = arith.constant 1 : i32
      %sub3A_675 = arith.subi %div3A_654, %sub3A_674 : i32
      %select_n3A_676 = arith.select %and3A_673, %sub3A_675, %div3A_654 : i32
      %mul3A_677 = arith.constant 128 : i32
      %mul3A_678 = arith.muli %select_n3A_676, %mul3A_677 : i32
      %sub3A_679 = arith.subi %add3A_652, %mul3A_678 : i32
      %dma_start3A_680 = arith.constant 0 : i32
      %dma_start3A_681 = arith.constant 0 : i32
      %dma_start3A_682 = arith.constant 0 : i32
      %dma_start3A_683 = tpu.memref_slice %arg11[%dma_start3A_681, %dma_start3A_682] : memref<32x128xf32, #tpu.memory_space<vmem>> -> memref<8x128xf32, #tpu.memory_space<vmem>>
      %dma_start3A_684 = arith.constant 0 : i32
      %dma_start3A_685 = arith.constant 0 : i32
      %dma_start3A_686 = tpu.memref_slice %arg4[%select_n3A_676, %dma_start3A_680, %sub3A_679, %dma_start3A_684, %dma_start3A_685] : memref<26x4x128x8x128xf32, #tpu.memory_space<hbm>> -> memref<1x1x1x8x128xf32, #tpu.memory_space<hbm>>
      %dma_start3A_687 = tpu.memref_squeeze %dma_start3A_686 : memref<1x1x1x8x128xf32, #tpu.memory_space<hbm>> -> memref<8x128xf32, #tpu.memory_space<hbm>>
      %dma_start3A_688 = arith.constant 0 : i32
      %dma_start3A_689 = arith.constant 0 : i32
      %dma_start3A_690 = tpu.memref_slice %arg4[%select_n3A_676, %dma_start3A_680, %sub3A_679, %dma_start3A_688, %dma_start3A_689] : memref<26x4x128x8x128xf32, #tpu.memory_space<hbm>> -> memref<1x1x1x8x128xf32, #tpu.memory_space<hbm>>
      %dma_start3A_691 = tpu.memref_squeeze %dma_start3A_690 : memref<1x1x1x8x128xf32, #tpu.memory_space<hbm>> -> memref<8x128xf32, #tpu.memory_space<hbm>>
      %dma_start3A_692 = arith.constant 0 : i32
      %dma_start3A_693 = arith.constant 0 : i32
      %dma_start3A_694 = tpu.memref_slice %arg11[%dma_start3A_692, %dma_start3A_693] : memref<32x128xf32, #tpu.memory_space<vmem>> -> memref<8x128xf32, #tpu.memory_space<vmem>>
      tpu.enqueue_dma source(%dma_start3A_694 : memref<8x128xf32, #tpu.memory_space<vmem>>) target(%dma_start3A_691 : memref<8x128xf32, #tpu.memory_space<hbm>>) target_semaphore(%arg17 : memref<!tpu.dma_semaphore, #tpu.memory_space<semaphore_mem>>)
      %dma_start3A_695 = arith.constant 1 : i32
      %dma_start3A_696 = arith.constant 8 : i32
      %dma_start3A_697 = arith.constant 0 : i32
      %dma_start3A_698 = tpu.memref_slice %arg11[%dma_start3A_696, %dma_start3A_697] : memref<32x128xf32, #tpu.memory_space<vmem>> -> memref<8x128xf32, #tpu.memory_space<vmem>>
      %dma_start3A_699 = arith.constant 0 : i32
      %dma_start3A_700 = arith.constant 0 : i32
      %dma_start3A_701 = tpu.memref_slice %arg4[%select_n3A_676, %dma_start3A_695, %sub3A_679, %dma_start3A_699, %dma_start3A_700] : memref<26x4x128x8x128xf32, #tpu.memory_space<hbm>> -> memref<1x1x1x8x128xf32, #tpu.memory_space<hbm>>
      %dma_start3A_702 = tpu.memref_squeeze %dma_start3A_701 : memref<1x1x1x8x128xf32, #tpu.memory_space<hbm>> -> memref<8x128xf32, #tpu.memory_space<hbm>>
      %dma_start3A_703 = arith.constant 0 : i32
      %dma_start3A_704 = arith.constant 0 : i32
      %dma_start3A_705 = tpu.memref_slice %arg4[%select_n3A_676, %dma_start3A_695, %sub3A_679, %dma_start3A_703, %dma_start3A_704] : memref<26x4x128x8x128xf32, #tpu.memory_space<hbm>> -> memref<1x1x1x8x128xf32, #tpu.memory_space<hbm>>
      %dma_start3A_706 = tpu.memref_squeeze %dma_start3A_705 : memref<1x1x1x8x128xf32, #tpu.memory_space<hbm>> -> memref<8x128xf32, #tpu.memory_space<hbm>>
      %dma_start3A_707 = arith.constant 8 : i32
      %dma_start3A_708 = arith.constant 0 : i32
      %dma_start3A_709 = tpu.memref_slice %arg11[%dma_start3A_707, %dma_start3A_708] : memref<32x128xf32, #tpu.memory_space<vmem>> -> memref<8x128xf32, #tpu.memory_space<vmem>>
      tpu.enqueue_dma source(%dma_start3A_709 : memref<8x128xf32, #tpu.memory_space<vmem>>) target(%dma_start3A_706 : memref<8x128xf32, #tpu.memory_space<hbm>>) target_semaphore(%arg17 : memref<!tpu.dma_semaphore, #tpu.memory_space<semaphore_mem>>)
      %dma_start3A_710 = arith.constant 2 : i32
      %dma_start3A_711 = arith.constant 16 : i32
      %dma_start3A_712 = arith.constant 0 : i32
      %dma_start3A_713 = tpu.memref_slice %arg11[%dma_start3A_711, %dma_start3A_712] : memref<32x128xf32, #tpu.memory_space<vmem>> -> memref<8x128xf32, #tpu.memory_space<vmem>>
      %dma_start3A_714 = arith.constant 0 : i32
      %dma_start3A_715 = arith.constant 0 : i32
      %dma_start3A_716 = tpu.memref_slice %arg4[%select_n3A_676, %dma_start3A_710, %sub3A_679, %dma_start3A_714, %dma_start3A_715] : memref<26x4x128x8x128xf32, #tpu.memory_space<hbm>> -> memref<1x1x1x8x128xf32, #tpu.memory_space<hbm>>
      %dma_start3A_717 = tpu.memref_squeeze %dma_start3A_716 : memref<1x1x1x8x128xf32, #tpu.memory_space<hbm>> -> memref<8x128xf32, #tpu.memory_space<hbm>>
      %dma_start3A_718 = arith.constant 0 : i32
      %dma_start3A_719 = arith.constant 0 : i32
      %dma_start3A_720 = tpu.memref_slice %arg4[%select_n3A_676, %dma_start3A_710, %sub3A_679, %dma_start3A_718, %dma_start3A_719] : memref<26x4x128x8x128xf32, #tpu.memory_space<hbm>> -> memref<1x1x1x8x128xf32, #tpu.memory_space<hbm>>
      %dma_start3A_721 = tpu.memref_squeeze %dma_start3A_720 : memref<1x1x1x8x128xf32, #tpu.memory_space<hbm>> -> memref<8x128xf32, #tpu.memory_space<hbm>>
      %dma_start3A_722 = arith.constant 16 : i32
      %dma_start3A_723 = arith.constant 0 : i32
      %dma_start3A_724 = tpu.memref_slice %arg11[%dma_start3A_722, %dma_start3A_723] : memref<32x128xf32, #tpu.memory_space<vmem>> -> memref<8x128xf32, #tpu.memory_space<vmem>>
      tpu.enqueue_dma source(%dma_start3A_724 : memref<8x128xf32, #tpu.memory_space<vmem>>) target(%dma_start3A_721 : memref<8x128xf32, #tpu.memory_space<hbm>>) target_semaphore(%arg17 : memref<!tpu.dma_semaphore, #tpu.memory_space<semaphore_mem>>)
      %dma_start3A_725 = arith.constant 3 : i32
      %dma_start3A_726 = arith.constant 24 : i32
      %dma_start3A_727 = arith.constant 0 : i32
      %dma_start3A_728 = tpu.memref_slice %arg11[%dma_start3A_726, %dma_start3A_727] : memref<32x128xf32, #tpu.memory_space<vmem>> -> memref<8x128xf32, #tpu.memory_space<vmem>>
      %dma_start3A_729 = arith.constant 0 : i32
      %dma_start3A_730 = arith.constant 0 : i32
      %dma_start3A_731 = tpu.memref_slice %arg4[%select_n3A_676, %dma_start3A_725, %sub3A_679, %dma_start3A_729, %dma_start3A_730] : memref<26x4x128x8x128xf32, #tpu.memory_space<hbm>> -> memref<1x1x1x8x128xf32, #tpu.memory_space<hbm>>
      %dma_start3A_732 = tpu.memref_squeeze %dma_start3A_731 : memref<1x1x1x8x128xf32, #tpu.memory_space<hbm>> -> memref<8x128xf32, #tpu.memory_space<hbm>>
      %dma_start3A_733 = arith.constant 0 : i32
      %dma_start3A_734 = arith.constant 0 : i32
      %dma_start3A_735 = tpu.memref_slice %arg4[%select_n3A_676, %dma_start3A_725, %sub3A_679, %dma_start3A_733, %dma_start3A_734] : memref<26x4x128x8x128xf32, #tpu.memory_space<hbm>> -> memref<1x1x1x8x128xf32, #tpu.memory_space<hbm>>
      %dma_start3A_736 = tpu.memref_squeeze %dma_start3A_735 : memref<1x1x1x8x128xf32, #tpu.memory_space<hbm>> -> memref<8x128xf32, #tpu.memory_space<hbm>>
      %dma_start3A_737 = arith.constant 24 : i32
      %dma_start3A_738 = arith.constant 0 : i32
      %dma_start3A_739 = tpu.memref_slice %arg11[%dma_start3A_737, %dma_start3A_738] : memref<32x128xf32, #tpu.memory_space<vmem>> -> memref<8x128xf32, #tpu.memory_space<vmem>>
      tpu.enqueue_dma source(%dma_start3A_739 : memref<8x128xf32, #tpu.memory_space<vmem>>) target(%dma_start3A_736 : memref<8x128xf32, #tpu.memory_space<hbm>>) target_semaphore(%arg17 : memref<!tpu.dma_semaphore, #tpu.memory_space<semaphore_mem>>)
      %mul3A_740 = arith.constant 4 : i32
      %mul3A_741 = arith.muli %mul3A_740, %add3A_510 : i32
      %add3A_742 = arith.constant 2 : i32
      %add3A_743 = arith.addi %mul3A_741, %add3A_742 : i32
      %add3A_744 = arith.constant 4 : i32
      %add3A_745 = arith.addi %add3A_743, %add3A_744 : i32
      %sub3A_746 = arith.constant 1 : i32
      %sub3A_747 = arith.subi %add3A_745, %sub3A_746 : i32
      %mul3A_748 = arith.constant 128 : i32
      %mul3A_749 = arith.muli %sub3A_747, %mul3A_748 : i32
      %dma_start3A_750 = tpu.memref_slice %arg5[%mul3A_749] : memref<13312xi32, #tpu.memory_space<vmem>> -> memref<128xi32, #tpu.memory_space<vmem>>
      %dma_start3A_751 = arith.constant 0 : i32
      %dma_start3A_752 = arith.constant 0 : i32
      %dma_start3A_753 = tpu.memref_slice %arg2[%dma_start3A_751, %dma_start3A_752] : memref<4000000x32xf32, #tpu.memory_space<hbm>> -> memref<4000000x32xf32, #tpu.memory_space<hbm>>
      tpu.enqueue_indirect_dma source(%dma_start3A_753 : memref<4000000x32xf32, #tpu.memory_space<hbm>>) target(%arg7 : memref<128x32xf32, #tpu.memory_space<vmem>>) offsets(%dma_start3A_750 : memref<128xi32, #tpu.memory_space<vmem>>) semaphore(%arg13 : memref<!tpu.dma_semaphore, #tpu.memory_space<semaphore_mem>>)
      %dma_wait3A_754 = arith.constant 0 : i32
      %dma_wait3A_755 = arith.constant 0 : i32
      %dma_wait3A_756 = tpu.memref_slice %arg2[%dma_wait3A_754, %dma_wait3A_755] : memref<4000000x32xf32, #tpu.memory_space<hbm>> -> memref<128x32xf32, #tpu.memory_space<hbm>>
      %dma_wait3A_757 = arith.constant 0 : i32
      %dma_wait3A_758 = arith.constant 0 : i32
      %dma_wait3A_759 = tpu.memref_slice %arg2[%dma_wait3A_757, %dma_wait3A_758] : memref<4000000x32xf32, #tpu.memory_space<hbm>> -> memref<128x32xf32, #tpu.memory_space<hbm>>
      tpu.wait_dma2 semaphore(%arg14 : memref<!tpu.dma_semaphore, #tpu.memory_space<semaphore_mem>>) src(%dma_wait3A_759 : memref<128x32xf32, #tpu.memory_space<hbm>>) dst(%arg8 : memref<128x32xf32, #tpu.memory_space<vmem>>)
      %gt3A_760 = arith.constant 1 : i32
      %gt3A_761 = arith.cmpi sgt, %add3A_743, %gt3A_760 : i32
      %convert_element_type3A_762 = arith.extui %gt3A_761 : i1 to i32
      %cond3A_763 = arith.constant 0 : i32
      %cond3A_764 = arith.cmpi ne, %convert_element_type3A_762, %cond3A_763 : i32
      scf.if %cond3A_764 {
        %dma_wait3A_972 = arith.constant 0 : i32
        %dma_wait3A_973 = arith.constant 0 : i32
        %dma_wait3A_974 = arith.constant 0 : i32
        %dma_wait3A_975 = arith.constant 0 : i32
        %dma_wait3A_976 = arith.constant 0 : i32
        %dma_wait3A_977 = tpu.memref_slice %arg4[%dma_wait3A_972, %dma_wait3A_974, %dma_wait3A_973, %dma_wait3A_975, %dma_wait3A_976] : memref<26x4x128x8x128xf32, #tpu.memory_space<hbm>> -> memref<1x4x1x8x128xf32, #tpu.memory_space<hbm>>
        %dma_wait3A_978 = tpu.memref_squeeze %dma_wait3A_977 : memref<1x4x1x8x128xf32, #tpu.memory_space<hbm>> -> memref<4x8x128xf32, #tpu.memory_space<hbm>>
        %dma_wait3A_979 = arith.constant 0 : i32
        %dma_wait3A_980 = arith.constant 0 : i32
        %dma_wait3A_981 = arith.constant 0 : i32
        %dma_wait3A_982 = tpu.memref_slice %arg4[%dma_wait3A_972, %dma_wait3A_979, %dma_wait3A_973, %dma_wait3A_980, %dma_wait3A_981] : memref<26x4x128x8x128xf32, #tpu.memory_space<hbm>> -> memref<1x4x1x8x128xf32, #tpu.memory_space<hbm>>
        %dma_wait3A_983 = tpu.memref_squeeze %dma_wait3A_982 : memref<1x4x1x8x128xf32, #tpu.memory_space<hbm>> -> memref<4x8x128xf32, #tpu.memory_space<hbm>>
        tpu.wait_dma2 semaphore(%arg16 : memref<!tpu.dma_semaphore, #tpu.memory_space<semaphore_mem>>) src(%arg10 : memref<32x128xf32, #tpu.memory_space<vmem>>) dst(%dma_wait3A_983 : memref<4x8x128xf32, #tpu.memory_space<hbm>>)
      } else {
      }
      %parallel_loop3A_765 = arith.constant 0 : i32
      %parallel_loop3A_766 = arith.constant 32 : i32
      %parallel_loop3A_767 = arith.constant 1 : i32
      scf.for %parallel_loop3A_972 = %parallel_loop3A_765 to %parallel_loop3A_766 step %parallel_loop3A_767  : i32 {
        %parallel_loop3A_973 = vector.broadcast %parallel_loop3A_972 : i32 to vector<16xi32>
        %parallel_loop3A_974 = tpu.vector_load_idx %arg8[%add3A_7, %parallel_loop3A_973] : memref<128x32xf32, #tpu.memory_space<vmem>>[vector<16xi32>, vector<16xi32>], vector<16xf32>,
        %parallel_loop3A_975 = tpu.vector_load_idx %arg8[%add3A_10, %parallel_loop3A_973] : memref<128x32xf32, #tpu.memory_space<vmem>>[vector<16xi32>, vector<16xi32>], vector<16xf32>,
        %parallel_loop3A_976 = tpu.vector_load_idx %arg8[%add3A_13, %parallel_loop3A_973] : memref<128x32xf32, #tpu.memory_space<vmem>>[vector<16xi32>, vector<16xi32>], vector<16xf32>,
        %parallel_loop3A_977 = tpu.vector_load_idx %arg8[%add3A_16, %parallel_loop3A_973] : memref<128x32xf32, #tpu.memory_space<vmem>>[vector<16xi32>, vector<16xi32>], vector<16xf32>,
        %parallel_loop3A_978 = tpu.vector_load_idx %arg8[%add3A_19, %parallel_loop3A_973] : memref<128x32xf32, #tpu.memory_space<vmem>>[vector<16xi32>, vector<16xi32>], vector<16xf32>,
        %parallel_loop3A_979 = tpu.vector_load_idx %arg8[%add3A_22, %parallel_loop3A_973] : memref<128x32xf32, #tpu.memory_space<vmem>>[vector<16xi32>, vector<16xi32>], vector<16xf32>,
        %parallel_loop3A_980 = tpu.vector_load_idx %arg8[%add3A_25, %parallel_loop3A_973] : memref<128x32xf32, #tpu.memory_space<vmem>>[vector<16xi32>, vector<16xi32>], vector<16xf32>,
        %parallel_loop3A_981 = tpu.vector_load_idx %arg8[%add3A_28, %parallel_loop3A_973] : memref<128x32xf32, #tpu.memory_space<vmem>>[vector<16xi32>, vector<16xi32>], vector<16xf32>,
        %parallel_loop3A_982 = arith.index_cast %parallel_loop3A_972 : i32 to index
        %parallel_loop3A_983 = arith.constant 0 : index
        %parallel_loop3A_984 = tpu.vector_load %arg10[%parallel_loop3A_982, %parallel_loop3A_983] {strides = array<i32>} : memref<32x128xf32, #tpu.memory_space<vmem>>, vector<16xf32>,
        tpu.vector_store %arg10[%parallel_loop3A_982, %parallel_loop3A_983], %parallel_loop3A_974 {strides = array<i32>} : memref<32x128xf32, #tpu.memory_space<vmem>>, vector<16xf32>,
        %parallel_loop3A_985 = arith.index_cast %parallel_loop3A_972 : i32 to index
        %parallel_loop3A_986 = arith.constant 16 : index
        %parallel_loop3A_987 = tpu.vector_load %arg10[%parallel_loop3A_985, %parallel_loop3A_986] {strides = array<i32>} : memref<32x128xf32, #tpu.memory_space<vmem>>, vector<16xf32>,
        tpu.vector_store %arg10[%parallel_loop3A_985, %parallel_loop3A_986], %parallel_loop3A_975 {strides = array<i32>} : memref<32x128xf32, #tpu.memory_space<vmem>>, vector<16xf32>,
        %parallel_loop3A_988 = arith.index_cast %parallel_loop3A_972 : i32 to index
        %parallel_loop3A_989 = arith.constant 32 : index
        %parallel_loop3A_990 = tpu.vector_load %arg10[%parallel_loop3A_988, %parallel_loop3A_989] {strides = array<i32>} : memref<32x128xf32, #tpu.memory_space<vmem>>, vector<16xf32>,
        tpu.vector_store %arg10[%parallel_loop3A_988, %parallel_loop3A_989], %parallel_loop3A_976 {strides = array<i32>} : memref<32x128xf32, #tpu.memory_space<vmem>>, vector<16xf32>,
        %parallel_loop3A_991 = arith.index_cast %parallel_loop3A_972 : i32 to index
        %parallel_loop3A_992 = arith.constant 48 : index
        %parallel_loop3A_993 = tpu.vector_load %arg10[%parallel_loop3A_991, %parallel_loop3A_992] {strides = array<i32>} : memref<32x128xf32, #tpu.memory_space<vmem>>, vector<16xf32>,
        tpu.vector_store %arg10[%parallel_loop3A_991, %parallel_loop3A_992], %parallel_loop3A_977 {strides = array<i32>} : memref<32x128xf32, #tpu.memory_space<vmem>>, vector<16xf32>,
        %parallel_loop3A_994 = arith.index_cast %parallel_loop3A_972 : i32 to index
        %parallel_loop3A_995 = arith.constant 64 : index
        %parallel_loop3A_996 = tpu.vector_load %arg10[%parallel_loop3A_994, %parallel_loop3A_995] {strides = array<i32>} : memref<32x128xf32, #tpu.memory_space<vmem>>, vector<16xf32>,
        tpu.vector_store %arg10[%parallel_loop3A_994, %parallel_loop3A_995], %parallel_loop3A_978 {strides = array<i32>} : memref<32x128xf32, #tpu.memory_space<vmem>>, vector<16xf32>,
        %parallel_loop3A_997 = arith.index_cast %parallel_loop3A_972 : i32 to index
        %parallel_loop3A_998 = arith.constant 80 : index
        %parallel_loop3A_999 = tpu.vector_load %arg10[%parallel_loop3A_997, %parallel_loop3A_998] {strides = array<i32>} : memref<32x128xf32, #tpu.memory_space<vmem>>, vector<16xf32>,
        tpu.vector_store %arg10[%parallel_loop3A_997, %parallel_loop3A_998], %parallel_loop3A_979 {strides = array<i32>} : memref<32x128xf32, #tpu.memory_space<vmem>>, vector<16xf32>,
        %parallel_loop3A_1000 = arith.index_cast %parallel_loop3A_972 : i32 to index
        %parallel_loop3A_1001 = arith.constant 96 : index
        %parallel_loop3A_1002 = tpu.vector_load %arg10[%parallel_loop3A_1000, %parallel_loop3A_1001] {strides = array<i32>} : memref<32x128xf32, #tpu.memory_space<vmem>>, vector<16xf32>,
        tpu.vector_store %arg10[%parallel_loop3A_1000, %parallel_loop3A_1001], %parallel_loop3A_980 {strides = array<i32>} : memref<32x128xf32, #tpu.memory_space<vmem>>, vector<16xf32>,
        %parallel_loop3A_1003 = arith.index_cast %parallel_loop3A_972 : i32 to index
        %parallel_loop3A_1004 = arith.constant 112 : index
        %parallel_loop3A_1005 = tpu.vector_load %arg10[%parallel_loop3A_1003, %parallel_loop3A_1004] {strides = array<i32>} : memref<32x128xf32, #tpu.memory_space<vmem>>, vector<16xf32>,
        tpu.vector_store %arg10[%parallel_loop3A_1003, %parallel_loop3A_1004], %parallel_loop3A_981 {strides = array<i32>} : memref<32x128xf32, #tpu.memory_space<vmem>>, vector<16xf32>,
      } {sc.loop_unroll_factor = 4 : i64, sc.parallel_access}
      %add3A_768 = arith.addi %mul3A_2, %add3A_743 : i32
      %jit3A_769 = arith.constant 128 : i32
      %div3A_770 = arith.divsi %add3A_768, %jit3A_769 : i32
      %sign3A_771 = arith.constant 0 : i32
      %sign3A_772 = arith.cmpi sgt, %add3A_768, %sign3A_771 : i32
      %sign3A_773 = arith.extui %sign3A_772 : i1 to i32
      %sign3A_774 = arith.constant 0 : i32
      %sign3A_775 = arith.cmpi slt, %add3A_768, %sign3A_774 : i32
      %sign3A_776 = arith.extui %sign3A_775 : i1 to i32
      %sign3A_777 = arith.subi %sign3A_773, %sign3A_776 : i32
      %sign3A_778 = arith.constant 0 : i32
      %sign3A_779 = arith.cmpi sgt, %jit3A_769, %sign3A_778 : i32
      %sign3A_780 = arith.extui %sign3A_779 : i1 to i32
      %sign3A_781 = arith.constant 0 : i32
      %sign3A_782 = arith.cmpi slt, %jit3A_769, %sign3A_781 : i32
      %sign3A_783 = arith.extui %sign3A_782 : i1 to i32
      %sign3A_784 = arith.subi %sign3A_780, %sign3A_783 : i32
      %ne3A_785 = arith.cmpi ne, %sign3A_777, %sign3A_784 : i32
      %rem3A_786 = arith.remsi %add3A_768, %jit3A_769 : i32
      %ne3A_787 = arith.constant 0 : i32
      %ne3A_788 = arith.cmpi ne, %rem3A_786, %ne3A_787 : i32
      %and3A_789 = arith.andi %ne3A_785, %ne3A_788 : i1
      %sub3A_790 = arith.constant 1 : i32
      %sub3A_791 = arith.subi %div3A_770, %sub3A_790 : i32
      %select_n3A_792 = arith.select %and3A_789, %sub3A_791, %div3A_770 : i32
      %mul3A_793 = arith.constant 128 : i32
      %mul3A_794 = arith.muli %select_n3A_792, %mul3A_793 : i32
      %sub3A_795 = arith.subi %add3A_768, %mul3A_794 : i32
      %dma_start3A_796 = arith.constant 0 : i32
      %dma_start3A_797 = arith.constant 0 : i32
      %dma_start3A_798 = arith.constant 0 : i32
      %dma_start3A_799 = tpu.memref_slice %arg10[%dma_start3A_797, %dma_start3A_798] : memref<32x128xf32, #tpu.memory_space<vmem>> -> memref<8x128xf32, #tpu.memory_space<vmem>>
      %dma_start3A_800 = arith.constant 0 : i32
      %dma_start3A_801 = arith.constant 0 : i32
      %dma_start3A_802 = tpu.memref_slice %arg4[%select_n3A_792, %dma_start3A_796, %sub3A_795, %dma_start3A_800, %dma_start3A_801] : memref<26x4x128x8x128xf32, #tpu.memory_space<hbm>> -> memref<1x1x1x8x128xf32, #tpu.memory_space<hbm>>
      %dma_start3A_803 = tpu.memref_squeeze %dma_start3A_802 : memref<1x1x1x8x128xf32, #tpu.memory_space<hbm>> -> memref<8x128xf32, #tpu.memory_space<hbm>>
      %dma_start3A_804 = arith.constant 0 : i32
      %dma_start3A_805 = arith.constant 0 : i32
      %dma_start3A_806 = tpu.memref_slice %arg4[%select_n3A_792, %dma_start3A_796, %sub3A_795, %dma_start3A_804, %dma_start3A_805] : memref<26x4x128x8x128xf32, #tpu.memory_space<hbm>> -> memref<1x1x1x8x128xf32, #tpu.memory_space<hbm>>
      %dma_start3A_807 = tpu.memref_squeeze %dma_start3A_806 : memref<1x1x1x8x128xf32, #tpu.memory_space<hbm>> -> memref<8x128xf32, #tpu.memory_space<hbm>>
      %dma_start3A_808 = arith.constant 0 : i32
      %dma_start3A_809 = arith.constant 0 : i32
      %dma_start3A_810 = tpu.memref_slice %arg10[%dma_start3A_808, %dma_start3A_809] : memref<32x128xf32, #tpu.memory_space<vmem>> -> memref<8x128xf32, #tpu.memory_space<vmem>>
      tpu.enqueue_dma source(%dma_start3A_810 : memref<8x128xf32, #tpu.memory_space<vmem>>) target(%dma_start3A_807 : memref<8x128xf32, #tpu.memory_space<hbm>>) target_semaphore(%arg16 : memref<!tpu.dma_semaphore, #tpu.memory_space<semaphore_mem>>)
      %dma_start3A_811 = arith.constant 1 : i32
      %dma_start3A_812 = arith.constant 8 : i32
      %dma_start3A_813 = arith.constant 0 : i32
      %dma_start3A_814 = tpu.memref_slice %arg10[%dma_start3A_812, %dma_start3A_813] : memref<32x128xf32, #tpu.memory_space<vmem>> -> memref<8x128xf32, #tpu.memory_space<vmem>>
      %dma_start3A_815 = arith.constant 0 : i32
      %dma_start3A_816 = arith.constant 0 : i32
      %dma_start3A_817 = tpu.memref_slice %arg4[%select_n3A_792, %dma_start3A_811, %sub3A_795, %dma_start3A_815, %dma_start3A_816] : memref<26x4x128x8x128xf32, #tpu.memory_space<hbm>> -> memref<1x1x1x8x128xf32, #tpu.memory_space<hbm>>
      %dma_start3A_818 = tpu.memref_squeeze %dma_start3A_817 : memref<1x1x1x8x128xf32, #tpu.memory_space<hbm>> -> memref<8x128xf32, #tpu.memory_space<hbm>>
      %dma_start3A_819 = arith.constant 0 : i32
      %dma_start3A_820 = arith.constant 0 : i32
      %dma_start3A_821 = tpu.memref_slice %arg4[%select_n3A_792, %dma_start3A_811, %sub3A_795, %dma_start3A_819, %dma_start3A_820] : memref<26x4x128x8x128xf32, #tpu.memory_space<hbm>> -> memref<1x1x1x8x128xf32, #tpu.memory_space<hbm>>
      %dma_start3A_822 = tpu.memref_squeeze %dma_start3A_821 : memref<1x1x1x8x128xf32, #tpu.memory_space<hbm>> -> memref<8x128xf32, #tpu.memory_space<hbm>>
      %dma_start3A_823 = arith.constant 8 : i32
      %dma_start3A_824 = arith.constant 0 : i32
      %dma_start3A_825 = tpu.memref_slice %arg10[%dma_start3A_823, %dma_start3A_824] : memref<32x128xf32, #tpu.memory_space<vmem>> -> memref<8x128xf32, #tpu.memory_space<vmem>>
      tpu.enqueue_dma source(%dma_start3A_825 : memref<8x128xf32, #tpu.memory_space<vmem>>) target(%dma_start3A_822 : memref<8x128xf32, #tpu.memory_space<hbm>>) target_semaphore(%arg16 : memref<!tpu.dma_semaphore, #tpu.memory_space<semaphore_mem>>)
      %dma_start3A_826 = arith.constant 2 : i32
      %dma_start3A_827 = arith.constant 16 : i32
      %dma_start3A_828 = arith.constant 0 : i32
      %dma_start3A_829 = tpu.memref_slice %arg10[%dma_start3A_827, %dma_start3A_828] : memref<32x128xf32, #tpu.memory_space<vmem>> -> memref<8x128xf32, #tpu.memory_space<vmem>>
      %dma_start3A_830 = arith.constant 0 : i32
      %dma_start3A_831 = arith.constant 0 : i32
      %dma_start3A_832 = tpu.memref_slice %arg4[%select_n3A_792, %dma_start3A_826, %sub3A_795, %dma_start3A_830, %dma_start3A_831] : memref<26x4x128x8x128xf32, #tpu.memory_space<hbm>> -> memref<1x1x1x8x128xf32, #tpu.memory_space<hbm>>
      %dma_start3A_833 = tpu.memref_squeeze %dma_start3A_832 : memref<1x1x1x8x128xf32, #tpu.memory_space<hbm>> -> memref<8x128xf32, #tpu.memory_space<hbm>>
      %dma_start3A_834 = arith.constant 0 : i32
      %dma_start3A_835 = arith.constant 0 : i32
      %dma_start3A_836 = tpu.memref_slice %arg4[%select_n3A_792, %dma_start3A_826, %sub3A_795, %dma_start3A_834, %dma_start3A_835] : memref<26x4x128x8x128xf32, #tpu.memory_space<hbm>> -> memref<1x1x1x8x128xf32, #tpu.memory_space<hbm>>
      %dma_start3A_837 = tpu.memref_squeeze %dma_start3A_836 : memref<1x1x1x8x128xf32, #tpu.memory_space<hbm>> -> memref<8x128xf32, #tpu.memory_space<hbm>>
      %dma_start3A_838 = arith.constant 16 : i32
      %dma_start3A_839 = arith.constant 0 : i32
      %dma_start3A_840 = tpu.memref_slice %arg10[%dma_start3A_838, %dma_start3A_839] : memref<32x128xf32, #tpu.memory_space<vmem>> -> memref<8x128xf32, #tpu.memory_space<vmem>>
      tpu.enqueue_dma source(%dma_start3A_840 : memref<8x128xf32, #tpu.memory_space<vmem>>) target(%dma_start3A_837 : memref<8x128xf32, #tpu.memory_space<hbm>>) target_semaphore(%arg16 : memref<!tpu.dma_semaphore, #tpu.memory_space<semaphore_mem>>)
      %dma_start3A_841 = arith.constant 3 : i32
      %dma_start3A_842 = arith.constant 24 : i32
      %dma_start3A_843 = arith.constant 0 : i32
      %dma_start3A_844 = tpu.memref_slice %arg10[%dma_start3A_842, %dma_start3A_843] : memref<32x128xf32, #tpu.memory_space<vmem>> -> memref<8x128xf32, #tpu.memory_space<vmem>>
      %dma_start3A_845 = arith.constant 0 : i32
      %dma_start3A_846 = arith.constant 0 : i32
      %dma_start3A_847 = tpu.memref_slice %arg4[%select_n3A_792, %dma_start3A_841, %sub3A_795, %dma_start3A_845, %dma_start3A_846] : memref<26x4x128x8x128xf32, #tpu.memory_space<hbm>> -> memref<1x1x1x8x128xf32, #tpu.memory_space<hbm>>
      %dma_start3A_848 = tpu.memref_squeeze %dma_start3A_847 : memref<1x1x1x8x128xf32, #tpu.memory_space<hbm>> -> memref<8x128xf32, #tpu.memory_space<hbm>>
      %dma_start3A_849 = arith.constant 0 : i32
      %dma_start3A_850 = arith.constant 0 : i32
      %dma_start3A_851 = tpu.memref_slice %arg4[%select_n3A_792, %dma_start3A_841, %sub3A_795, %dma_start3A_849, %dma_start3A_850] : memref<26x4x128x8x128xf32, #tpu.memory_space<hbm>> -> memref<1x1x1x8x128xf32, #tpu.memory_space<hbm>>
      %dma_start3A_852 = tpu.memref_squeeze %dma_start3A_851 : memref<1x1x1x8x128xf32, #tpu.memory_space<hbm>> -> memref<8x128xf32, #tpu.memory_space<hbm>>
      %dma_start3A_853 = arith.constant 24 : i32
      %dma_start3A_854 = arith.constant 0 : i32
      %dma_start3A_855 = tpu.memref_slice %arg10[%dma_start3A_853, %dma_start3A_854] : memref<32x128xf32, #tpu.memory_space<vmem>> -> memref<8x128xf32, #tpu.memory_space<vmem>>
      tpu.enqueue_dma source(%dma_start3A_855 : memref<8x128xf32, #tpu.memory_space<vmem>>) target(%dma_start3A_852 : memref<8x128xf32, #tpu.memory_space<hbm>>) target_semaphore(%arg16 : memref<!tpu.dma_semaphore, #tpu.memory_space<semaphore_mem>>)
      %mul3A_856 = arith.constant 4 : i32
      %mul3A_857 = arith.muli %mul3A_856, %add3A_510 : i32
      %add3A_858 = arith.constant 3 : i32
      %add3A_859 = arith.addi %mul3A_857, %add3A_858 : i32
      %add3A_860 = arith.constant 4 : i32
      %add3A_861 = arith.addi %add3A_859, %add3A_860 : i32
      %sub3A_862 = arith.constant 1 : i32
      %sub3A_863 = arith.subi %add3A_861, %sub3A_862 : i32
      %mul3A_864 = arith.constant 128 : i32
      %mul3A_865 = arith.muli %sub3A_863, %mul3A_864 : i32
      %dma_start3A_866 = tpu.memref_slice %arg5[%mul3A_865] : memref<13312xi32, #tpu.memory_space<vmem>> -> memref<128xi32, #tpu.memory_space<vmem>>
      %dma_start3A_867 = arith.constant 0 : i32
      %dma_start3A_868 = arith.constant 0 : i32
      %dma_start3A_869 = tpu.memref_slice %arg2[%dma_start3A_867, %dma_start3A_868] : memref<4000000x32xf32, #tpu.memory_space<hbm>> -> memref<4000000x32xf32, #tpu.memory_space<hbm>>
      tpu.enqueue_indirect_dma source(%dma_start3A_869 : memref<4000000x32xf32, #tpu.memory_space<hbm>>) target(%arg8 : memref<128x32xf32, #tpu.memory_space<vmem>>) offsets(%dma_start3A_866 : memref<128xi32, #tpu.memory_space<vmem>>) semaphore(%arg14 : memref<!tpu.dma_semaphore, #tpu.memory_space<semaphore_mem>>)
      %dma_wait3A_870 = arith.constant 0 : i32
      %dma_wait3A_871 = arith.constant 0 : i32
      %dma_wait3A_872 = tpu.memref_slice %arg2[%dma_wait3A_870, %dma_wait3A_871] : memref<4000000x32xf32, #tpu.memory_space<hbm>> -> memref<128x32xf32, #tpu.memory_space<hbm>>
      %dma_wait3A_873 = arith.constant 0 : i32
      %dma_wait3A_874 = arith.constant 0 : i32
      %dma_wait3A_875 = tpu.memref_slice %arg2[%dma_wait3A_873, %dma_wait3A_874] : memref<4000000x32xf32, #tpu.memory_space<hbm>> -> memref<128x32xf32, #tpu.memory_space<hbm>>
      tpu.wait_dma2 semaphore(%arg15 : memref<!tpu.dma_semaphore, #tpu.memory_space<semaphore_mem>>) src(%dma_wait3A_875 : memref<128x32xf32, #tpu.memory_space<hbm>>) dst(%arg9 : memref<128x32xf32, #tpu.memory_space<vmem>>)
      %gt3A_876 = arith.constant 1 : i32
      %gt3A_877 = arith.cmpi sgt, %add3A_859, %gt3A_876 : i32
      %convert_element_type3A_878 = arith.extui %gt3A_877 : i1 to i32
      %cond3A_879 = arith.constant 0 : i32
      %cond3A_880 = arith.cmpi ne, %convert_element_type3A_878, %cond3A_879 : i32
      scf.if %cond3A_880 {
        %dma_wait3A_972 = arith.constant 0 : i32
        %dma_wait3A_973 = arith.constant 0 : i32
        %dma_wait3A_974 = arith.constant 0 : i32
        %dma_wait3A_975 = arith.constant 0 : i32
        %dma_wait3A_976 = arith.constant 0 : i32
        %dma_wait3A_977 = tpu.memref_slice %arg4[%dma_wait3A_972, %dma_wait3A_974, %dma_wait3A_973, %dma_wait3A_975, %dma_wait3A_976] : memref<26x4x128x8x128xf32, #tpu.memory_space<hbm>> -> memref<1x4x1x8x128xf32, #tpu.memory_space<hbm>>
        %dma_wait3A_978 = tpu.memref_squeeze %dma_wait3A_977 : memref<1x4x1x8x128xf32, #tpu.memory_space<hbm>> -> memref<4x8x128xf32, #tpu.memory_space<hbm>>
        %dma_wait3A_979 = arith.constant 0 : i32
        %dma_wait3A_980 = arith.constant 0 : i32
        %dma_wait3A_981 = arith.constant 0 : i32
        %dma_wait3A_982 = tpu.memref_slice %arg4[%dma_wait3A_972, %dma_wait3A_979, %dma_wait3A_973, %dma_wait3A_980, %dma_wait3A_981] : memref<26x4x128x8x128xf32, #tpu.memory_space<hbm>> -> memref<1x4x1x8x128xf32, #tpu.memory_space<hbm>>
        %dma_wait3A_983 = tpu.memref_squeeze %dma_wait3A_982 : memref<1x4x1x8x128xf32, #tpu.memory_space<hbm>> -> memref<4x8x128xf32, #tpu.memory_space<hbm>>
        tpu.wait_dma2 semaphore(%arg17 : memref<!tpu.dma_semaphore, #tpu.memory_space<semaphore_mem>>) src(%arg11 : memref<32x128xf32, #tpu.memory_space<vmem>>) dst(%dma_wait3A_983 : memref<4x8x128xf32, #tpu.memory_space<hbm>>)
      } else {
      }
      %parallel_loop3A_881 = arith.constant 0 : i32
      %parallel_loop3A_882 = arith.constant 32 : i32
      %parallel_loop3A_883 = arith.constant 1 : i32
      scf.for %parallel_loop3A_972 = %parallel_loop3A_881 to %parallel_loop3A_882 step %parallel_loop3A_883  : i32 {
        %parallel_loop3A_973 = vector.broadcast %parallel_loop3A_972 : i32 to vector<16xi32>
        %parallel_loop3A_974 = tpu.vector_load_idx %arg9[%add3A_7, %parallel_loop3A_973] : memref<128x32xf32, #tpu.memory_space<vmem>>[vector<16xi32>, vector<16xi32>], vector<16xf32>,
        %parallel_loop3A_975 = tpu.vector_load_idx %arg9[%add3A_10, %parallel_loop3A_973] : memref<128x32xf32, #tpu.memory_space<vmem>>[vector<16xi32>, vector<16xi32>], vector<16xf32>,
        %parallel_loop3A_976 = tpu.vector_load_idx %arg9[%add3A_13, %parallel_loop3A_973] : memref<128x32xf32, #tpu.memory_space<vmem>>[vector<16xi32>, vector<16xi32>], vector<16xf32>,
        %parallel_loop3A_977 = tpu.vector_load_idx %arg9[%add3A_16, %parallel_loop3A_973] : memref<128x32xf32, #tpu.memory_space<vmem>>[vector<16xi32>, vector<16xi32>], vector<16xf32>,
        %parallel_loop3A_978 = tpu.vector_load_idx %arg9[%add3A_19, %parallel_loop3A_973] : memref<128x32xf32, #tpu.memory_space<vmem>>[vector<16xi32>, vector<16xi32>], vector<16xf32>,
        %parallel_loop3A_979 = tpu.vector_load_idx %arg9[%add3A_22, %parallel_loop3A_973] : memref<128x32xf32, #tpu.memory_space<vmem>>[vector<16xi32>, vector<16xi32>], vector<16xf32>,
        %parallel_loop3A_980 = tpu.vector_load_idx %arg9[%add3A_25, %parallel_loop3A_973] : memref<128x32xf32, #tpu.memory_space<vmem>>[vector<16xi32>, vector<16xi32>], vector<16xf32>,
        %parallel_loop3A_981 = tpu.vector_load_idx %arg9[%add3A_28, %parallel_loop3A_973] : memref<128x32xf32, #tpu.memory_space<vmem>>[vector<16xi32>, vector<16xi32>], vector<16xf32>,
        %parallel_loop3A_982 = arith.index_cast %parallel_loop3A_972 : i32 to index
        %parallel_loop3A_983 = arith.constant 0 : index
        %parallel_loop3A_984 = tpu.vector_load %arg11[%parallel_loop3A_982, %parallel_loop3A_983] {strides = array<i32>} : memref<32x128xf32, #tpu.memory_space<vmem>>, vector<16xf32>,
        tpu.vector_store %arg11[%parallel_loop3A_982, %parallel_loop3A_983], %parallel_loop3A_974 {strides = array<i32>} : memref<32x128xf32, #tpu.memory_space<vmem>>, vector<16xf32>,
        %parallel_loop3A_985 = arith.index_cast %parallel_loop3A_972 : i32 to index
        %parallel_loop3A_986 = arith.constant 16 : index
        %parallel_loop3A_987 = tpu.vector_load %arg11[%parallel_loop3A_985, %parallel_loop3A_986] {strides = array<i32>} : memref<32x128xf32, #tpu.memory_space<vmem>>, vector<16xf32>,
        tpu.vector_store %arg11[%parallel_loop3A_985, %parallel_loop3A_986], %parallel_loop3A_975 {strides = array<i32>} : memref<32x128xf32, #tpu.memory_space<vmem>>, vector<16xf32>,
        %parallel_loop3A_988 = arith.index_cast %parallel_loop3A_972 : i32 to index
        %parallel_loop3A_989 = arith.constant 32 : index
        %parallel_loop3A_990 = tpu.vector_load %arg11[%parallel_loop3A_988, %parallel_loop3A_989] {strides = array<i32>} : memref<32x128xf32, #tpu.memory_space<vmem>>, vector<16xf32>,
        tpu.vector_store %arg11[%parallel_loop3A_988, %parallel_loop3A_989], %parallel_loop3A_976 {strides = array<i32>} : memref<32x128xf32, #tpu.memory_space<vmem>>, vector<16xf32>,
        %parallel_loop3A_991 = arith.index_cast %parallel_loop3A_972 : i32 to index
        %parallel_loop3A_992 = arith.constant 48 : index
        %parallel_loop3A_993 = tpu.vector_load %arg11[%parallel_loop3A_991, %parallel_loop3A_992] {strides = array<i32>} : memref<32x128xf32, #tpu.memory_space<vmem>>, vector<16xf32>,
        tpu.vector_store %arg11[%parallel_loop3A_991, %parallel_loop3A_992], %parallel_loop3A_977 {strides = array<i32>} : memref<32x128xf32, #tpu.memory_space<vmem>>, vector<16xf32>,
        %parallel_loop3A_994 = arith.index_cast %parallel_loop3A_972 : i32 to index
        %parallel_loop3A_995 = arith.constant 64 : index
        %parallel_loop3A_996 = tpu.vector_load %arg11[%parallel_loop3A_994, %parallel_loop3A_995] {strides = array<i32>} : memref<32x128xf32, #tpu.memory_space<vmem>>, vector<16xf32>,
        tpu.vector_store %arg11[%parallel_loop3A_994, %parallel_loop3A_995], %parallel_loop3A_978 {strides = array<i32>} : memref<32x128xf32, #tpu.memory_space<vmem>>, vector<16xf32>,
        %parallel_loop3A_997 = arith.index_cast %parallel_loop3A_972 : i32 to index
        %parallel_loop3A_998 = arith.constant 80 : index
        %parallel_loop3A_999 = tpu.vector_load %arg11[%parallel_loop3A_997, %parallel_loop3A_998] {strides = array<i32>} : memref<32x128xf32, #tpu.memory_space<vmem>>, vector<16xf32>,
        tpu.vector_store %arg11[%parallel_loop3A_997, %parallel_loop3A_998], %parallel_loop3A_979 {strides = array<i32>} : memref<32x128xf32, #tpu.memory_space<vmem>>, vector<16xf32>,
        %parallel_loop3A_1000 = arith.index_cast %parallel_loop3A_972 : i32 to index
        %parallel_loop3A_1001 = arith.constant 96 : index
        %parallel_loop3A_1002 = tpu.vector_load %arg11[%parallel_loop3A_1000, %parallel_loop3A_1001] {strides = array<i32>} : memref<32x128xf32, #tpu.memory_space<vmem>>, vector<16xf32>,
        tpu.vector_store %arg11[%parallel_loop3A_1000, %parallel_loop3A_1001], %parallel_loop3A_980 {strides = array<i32>} : memref<32x128xf32, #tpu.memory_space<vmem>>, vector<16xf32>,
        %parallel_loop3A_1003 = arith.index_cast %parallel_loop3A_972 : i32 to index
        %parallel_loop3A_1004 = arith.constant 112 : index
        %parallel_loop3A_1005 = tpu.vector_load %arg11[%parallel_loop3A_1003, %parallel_loop3A_1004] {strides = array<i32>} : memref<32x128xf32, #tpu.memory_space<vmem>>, vector<16xf32>,
        tpu.vector_store %arg11[%parallel_loop3A_1003, %parallel_loop3A_1004], %parallel_loop3A_981 {strides = array<i32>} : memref<32x128xf32, #tpu.memory_space<vmem>>, vector<16xf32>,
      } {sc.loop_unroll_factor = 4 : i64, sc.parallel_access}
      %add3A_884 = arith.addi %mul3A_2, %add3A_859 : i32
      %jit3A_885 = arith.constant 128 : i32
      %div3A_886 = arith.divsi %add3A_884, %jit3A_885 : i32
      %sign3A_887 = arith.constant 0 : i32
      %sign3A_888 = arith.cmpi sgt, %add3A_884, %sign3A_887 : i32
      %sign3A_889 = arith.extui %sign3A_888 : i1 to i32
      %sign3A_890 = arith.constant 0 : i32
      %sign3A_891 = arith.cmpi slt, %add3A_884, %sign3A_890 : i32
      %sign3A_892 = arith.extui %sign3A_891 : i1 to i32
      %sign3A_893 = arith.subi %sign3A_889, %sign3A_892 : i32
      %sign3A_894 = arith.constant 0 : i32
      %sign3A_895 = arith.cmpi sgt, %jit3A_885, %sign3A_894 : i32
      %sign3A_896 = arith.extui %sign3A_895 : i1 to i32
      %sign3A_897 = arith.constant 0 : i32
      %sign3A_898 = arith.cmpi slt, %jit3A_885, %sign3A_897 : i32
      %sign3A_899 = arith.extui %sign3A_898 : i1 to i32
      %sign3A_900 = arith.subi %sign3A_896, %sign3A_899 : i32
      %ne3A_901 = arith.cmpi ne, %sign3A_893, %sign3A_900 : i32
      %rem3A_902 = arith.remsi %add3A_884, %jit3A_885 : i32
      %ne3A_903 = arith.constant 0 : i32
      %ne3A_904 = arith.cmpi ne, %rem3A_902, %ne3A_903 : i32
      %and3A_905 = arith.andi %ne3A_901, %ne3A_904 : i1
      %sub3A_906 = arith.constant 1 : i32
      %sub3A_907 = arith.subi %div3A_886, %sub3A_906 : i32
      %select_n3A_908 = arith.select %and3A_905, %sub3A_907, %div3A_886 : i32
      %mul3A_909 = arith.constant 128 : i32
      %mul3A_910 = arith.muli %select_n3A_908, %mul3A_909 : i32
      %sub3A_911 = arith.subi %add3A_884, %mul3A_910 : i32
      %dma_start3A_912 = arith.constant 0 : i32
      %dma_start3A_913 = arith.constant 0 : i32
      %dma_start3A_914 = arith.constant 0 : i32
      %dma_start3A_915 = tpu.memref_slice %arg11[%dma_start3A_913, %dma_start3A_914] : memref<32x128xf32, #tpu.memory_space<vmem>> -> memref<8x128xf32, #tpu.memory_space<vmem>>
      %dma_start3A_916 = arith.constant 0 : i32
      %dma_start3A_917 = arith.constant 0 : i32
      %dma_start3A_918 = tpu.memref_slice %arg4[%select_n3A_908, %dma_start3A_912, %sub3A_911, %dma_start3A_916, %dma_start3A_917] : memref<26x4x128x8x128xf32, #tpu.memory_space<hbm>> -> memref<1x1x1x8x128xf32, #tpu.memory_space<hbm>>
      %dma_start3A_919 = tpu.memref_squeeze %dma_start3A_918 : memref<1x1x1x8x128xf32, #tpu.memory_space<hbm>> -> memref<8x128xf32, #tpu.memory_space<hbm>>
      %dma_start3A_920 = arith.constant 0 : i32
      %dma_start3A_921 = arith.constant 0 : i32
      %dma_start3A_922 = tpu.memref_slice %arg4[%select_n3A_908, %dma_start3A_912, %sub3A_911, %dma_start3A_920, %dma_start3A_921] : memref<26x4x128x8x128xf32, #tpu.memory_space<hbm>> -> memref<1x1x1x8x128xf32, #tpu.memory_space<hbm>>
      %dma_start3A_923 = tpu.memref_squeeze %dma_start3A_922 : memref<1x1x1x8x128xf32, #tpu.memory_space<hbm>> -> memref<8x128xf32, #tpu.memory_space<hbm>>
      %dma_start3A_924 = arith.constant 0 : i32
      %dma_start3A_925 = arith.constant 0 : i32
      %dma_start3A_926 = tpu.memref_slice %arg11[%dma_start3A_924, %dma_start3A_925] : memref<32x128xf32, #tpu.memory_space<vmem>> -> memref<8x128xf32, #tpu.memory_space<vmem>>
      tpu.enqueue_dma source(%dma_start3A_926 : memref<8x128xf32, #tpu.memory_space<vmem>>) target(%dma_start3A_923 : memref<8x128xf32, #tpu.memory_space<hbm>>) target_semaphore(%arg17 : memref<!tpu.dma_semaphore, #tpu.memory_space<semaphore_mem>>)
      %dma_start3A_927 = arith.constant 1 : i32
      %dma_start3A_928 = arith.constant 8 : i32
      %dma_start3A_929 = arith.constant 0 : i32
      %dma_start3A_930 = tpu.memref_slice %arg11[%dma_start3A_928, %dma_start3A_929] : memref<32x128xf32, #tpu.memory_space<vmem>> -> memref<8x128xf32, #tpu.memory_space<vmem>>
      %dma_start3A_931 = arith.constant 0 : i32
      %dma_start3A_932 = arith.constant 0 : i32
      %dma_start3A_933 = tpu.memref_slice %arg4[%select_n3A_908, %dma_start3A_927, %sub3A_911, %dma_start3A_931, %dma_start3A_932] : memref<26x4x128x8x128xf32, #tpu.memory_space<hbm>> -> memref<1x1x1x8x128xf32, #tpu.memory_space<hbm>>
      %dma_start3A_934 = tpu.memref_squeeze %dma_start3A_933 : memref<1x1x1x8x128xf32, #tpu.memory_space<hbm>> -> memref<8x128xf32, #tpu.memory_space<hbm>>
      %dma_start3A_935 = arith.constant 0 : i32
      %dma_start3A_936 = arith.constant 0 : i32
      %dma_start3A_937 = tpu.memref_slice %arg4[%select_n3A_908, %dma_start3A_927, %sub3A_911, %dma_start3A_935, %dma_start3A_936] : memref<26x4x128x8x128xf32, #tpu.memory_space<hbm>> -> memref<1x1x1x8x128xf32, #tpu.memory_space<hbm>>
      %dma_start3A_938 = tpu.memref_squeeze %dma_start3A_937 : memref<1x1x1x8x128xf32, #tpu.memory_space<hbm>> -> memref<8x128xf32, #tpu.memory_space<hbm>>
      %dma_start3A_939 = arith.constant 8 : i32
      %dma_start3A_940 = arith.constant 0 : i32
      %dma_start3A_941 = tpu.memref_slice %arg11[%dma_start3A_939, %dma_start3A_940] : memref<32x128xf32, #tpu.memory_space<vmem>> -> memref<8x128xf32, #tpu.memory_space<vmem>>
      tpu.enqueue_dma source(%dma_start3A_941 : memref<8x128xf32, #tpu.memory_space<vmem>>) target(%dma_start3A_938 : memref<8x128xf32, #tpu.memory_space<hbm>>) target_semaphore(%arg17 : memref<!tpu.dma_semaphore, #tpu.memory_space<semaphore_mem>>)
      %dma_start3A_942 = arith.constant 2 : i32
      %dma_start3A_943 = arith.constant 16 : i32
      %dma_start3A_944 = arith.constant 0 : i32
      %dma_start3A_945 = tpu.memref_slice %arg11[%dma_start3A_943, %dma_start3A_944] : memref<32x128xf32, #tpu.memory_space<vmem>> -> memref<8x128xf32, #tpu.memory_space<vmem>>
      %dma_start3A_946 = arith.constant 0 : i32
      %dma_start3A_947 = arith.constant 0 : i32
      %dma_start3A_948 = tpu.memref_slice %arg4[%select_n3A_908, %dma_start3A_942, %sub3A_911, %dma_start3A_946, %dma_start3A_947] : memref<26x4x128x8x128xf32, #tpu.memory_space<hbm>> -> memref<1x1x1x8x128xf32, #tpu.memory_space<hbm>>
      %dma_start3A_949 = tpu.memref_squeeze %dma_start3A_948 : memref<1x1x1x8x128xf32, #tpu.memory_space<hbm>> -> memref<8x128xf32, #tpu.memory_space<hbm>>
      %dma_start3A_950 = arith.constant 0 : i32
      %dma_start3A_951 = arith.constant 0 : i32
      %dma_start3A_952 = tpu.memref_slice %arg4[%select_n3A_908, %dma_start3A_942, %sub3A_911, %dma_start3A_950, %dma_start3A_951] : memref<26x4x128x8x128xf32, #tpu.memory_space<hbm>> -> memref<1x1x1x8x128xf32, #tpu.memory_space<hbm>>
      %dma_start3A_953 = tpu.memref_squeeze %dma_start3A_952 : memref<1x1x1x8x128xf32, #tpu.memory_space<hbm>> -> memref<8x128xf32, #tpu.memory_space<hbm>>
      %dma_start3A_954 = arith.constant 16 : i32
      %dma_start3A_955 = arith.constant 0 : i32
      %dma_start3A_956 = tpu.memref_slice %arg11[%dma_start3A_954, %dma_start3A_955] : memref<32x128xf32, #tpu.memory_space<vmem>> -> memref<8x128xf32, #tpu.memory_space<vmem>>
      tpu.enqueue_dma source(%dma_start3A_956 : memref<8x128xf32, #tpu.memory_space<vmem>>) target(%dma_start3A_953 : memref<8x128xf32, #tpu.memory_space<hbm>>) target_semaphore(%arg17 : memref<!tpu.dma_semaphore, #tpu.memory_space<semaphore_mem>>)
      %dma_start3A_957 = arith.constant 3 : i32
      %dma_start3A_958 = arith.constant 24 : i32
      %dma_start3A_959 = arith.constant 0 : i32
      %dma_start3A_960 = tpu.memref_slice %arg11[%dma_start3A_958, %dma_start3A_959] : memref<32x128xf32, #tpu.memory_space<vmem>> -> memref<8x128xf32, #tpu.memory_space<vmem>>
      %dma_start3A_961 = arith.constant 0 : i32
      %dma_start3A_962 = arith.constant 0 : i32
      %dma_start3A_963 = tpu.memref_slice %arg4[%select_n3A_908, %dma_start3A_957, %sub3A_911, %dma_start3A_961, %dma_start3A_962] : memref<26x4x128x8x128xf32, #tpu.memory_space<hbm>> -> memref<1x1x1x8x128xf32, #tpu.memory_space<hbm>>
      %dma_start3A_964 = tpu.memref_squeeze %dma_start3A_963 : memref<1x1x1x8x128xf32, #tpu.memory_space<hbm>> -> memref<8x128xf32, #tpu.memory_space<hbm>>
      %dma_start3A_965 = arith.constant 0 : i32
      %dma_start3A_966 = arith.constant 0 : i32
      %dma_start3A_967 = tpu.memref_slice %arg4[%select_n3A_908, %dma_start3A_957, %sub3A_911, %dma_start3A_965, %dma_start3A_966] : memref<26x4x128x8x128xf32, #tpu.memory_space<hbm>> -> memref<1x1x1x8x128xf32, #tpu.memory_space<hbm>>
      %dma_start3A_968 = tpu.memref_squeeze %dma_start3A_967 : memref<1x1x1x8x128xf32, #tpu.memory_space<hbm>> -> memref<8x128xf32, #tpu.memory_space<hbm>>
      %dma_start3A_969 = arith.constant 24 : i32
      %dma_start3A_970 = arith.constant 0 : i32
      %dma_start3A_971 = tpu.memref_slice %arg11[%dma_start3A_969, %dma_start3A_970] : memref<32x128xf32, #tpu.memory_space<vmem>> -> memref<8x128xf32, #tpu.memory_space<vmem>>
      tpu.enqueue_dma source(%dma_start3A_971 : memref<8x128xf32, #tpu.memory_space<vmem>>) target(%dma_start3A_968 : memref<8x128xf32, #tpu.memory_space<hbm>>) target_semaphore(%arg17 : memref<!tpu.dma_semaphore, #tpu.memory_space<semaphore_mem>>)
    }
    %scan3A_46 = arith.constant 25 : i32
    %dma_start3A_47 = arith.constant 13184 : i32
    %dma_start3A_48 = tpu.memref_slice %arg5[%dma_start3A_47] : memref<13312xi32, #tpu.memory_space<vmem>> -> memref<128xi32, #tpu.memory_space<vmem>>
    %dma_start3A_49 = arith.constant 0 : i32
    %dma_start3A_50 = arith.constant 0 : i32
    %dma_start3A_51 = tpu.memref_slice %arg2[%dma_start3A_49, %dma_start3A_50] : memref<4000000x32xf32, #tpu.memory_space<hbm>> -> memref<4000000x32xf32, #tpu.memory_space<hbm>>
    tpu.enqueue_indirect_dma source(%dma_start3A_51 : memref<4000000x32xf32, #tpu.memory_space<hbm>>) target(%arg9 : memref<128x32xf32, #tpu.memory_space<vmem>>) offsets(%dma_start3A_48 : memref<128xi32, #tpu.memory_space<vmem>>) semaphore(%arg15 : memref<!tpu.dma_semaphore, #tpu.memory_space<semaphore_mem>>)
    %dma_wait3A = arith.constant 0 : i32
    %dma_wait3A_52 = arith.constant 0 : i32
    %dma_wait3A_53 = tpu.memref_slice %arg2[%dma_wait3A, %dma_wait3A_52] : memref<4000000x32xf32, #tpu.memory_space<hbm>> -> memref<128x32xf32, #tpu.memory_space<hbm>>
    %dma_wait3A_54 = arith.constant 0 : i32
    %dma_wait3A_55 = arith.constant 0 : i32
    %dma_wait3A_56 = tpu.memref_slice %arg2[%dma_wait3A_54, %dma_wait3A_55] : memref<4000000x32xf32, #tpu.memory_space<hbm>> -> memref<128x32xf32, #tpu.memory_space<hbm>>
    tpu.wait_dma2 semaphore(%arg12 : memref<!tpu.dma_semaphore, #tpu.memory_space<semaphore_mem>>) src(%dma_wait3A_56 : memref<128x32xf32, #tpu.memory_space<hbm>>) dst(%arg6 : memref<128x32xf32, #tpu.memory_space<vmem>>)
    %dma_wait3A_57 = arith.constant 0 : i32
    %dma_wait3A_58 = arith.constant 0 : i32
    %dma_wait3A_59 = arith.constant 0 : i32
    %dma_wait3A_60 = arith.constant 0 : i32
    %dma_wait3A_61 = arith.constant 0 : i32
    %dma_wait3A_62 = tpu.memref_slice %arg4[%dma_wait3A_57, %dma_wait3A_59, %dma_wait3A_58, %dma_wait3A_60, %dma_wait3A_61] : memref<26x4x128x8x128xf32, #tpu.memory_space<hbm>> -> memref<1x4x1x8x128xf32, #tpu.memory_space<hbm>>
    %dma_wait3A_63 = tpu.memref_squeeze %dma_wait3A_62 : memref<1x4x1x8x128xf32, #tpu.memory_space<hbm>> -> memref<4x8x128xf32, #tpu.memory_space<hbm>>
    %dma_wait3A_64 = arith.constant 0 : i32
    %dma_wait3A_65 = arith.constant 0 : i32
    %dma_wait3A_66 = arith.constant 0 : i32
    %dma_wait3A_67 = tpu.memref_slice %arg4[%dma_wait3A_57, %dma_wait3A_64, %dma_wait3A_58, %dma_wait3A_65, %dma_wait3A_66] : memref<26x4x128x8x128xf32, #tpu.memory_space<hbm>> -> memref<1x4x1x8x128xf32, #tpu.memory_space<hbm>>
    %dma_wait3A_68 = tpu.memref_squeeze %dma_wait3A_67 : memref<1x4x1x8x128xf32, #tpu.memory_space<hbm>> -> memref<4x8x128xf32, #tpu.memory_space<hbm>>
    tpu.wait_dma2 semaphore(%arg16 : memref<!tpu.dma_semaphore, #tpu.memory_space<semaphore_mem>>) src(%arg10 : memref<32x128xf32, #tpu.memory_space<vmem>>) dst(%dma_wait3A_68 : memref<4x8x128xf32, #tpu.memory_space<hbm>>)
    %parallel_loop3A = arith.constant 0 : i32
    %parallel_loop3A_69 = arith.constant 32 : i32
    %parallel_loop3A_70 = arith.constant 1 : i32
    scf.for %parallel_loop3A_506 = %parallel_loop3A to %parallel_loop3A_69 step %parallel_loop3A_70  : i32 {
      %parallel_loop3A_507 = vector.broadcast %parallel_loop3A_506 : i32 to vector<16xi32>
      %parallel_loop3A_508 = tpu.vector_load_idx %arg6[%add3A_7, %parallel_loop3A_507] : memref<128x32xf32, #tpu.memory_space<vmem>>[vector<16xi32>, vector<16xi32>], vector<16xf32>,
      %parallel_loop3A_509 = tpu.vector_load_idx %arg6[%add3A_10, %parallel_loop3A_507] : memref<128x32xf32, #tpu.memory_space<vmem>>[vector<16xi32>, vector<16xi32>], vector<16xf32>,
      %parallel_loop3A_510 = tpu.vector_load_idx %arg6[%add3A_13, %parallel_loop3A_507] : memref<128x32xf32, #tpu.memory_space<vmem>>[vector<16xi32>, vector<16xi32>], vector<16xf32>,
      %parallel_loop3A_511 = tpu.vector_load_idx %arg6[%add3A_16, %parallel_loop3A_507] : memref<128x32xf32, #tpu.memory_space<vmem>>[vector<16xi32>, vector<16xi32>], vector<16xf32>,
      %parallel_loop3A_512 = tpu.vector_load_idx %arg6[%add3A_19, %parallel_loop3A_507] : memref<128x32xf32, #tpu.memory_space<vmem>>[vector<16xi32>, vector<16xi32>], vector<16xf32>,
      %parallel_loop3A_513 = tpu.vector_load_idx %arg6[%add3A_22, %parallel_loop3A_507] : memref<128x32xf32, #tpu.memory_space<vmem>>[vector<16xi32>, vector<16xi32>], vector<16xf32>,
      %parallel_loop3A_514 = tpu.vector_load_idx %arg6[%add3A_25, %parallel_loop3A_507] : memref<128x32xf32, #tpu.memory_space<vmem>>[vector<16xi32>, vector<16xi32>], vector<16xf32>,
      %parallel_loop3A_515 = tpu.vector_load_idx %arg6[%add3A_28, %parallel_loop3A_507] : memref<128x32xf32, #tpu.memory_space<vmem>>[vector<16xi32>, vector<16xi32>], vector<16xf32>,
      %parallel_loop3A_516 = arith.index_cast %parallel_loop3A_506 : i32 to index
      %parallel_loop3A_517 = arith.constant 0 : index
      %parallel_loop3A_518 = tpu.vector_load %arg10[%parallel_loop3A_516, %parallel_loop3A_517] {strides = array<i32>} : memref<32x128xf32, #tpu.memory_space<vmem>>, vector<16xf32>,
      tpu.vector_store %arg10[%parallel_loop3A_516, %parallel_loop3A_517], %parallel_loop3A_508 {strides = array<i32>} : memref<32x128xf32, #tpu.memory_space<vmem>>, vector<16xf32>,
      %parallel_loop3A_519 = arith.index_cast %parallel_loop3A_506 : i32 to index
      %parallel_loop3A_520 = arith.constant 16 : index
      %parallel_loop3A_521 = tpu.vector_load %arg10[%parallel_loop3A_519, %parallel_loop3A_520] {strides = array<i32>} : memref<32x128xf32, #tpu.memory_space<vmem>>, vector<16xf32>,
      tpu.vector_store %arg10[%parallel_loop3A_519, %parallel_loop3A_520], %parallel_loop3A_509 {strides = array<i32>} : memref<32x128xf32, #tpu.memory_space<vmem>>, vector<16xf32>,
      %parallel_loop3A_522 = arith.index_cast %parallel_loop3A_506 : i32 to index
      %parallel_loop3A_523 = arith.constant 32 : index
      %parallel_loop3A_524 = tpu.vector_load %arg10[%parallel_loop3A_522, %parallel_loop3A_523] {strides = array<i32>} : memref<32x128xf32, #tpu.memory_space<vmem>>, vector<16xf32>,
      tpu.vector_store %arg10[%parallel_loop3A_522, %parallel_loop3A_523], %parallel_loop3A_510 {strides = array<i32>} : memref<32x128xf32, #tpu.memory_space<vmem>>, vector<16xf32>,
      %parallel_loop3A_525 = arith.index_cast %parallel_loop3A_506 : i32 to index
      %parallel_loop3A_526 = arith.constant 48 : index
      %parallel_loop3A_527 = tpu.vector_load %arg10[%parallel_loop3A_525, %parallel_loop3A_526] {strides = array<i32>} : memref<32x128xf32, #tpu.memory_space<vmem>>, vector<16xf32>,
      tpu.vector_store %arg10[%parallel_loop3A_525, %parallel_loop3A_526], %parallel_loop3A_511 {strides = array<i32>} : memref<32x128xf32, #tpu.memory_space<vmem>>, vector<16xf32>,
      %parallel_loop3A_528 = arith.index_cast %parallel_loop3A_506 : i32 to index
      %parallel_loop3A_529 = arith.constant 64 : index
      %parallel_loop3A_530 = tpu.vector_load %arg10[%parallel_loop3A_528, %parallel_loop3A_529] {strides = array<i32>} : memref<32x128xf32, #tpu.memory_space<vmem>>, vector<16xf32>,
      tpu.vector_store %arg10[%parallel_loop3A_528, %parallel_loop3A_529], %parallel_loop3A_512 {strides = array<i32>} : memref<32x128xf32, #tpu.memory_space<vmem>>, vector<16xf32>,
      %parallel_loop3A_531 = arith.index_cast %parallel_loop3A_506 : i32 to index
      %parallel_loop3A_532 = arith.constant 80 : index
      %parallel_loop3A_533 = tpu.vector_load %arg10[%parallel_loop3A_531, %parallel_loop3A_532] {strides = array<i32>} : memref<32x128xf32, #tpu.memory_space<vmem>>, vector<16xf32>,
      tpu.vector_store %arg10[%parallel_loop3A_531, %parallel_loop3A_532], %parallel_loop3A_513 {strides = array<i32>} : memref<32x128xf32, #tpu.memory_space<vmem>>, vector<16xf32>,
      %parallel_loop3A_534 = arith.index_cast %parallel_loop3A_506 : i32 to index
      %parallel_loop3A_535 = arith.constant 96 : index
      %parallel_loop3A_536 = tpu.vector_load %arg10[%parallel_loop3A_534, %parallel_loop3A_535] {strides = array<i32>} : memref<32x128xf32, #tpu.memory_space<vmem>>, vector<16xf32>,
      tpu.vector_store %arg10[%parallel_loop3A_534, %parallel_loop3A_535], %parallel_loop3A_514 {strides = array<i32>} : memref<32x128xf32, #tpu.memory_space<vmem>>, vector<16xf32>,
      %parallel_loop3A_537 = arith.index_cast %parallel_loop3A_506 : i32 to index
      %parallel_loop3A_538 = arith.constant 112 : index
      %parallel_loop3A_539 = tpu.vector_load %arg10[%parallel_loop3A_537, %parallel_loop3A_538] {strides = array<i32>} : memref<32x128xf32, #tpu.memory_space<vmem>>, vector<16xf32>,
      tpu.vector_store %arg10[%parallel_loop3A_537, %parallel_loop3A_538], %parallel_loop3A_515 {strides = array<i32>} : memref<32x128xf32, #tpu.memory_space<vmem>>, vector<16xf32>,
    } {sc.loop_unroll_factor = 4 : i64, sc.parallel_access}
    %add3A_71 = arith.constant 100 : i32
    %add3A_72 = arith.addi %mul3A_2, %add3A_71 : i32
    %jit3A = arith.constant 128 : i32
    %div3A = arith.divsi %add3A_72, %jit3A : i32
    %sign3A = arith.constant 0 : i32
    %sign3A_73 = arith.cmpi sgt, %add3A_72, %sign3A : i32
    %sign3A_74 = arith.extui %sign3A_73 : i1 to i32
    %sign3A_75 = arith.constant 0 : i32
    %sign3A_76 = arith.cmpi slt, %add3A_72, %sign3A_75 : i32
    %sign3A_77 = arith.extui %sign3A_76 : i1 to i32
    %sign3A_78 = arith.subi %sign3A_74, %sign3A_77 : i32
    %sign3A_79 = arith.constant 0 : i32
    %sign3A_80 = arith.cmpi sgt, %jit3A, %sign3A_79 : i32
    %sign3A_81 = arith.extui %sign3A_80 : i1 to i32
    %sign3A_82 = arith.constant 0 : i32
    %sign3A_83 = arith.cmpi slt, %jit3A, %sign3A_82 : i32
    %sign3A_84 = arith.extui %sign3A_83 : i1 to i32
    %sign3A_85 = arith.subi %sign3A_81, %sign3A_84 : i32
    %ne3A = arith.cmpi ne, %sign3A_78, %sign3A_85 : i32
    %rem3A = arith.remsi %add3A_72, %jit3A : i32
    %ne3A_86 = arith.constant 0 : i32
    %ne3A_87 = arith.cmpi ne, %rem3A, %ne3A_86 : i32
    %and3A = arith.andi %ne3A, %ne3A_87 : i1
    %sub3A = arith.constant 1 : i32
    %sub3A_88 = arith.subi %div3A, %sub3A : i32
    %select_n3A = arith.select %and3A, %sub3A_88, %div3A : i32
    %mul3A_89 = arith.constant 128 : i32
    %mul3A_90 = arith.muli %select_n3A, %mul3A_89 : i32
    %sub3A_91 = arith.subi %add3A_72, %mul3A_90 : i32
    %dma_start3A_92 = arith.constant 0 : i32
    %dma_start3A_93 = arith.constant 0 : i32
    %dma_start3A_94 = arith.constant 0 : i32
    %dma_start3A_95 = tpu.memref_slice %arg10[%dma_start3A_93, %dma_start3A_94] : memref<32x128xf32, #tpu.memory_space<vmem>> -> memref<8x128xf32, #tpu.memory_space<vmem>>
    %dma_start3A_96 = arith.constant 0 : i32
    %dma_start3A_97 = arith.constant 0 : i32
    %dma_start3A_98 = tpu.memref_slice %arg4[%select_n3A, %dma_start3A_92, %sub3A_91, %dma_start3A_96, %dma_start3A_97] : memref<26x4x128x8x128xf32, #tpu.memory_space<hbm>> -> memref<1x1x1x8x128xf32, #tpu.memory_space<hbm>>
    %dma_start3A_99 = tpu.memref_squeeze %dma_start3A_98 : memref<1x1x1x8x128xf32, #tpu.memory_space<hbm>> -> memref<8x128xf32, #tpu.memory_space<hbm>>
    %dma_start3A_100 = arith.constant 0 : i32
    %dma_start3A_101 = arith.constant 0 : i32
    %dma_start3A_102 = tpu.memref_slice %arg4[%select_n3A, %dma_start3A_92, %sub3A_91, %dma_start3A_100, %dma_start3A_101] : memref<26x4x128x8x128xf32, #tpu.memory_space<hbm>> -> memref<1x1x1x8x128xf32, #tpu.memory_space<hbm>>
    %dma_start3A_103 = tpu.memref_squeeze %dma_start3A_102 : memref<1x1x1x8x128xf32, #tpu.memory_space<hbm>> -> memref<8x128xf32, #tpu.memory_space<hbm>>
    %dma_start3A_104 = arith.constant 0 : i32
    %dma_start3A_105 = arith.constant 0 : i32
    %dma_start3A_106 = tpu.memref_slice %arg10[%dma_start3A_104, %dma_start3A_105] : memref<32x128xf32, #tpu.memory_space<vmem>> -> memref<8x128xf32, #tpu.memory_space<vmem>>
    tpu.enqueue_dma source(%dma_start3A_106 : memref<8x128xf32, #tpu.memory_space<vmem>>) target(%dma_start3A_103 : memref<8x128xf32, #tpu.memory_space<hbm>>) target_semaphore(%arg16 : memref<!tpu.dma_semaphore, #tpu.memory_space<semaphore_mem>>)
    %dma_start3A_107 = arith.constant 1 : i32
    %dma_start3A_108 = arith.constant 8 : i32
    %dma_start3A_109 = arith.constant 0 : i32
    %dma_start3A_110 = tpu.memref_slice %arg10[%dma_start3A_108, %dma_start3A_109] : memref<32x128xf32, #tpu.memory_space<vmem>> -> memref<8x128xf32, #tpu.memory_space<vmem>>
    %dma_start3A_111 = arith.constant 0 : i32
    %dma_start3A_112 = arith.constant 0 : i32
    %dma_start3A_113 = tpu.memref_slice %arg4[%select_n3A, %dma_start3A_107, %sub3A_91, %dma_start3A_111, %dma_start3A_112] : memref<26x4x128x8x128xf32, #tpu.memory_space<hbm>> -> memref<1x1x1x8x128xf32, #tpu.memory_space<hbm>>
    %dma_start3A_114 = tpu.memref_squeeze %dma_start3A_113 : memref<1x1x1x8x128xf32, #tpu.memory_space<hbm>> -> memref<8x128xf32, #tpu.memory_space<hbm>>
    %dma_start3A_115 = arith.constant 0 : i32
    %dma_start3A_116 = arith.constant 0 : i32
    %dma_start3A_117 = tpu.memref_slice %arg4[%select_n3A, %dma_start3A_107, %sub3A_91, %dma_start3A_115, %dma_start3A_116] : memref<26x4x128x8x128xf32, #tpu.memory_space<hbm>> -> memref<1x1x1x8x128xf32, #tpu.memory_space<hbm>>
    %dma_start3A_118 = tpu.memref_squeeze %dma_start3A_117 : memref<1x1x1x8x128xf32, #tpu.memory_space<hbm>> -> memref<8x128xf32, #tpu.memory_space<hbm>>
    %dma_start3A_119 = arith.constant 8 : i32
    %dma_start3A_120 = arith.constant 0 : i32
    %dma_start3A_121 = tpu.memref_slice %arg10[%dma_start3A_119, %dma_start3A_120] : memref<32x128xf32, #tpu.memory_space<vmem>> -> memref<8x128xf32, #tpu.memory_space<vmem>>
    tpu.enqueue_dma source(%dma_start3A_121 : memref<8x128xf32, #tpu.memory_space<vmem>>) target(%dma_start3A_118 : memref<8x128xf32, #tpu.memory_space<hbm>>) target_semaphore(%arg16 : memref<!tpu.dma_semaphore, #tpu.memory_space<semaphore_mem>>)
    %dma_start3A_122 = arith.constant 2 : i32
    %dma_start3A_123 = arith.constant 16 : i32
    %dma_start3A_124 = arith.constant 0 : i32
    %dma_start3A_125 = tpu.memref_slice %arg10[%dma_start3A_123, %dma_start3A_124] : memref<32x128xf32, #tpu.memory_space<vmem>> -> memref<8x128xf32, #tpu.memory_space<vmem>>
    %dma_start3A_126 = arith.constant 0 : i32
    %dma_start3A_127 = arith.constant 0 : i32
    %dma_start3A_128 = tpu.memref_slice %arg4[%select_n3A, %dma_start3A_122, %sub3A_91, %dma_start3A_126, %dma_start3A_127] : memref<26x4x128x8x128xf32, #tpu.memory_space<hbm>> -> memref<1x1x1x8x128xf32, #tpu.memory_space<hbm>>
    %dma_start3A_129 = tpu.memref_squeeze %dma_start3A_128 : memref<1x1x1x8x128xf32, #tpu.memory_space<hbm>> -> memref<8x128xf32, #tpu.memory_space<hbm>>
    %dma_start3A_130 = arith.constant 0 : i32
    %dma_start3A_131 = arith.constant 0 : i32
    %dma_start3A_132 = tpu.memref_slice %arg4[%select_n3A, %dma_start3A_122, %sub3A_91, %dma_start3A_130, %dma_start3A_131] : memref<26x4x128x8x128xf32, #tpu.memory_space<hbm>> -> memref<1x1x1x8x128xf32, #tpu.memory_space<hbm>>
    %dma_start3A_133 = tpu.memref_squeeze %dma_start3A_132 : memref<1x1x1x8x128xf32, #tpu.memory_space<hbm>> -> memref<8x128xf32, #tpu.memory_space<hbm>>
    %dma_start3A_134 = arith.constant 16 : i32
    %dma_start3A_135 = arith.constant 0 : i32
    %dma_start3A_136 = tpu.memref_slice %arg10[%dma_start3A_134, %dma_start3A_135] : memref<32x128xf32, #tpu.memory_space<vmem>> -> memref<8x128xf32, #tpu.memory_space<vmem>>
    tpu.enqueue_dma source(%dma_start3A_136 : memref<8x128xf32, #tpu.memory_space<vmem>>) target(%dma_start3A_133 : memref<8x128xf32, #tpu.memory_space<hbm>>) target_semaphore(%arg16 : memref<!tpu.dma_semaphore, #tpu.memory_space<semaphore_mem>>)
    %dma_start3A_137 = arith.constant 3 : i32
    %dma_start3A_138 = arith.constant 24 : i32
    %dma_start3A_139 = arith.constant 0 : i32
    %dma_start3A_140 = tpu.memref_slice %arg10[%dma_start3A_138, %dma_start3A_139] : memref<32x128xf32, #tpu.memory_space<vmem>> -> memref<8x128xf32, #tpu.memory_space<vmem>>
    %dma_start3A_141 = arith.constant 0 : i32
    %dma_start3A_142 = arith.constant 0 : i32
    %dma_start3A_143 = tpu.memref_slice %arg4[%select_n3A, %dma_start3A_137, %sub3A_91, %dma_start3A_141, %dma_start3A_142] : memref<26x4x128x8x128xf32, #tpu.memory_space<hbm>> -> memref<1x1x1x8x128xf32, #tpu.memory_space<hbm>>
    %dma_start3A_144 = tpu.memref_squeeze %dma_start3A_143 : memref<1x1x1x8x128xf32, #tpu.memory_space<hbm>> -> memref<8x128xf32, #tpu.memory_space<hbm>>
    %dma_start3A_145 = arith.constant 0 : i32
    %dma_start3A_146 = arith.constant 0 : i32
    %dma_start3A_147 = tpu.memref_slice %arg4[%select_n3A, %dma_start3A_137, %sub3A_91, %dma_start3A_145, %dma_start3A_146] : memref<26x4x128x8x128xf32, #tpu.memory_space<hbm>> -> memref<1x1x1x8x128xf32, #tpu.memory_space<hbm>>
    %dma_start3A_148 = tpu.memref_squeeze %dma_start3A_147 : memref<1x1x1x8x128xf32, #tpu.memory_space<hbm>> -> memref<8x128xf32, #tpu.memory_space<hbm>>
    %dma_start3A_149 = arith.constant 24 : i32
    %dma_start3A_150 = arith.constant 0 : i32
    %dma_start3A_151 = tpu.memref_slice %arg10[%dma_start3A_149, %dma_start3A_150] : memref<32x128xf32, #tpu.memory_space<vmem>> -> memref<8x128xf32, #tpu.memory_space<vmem>>
    tpu.enqueue_dma source(%dma_start3A_151 : memref<8x128xf32, #tpu.memory_space<vmem>>) target(%dma_start3A_148 : memref<8x128xf32, #tpu.memory_space<hbm>>) target_semaphore(%arg16 : memref<!tpu.dma_semaphore, #tpu.memory_space<semaphore_mem>>)
    %dma_wait3A_152 = arith.constant 0 : i32
    %dma_wait3A_153 = arith.constant 0 : i32
    %dma_wait3A_154 = tpu.memref_slice %arg2[%dma_wait3A_152, %dma_wait3A_153] : memref<4000000x32xf32, #tpu.memory_space<hbm>> -> memref<128x32xf32, #tpu.memory_space<hbm>>
    %dma_wait3A_155 = arith.constant 0 : i32
    %dma_wait3A_156 = arith.constant 0 : i32
    %dma_wait3A_157 = tpu.memref_slice %arg2[%dma_wait3A_155, %dma_wait3A_156] : memref<4000000x32xf32, #tpu.memory_space<hbm>> -> memref<128x32xf32, #tpu.memory_space<hbm>>
    tpu.wait_dma2 semaphore(%arg13 : memref<!tpu.dma_semaphore, #tpu.memory_space<semaphore_mem>>) src(%dma_wait3A_157 : memref<128x32xf32, #tpu.memory_space<hbm>>) dst(%arg7 : memref<128x32xf32, #tpu.memory_space<vmem>>)
    %dma_wait3A_158 = arith.constant 0 : i32
    %dma_wait3A_159 = arith.constant 0 : i32
    %dma_wait3A_160 = arith.constant 0 : i32
    %dma_wait3A_161 = arith.constant 0 : i32
    %dma_wait3A_162 = arith.constant 0 : i32
    %dma_wait3A_163 = tpu.memref_slice %arg4[%dma_wait3A_158, %dma_wait3A_160, %dma_wait3A_159, %dma_wait3A_161, %dma_wait3A_162] : memref<26x4x128x8x128xf32, #tpu.memory_space<hbm>> -> memref<1x4x1x8x128xf32, #tpu.memory_space<hbm>>
    %dma_wait3A_164 = tpu.memref_squeeze %dma_wait3A_163 : memref<1x4x1x8x128xf32, #tpu.memory_space<hbm>> -> memref<4x8x128xf32, #tpu.memory_space<hbm>>
    %dma_wait3A_165 = arith.constant 0 : i32
    %dma_wait3A_166 = arith.constant 0 : i32
    %dma_wait3A_167 = arith.constant 0 : i32
    %dma_wait3A_168 = tpu.memref_slice %arg4[%dma_wait3A_158, %dma_wait3A_165, %dma_wait3A_159, %dma_wait3A_166, %dma_wait3A_167] : memref<26x4x128x8x128xf32, #tpu.memory_space<hbm>> -> memref<1x4x1x8x128xf32, #tpu.memory_space<hbm>>
    %dma_wait3A_169 = tpu.memref_squeeze %dma_wait3A_168 : memref<1x4x1x8x128xf32, #tpu.memory_space<hbm>> -> memref<4x8x128xf32, #tpu.memory_space<hbm>>
    tpu.wait_dma2 semaphore(%arg17 : memref<!tpu.dma_semaphore, #tpu.memory_space<semaphore_mem>>) src(%arg11 : memref<32x128xf32, #tpu.memory_space<vmem>>) dst(%dma_wait3A_169 : memref<4x8x128xf32, #tpu.memory_space<hbm>>)
    %parallel_loop3A_170 = arith.constant 0 : i32
    %parallel_loop3A_171 = arith.constant 32 : i32
    %parallel_loop3A_172 = arith.constant 1 : i32
    scf.for %parallel_loop3A_506 = %parallel_loop3A_170 to %parallel_loop3A_171 step %parallel_loop3A_172  : i32 {
      %parallel_loop3A_507 = vector.broadcast %parallel_loop3A_506 : i32 to vector<16xi32>
      %parallel_loop3A_508 = tpu.vector_load_idx %arg7[%add3A_7, %parallel_loop3A_507] : memref<128x32xf32, #tpu.memory_space<vmem>>[vector<16xi32>, vector<16xi32>], vector<16xf32>,
      %parallel_loop3A_509 = tpu.vector_load_idx %arg7[%add3A_10, %parallel_loop3A_507] : memref<128x32xf32, #tpu.memory_space<vmem>>[vector<16xi32>, vector<16xi32>], vector<16xf32>,
      %parallel_loop3A_510 = tpu.vector_load_idx %arg7[%add3A_13, %parallel_loop3A_507] : memref<128x32xf32, #tpu.memory_space<vmem>>[vector<16xi32>, vector<16xi32>], vector<16xf32>,
      %parallel_loop3A_511 = tpu.vector_load_idx %arg7[%add3A_16, %parallel_loop3A_507] : memref<128x32xf32, #tpu.memory_space<vmem>>[vector<16xi32>, vector<16xi32>], vector<16xf32>,
      %parallel_loop3A_512 = tpu.vector_load_idx %arg7[%add3A_19, %parallel_loop3A_507] : memref<128x32xf32, #tpu.memory_space<vmem>>[vector<16xi32>, vector<16xi32>], vector<16xf32>,
      %parallel_loop3A_513 = tpu.vector_load_idx %arg7[%add3A_22, %parallel_loop3A_507] : memref<128x32xf32, #tpu.memory_space<vmem>>[vector<16xi32>, vector<16xi32>], vector<16xf32>,
      %parallel_loop3A_514 = tpu.vector_load_idx %arg7[%add3A_25, %parallel_loop3A_507] : memref<128x32xf32, #tpu.memory_space<vmem>>[vector<16xi32>, vector<16xi32>], vector<16xf32>,
      %parallel_loop3A_515 = tpu.vector_load_idx %arg7[%add3A_28, %parallel_loop3A_507] : memref<128x32xf32, #tpu.memory_space<vmem>>[vector<16xi32>, vector<16xi32>], vector<16xf32>,
      %parallel_loop3A_516 = arith.index_cast %parallel_loop3A_506 : i32 to index
      %parallel_loop3A_517 = arith.constant 0 : index
      %parallel_loop3A_518 = tpu.vector_load %arg11[%parallel_loop3A_516, %parallel_loop3A_517] {strides = array<i32>} : memref<32x128xf32, #tpu.memory_space<vmem>>, vector<16xf32>,
      tpu.vector_store %arg11[%parallel_loop3A_516, %parallel_loop3A_517], %parallel_loop3A_508 {strides = array<i32>} : memref<32x128xf32, #tpu.memory_space<vmem>>, vector<16xf32>,
      %parallel_loop3A_519 = arith.index_cast %parallel_loop3A_506 : i32 to index
      %parallel_loop3A_520 = arith.constant 16 : index
      %parallel_loop3A_521 = tpu.vector_load %arg11[%parallel_loop3A_519, %parallel_loop3A_520] {strides = array<i32>} : memref<32x128xf32, #tpu.memory_space<vmem>>, vector<16xf32>,
      tpu.vector_store %arg11[%parallel_loop3A_519, %parallel_loop3A_520], %parallel_loop3A_509 {strides = array<i32>} : memref<32x128xf32, #tpu.memory_space<vmem>>, vector<16xf32>,
      %parallel_loop3A_522 = arith.index_cast %parallel_loop3A_506 : i32 to index
      %parallel_loop3A_523 = arith.constant 32 : index
      %parallel_loop3A_524 = tpu.vector_load %arg11[%parallel_loop3A_522, %parallel_loop3A_523] {strides = array<i32>} : memref<32x128xf32, #tpu.memory_space<vmem>>, vector<16xf32>,
      tpu.vector_store %arg11[%parallel_loop3A_522, %parallel_loop3A_523], %parallel_loop3A_510 {strides = array<i32>} : memref<32x128xf32, #tpu.memory_space<vmem>>, vector<16xf32>,
      %parallel_loop3A_525 = arith.index_cast %parallel_loop3A_506 : i32 to index
      %parallel_loop3A_526 = arith.constant 48 : index
      %parallel_loop3A_527 = tpu.vector_load %arg11[%parallel_loop3A_525, %parallel_loop3A_526] {strides = array<i32>} : memref<32x128xf32, #tpu.memory_space<vmem>>, vector<16xf32>,
      tpu.vector_store %arg11[%parallel_loop3A_525, %parallel_loop3A_526], %parallel_loop3A_511 {strides = array<i32>} : memref<32x128xf32, #tpu.memory_space<vmem>>, vector<16xf32>,
      %parallel_loop3A_528 = arith.index_cast %parallel_loop3A_506 : i32 to index
      %parallel_loop3A_529 = arith.constant 64 : index
      %parallel_loop3A_530 = tpu.vector_load %arg11[%parallel_loop3A_528, %parallel_loop3A_529] {strides = array<i32>} : memref<32x128xf32, #tpu.memory_space<vmem>>, vector<16xf32>,
      tpu.vector_store %arg11[%parallel_loop3A_528, %parallel_loop3A_529], %parallel_loop3A_512 {strides = array<i32>} : memref<32x128xf32, #tpu.memory_space<vmem>>, vector<16xf32>,
      %parallel_loop3A_531 = arith.index_cast %parallel_loop3A_506 : i32 to index
      %parallel_loop3A_532 = arith.constant 80 : index
      %parallel_loop3A_533 = tpu.vector_load %arg11[%parallel_loop3A_531, %parallel_loop3A_532] {strides = array<i32>} : memref<32x128xf32, #tpu.memory_space<vmem>>, vector<16xf32>,
      tpu.vector_store %arg11[%parallel_loop3A_531, %parallel_loop3A_532], %parallel_loop3A_513 {strides = array<i32>} : memref<32x128xf32, #tpu.memory_space<vmem>>, vector<16xf32>,
      %parallel_loop3A_534 = arith.index_cast %parallel_loop3A_506 : i32 to index
      %parallel_loop3A_535 = arith.constant 96 : index
      %parallel_loop3A_536 = tpu.vector_load %arg11[%parallel_loop3A_534, %parallel_loop3A_535] {strides = array<i32>} : memref<32x128xf32, #tpu.memory_space<vmem>>, vector<16xf32>,
      tpu.vector_store %arg11[%parallel_loop3A_534, %parallel_loop3A_535], %parallel_loop3A_514 {strides = array<i32>} : memref<32x128xf32, #tpu.memory_space<vmem>>, vector<16xf32>,
      %parallel_loop3A_537 = arith.index_cast %parallel_loop3A_506 : i32 to index
      %parallel_loop3A_538 = arith.constant 112 : index
      %parallel_loop3A_539 = tpu.vector_load %arg11[%parallel_loop3A_537, %parallel_loop3A_538] {strides = array<i32>} : memref<32x128xf32, #tpu.memory_space<vmem>>, vector<16xf32>,
      tpu.vector_store %arg11[%parallel_loop3A_537, %parallel_loop3A_538], %parallel_loop3A_515 {strides = array<i32>} : memref<32x128xf32, #tpu.memory_space<vmem>>, vector<16xf32>,
    } {sc.loop_unroll_factor = 4 : i64, sc.parallel_access}
    %add3A_173 = arith.constant 101 : i32
    %add3A_174 = arith.addi %mul3A_2, %add3A_173 : i32
    %jit3A_175 = arith.constant 128 : i32
    %div3A_176 = arith.divsi %add3A_174, %jit3A_175 : i32
    %sign3A_177 = arith.constant 0 : i32
    %sign3A_178 = arith.cmpi sgt, %add3A_174, %sign3A_177 : i32
    %sign3A_179 = arith.extui %sign3A_178 : i1 to i32
    %sign3A_180 = arith.constant 0 : i32
    %sign3A_181 = arith.cmpi slt, %add3A_174, %sign3A_180 : i32
    %sign3A_182 = arith.extui %sign3A_181 : i1 to i32
    %sign3A_183 = arith.subi %sign3A_179, %sign3A_182 : i32
    %sign3A_184 = arith.constant 0 : i32
    %sign3A_185 = arith.cmpi sgt, %jit3A_175, %sign3A_184 : i32
    %sign3A_186 = arith.extui %sign3A_185 : i1 to i32
    %sign3A_187 = arith.constant 0 : i32
    %sign3A_188 = arith.cmpi slt, %jit3A_175, %sign3A_187 : i32
    %sign3A_189 = arith.extui %sign3A_188 : i1 to i32
    %sign3A_190 = arith.subi %sign3A_186, %sign3A_189 : i32
    %ne3A_191 = arith.cmpi ne, %sign3A_183, %sign3A_190 : i32
    %rem3A_192 = arith.remsi %add3A_174, %jit3A_175 : i32
    %ne3A_193 = arith.constant 0 : i32
    %ne3A_194 = arith.cmpi ne, %rem3A_192, %ne3A_193 : i32
    %and3A_195 = arith.andi %ne3A_191, %ne3A_194 : i1
    %sub3A_196 = arith.constant 1 : i32
    %sub3A_197 = arith.subi %div3A_176, %sub3A_196 : i32
    %select_n3A_198 = arith.select %and3A_195, %sub3A_197, %div3A_176 : i32
    %mul3A_199 = arith.constant 128 : i32
    %mul3A_200 = arith.muli %select_n3A_198, %mul3A_199 : i32
    %sub3A_201 = arith.subi %add3A_174, %mul3A_200 : i32
    %dma_start3A_202 = arith.constant 0 : i32
    %dma_start3A_203 = arith.constant 0 : i32
    %dma_start3A_204 = arith.constant 0 : i32
    %dma_start3A_205 = tpu.memref_slice %arg11[%dma_start3A_203, %dma_start3A_204] : memref<32x128xf32, #tpu.memory_space<vmem>> -> memref<8x128xf32, #tpu.memory_space<vmem>>
    %dma_start3A_206 = arith.constant 0 : i32
    %dma_start3A_207 = arith.constant 0 : i32
    %dma_start3A_208 = tpu.memref_slice %arg4[%select_n3A_198, %dma_start3A_202, %sub3A_201, %dma_start3A_206, %dma_start3A_207] : memref<26x4x128x8x128xf32, #tpu.memory_space<hbm>> -> memref<1x1x1x8x128xf32, #tpu.memory_space<hbm>>
    %dma_start3A_209 = tpu.memref_squeeze %dma_start3A_208 : memref<1x1x1x8x128xf32, #tpu.memory_space<hbm>> -> memref<8x128xf32, #tpu.memory_space<hbm>>
    %dma_start3A_210 = arith.constant 0 : i32
    %dma_start3A_211 = arith.constant 0 : i32
    %dma_start3A_212 = tpu.memref_slice %arg4[%select_n3A_198, %dma_start3A_202, %sub3A_201, %dma_start3A_210, %dma_start3A_211] : memref<26x4x128x8x128xf32, #tpu.memory_space<hbm>> -> memref<1x1x1x8x128xf32, #tpu.memory_space<hbm>>
    %dma_start3A_213 = tpu.memref_squeeze %dma_start3A_212 : memref<1x1x1x8x128xf32, #tpu.memory_space<hbm>> -> memref<8x128xf32, #tpu.memory_space<hbm>>
    %dma_start3A_214 = arith.constant 0 : i32
    %dma_start3A_215 = arith.constant 0 : i32
    %dma_start3A_216 = tpu.memref_slice %arg11[%dma_start3A_214, %dma_start3A_215] : memref<32x128xf32, #tpu.memory_space<vmem>> -> memref<8x128xf32, #tpu.memory_space<vmem>>
    tpu.enqueue_dma source(%dma_start3A_216 : memref<8x128xf32, #tpu.memory_space<vmem>>) target(%dma_start3A_213 : memref<8x128xf32, #tpu.memory_space<hbm>>) target_semaphore(%arg17 : memref<!tpu.dma_semaphore, #tpu.memory_space<semaphore_mem>>)
    %dma_start3A_217 = arith.constant 1 : i32
    %dma_start3A_218 = arith.constant 8 : i32
    %dma_start3A_219 = arith.constant 0 : i32
    %dma_start3A_220 = tpu.memref_slice %arg11[%dma_start3A_218, %dma_start3A_219] : memref<32x128xf32, #tpu.memory_space<vmem>> -> memref<8x128xf32, #tpu.memory_space<vmem>>
    %dma_start3A_221 = arith.constant 0 : i32
    %dma_start3A_222 = arith.constant 0 : i32
    %dma_start3A_223 = tpu.memref_slice %arg4[%select_n3A_198, %dma_start3A_217, %sub3A_201, %dma_start3A_221, %dma_start3A_222] : memref<26x4x128x8x128xf32, #tpu.memory_space<hbm>> -> memref<1x1x1x8x128xf32, #tpu.memory_space<hbm>>
    %dma_start3A_224 = tpu.memref_squeeze %dma_start3A_223 : memref<1x1x1x8x128xf32, #tpu.memory_space<hbm>> -> memref<8x128xf32, #tpu.memory_space<hbm>>
    %dma_start3A_225 = arith.constant 0 : i32
    %dma_start3A_226 = arith.constant 0 : i32
    %dma_start3A_227 = tpu.memref_slice %arg4[%select_n3A_198, %dma_start3A_217, %sub3A_201, %dma_start3A_225, %dma_start3A_226] : memref<26x4x128x8x128xf32, #tpu.memory_space<hbm>> -> memref<1x1x1x8x128xf32, #tpu.memory_space<hbm>>
    %dma_start3A_228 = tpu.memref_squeeze %dma_start3A_227 : memref<1x1x1x8x128xf32, #tpu.memory_space<hbm>> -> memref<8x128xf32, #tpu.memory_space<hbm>>
    %dma_start3A_229 = arith.constant 8 : i32
    %dma_start3A_230 = arith.constant 0 : i32
    %dma_start3A_231 = tpu.memref_slice %arg11[%dma_start3A_229, %dma_start3A_230] : memref<32x128xf32, #tpu.memory_space<vmem>> -> memref<8x128xf32, #tpu.memory_space<vmem>>
    tpu.enqueue_dma source(%dma_start3A_231 : memref<8x128xf32, #tpu.memory_space<vmem>>) target(%dma_start3A_228 : memref<8x128xf32, #tpu.memory_space<hbm>>) target_semaphore(%arg17 : memref<!tpu.dma_semaphore, #tpu.memory_space<semaphore_mem>>)
    %dma_start3A_232 = arith.constant 2 : i32
    %dma_start3A_233 = arith.constant 16 : i32
    %dma_start3A_234 = arith.constant 0 : i32
    %dma_start3A_235 = tpu.memref_slice %arg11[%dma_start3A_233, %dma_start3A_234] : memref<32x128xf32, #tpu.memory_space<vmem>> -> memref<8x128xf32, #tpu.memory_space<vmem>>
    %dma_start3A_236 = arith.constant 0 : i32
    %dma_start3A_237 = arith.constant 0 : i32
    %dma_start3A_238 = tpu.memref_slice %arg4[%select_n3A_198, %dma_start3A_232, %sub3A_201, %dma_start3A_236, %dma_start3A_237] : memref<26x4x128x8x128xf32, #tpu.memory_space<hbm>> -> memref<1x1x1x8x128xf32, #tpu.memory_space<hbm>>
    %dma_start3A_239 = tpu.memref_squeeze %dma_start3A_238 : memref<1x1x1x8x128xf32, #tpu.memory_space<hbm>> -> memref<8x128xf32, #tpu.memory_space<hbm>>
    %dma_start3A_240 = arith.constant 0 : i32
    %dma_start3A_241 = arith.constant 0 : i32
    %dma_start3A_242 = tpu.memref_slice %arg4[%select_n3A_198, %dma_start3A_232, %sub3A_201, %dma_start3A_240, %dma_start3A_241] : memref<26x4x128x8x128xf32, #tpu.memory_space<hbm>> -> memref<1x1x1x8x128xf32, #tpu.memory_space<hbm>>
    %dma_start3A_243 = tpu.memref_squeeze %dma_start3A_242 : memref<1x1x1x8x128xf32, #tpu.memory_space<hbm>> -> memref<8x128xf32, #tpu.memory_space<hbm>>
    %dma_start3A_244 = arith.constant 16 : i32
    %dma_start3A_245 = arith.constant 0 : i32
    %dma_start3A_246 = tpu.memref_slice %arg11[%dma_start3A_244, %dma_start3A_245] : memref<32x128xf32, #tpu.memory_space<vmem>> -> memref<8x128xf32, #tpu.memory_space<vmem>>
    tpu.enqueue_dma source(%dma_start3A_246 : memref<8x128xf32, #tpu.memory_space<vmem>>) target(%dma_start3A_243 : memref<8x128xf32, #tpu.memory_space<hbm>>) target_semaphore(%arg17 : memref<!tpu.dma_semaphore, #tpu.memory_space<semaphore_mem>>)
    %dma_start3A_247 = arith.constant 3 : i32
    %dma_start3A_248 = arith.constant 24 : i32
    %dma_start3A_249 = arith.constant 0 : i32
    %dma_start3A_250 = tpu.memref_slice %arg11[%dma_start3A_248, %dma_start3A_249] : memref<32x128xf32, #tpu.memory_space<vmem>> -> memref<8x128xf32, #tpu.memory_space<vmem>>
    %dma_start3A_251 = arith.constant 0 : i32
    %dma_start3A_252 = arith.constant 0 : i32
    %dma_start3A_253 = tpu.memref_slice %arg4[%select_n3A_198, %dma_start3A_247, %sub3A_201, %dma_start3A_251, %dma_start3A_252] : memref<26x4x128x8x128xf32, #tpu.memory_space<hbm>> -> memref<1x1x1x8x128xf32, #tpu.memory_space<hbm>>
    %dma_start3A_254 = tpu.memref_squeeze %dma_start3A_253 : memref<1x1x1x8x128xf32, #tpu.memory_space<hbm>> -> memref<8x128xf32, #tpu.memory_space<hbm>>
    %dma_start3A_255 = arith.constant 0 : i32
    %dma_start3A_256 = arith.constant 0 : i32
    %dma_start3A_257 = tpu.memref_slice %arg4[%select_n3A_198, %dma_start3A_247, %sub3A_201, %dma_start3A_255, %dma_start3A_256] : memref<26x4x128x8x128xf32, #tpu.memory_space<hbm>> -> memref<1x1x1x8x128xf32, #tpu.memory_space<hbm>>
    %dma_start3A_258 = tpu.memref_squeeze %dma_start3A_257 : memref<1x1x1x8x128xf32, #tpu.memory_space<hbm>> -> memref<8x128xf32, #tpu.memory_space<hbm>>
    %dma_start3A_259 = arith.constant 24 : i32
    %dma_start3A_260 = arith.constant 0 : i32
    %dma_start3A_261 = tpu.memref_slice %arg11[%dma_start3A_259, %dma_start3A_260] : memref<32x128xf32, #tpu.memory_space<vmem>> -> memref<8x128xf32, #tpu.memory_space<vmem>>
    tpu.enqueue_dma source(%dma_start3A_261 : memref<8x128xf32, #tpu.memory_space<vmem>>) target(%dma_start3A_258 : memref<8x128xf32, #tpu.memory_space<hbm>>) target_semaphore(%arg17 : memref<!tpu.dma_semaphore, #tpu.memory_space<semaphore_mem>>)
    %dma_wait3A_262 = arith.constant 0 : i32
    %dma_wait3A_263 = arith.constant 0 : i32
    %dma_wait3A_264 = tpu.memref_slice %arg2[%dma_wait3A_262, %dma_wait3A_263] : memref<4000000x32xf32, #tpu.memory_space<hbm>> -> memref<128x32xf32, #tpu.memory_space<hbm>>
    %dma_wait3A_265 = arith.constant 0 : i32
    %dma_wait3A_266 = arith.constant 0 : i32
    %dma_wait3A_267 = tpu.memref_slice %arg2[%dma_wait3A_265, %dma_wait3A_266] : memref<4000000x32xf32, #tpu.memory_space<hbm>> -> memref<128x32xf32, #tpu.memory_space<hbm>>
    tpu.wait_dma2 semaphore(%arg14 : memref<!tpu.dma_semaphore, #tpu.memory_space<semaphore_mem>>) src(%dma_wait3A_267 : memref<128x32xf32, #tpu.memory_space<hbm>>) dst(%arg8 : memref<128x32xf32, #tpu.memory_space<vmem>>)
    %dma_wait3A_268 = arith.constant 0 : i32
    %dma_wait3A_269 = arith.constant 0 : i32
    %dma_wait3A_270 = arith.constant 0 : i32
    %dma_wait3A_271 = arith.constant 0 : i32
    %dma_wait3A_272 = arith.constant 0 : i32
    %dma_wait3A_273 = tpu.memref_slice %arg4[%dma_wait3A_268, %dma_wait3A_270, %dma_wait3A_269, %dma_wait3A_271, %dma_wait3A_272] : memref<26x4x128x8x128xf32, #tpu.memory_space<hbm>> -> memref<1x4x1x8x128xf32, #tpu.memory_space<hbm>>
    %dma_wait3A_274 = tpu.memref_squeeze %dma_wait3A_273 : memref<1x4x1x8x128xf32, #tpu.memory_space<hbm>> -> memref<4x8x128xf32, #tpu.memory_space<hbm>>
    %dma_wait3A_275 = arith.constant 0 : i32
    %dma_wait3A_276 = arith.constant 0 : i32
    %dma_wait3A_277 = arith.constant 0 : i32
    %dma_wait3A_278 = tpu.memref_slice %arg4[%dma_wait3A_268, %dma_wait3A_275, %dma_wait3A_269, %dma_wait3A_276, %dma_wait3A_277] : memref<26x4x128x8x128xf32, #tpu.memory_space<hbm>> -> memref<1x4x1x8x128xf32, #tpu.memory_space<hbm>>
    %dma_wait3A_279 = tpu.memref_squeeze %dma_wait3A_278 : memref<1x4x1x8x128xf32, #tpu.memory_space<hbm>> -> memref<4x8x128xf32, #tpu.memory_space<hbm>>
    tpu.wait_dma2 semaphore(%arg16 : memref<!tpu.dma_semaphore, #tpu.memory_space<semaphore_mem>>) src(%arg10 : memref<32x128xf32, #tpu.memory_space<vmem>>) dst(%dma_wait3A_279 : memref<4x8x128xf32, #tpu.memory_space<hbm>>)
    %parallel_loop3A_280 = arith.constant 0 : i32
    %parallel_loop3A_281 = arith.constant 32 : i32
    %parallel_loop3A_282 = arith.constant 1 : i32
    scf.for %parallel_loop3A_506 = %parallel_loop3A_280 to %parallel_loop3A_281 step %parallel_loop3A_282  : i32 {
      %parallel_loop3A_507 = vector.broadcast %parallel_loop3A_506 : i32 to vector<16xi32>
      %parallel_loop3A_508 = tpu.vector_load_idx %arg8[%add3A_7, %parallel_loop3A_507] : memref<128x32xf32, #tpu.memory_space<vmem>>[vector<16xi32>, vector<16xi32>], vector<16xf32>,
      %parallel_loop3A_509 = tpu.vector_load_idx %arg8[%add3A_10, %parallel_loop3A_507] : memref<128x32xf32, #tpu.memory_space<vmem>>[vector<16xi32>, vector<16xi32>], vector<16xf32>,
      %parallel_loop3A_510 = tpu.vector_load_idx %arg8[%add3A_13, %parallel_loop3A_507] : memref<128x32xf32, #tpu.memory_space<vmem>>[vector<16xi32>, vector<16xi32>], vector<16xf32>,
      %parallel_loop3A_511 = tpu.vector_load_idx %arg8[%add3A_16, %parallel_loop3A_507] : memref<128x32xf32, #tpu.memory_space<vmem>>[vector<16xi32>, vector<16xi32>], vector<16xf32>,
      %parallel_loop3A_512 = tpu.vector_load_idx %arg8[%add3A_19, %parallel_loop3A_507] : memref<128x32xf32, #tpu.memory_space<vmem>>[vector<16xi32>, vector<16xi32>], vector<16xf32>,
      %parallel_loop3A_513 = tpu.vector_load_idx %arg8[%add3A_22, %parallel_loop3A_507] : memref<128x32xf32, #tpu.memory_space<vmem>>[vector<16xi32>, vector<16xi32>], vector<16xf32>,
      %parallel_loop3A_514 = tpu.vector_load_idx %arg8[%add3A_25, %parallel_loop3A_507] : memref<128x32xf32, #tpu.memory_space<vmem>>[vector<16xi32>, vector<16xi32>], vector<16xf32>,
      %parallel_loop3A_515 = tpu.vector_load_idx %arg8[%add3A_28, %parallel_loop3A_507] : memref<128x32xf32, #tpu.memory_space<vmem>>[vector<16xi32>, vector<16xi32>], vector<16xf32>,
      %parallel_loop3A_516 = arith.index_cast %parallel_loop3A_506 : i32 to index
      %parallel_loop3A_517 = arith.constant 0 : index
      %parallel_loop3A_518 = tpu.vector_load %arg10[%parallel_loop3A_516, %parallel_loop3A_517] {strides = array<i32>} : memref<32x128xf32, #tpu.memory_space<vmem>>, vector<16xf32>,
      tpu.vector_store %arg10[%parallel_loop3A_516, %parallel_loop3A_517], %parallel_loop3A_508 {strides = array<i32>} : memref<32x128xf32, #tpu.memory_space<vmem>>, vector<16xf32>,
      %parallel_loop3A_519 = arith.index_cast %parallel_loop3A_506 : i32 to index
      %parallel_loop3A_520 = arith.constant 16 : index
      %parallel_loop3A_521 = tpu.vector_load %arg10[%parallel_loop3A_519, %parallel_loop3A_520] {strides = array<i32>} : memref<32x128xf32, #tpu.memory_space<vmem>>, vector<16xf32>,
      tpu.vector_store %arg10[%parallel_loop3A_519, %parallel_loop3A_520], %parallel_loop3A_509 {strides = array<i32>} : memref<32x128xf32, #tpu.memory_space<vmem>>, vector<16xf32>,
      %parallel_loop3A_522 = arith.index_cast %parallel_loop3A_506 : i32 to index
      %parallel_loop3A_523 = arith.constant 32 : index
      %parallel_loop3A_524 = tpu.vector_load %arg10[%parallel_loop3A_522, %parallel_loop3A_523] {strides = array<i32>} : memref<32x128xf32, #tpu.memory_space<vmem>>, vector<16xf32>,
      tpu.vector_store %arg10[%parallel_loop3A_522, %parallel_loop3A_523], %parallel_loop3A_510 {strides = array<i32>} : memref<32x128xf32, #tpu.memory_space<vmem>>, vector<16xf32>,
      %parallel_loop3A_525 = arith.index_cast %parallel_loop3A_506 : i32 to index
      %parallel_loop3A_526 = arith.constant 48 : index
      %parallel_loop3A_527 = tpu.vector_load %arg10[%parallel_loop3A_525, %parallel_loop3A_526] {strides = array<i32>} : memref<32x128xf32, #tpu.memory_space<vmem>>, vector<16xf32>,
      tpu.vector_store %arg10[%parallel_loop3A_525, %parallel_loop3A_526], %parallel_loop3A_511 {strides = array<i32>} : memref<32x128xf32, #tpu.memory_space<vmem>>, vector<16xf32>,
      %parallel_loop3A_528 = arith.index_cast %parallel_loop3A_506 : i32 to index
      %parallel_loop3A_529 = arith.constant 64 : index
      %parallel_loop3A_530 = tpu.vector_load %arg10[%parallel_loop3A_528, %parallel_loop3A_529] {strides = array<i32>} : memref<32x128xf32, #tpu.memory_space<vmem>>, vector<16xf32>,
      tpu.vector_store %arg10[%parallel_loop3A_528, %parallel_loop3A_529], %parallel_loop3A_512 {strides = array<i32>} : memref<32x128xf32, #tpu.memory_space<vmem>>, vector<16xf32>,
      %parallel_loop3A_531 = arith.index_cast %parallel_loop3A_506 : i32 to index
      %parallel_loop3A_532 = arith.constant 80 : index
      %parallel_loop3A_533 = tpu.vector_load %arg10[%parallel_loop3A_531, %parallel_loop3A_532] {strides = array<i32>} : memref<32x128xf32, #tpu.memory_space<vmem>>, vector<16xf32>,
      tpu.vector_store %arg10[%parallel_loop3A_531, %parallel_loop3A_532], %parallel_loop3A_513 {strides = array<i32>} : memref<32x128xf32, #tpu.memory_space<vmem>>, vector<16xf32>,
      %parallel_loop3A_534 = arith.index_cast %parallel_loop3A_506 : i32 to index
      %parallel_loop3A_535 = arith.constant 96 : index
      %parallel_loop3A_536 = tpu.vector_load %arg10[%parallel_loop3A_534, %parallel_loop3A_535] {strides = array<i32>} : memref<32x128xf32, #tpu.memory_space<vmem>>, vector<16xf32>,
      tpu.vector_store %arg10[%parallel_loop3A_534, %parallel_loop3A_535], %parallel_loop3A_514 {strides = array<i32>} : memref<32x128xf32, #tpu.memory_space<vmem>>, vector<16xf32>,
      %parallel_loop3A_537 = arith.index_cast %parallel_loop3A_506 : i32 to index
      %parallel_loop3A_538 = arith.constant 112 : index
      %parallel_loop3A_539 = tpu.vector_load %arg10[%parallel_loop3A_537, %parallel_loop3A_538] {strides = array<i32>} : memref<32x128xf32, #tpu.memory_space<vmem>>, vector<16xf32>,
      tpu.vector_store %arg10[%parallel_loop3A_537, %parallel_loop3A_538], %parallel_loop3A_515 {strides = array<i32>} : memref<32x128xf32, #tpu.memory_space<vmem>>, vector<16xf32>,
    } {sc.loop_unroll_factor = 4 : i64, sc.parallel_access}
    %add3A_283 = arith.constant 102 : i32
    %add3A_284 = arith.addi %mul3A_2, %add3A_283 : i32
    %jit3A_285 = arith.constant 128 : i32
    %div3A_286 = arith.divsi %add3A_284, %jit3A_285 : i32
    %sign3A_287 = arith.constant 0 : i32
    %sign3A_288 = arith.cmpi sgt, %add3A_284, %sign3A_287 : i32
    %sign3A_289 = arith.extui %sign3A_288 : i1 to i32
    %sign3A_290 = arith.constant 0 : i32
    %sign3A_291 = arith.cmpi slt, %add3A_284, %sign3A_290 : i32
    %sign3A_292 = arith.extui %sign3A_291 : i1 to i32
    %sign3A_293 = arith.subi %sign3A_289, %sign3A_292 : i32
    %sign3A_294 = arith.constant 0 : i32
    %sign3A_295 = arith.cmpi sgt, %jit3A_285, %sign3A_294 : i32
    %sign3A_296 = arith.extui %sign3A_295 : i1 to i32
    %sign3A_297 = arith.constant 0 : i32
    %sign3A_298 = arith.cmpi slt, %jit3A_285, %sign3A_297 : i32
    %sign3A_299 = arith.extui %sign3A_298 : i1 to i32
    %sign3A_300 = arith.subi %sign3A_296, %sign3A_299 : i32
    %ne3A_301 = arith.cmpi ne, %sign3A_293, %sign3A_300 : i32
    %rem3A_302 = arith.remsi %add3A_284, %jit3A_285 : i32
    %ne3A_303 = arith.constant 0 : i32
    %ne3A_304 = arith.cmpi ne, %rem3A_302, %ne3A_303 : i32
    %and3A_305 = arith.andi %ne3A_301, %ne3A_304 : i1
    %sub3A_306 = arith.constant 1 : i32
    %sub3A_307 = arith.subi %div3A_286, %sub3A_306 : i32
    %select_n3A_308 = arith.select %and3A_305, %sub3A_307, %div3A_286 : i32
    %mul3A_309 = arith.constant 128 : i32
    %mul3A_310 = arith.muli %select_n3A_308, %mul3A_309 : i32
    %sub3A_311 = arith.subi %add3A_284, %mul3A_310 : i32
    %dma_start3A_312 = arith.constant 0 : i32
    %dma_start3A_313 = arith.constant 0 : i32
    %dma_start3A_314 = arith.constant 0 : i32
    %dma_start3A_315 = tpu.memref_slice %arg10[%dma_start3A_313, %dma_start3A_314] : memref<32x128xf32, #tpu.memory_space<vmem>> -> memref<8x128xf32, #tpu.memory_space<vmem>>
    %dma_start3A_316 = arith.constant 0 : i32
    %dma_start3A_317 = arith.constant 0 : i32
    %dma_start3A_318 = tpu.memref_slice %arg4[%select_n3A_308, %dma_start3A_312, %sub3A_311, %dma_start3A_316, %dma_start3A_317] : memref<26x4x128x8x128xf32, #tpu.memory_space<hbm>> -> memref<1x1x1x8x128xf32, #tpu.memory_space<hbm>>
    %dma_start3A_319 = tpu.memref_squeeze %dma_start3A_318 : memref<1x1x1x8x128xf32, #tpu.memory_space<hbm>> -> memref<8x128xf32, #tpu.memory_space<hbm>>
    %dma_start3A_320 = arith.constant 0 : i32
    %dma_start3A_321 = arith.constant 0 : i32
    %dma_start3A_322 = tpu.memref_slice %arg4[%select_n3A_308, %dma_start3A_312, %sub3A_311, %dma_start3A_320, %dma_start3A_321] : memref<26x4x128x8x128xf32, #tpu.memory_space<hbm>> -> memref<1x1x1x8x128xf32, #tpu.memory_space<hbm>>
    %dma_start3A_323 = tpu.memref_squeeze %dma_start3A_322 : memref<1x1x1x8x128xf32, #tpu.memory_space<hbm>> -> memref<8x128xf32, #tpu.memory_space<hbm>>
    %dma_start3A_324 = arith.constant 0 : i32
    %dma_start3A_325 = arith.constant 0 : i32
    %dma_start3A_326 = tpu.memref_slice %arg10[%dma_start3A_324, %dma_start3A_325] : memref<32x128xf32, #tpu.memory_space<vmem>> -> memref<8x128xf32, #tpu.memory_space<vmem>>
    tpu.enqueue_dma source(%dma_start3A_326 : memref<8x128xf32, #tpu.memory_space<vmem>>) target(%dma_start3A_323 : memref<8x128xf32, #tpu.memory_space<hbm>>) target_semaphore(%arg16 : memref<!tpu.dma_semaphore, #tpu.memory_space<semaphore_mem>>)
    %dma_start3A_327 = arith.constant 1 : i32
    %dma_start3A_328 = arith.constant 8 : i32
    %dma_start3A_329 = arith.constant 0 : i32
    %dma_start3A_330 = tpu.memref_slice %arg10[%dma_start3A_328, %dma_start3A_329] : memref<32x128xf32, #tpu.memory_space<vmem>> -> memref<8x128xf32, #tpu.memory_space<vmem>>
    %dma_start3A_331 = arith.constant 0 : i32
    %dma_start3A_332 = arith.constant 0 : i32
    %dma_start3A_333 = tpu.memref_slice %arg4[%select_n3A_308, %dma_start3A_327, %sub3A_311, %dma_start3A_331, %dma_start3A_332] : memref<26x4x128x8x128xf32, #tpu.memory_space<hbm>> -> memref<1x1x1x8x128xf32, #tpu.memory_space<hbm>>
    %dma_start3A_334 = tpu.memref_squeeze %dma_start3A_333 : memref<1x1x1x8x128xf32, #tpu.memory_space<hbm>> -> memref<8x128xf32, #tpu.memory_space<hbm>>
    %dma_start3A_335 = arith.constant 0 : i32
    %dma_start3A_336 = arith.constant 0 : i32
    %dma_start3A_337 = tpu.memref_slice %arg4[%select_n3A_308, %dma_start3A_327, %sub3A_311, %dma_start3A_335, %dma_start3A_336] : memref<26x4x128x8x128xf32, #tpu.memory_space<hbm>> -> memref<1x1x1x8x128xf32, #tpu.memory_space<hbm>>
    %dma_start3A_338 = tpu.memref_squeeze %dma_start3A_337 : memref<1x1x1x8x128xf32, #tpu.memory_space<hbm>> -> memref<8x128xf32, #tpu.memory_space<hbm>>
    %dma_start3A_339 = arith.constant 8 : i32
    %dma_start3A_340 = arith.constant 0 : i32
    %dma_start3A_341 = tpu.memref_slice %arg10[%dma_start3A_339, %dma_start3A_340] : memref<32x128xf32, #tpu.memory_space<vmem>> -> memref<8x128xf32, #tpu.memory_space<vmem>>
    tpu.enqueue_dma source(%dma_start3A_341 : memref<8x128xf32, #tpu.memory_space<vmem>>) target(%dma_start3A_338 : memref<8x128xf32, #tpu.memory_space<hbm>>) target_semaphore(%arg16 : memref<!tpu.dma_semaphore, #tpu.memory_space<semaphore_mem>>)
    %dma_start3A_342 = arith.constant 2 : i32
    %dma_start3A_343 = arith.constant 16 : i32
    %dma_start3A_344 = arith.constant 0 : i32
    %dma_start3A_345 = tpu.memref_slice %arg10[%dma_start3A_343, %dma_start3A_344] : memref<32x128xf32, #tpu.memory_space<vmem>> -> memref<8x128xf32, #tpu.memory_space<vmem>>
    %dma_start3A_346 = arith.constant 0 : i32
    %dma_start3A_347 = arith.constant 0 : i32
    %dma_start3A_348 = tpu.memref_slice %arg4[%select_n3A_308, %dma_start3A_342, %sub3A_311, %dma_start3A_346, %dma_start3A_347] : memref<26x4x128x8x128xf32, #tpu.memory_space<hbm>> -> memref<1x1x1x8x128xf32, #tpu.memory_space<hbm>>
    %dma_start3A_349 = tpu.memref_squeeze %dma_start3A_348 : memref<1x1x1x8x128xf32, #tpu.memory_space<hbm>> -> memref<8x128xf32, #tpu.memory_space<hbm>>
    %dma_start3A_350 = arith.constant 0 : i32
    %dma_start3A_351 = arith.constant 0 : i32
    %dma_start3A_352 = tpu.memref_slice %arg4[%select_n3A_308, %dma_start3A_342, %sub3A_311, %dma_start3A_350, %dma_start3A_351] : memref<26x4x128x8x128xf32, #tpu.memory_space<hbm>> -> memref<1x1x1x8x128xf32, #tpu.memory_space<hbm>>
    %dma_start3A_353 = tpu.memref_squeeze %dma_start3A_352 : memref<1x1x1x8x128xf32, #tpu.memory_space<hbm>> -> memref<8x128xf32, #tpu.memory_space<hbm>>
    %dma_start3A_354 = arith.constant 16 : i32
    %dma_start3A_355 = arith.constant 0 : i32
    %dma_start3A_356 = tpu.memref_slice %arg10[%dma_start3A_354, %dma_start3A_355] : memref<32x128xf32, #tpu.memory_space<vmem>> -> memref<8x128xf32, #tpu.memory_space<vmem>>
    tpu.enqueue_dma source(%dma_start3A_356 : memref<8x128xf32, #tpu.memory_space<vmem>>) target(%dma_start3A_353 : memref<8x128xf32, #tpu.memory_space<hbm>>) target_semaphore(%arg16 : memref<!tpu.dma_semaphore, #tpu.memory_space<semaphore_mem>>)
    %dma_start3A_357 = arith.constant 3 : i32
    %dma_start3A_358 = arith.constant 24 : i32
    %dma_start3A_359 = arith.constant 0 : i32
    %dma_start3A_360 = tpu.memref_slice %arg10[%dma_start3A_358, %dma_start3A_359] : memref<32x128xf32, #tpu.memory_space<vmem>> -> memref<8x128xf32, #tpu.memory_space<vmem>>
    %dma_start3A_361 = arith.constant 0 : i32
    %dma_start3A_362 = arith.constant 0 : i32
    %dma_start3A_363 = tpu.memref_slice %arg4[%select_n3A_308, %dma_start3A_357, %sub3A_311, %dma_start3A_361, %dma_start3A_362] : memref<26x4x128x8x128xf32, #tpu.memory_space<hbm>> -> memref<1x1x1x8x128xf32, #tpu.memory_space<hbm>>
    %dma_start3A_364 = tpu.memref_squeeze %dma_start3A_363 : memref<1x1x1x8x128xf32, #tpu.memory_space<hbm>> -> memref<8x128xf32, #tpu.memory_space<hbm>>
    %dma_start3A_365 = arith.constant 0 : i32
    %dma_start3A_366 = arith.constant 0 : i32
    %dma_start3A_367 = tpu.memref_slice %arg4[%select_n3A_308, %dma_start3A_357, %sub3A_311, %dma_start3A_365, %dma_start3A_366] : memref<26x4x128x8x128xf32, #tpu.memory_space<hbm>> -> memref<1x1x1x8x128xf32, #tpu.memory_space<hbm>>
    %dma_start3A_368 = tpu.memref_squeeze %dma_start3A_367 : memref<1x1x1x8x128xf32, #tpu.memory_space<hbm>> -> memref<8x128xf32, #tpu.memory_space<hbm>>
    %dma_start3A_369 = arith.constant 24 : i32
    %dma_start3A_370 = arith.constant 0 : i32
    %dma_start3A_371 = tpu.memref_slice %arg10[%dma_start3A_369, %dma_start3A_370] : memref<32x128xf32, #tpu.memory_space<vmem>> -> memref<8x128xf32, #tpu.memory_space<vmem>>
    tpu.enqueue_dma source(%dma_start3A_371 : memref<8x128xf32, #tpu.memory_space<vmem>>) target(%dma_start3A_368 : memref<8x128xf32, #tpu.memory_space<hbm>>) target_semaphore(%arg16 : memref<!tpu.dma_semaphore, #tpu.memory_space<semaphore_mem>>)
    %dma_wait3A_372 = arith.constant 0 : i32
    %dma_wait3A_373 = arith.constant 0 : i32
    %dma_wait3A_374 = tpu.memref_slice %arg2[%dma_wait3A_372, %dma_wait3A_373] : memref<4000000x32xf32, #tpu.memory_space<hbm>> -> memref<128x32xf32, #tpu.memory_space<hbm>>
    %dma_wait3A_375 = arith.constant 0 : i32
    %dma_wait3A_376 = arith.constant 0 : i32
    %dma_wait3A_377 = tpu.memref_slice %arg2[%dma_wait3A_375, %dma_wait3A_376] : memref<4000000x32xf32, #tpu.memory_space<hbm>> -> memref<128x32xf32, #tpu.memory_space<hbm>>
    tpu.wait_dma2 semaphore(%arg15 : memref<!tpu.dma_semaphore, #tpu.memory_space<semaphore_mem>>) src(%dma_wait3A_377 : memref<128x32xf32, #tpu.memory_space<hbm>>) dst(%arg9 : memref<128x32xf32, #tpu.memory_space<vmem>>)
    %dma_wait3A_378 = arith.constant 0 : i32
    %dma_wait3A_379 = arith.constant 0 : i32
    %dma_wait3A_380 = arith.constant 0 : i32
    %dma_wait3A_381 = arith.constant 0 : i32
    %dma_wait3A_382 = arith.constant 0 : i32
    %dma_wait3A_383 = tpu.memref_slice %arg4[%dma_wait3A_378, %dma_wait3A_380, %dma_wait3A_379, %dma_wait3A_381, %dma_wait3A_382] : memref<26x4x128x8x128xf32, #tpu.memory_space<hbm>> -> memref<1x4x1x8x128xf32, #tpu.memory_space<hbm>>
    %dma_wait3A_384 = tpu.memref_squeeze %dma_wait3A_383 : memref<1x4x1x8x128xf32, #tpu.memory_space<hbm>> -> memref<4x8x128xf32, #tpu.memory_space<hbm>>
    %dma_wait3A_385 = arith.constant 0 : i32
    %dma_wait3A_386 = arith.constant 0 : i32
    %dma_wait3A_387 = arith.constant 0 : i32
    %dma_wait3A_388 = tpu.memref_slice %arg4[%dma_wait3A_378, %dma_wait3A_385, %dma_wait3A_379, %dma_wait3A_386, %dma_wait3A_387] : memref<26x4x128x8x128xf32, #tpu.memory_space<hbm>> -> memref<1x4x1x8x128xf32, #tpu.memory_space<hbm>>
    %dma_wait3A_389 = tpu.memref_squeeze %dma_wait3A_388 : memref<1x4x1x8x128xf32, #tpu.memory_space<hbm>> -> memref<4x8x128xf32, #tpu.memory_space<hbm>>
    tpu.wait_dma2 semaphore(%arg17 : memref<!tpu.dma_semaphore, #tpu.memory_space<semaphore_mem>>) src(%arg11 : memref<32x128xf32, #tpu.memory_space<vmem>>) dst(%dma_wait3A_389 : memref<4x8x128xf32, #tpu.memory_space<hbm>>)
    %parallel_loop3A_390 = arith.constant 0 : i32
    %parallel_loop3A_391 = arith.constant 32 : i32
    %parallel_loop3A_392 = arith.constant 1 : i32
    scf.for %parallel_loop3A_506 = %parallel_loop3A_390 to %parallel_loop3A_391 step %parallel_loop3A_392  : i32 {
      %parallel_loop3A_507 = vector.broadcast %parallel_loop3A_506 : i32 to vector<16xi32>
      %parallel_loop3A_508 = tpu.vector_load_idx %arg9[%add3A_7, %parallel_loop3A_507] : memref<128x32xf32, #tpu.memory_space<vmem>>[vector<16xi32>, vector<16xi32>], vector<16xf32>,
      %parallel_loop3A_509 = tpu.vector_load_idx %arg9[%add3A_10, %parallel_loop3A_507] : memref<128x32xf32, #tpu.memory_space<vmem>>[vector<16xi32>, vector<16xi32>], vector<16xf32>,
      %parallel_loop3A_510 = tpu.vector_load_idx %arg9[%add3A_13, %parallel_loop3A_507] : memref<128x32xf32, #tpu.memory_space<vmem>>[vector<16xi32>, vector<16xi32>], vector<16xf32>,
      %parallel_loop3A_511 = tpu.vector_load_idx %arg9[%add3A_16, %parallel_loop3A_507] : memref<128x32xf32, #tpu.memory_space<vmem>>[vector<16xi32>, vector<16xi32>], vector<16xf32>,
      %parallel_loop3A_512 = tpu.vector_load_idx %arg9[%add3A_19, %parallel_loop3A_507] : memref<128x32xf32, #tpu.memory_space<vmem>>[vector<16xi32>, vector<16xi32>], vector<16xf32>,
      %parallel_loop3A_513 = tpu.vector_load_idx %arg9[%add3A_22, %parallel_loop3A_507] : memref<128x32xf32, #tpu.memory_space<vmem>>[vector<16xi32>, vector<16xi32>], vector<16xf32>,
      %parallel_loop3A_514 = tpu.vector_load_idx %arg9[%add3A_25, %parallel_loop3A_507] : memref<128x32xf32, #tpu.memory_space<vmem>>[vector<16xi32>, vector<16xi32>], vector<16xf32>,
      %parallel_loop3A_515 = tpu.vector_load_idx %arg9[%add3A_28, %parallel_loop3A_507] : memref<128x32xf32, #tpu.memory_space<vmem>>[vector<16xi32>, vector<16xi32>], vector<16xf32>,
      %parallel_loop3A_516 = arith.index_cast %parallel_loop3A_506 : i32 to index
      %parallel_loop3A_517 = arith.constant 0 : index
      %parallel_loop3A_518 = tpu.vector_load %arg11[%parallel_loop3A_516, %parallel_loop3A_517] {strides = array<i32>} : memref<32x128xf32, #tpu.memory_space<vmem>>, vector<16xf32>,
      tpu.vector_store %arg11[%parallel_loop3A_516, %parallel_loop3A_517], %parallel_loop3A_508 {strides = array<i32>} : memref<32x128xf32, #tpu.memory_space<vmem>>, vector<16xf32>,
      %parallel_loop3A_519 = arith.index_cast %parallel_loop3A_506 : i32 to index
      %parallel_loop3A_520 = arith.constant 16 : index
      %parallel_loop3A_521 = tpu.vector_load %arg11[%parallel_loop3A_519, %parallel_loop3A_520] {strides = array<i32>} : memref<32x128xf32, #tpu.memory_space<vmem>>, vector<16xf32>,
      tpu.vector_store %arg11[%parallel_loop3A_519, %parallel_loop3A_520], %parallel_loop3A_509 {strides = array<i32>} : memref<32x128xf32, #tpu.memory_space<vmem>>, vector<16xf32>,
      %parallel_loop3A_522 = arith.index_cast %parallel_loop3A_506 : i32 to index
      %parallel_loop3A_523 = arith.constant 32 : index
      %parallel_loop3A_524 = tpu.vector_load %arg11[%parallel_loop3A_522, %parallel_loop3A_523] {strides = array<i32>} : memref<32x128xf32, #tpu.memory_space<vmem>>, vector<16xf32>,
      tpu.vector_store %arg11[%parallel_loop3A_522, %parallel_loop3A_523], %parallel_loop3A_510 {strides = array<i32>} : memref<32x128xf32, #tpu.memory_space<vmem>>, vector<16xf32>,
      %parallel_loop3A_525 = arith.index_cast %parallel_loop3A_506 : i32 to index
      %parallel_loop3A_526 = arith.constant 48 : index
      %parallel_loop3A_527 = tpu.vector_load %arg11[%parallel_loop3A_525, %parallel_loop3A_526] {strides = array<i32>} : memref<32x128xf32, #tpu.memory_space<vmem>>, vector<16xf32>,
      tpu.vector_store %arg11[%parallel_loop3A_525, %parallel_loop3A_526], %parallel_loop3A_511 {strides = array<i32>} : memref<32x128xf32, #tpu.memory_space<vmem>>, vector<16xf32>,
      %parallel_loop3A_528 = arith.index_cast %parallel_loop3A_506 : i32 to index
      %parallel_loop3A_529 = arith.constant 64 : index
      %parallel_loop3A_530 = tpu.vector_load %arg11[%parallel_loop3A_528, %parallel_loop3A_529] {strides = array<i32>} : memref<32x128xf32, #tpu.memory_space<vmem>>, vector<16xf32>,
      tpu.vector_store %arg11[%parallel_loop3A_528, %parallel_loop3A_529], %parallel_loop3A_512 {strides = array<i32>} : memref<32x128xf32, #tpu.memory_space<vmem>>, vector<16xf32>,
      %parallel_loop3A_531 = arith.index_cast %parallel_loop3A_506 : i32 to index
      %parallel_loop3A_532 = arith.constant 80 : index
      %parallel_loop3A_533 = tpu.vector_load %arg11[%parallel_loop3A_531, %parallel_loop3A_532] {strides = array<i32>} : memref<32x128xf32, #tpu.memory_space<vmem>>, vector<16xf32>,
      tpu.vector_store %arg11[%parallel_loop3A_531, %parallel_loop3A_532], %parallel_loop3A_513 {strides = array<i32>} : memref<32x128xf32, #tpu.memory_space<vmem>>, vector<16xf32>,
      %parallel_loop3A_534 = arith.index_cast %parallel_loop3A_506 : i32 to index
      %parallel_loop3A_535 = arith.constant 96 : index
      %parallel_loop3A_536 = tpu.vector_load %arg11[%parallel_loop3A_534, %parallel_loop3A_535] {strides = array<i32>} : memref<32x128xf32, #tpu.memory_space<vmem>>, vector<16xf32>,
      tpu.vector_store %arg11[%parallel_loop3A_534, %parallel_loop3A_535], %parallel_loop3A_514 {strides = array<i32>} : memref<32x128xf32, #tpu.memory_space<vmem>>, vector<16xf32>,
      %parallel_loop3A_537 = arith.index_cast %parallel_loop3A_506 : i32 to index
      %parallel_loop3A_538 = arith.constant 112 : index
      %parallel_loop3A_539 = tpu.vector_load %arg11[%parallel_loop3A_537, %parallel_loop3A_538] {strides = array<i32>} : memref<32x128xf32, #tpu.memory_space<vmem>>, vector<16xf32>,
      tpu.vector_store %arg11[%parallel_loop3A_537, %parallel_loop3A_538], %parallel_loop3A_515 {strides = array<i32>} : memref<32x128xf32, #tpu.memory_space<vmem>>, vector<16xf32>,
    } {sc.loop_unroll_factor = 4 : i64, sc.parallel_access}
    %add3A_393 = arith.constant 103 : i32
    %add3A_394 = arith.addi %mul3A_2, %add3A_393 : i32
    %jit3A_395 = arith.constant 128 : i32
    %div3A_396 = arith.divsi %add3A_394, %jit3A_395 : i32
    %sign3A_397 = arith.constant 0 : i32
    %sign3A_398 = arith.cmpi sgt, %add3A_394, %sign3A_397 : i32
    %sign3A_399 = arith.extui %sign3A_398 : i1 to i32
    %sign3A_400 = arith.constant 0 : i32
    %sign3A_401 = arith.cmpi slt, %add3A_394, %sign3A_400 : i32
    %sign3A_402 = arith.extui %sign3A_401 : i1 to i32
    %sign3A_403 = arith.subi %sign3A_399, %sign3A_402 : i32
    %sign3A_404 = arith.constant 0 : i32
    %sign3A_405 = arith.cmpi sgt, %jit3A_395, %sign3A_404 : i32
    %sign3A_406 = arith.extui %sign3A_405 : i1 to i32
    %sign3A_407 = arith.constant 0 : i32
    %sign3A_408 = arith.cmpi slt, %jit3A_395, %sign3A_407 : i32
    %sign3A_409 = arith.extui %sign3A_408 : i1 to i32
    %sign3A_410 = arith.subi %sign3A_406, %sign3A_409 : i32
    %ne3A_411 = arith.cmpi ne, %sign3A_403, %sign3A_410 : i32
    %rem3A_412 = arith.remsi %add3A_394, %jit3A_395 : i32
    %ne3A_413 = arith.constant 0 : i32
    %ne3A_414 = arith.cmpi ne, %rem3A_412, %ne3A_413 : i32
    %and3A_415 = arith.andi %ne3A_411, %ne3A_414 : i1
    %sub3A_416 = arith.constant 1 : i32
    %sub3A_417 = arith.subi %div3A_396, %sub3A_416 : i32
    %select_n3A_418 = arith.select %and3A_415, %sub3A_417, %div3A_396 : i32
    %mul3A_419 = arith.constant 128 : i32
    %mul3A_420 = arith.muli %select_n3A_418, %mul3A_419 : i32
    %sub3A_421 = arith.subi %add3A_394, %mul3A_420 : i32
    %dma_start3A_422 = arith.constant 0 : i32
    %dma_start3A_423 = arith.constant 0 : i32
    %dma_start3A_424 = arith.constant 0 : i32
    %dma_start3A_425 = tpu.memref_slice %arg11[%dma_start3A_423, %dma_start3A_424] : memref<32x128xf32, #tpu.memory_space<vmem>> -> memref<8x128xf32, #tpu.memory_space<vmem>>
    %dma_start3A_426 = arith.constant 0 : i32
    %dma_start3A_427 = arith.constant 0 : i32
    %dma_start3A_428 = tpu.memref_slice %arg4[%select_n3A_418, %dma_start3A_422, %sub3A_421, %dma_start3A_426, %dma_start3A_427] : memref<26x4x128x8x128xf32, #tpu.memory_space<hbm>> -> memref<1x1x1x8x128xf32, #tpu.memory_space<hbm>>
    %dma_start3A_429 = tpu.memref_squeeze %dma_start3A_428 : memref<1x1x1x8x128xf32, #tpu.memory_space<hbm>> -> memref<8x128xf32, #tpu.memory_space<hbm>>
    %dma_start3A_430 = arith.constant 0 : i32
    %dma_start3A_431 = arith.constant 0 : i32
    %dma_start3A_432 = tpu.memref_slice %arg4[%select_n3A_418, %dma_start3A_422, %sub3A_421, %dma_start3A_430, %dma_start3A_431] : memref<26x4x128x8x128xf32, #tpu.memory_space<hbm>> -> memref<1x1x1x8x128xf32, #tpu.memory_space<hbm>>
    %dma_start3A_433 = tpu.memref_squeeze %dma_start3A_432 : memref<1x1x1x8x128xf32, #tpu.memory_space<hbm>> -> memref<8x128xf32, #tpu.memory_space<hbm>>
    %dma_start3A_434 = arith.constant 0 : i32
    %dma_start3A_435 = arith.constant 0 : i32
    %dma_start3A_436 = tpu.memref_slice %arg11[%dma_start3A_434, %dma_start3A_435] : memref<32x128xf32, #tpu.memory_space<vmem>> -> memref<8x128xf32, #tpu.memory_space<vmem>>
    tpu.enqueue_dma source(%dma_start3A_436 : memref<8x128xf32, #tpu.memory_space<vmem>>) target(%dma_start3A_433 : memref<8x128xf32, #tpu.memory_space<hbm>>) target_semaphore(%arg17 : memref<!tpu.dma_semaphore, #tpu.memory_space<semaphore_mem>>)
    %dma_start3A_437 = arith.constant 1 : i32
    %dma_start3A_438 = arith.constant 8 : i32
    %dma_start3A_439 = arith.constant 0 : i32
    %dma_start3A_440 = tpu.memref_slice %arg11[%dma_start3A_438, %dma_start3A_439] : memref<32x128xf32, #tpu.memory_space<vmem>> -> memref<8x128xf32, #tpu.memory_space<vmem>>
    %dma_start3A_441 = arith.constant 0 : i32
    %dma_start3A_442 = arith.constant 0 : i32
    %dma_start3A_443 = tpu.memref_slice %arg4[%select_n3A_418, %dma_start3A_437, %sub3A_421, %dma_start3A_441, %dma_start3A_442] : memref<26x4x128x8x128xf32, #tpu.memory_space<hbm>> -> memref<1x1x1x8x128xf32, #tpu.memory_space<hbm>>
    %dma_start3A_444 = tpu.memref_squeeze %dma_start3A_443 : memref<1x1x1x8x128xf32, #tpu.memory_space<hbm>> -> memref<8x128xf32, #tpu.memory_space<hbm>>
    %dma_start3A_445 = arith.constant 0 : i32
    %dma_start3A_446 = arith.constant 0 : i32
    %dma_start3A_447 = tpu.memref_slice %arg4[%select_n3A_418, %dma_start3A_437, %sub3A_421, %dma_start3A_445, %dma_start3A_446] : memref<26x4x128x8x128xf32, #tpu.memory_space<hbm>> -> memref<1x1x1x8x128xf32, #tpu.memory_space<hbm>>
    %dma_start3A_448 = tpu.memref_squeeze %dma_start3A_447 : memref<1x1x1x8x128xf32, #tpu.memory_space<hbm>> -> memref<8x128xf32, #tpu.memory_space<hbm>>
    %dma_start3A_449 = arith.constant 8 : i32
    %dma_start3A_450 = arith.constant 0 : i32
    %dma_start3A_451 = tpu.memref_slice %arg11[%dma_start3A_449, %dma_start3A_450] : memref<32x128xf32, #tpu.memory_space<vmem>> -> memref<8x128xf32, #tpu.memory_space<vmem>>
    tpu.enqueue_dma source(%dma_start3A_451 : memref<8x128xf32, #tpu.memory_space<vmem>>) target(%dma_start3A_448 : memref<8x128xf32, #tpu.memory_space<hbm>>) target_semaphore(%arg17 : memref<!tpu.dma_semaphore, #tpu.memory_space<semaphore_mem>>)
    %dma_start3A_452 = arith.constant 2 : i32
    %dma_start3A_453 = arith.constant 16 : i32
    %dma_start3A_454 = arith.constant 0 : i32
    %dma_start3A_455 = tpu.memref_slice %arg11[%dma_start3A_453, %dma_start3A_454] : memref<32x128xf32, #tpu.memory_space<vmem>> -> memref<8x128xf32, #tpu.memory_space<vmem>>
    %dma_start3A_456 = arith.constant 0 : i32
    %dma_start3A_457 = arith.constant 0 : i32
    %dma_start3A_458 = tpu.memref_slice %arg4[%select_n3A_418, %dma_start3A_452, %sub3A_421, %dma_start3A_456, %dma_start3A_457] : memref<26x4x128x8x128xf32, #tpu.memory_space<hbm>> -> memref<1x1x1x8x128xf32, #tpu.memory_space<hbm>>
    %dma_start3A_459 = tpu.memref_squeeze %dma_start3A_458 : memref<1x1x1x8x128xf32, #tpu.memory_space<hbm>> -> memref<8x128xf32, #tpu.memory_space<hbm>>
    %dma_start3A_460 = arith.constant 0 : i32
    %dma_start3A_461 = arith.constant 0 : i32
    %dma_start3A_462 = tpu.memref_slice %arg4[%select_n3A_418, %dma_start3A_452, %sub3A_421, %dma_start3A_460, %dma_start3A_461] : memref<26x4x128x8x128xf32, #tpu.memory_space<hbm>> -> memref<1x1x1x8x128xf32, #tpu.memory_space<hbm>>
    %dma_start3A_463 = tpu.memref_squeeze %dma_start3A_462 : memref<1x1x1x8x128xf32, #tpu.memory_space<hbm>> -> memref<8x128xf32, #tpu.memory_space<hbm>>
    %dma_start3A_464 = arith.constant 16 : i32
    %dma_start3A_465 = arith.constant 0 : i32
    %dma_start3A_466 = tpu.memref_slice %arg11[%dma_start3A_464, %dma_start3A_465] : memref<32x128xf32, #tpu.memory_space<vmem>> -> memref<8x128xf32, #tpu.memory_space<vmem>>
    tpu.enqueue_dma source(%dma_start3A_466 : memref<8x128xf32, #tpu.memory_space<vmem>>) target(%dma_start3A_463 : memref<8x128xf32, #tpu.memory_space<hbm>>) target_semaphore(%arg17 : memref<!tpu.dma_semaphore, #tpu.memory_space<semaphore_mem>>)
    %dma_start3A_467 = arith.constant 3 : i32
    %dma_start3A_468 = arith.constant 24 : i32
    %dma_start3A_469 = arith.constant 0 : i32
    %dma_start3A_470 = tpu.memref_slice %arg11[%dma_start3A_468, %dma_start3A_469] : memref<32x128xf32, #tpu.memory_space<vmem>> -> memref<8x128xf32, #tpu.memory_space<vmem>>
    %dma_start3A_471 = arith.constant 0 : i32
    %dma_start3A_472 = arith.constant 0 : i32
    %dma_start3A_473 = tpu.memref_slice %arg4[%select_n3A_418, %dma_start3A_467, %sub3A_421, %dma_start3A_471, %dma_start3A_472] : memref<26x4x128x8x128xf32, #tpu.memory_space<hbm>> -> memref<1x1x1x8x128xf32, #tpu.memory_space<hbm>>
    %dma_start3A_474 = tpu.memref_squeeze %dma_start3A_473 : memref<1x1x1x8x128xf32, #tpu.memory_space<hbm>> -> memref<8x128xf32, #tpu.memory_space<hbm>>
    %dma_start3A_475 = arith.constant 0 : i32
    %dma_start3A_476 = arith.constant 0 : i32
    %dma_start3A_477 = tpu.memref_slice %arg4[%select_n3A_418, %dma_start3A_467, %sub3A_421, %dma_start3A_475, %dma_start3A_476] : memref<26x4x128x8x128xf32, #tpu.memory_space<hbm>> -> memref<1x1x1x8x128xf32, #tpu.memory_space<hbm>>
    %dma_start3A_478 = tpu.memref_squeeze %dma_start3A_477 : memref<1x1x1x8x128xf32, #tpu.memory_space<hbm>> -> memref<8x128xf32, #tpu.memory_space<hbm>>
    %dma_start3A_479 = arith.constant 24 : i32
    %dma_start3A_480 = arith.constant 0 : i32
    %dma_start3A_481 = tpu.memref_slice %arg11[%dma_start3A_479, %dma_start3A_480] : memref<32x128xf32, #tpu.memory_space<vmem>> -> memref<8x128xf32, #tpu.memory_space<vmem>>
    tpu.enqueue_dma source(%dma_start3A_481 : memref<8x128xf32, #tpu.memory_space<vmem>>) target(%dma_start3A_478 : memref<8x128xf32, #tpu.memory_space<hbm>>) target_semaphore(%arg17 : memref<!tpu.dma_semaphore, #tpu.memory_space<semaphore_mem>>)
    %dma_wait3A_482 = arith.constant 0 : i32
    %dma_wait3A_483 = arith.constant 0 : i32
    %dma_wait3A_484 = arith.constant 0 : i32
    %dma_wait3A_485 = arith.constant 0 : i32
    %dma_wait3A_486 = arith.constant 0 : i32
    %dma_wait3A_487 = tpu.memref_slice %arg4[%dma_wait3A_482, %dma_wait3A_484, %dma_wait3A_483, %dma_wait3A_485, %dma_wait3A_486] : memref<26x4x128x8x128xf32, #tpu.memory_space<hbm>> -> memref<1x4x1x8x128xf32, #tpu.memory_space<hbm>>
    %dma_wait3A_488 = tpu.memref_squeeze %dma_wait3A_487 : memref<1x4x1x8x128xf32, #tpu.memory_space<hbm>> -> memref<4x8x128xf32, #tpu.memory_space<hbm>>
    %dma_wait3A_489 = arith.constant 0 : i32
    %dma_wait3A_490 = arith.constant 0 : i32
    %dma_wait3A_491 = arith.constant 0 : i32
    %dma_wait3A_492 = tpu.memref_slice %arg4[%dma_wait3A_482, %dma_wait3A_489, %dma_wait3A_483, %dma_wait3A_490, %dma_wait3A_491] : memref<26x4x128x8x128xf32, #tpu.memory_space<hbm>> -> memref<1x4x1x8x128xf32, #tpu.memory_space<hbm>>
    %dma_wait3A_493 = tpu.memref_squeeze %dma_wait3A_492 : memref<1x4x1x8x128xf32, #tpu.memory_space<hbm>> -> memref<4x8x128xf32, #tpu.memory_space<hbm>>
    tpu.wait_dma2 semaphore(%arg16 : memref<!tpu.dma_semaphore, #tpu.memory_space<semaphore_mem>>) src(%arg10 : memref<32x128xf32, #tpu.memory_space<vmem>>) dst(%dma_wait3A_493 : memref<4x8x128xf32, #tpu.memory_space<hbm>>)
    %dma_wait3A_494 = arith.constant 0 : i32
    %dma_wait3A_495 = arith.constant 0 : i32
    %dma_wait3A_496 = arith.constant 0 : i32
    %dma_wait3A_497 = arith.constant 0 : i32
    %dma_wait3A_498 = arith.constant 0 : i32
    %dma_wait3A_499 = tpu.memref_slice %arg4[%dma_wait3A_494, %dma_wait3A_496, %dma_wait3A_495, %dma_wait3A_497, %dma_wait3A_498] : memref<26x4x128x8x128xf32, #tpu.memory_space<hbm>> -> memref<1x4x1x8x128xf32, #tpu.memory_space<hbm>>
    %dma_wait3A_500 = tpu.memref_squeeze %dma_wait3A_499 : memref<1x4x1x8x128xf32, #tpu.memory_space<hbm>> -> memref<4x8x128xf32, #tpu.memory_space<hbm>>
    %dma_wait3A_501 = arith.constant 0 : i32
    %dma_wait3A_502 = arith.constant 0 : i32
    %dma_wait3A_503 = arith.constant 0 : i32
    %dma_wait3A_504 = tpu.memref_slice %arg4[%dma_wait3A_494, %dma_wait3A_501, %dma_wait3A_495, %dma_wait3A_502, %dma_wait3A_503] : memref<26x4x128x8x128xf32, #tpu.memory_space<hbm>> -> memref<1x4x1x8x128xf32, #tpu.memory_space<hbm>>
    %dma_wait3A_505 = tpu.memref_squeeze %dma_wait3A_504 : memref<1x4x1x8x128xf32, #tpu.memory_space<hbm>> -> memref<4x8x128xf32, #tpu.memory_space<hbm>>
    tpu.wait_dma2 semaphore(%arg17 : memref<!tpu.dma_semaphore, #tpu.memory_space<semaphore_mem>>) src(%arg11 : memref<32x128xf32, #tpu.memory_space<vmem>>) dst(%dma_wait3A_505 : memref<4x8x128xf32, #tpu.memory_space<hbm>>)
    return
  }
}

</mosaic_0001>

<sc_bundles>
// kernel: _gather.3.cloned.1.call-start
scs
__scs_entry_jumppad:
0x0: {  	(pc) =	sbr.rel $0x88, $3  }
0x1: {  	(tag) =	ssettag $0x0;
	lr =	simm.s32 $0x1  }
0x2: {  	[smem:$0x3F9F] =	sst lr;
	_ =	strace $0xD0000000  }
0x3: {  	_ = 	snop  }
0x4: {  	_ = 	snop  }
0x5: {  	_ = 	snop  }
0x6: {  	_ = 	snop  }
0x7: {  	_ = 	snop  }
__scs_overlays_trampoline_lowered:
0x8: {  	[smem:$0x3FAE] =	sst s0  }
0x9: {  	[smem:$0x3FAF] =	sst s1  }
0xa: {  	[smem:$0x3FB0] =	sst s2  }
0xb: {  	[smem:$0x3FB1] =	sst s3  }
0xc: {  	[smem:$0x3FB2] =	sst s4  }
0xd: {  	[smem:$0x3FB3] =	sst s5  }
0xe: {  	[smem:$0x3FB4] =	sst s6  }
0xf: {  	[smem:$0x3FB5] =	sst s7  }
0x10: {  	[smem:$0x3FB6] =	sst s8  }
0x11: {  	[smem:$0x3FB7] =	sst s9;
	s0 =	simm.s32 @!p0 $0x0  }
0x12: {  	s1 =	sld [smem:$0x3F9D];
	s0 =	simm.s32 @p0 $0x1  }
0x13: {  	[smem:$0x3FB8] =	sst s0;
	s0 =	simm.s32 @!p1 $0x0  }
0x14: {  	s2 =	sld [smem:$0x3F9C];
	s0 =	simm.s32 @p1 $0x1  }
0x15: {  	[smem:$0x3FB9] =	sst s0;
	s0 =	simm.s32 @!p2 $0x0  }
0x16: {  	s3 =	sld [smem:$0x3FDB];
	s0 =	simm.s32 @p2 $0x1  }
0x17: {  	s4 =	simm.s32 $0x1BF5;
	[smem:$0x3FBB] =	sst s0  }
0x18: {  	s0 =	sld [smem:$0x3F9E];
	_ =	swait.ge [sflag:s4], $0x0  }
0x19: {  	s7 =	sld [smem:$0x3F9F]  }
0x1a: {  	s8 =	sadd.s32 $0xFFFFE003, lr  }
0x1b: {  	s9 =	sadd.s32 $0xFFFFFEF7, lr;
	s5 =	simm.s32 $0xFFFFFFFF;
	p2 =	slt.u32 s8, $0xFFFFF086  }
0x1c: {  	p1 =	slt.u32 s9, $0xF7A;
	s5 =	simm.s32 @!p2 $0x0  }
0x1d: {  	s5 =	simm.s32 @p1 $0x1;
	p0 =	seq.s32 s7, s2  }
0x1e: {  	s7 =	smul.u32 @!p0 $0xF7A, s2;
	p2 =	seq.s32 @!p0 s5, $0x0  }
0x1f: {  	s9 =	smul.u32 $0xF7A, s1;
	s8 =	simm.s32 @!p0 $0x1BF5;
	p2 =	por !p2, p0  }
0x20: {  	[sflag:s8] =	ssyncset.s32 @!p0 $0xFFFFF086;
	s6 =	sadd.s32 @!p0 s3, s7;
	s7 =	simm.s32 @!p0 $0x108  }
0x21: {  	s3 =	sadd.s32 s3, s9;
	s6 =	sadd.s32 @!p0 $0x88, s6;
	s7 =	simm.s32 @p2 $0x1082  }
0x22: {  	[simem:s7], [sflag:s8] =	dma.local @!p0 [hbm:s6], $0xF7A  }
0x23: {  	s9 =	sor.u32 $0xD0000000, s2;
	s6 =	simm.s32 $0x108;
	_ =	swait.ge @!p0 [sflag:s8], $0x0  }
0x24: {  	s3 =	sadd.s32 $0x88, s3;
	s6 =	simm.s32 @!p1 $0x1082;
	[sflag:s4] =	ssyncset.s32 $0xFFFFF086  }
0x25: {  	[simem:s6], [sflag:s4] =	dma.local [hbm:s3], $0xF7A  }
0x26: {  	[smem:$0x3F9F] =	sst s1;
	(tag) =	ssettag s2;
	_ =	strace s9  }
0x27: {  	s1 =	sld [smem:$0x3FAF]  }
0x28: {  	s2 =	sld [smem:$0x3FB0]  }
0x29: {  	s4 =	sld [smem:$0x3FB2]  }
0x2a: {  	p0 =	seq.s32 s5, $0x0;
	s5 =	sld [smem:$0x3FB3]  }
0x2b: {  	s6 =	sld [smem:$0x3FB4]  }
0x2c: {  	s7 =	sld [smem:$0x3FB5]  }
0x2d: {  	s3 =	simm.s32 $0x108;
	s8 =	sld [smem:$0x3FB6]  }
0x2e: {  	s3 =	simm.s32 @!p0 $0x1082;
	s9 =	sld [smem:$0x3FB7]  }
0x2f: {  	lr =	sadd.s32 s0, s3;
	s0 =	sld [smem:$0x3FAE]  }
0x30: {  	s3 =	sld [smem:$0x3FB1]  }
0x31: {  	[smem:$0x3FBA] =	sst s10  }
0x32: {  	s10 =	sld [smem:$0x3FB8];
	_ =	sdelay $0x3  }
0x33: {  	p0 =	seq.s32 s10, $0x1;
	s10 =	sld [smem:$0x3FBA];
	_ =	sdelay $0x3  }
0x34: {  	[smem:$0x3FBA] =	sst s10  }
0x35: {  	s10 =	sld [smem:$0x3FB9];
	_ =	sdelay $0x3  }
0x36: {  	p1 =	seq.s32 s10, $0x1;
	s10 =	sld [smem:$0x3FBA];
	_ =	sdelay $0x3  }
0x37: {  	[smem:$0x3FBA] =	sst s10  }
0x38: {  	s10 =	sld [smem:$0x3FBB]  }
0x39: {  	_ = 	snop;
	(pc) =	sbr.ind lr, $3  }
0x3a: {  	_ = 	snop  }
0x3b: {  	_ = 	snop  }
0x3c: {  	p2 =	seq.s32 s10, $0x1;
	s10 =	sld [smem:$0x3FBA]  }
0x3d: {  	_ =	shalt  }
0x3e: {  	_ =	shalt  }
0x3f: {  	_ =	shalt  }
0x40: {  	_ =	shalt  }
0x41: {  	_ =	shalt  }
0x42: {  	_ =	shalt  }
0x43: {  	_ =	shalt  }
0x44: {  	_ =	shalt  }
0x45: {  	_ =	shalt  }
0x46: {  	_ =	shalt  }
0x47: {  	_ =	shalt  }
0x48: {  	_ =	shalt  }
0x49: {  	_ =	shalt  }
0x4a: {  	_ =	shalt  }
0x4b: {  	_ =	shalt  }
0x4c: {  	_ =	shalt  }
0x4d: {  	_ =	shalt  }
0x4e: {  	_ =	shalt  }
0x4f: {  	_ =	shalt  }
0x50: {  	_ =	shalt  }
0x51: {  	_ =	shalt  }
0x52: {  	_ =	shalt  }
0x53: {  	_ =	shalt  }
0x54: {  	_ =	shalt  }
0x55: {  	_ =	shalt  }
0x56: {  	_ =	shalt  }
0x57: {  	_ =	shalt  }
0x58: {  	_ =	shalt  }
0x59: {  	_ =	shalt  }
0x5a: {  	_ =	shalt  }
0x5b: {  	_ =	shalt  }
0x5c: {  	_ =	shalt  }
0x5d: {  	_ =	shalt  }
0x5e: {  	_ =	shalt  }
0x5f: {  	_ =	shalt  }
0x60: {  	_ =	shalt  }
0x61: {  	_ =	shalt  }
0x62: {  	_ =	shalt  }
0x63: {  	_ =	shalt  }
0x64: {  	_ =	shalt  }
0x65: {  	_ =	shalt  }
0x66: {  	_ =	shalt  }
0x67: {  	_ =	shalt  }
0x68: {  	_ =	shalt  }
0x69: {  	_ =	shalt  }
0x6a: {  	_ =	shalt  }
0x6b: {  	_ =	shalt  }
0x6c: {  	_ =	shalt  }
0x6d: {  	_ =	shalt  }
0x6e: {  	_ =	shalt  }
0x6f: {  	_ =	shalt  }
0x70: {  	_ =	shalt  }
0x71: {  	_ =	shalt  }
0x72: {  	_ =	shalt  }
0x73: {  	_ =	shalt  }
0x74: {  	_ =	shalt  }
0x75: {  	_ =	shalt  }
0x76: {  	_ =	shalt  }
0x77: {  	_ =	shalt  }
0x78: {  	_ =	shalt  }
0x79: {  	_ =	shalt  }
0x7a: {  	_ =	shalt  }
0x7b: {  	_ =	shalt  }
0x7c: {  	_ =	shalt  }
0x7d: {  	_ =	shalt  }
0x7e: {  	_ =	shalt  }
0x7f: {  	_ =	shalt  }
0x80: {  	_ =	shalt  }
0x81: {  	_ =	shalt  }
0x82: {  	_ =	shalt  }
0x83: {  	_ =	shalt  }
0x84: {  	_ =	shalt  }
0x85: {  	_ =	shalt  }
0x86: {  	_ =	shalt  }
0x87: {  	_ =	shalt  }
.Lfunc_end0:
.L_simem_size_0:
called_computation_lowered:
.L_overlay_start_0:
0x88: {  	s2 =	sld [smem:$0x3FD9]  }
0x89: {  	s3 =	sld [smem:$0x3FFE];
	_ =	sdelay $0x1  }
0x8a: {  	s1 =	srdreg.scid  }
0x8b: {  	s0 =	sand.u32 $0x1, s1  }
0x8c: {  	s17 =	sshll.u32 s0, $0xA;
	s2 =	sadd.s32 s3, s2  }
0x8d: {  	s2 =	sadd.s32 s2, s17  }
0x8e: {  	[smem:$0x3FC6] =	sst s2  }
0x8f: {  	_ = 	snop  }
0x90: {  	s2 =	sld [smem:$0x3FC8]  }
0x91: {  	s18 =	sld [smem:$0x3FD0];
	(tm) =	ssettm $0x1  }
0x92: {  	s4 =	sld [smem:$0x3FFB];
	_ =	sdelay $0x3  }
0x93: {  	_ =	strace s4  }
0x94: {  	s4 =	sld [smem:$0x3FFC];
	_ =	sdelay $0x3  }
0x95: {  	_ =	strace s4  }
0x96: {  	s4 =	sld [smem:$0x3FFD];
	_ =	sdelay $0x3  }
0x97: {  	_ =	strace s4  }
0x98: {  	_ =	strace $0x8FFFFFFF  }
0x99: {  	s19 =	sld [smem:$0x3FDB];
	_ =	sdelay $0x1  }
0x9a: {  	s5 =	simm.s32 $_scs_section_size  }
0x9b: {  	s6 =	simm.s32 $_size__tile_overlayer_lowered;
	s7 =	simm.s32 $_tile_overlayer_lowered  }
0x9c: {  	s22 =	simm.s32 $0x1BFF;
	s21 =	sshll.u32 s7, $0x1;
	s4 =	sadd.s32 s5, s19  }
0x9d: {  	s8 =	simm.s32 $0x0;
	s20 =	sshll.u32 s6, $0x1;
	s6 =	sadd.s32 s21, s4  }
0x9e: {  	[timem:s8], [sflag:s22] =	dma.local [hbm:s6], s20  }
0x9f: {  	_ =	swait.ge [sflag:s22], s20  }
0xa0: {  	s5 =	ssub.s32 $0x0, s20;
	[sflag:s22] =	ssyncset.done $0x0  }
0xa1: {  	[sflag:s22] =	ssyncadd.s32 s5;
	_ =	sdelay $0x1  }
0xa2: {  	s23 =	simm.s32 $0x1B8B  }
0xa3: {  	_ =	swait.ge [sflag:s23], $0x1  }
0xa4: {  	[sflag:s23] =	ssyncset.done $0x0  }
0xa5: {  	s25 =	simm.s32 $0x1B8E;
	s24 =	sld [smem:$0x3FFE];
	[sflag:s23] =	ssyncadd.s32 $0xFFFFFFFF  }
0xa6: {  	s26 =	simm.s32 $execute0_lowered;
	[smem:$0x3FD2] =	sst s25  }
0xa7: {  	s6 =	sshll.u32 s26, $0x1;
	_ =	strace $0x80000046;
	[dreg:$0x1] =	wrdreg $0xFFFFFFFF  }
0xa8: {  	s28 =	simm.s32 $_size_execute0_lowered;
	s4 =	sadd.s32 s4, s6;
	[dreg:$0x0] =	wrdreg $0x0  }
0xa9: {  	s6 =	sshll.u32 s28, $0x1;
	[dreg:$0x2] =	wrdreg s4  }
0xaa: {  	[dreg:$0x3] =	wrdreg s6  }
0xab: {  	[dreg:$0x4] =	wrdreg $0xC0  }
0xac: {  	_ =	task [dreg:s8], $0x5FFFF  }
0xad: {  	[dreg:$0x1] =	wrdreg $0xFFFFFFFF  }
0xae: {  	[dreg:$0x0] =	wrdreg $0x60  }
0xaf: {  	[dreg:$0x2] =	wrdreg s24  }
0xb0: {  	[dreg:$0x3] =	wrdreg s2  }
0xb1: {  	[dreg:$0x4] =	wrdreg s18  }
0xb2: {  	[dreg:$0x5] =	wrdreg $0x9  }
0xb3: {  	_ =	task.clear_ibuf [dreg:s8], $0x6FFFF;
	_ =	strace $0x90000046  }
0xb4: {  	s29 =	simm.s32 $0x9;
	_ =	strace $0x80000048  }
0xb5: {  	_ =	swait.ge [sflag:s29], $0x1  }
0xb6: {  	[sflag:s29] =	ssyncadd.s32 $0xFFFFFFFF  }
0xb7: {  	_ =	strace $0x90000048  }
0xb8: {  	_ =	sfence  }
0xb9: {  	s30 =	sld [smem:$0x0];
	_ =	sdelay $0x2  }
0xba: {  	s31 =	sshll.u32 s1, $0xD;
	s1 =	sshrl.u32 s1, $0x2  }
0xbb: {  	s3 =	sand.u32 $0x4000, s31;
	s1 =	sadd.s32 s1, s30  }
0xbc: {  	s0 =	sor.u32 s3, s0;
	s1 =	sshll.u32 s1, $0x11  }
0xbd: {  	s0 =	sor.u32 s1, s0  }
0xbe: {  	s0 =	sadd.s32 $0x8F2B, s0  }
0xbf: {  	[sflag:s0] =	ssyncadd.remote.s32 $0x1  }
0xc0: {  	_ =	sfence.sel $0xFFFF  }
0xc1: {  	[dreg:$0x0] =	wrdreg $0xFFFFFFFF;
	(pc) =	sbr.abs _section_cstart, $3  }
0xc2: {  	[dreg:$0x1] =	wrdreg $0xFFFFFFFF  }
0xc3: {  	_ =	task.clear_ibuf [dreg:s8], $0x2FFFF;
	_ =	strace $0x9FFFFFFF  }
0xc4: {  	(tm) =	ssettm $0x7FFFFFFF  }
0xc5: {  	_ =	shalt  }
tec
execute0_lowered:
.L_overlay_start_1:
0x0: {  	(tag) =	ssettag $0x1  }
0x1: {  	s0 =	srdreg.scid  }
0x2: {  	s2 =	stileid.u32;
	s1 =	rddreg [dreg:$0x0]  }
0x3: {  	s6 =	rddreg [dreg:$0x1];
	s4 =	simm.s32 $0x0;
	s28 =	simm.s32 $0x4400  }
0x4: {  	s30 =	simm.s32 $0x5400;
	s0 =	sand.u32 $0x1, s0;
	s2 =	sshll.u32 s2, $0x1  }
0x5: {  	s31 =	simm.s32 $0x6400;
	s29 =	simm.s32 $0x7800;
	s5 =	sor.u32 s0, s2  }
0x6: {  	[smem:$0x7FF] =	sst s4;
	s0 =	ssub.s32 $0x2, s0;
	s3 =	smul.u32 $0x68, s5  }
0x7: {  	s2 =	rddreg [dreg:$0x2];
	s9 =	sshrl.u32 s0, $0x1;
	s11 =	smul.u32 $0x680, s5  }
0x8: {  	_ =	strace $0x80000047;
	s5 =	sadd.s32 $0x3D09400, s1;
	s0 =	ssub.s32 s0, s9  }
0x9: {  	s7 =	sadd.s32 $0x64, s3;
	s6 =	sadd.s32 s6, s11;
	s21 =	sadd.s32 $0x65, s3  }
0xa: {  	s15 =	sadd.s32 $0x67, s3;
	s0 =	smax.u32 s0, $0x1;
	s8 =	sshrl.u32 s7, $0x7  }
0xb: {  	s7 =	sshll.u32 s7, $0xA;
	[dreg:$0x4] =	wrdreg s6;
	s10 =	sshll.u32 s8, $0x11  }
0xc: {  	s23 =	sshrl.u32 s21, $0x7;
	s8 =	sshll.u32 s8, $0x13;
	s7 =	ssub.s32 s7, s10  }
0xd: {  	s17 =	sshrl.u32 s15, $0x7;
	[dreg:$0x15] =	wrdreg s0;
	s18 =	sadd.s32 s8, s7  }
0xe: {  	s24 =	sshll.u32 s23, $0x11;
	s8 =	sshll.u32 s23, $0x13;
	s19 =	sshrl.u32 s18, $0x3  }
0xf: {  	s7 =	sadd.s32 $0x20000, s18;
	s22 =	sadd.s32 $0x40000, s18;
	s1 =	sadd.s32 $0x60000, s18  }
0x10: {  	s18 =	sshll.u32 s17, $0x11;
	s6 =	sadd.s32 s2, s19;
	s20 =	sshrl.u32 s7, $0x3  }
0x11: {  	s7 =	sshll.u32 s21, $0xA;
	s1 =	sshrl.u32 s1, $0x3;
	s19 =	sshll.u32 s17, $0x13  }
0x12: {  	s17 =	simm.s32 $0x0;
	[dreg:$0x5] =	wrdreg s6;
	s6 =	sadd.s32 s2, s20  }
0x13: {  	s7 =	ssub.s32 s7, s24;
	s1 =	sadd.s32 s2, s1;
	[dreg:$0x6] =	wrdreg s6  }
0x14: {  	s6 =	sshrl.u32 s22, $0x3;
	s25 =	sadd.s32 s8, s7;
	[dreg:$0x8] =	wrdreg s1  }
0x15: {  	s8 =	sadd.s32 $0x66, s3;
	s6 =	sadd.s32 s2, s6;
	s26 =	sshrl.u32 s25, $0x3  }
0x16: {  	s7 =	sadd.s32 $0x20000, s25;
	s9 =	sadd.s32 $0x40000, s25;
	s10 =	sshrl.u32 s8, $0x7  }
0x17: {  	[dreg:$0x7] =	wrdreg s6;
	s1 =	sadd.s32 s2, s26;
	s7 =	sshrl.u32 s7, $0x3  }
0x18: {  	s11 =	sshll.u32 s10, $0x11;
	s6 =	sadd.s32 $0x60000, s25;
	[dreg:$0x9] =	wrdreg s1  }
0x19: {  	s1 =	sadd.s32 s2, s7;
	s7 =	sshll.u32 s8, $0xA;
	s8 =	sshll.u32 s10, $0x13  }
0x1a: {  	s12 =	sshrl.u32 s6, $0x3;
	s10 =	simm.s32 $0x8800;
	[dreg:$0xa] =	wrdreg s1  }
0x1b: {  	s1 =	sshrl.u32 s9, $0x3;
	s7 =	ssub.s32 s7, s11;
	s9 =	simm.s32 $0x8400  }
0x1c: {  	s11 =	simm.s32 $0x8C00;
	s1 =	sadd.s32 s2, s1;
	s13 =	sadd.s32 s8, s7  }
0x1d: {  	s7 =	sshll.u32 s15, $0xA;
	s8 =	simm.s32 $0x2;
	s15 =	simm.s32 $0x4  }
0x1e: {  	[dreg:$0xb] =	wrdreg s1;
	s1 =	sadd.s32 s2, s12;
	s14 =	sshrl.u32 s13, $0x3  }
0x1f: {  	s16 =	sadd.s32 $0x20000, s13;
	s7 =	ssub.s32 s7, s18;
	s20 =	sadd.s32 $0x40000, s13  }
0x20: {  	s6 =	sadd.s32 $0x60000, s13;
	s12 =	simm.s32 $0x9000;
	s13 =	simm.s32 $0x3  }
0x21: {  	[dreg:$0xc] =	wrdreg s1;
	s1 =	sadd.s32 s2, s14;
	s21 =	sshrl.u32 s20, $0x3  }
0x22: {  	s6 =	sshrl.u32 s6, $0x3;
	[dreg:$0xd] =	wrdreg s1;
	s1 =	sshrl.u32 s16, $0x3  }
0x23: {  	s14 =	simm.s32 $0x5;
	s6 =	sadd.s32 s2, s6;
	s1 =	sadd.s32 s2, s1  }
0x24: {  	s16 =	simm.s32 $0x6;
	[dreg:$0xe] =	wrdreg s1;
	s1 =	sadd.s32 s19, s7  }
0x25: {  	[dreg:$0x10] =	wrdreg s6;
	s7 =	sadd.s32 s2, s21;
	s22 =	sshrl.u32 s1, $0x3  }
0x26: {  	[dreg:$0xf] =	wrdreg s7;
	s24 =	sadd.s32 $0x20000, s1;
	s25 =	sadd.s32 $0x40000, s1  }
0x27: {  	v0 =	vlaneseq.u32;
	s1 =	sadd.s32 $0x60000, s1;
	s23 =	sadd.s32 s2, s22;
	s6 =	sshrl.u32 s24, $0x3  }
0x28: {  	v0 =	vmul.u32 $0x20, v0;
	s7 =	sshrl.u32 s25, $0x3;
	[dreg:$0x11] =	wrdreg s23;
	s6 =	sadd.s32 s2, s6  }
0x29: {  	s1 =	sshrl.u32 s1, $0x3;
	s26 =	sadd.s32 s2, s7;
	[dreg:$0x12] =	wrdreg s6  }
0x2a: {  	v1 =	vor.u32 $0x200, v0;
	s25 =	simm.s32 $0x80;
	s1 =	sadd.s32 s2, s1;
	[dreg:$0x13] =	wrdreg s26  }
0x2b: {  	v2 =	vor.u32 $0x400, v0;
	v3 =	vor.u32 $0x600, v0;
	v4 =	vor.u32 $0x800, v0;
	s24 =	simm.s32 $0x7400;
	s7 =	simm.s32 $0x8000;
	[dreg:$0x14] =	wrdreg s1  }
0x2c: {  	v5 =	vor.u32 $0xA00, v0;
	v6 =	vor.u32 $0xC00, v0;
	v7 =	vor.u32 $0xE00, v0;
	s26 =	simm.s32 $0x3400;
	s1 =	simm.s32 $0x1;
	s6 =	simm.s32 $0x7C00  }
.LBB2_1:
0x2d: {  	[dreg:$0x16] =	wrdreg s17  }
0x2e: {  	s0 =	rddreg [dreg:$0x4];
	s22 =	simm.s32 $0x7  }
0x2f: {  	[tilespmem:s4], [sflag:$0x7] =	stream.linear.gather [hbm4b:s0+s4], $0x3400, $0x38;
	[tilespmem:$0x9400] =	vst v63  }
0x30: {  	_ =	swait.ge [sflag:s22], $0x3400  }
0x31: {  	[sflag:s22] =	ssyncset.done $0x0  }
0x32: {  	[sflag:s22] =	ssyncadd.s32 $0xFFFFCC00  }
0x33: {  	[tilespmem:s26], [sflag:$0x1] =	stream.indirect.gather [hbm4b:s5+s25], $0x20, s4, s25, $0xb8;
	[tilespmem:$0x9400] =	vst v63  }
0x34: {  	_ = 	snop  }
0x35: {  	[tilespmem:s28], [sflag:$0x2] =	stream.indirect.gather [hbm4b:s5+s25], $0x20, s25, s25, $0xb8;
	[tilespmem:$0x9400] =	vst v63  }
0x36: {  	s23 =	simm.s32 $0x100;
	s18 =	simm.s32 $0x0  }
0x37: {  	[tilespmem:s30], [sflag:$0x3] =	stream.indirect.gather [hbm4b:s5+s25], $0x20, s23, s25, $0xb8;
	[tilespmem:$0x9400] =	vst v63  }
.LBB2_2:
0x38: {  	s19 =	sshllo.u32 s18, $0x2;
	s17 =	simm.s32 $0x1  }
0x39: {  	s20 =	sshll.u32 s19, $0x7;
	v8 =	vmov s17  }
0x3a: {  	s22 =	sand.u32 $0x3FFFFF80, s20;
	v8 =	vand.u32 $0x1D, v8  }
0x3b: {  	[tilespmem:s31], [sflag:$0x4] =	stream.indirect.gather [hbm4b:s5+s25], $0x20, s22, s25, $0xb8;
	v9 =	vbroadcast v8, $0x0;
	[tilespmem:$0x9400] =	vst v63  }
0x3c: {  	_ =	swait.ge [sflag:s1], $0x1000  }
0x3d: {  	p0 =	seq.s32 s18, $0x0;
	s23 =	simm.s32 $0x3;
	[sflag:s1] =	ssyncset.done $0x0;
	v8 =	vor.u32 v0, v9  }
0x3e: {  	s17 =	simm.s32 @!p0 $0x5;
	v13 =	vmov s23;
	v10 =	vor.u32 v1, v9;
	[sflag:s1] =	ssyncadd.s32 $0xFFFFF000  }
0x3f: {  	v13 =	vand.u32 $0x1F, v13;
	v11 =	vor.u32 v2, v9;
	_ =	swait.ge @!p0 [sflag:s17], $0x1000  }
0x40: {  	v13 =	vbroadcast v13, $0x0;
	v12 =	vor.u32 v3, v9;
	[sflag:s17] =	ssyncset.done @!p0 $0x0  }
0x41: {  	v14 =	vor.u32 v4, v9;
	[sflag:s17] =	ssyncadd.s32 @!p0 $0xFFFFF000  }
0x42: {  	v24 =	vor.u32 v5, v13;
	v15 =	vld.idx.msk [tilespmem:v8+s26+$0x0], $0xffff  }
0x43: {  	v8 =	vor.u32 v5, v9;
	v16 =	vld.idx.msk [tilespmem:v10+s26+$0x0], $0xffff  }
0x44: {  	v10 =	vor.u32 v6, v9;
	v17 =	vld.idx.msk [tilespmem:v11+s26+$0x0], $0xffff  }
0x45: {  	v11 =	vor.u32 v0, v13;
	v18 =	vld.idx.msk [tilespmem:v12+s26+$0x0], $0xffff  }
0x46: {  	v12 =	vor.u32 v7, v13;
	v19 =	vld.idx.msk [tilespmem:v14+s26+$0x0], $0xffff  }
0x47: {  	v27 =	vor.u32 v7, v9;
	v14 =	vor.u32 v1, v13;
	v9 =	vld.idx.msk [tilespmem:v24+s26+$0x0], $0xffff  }
0x48: {  	s0 =	simm.s32 $0x2;
	v21 =	vor.u32 v2, v13;
	v20 =	vld.idx.msk [tilespmem:v8+s26+$0x0], $0xffff  }
0x49: {  	v23 =	vmov s0;
	v22 =	vld.idx.msk [tilespmem:v10+s26+$0x0], $0xffff;
	v10 =	vor.u32 v3, v13  }
0x4a: {  	v23 =	vand.u32 $0x1E, v23;
	v8 =	vld.idx.msk [tilespmem:v11+s26+$0x0], $0xffff;
	v11 =	vor.u32 v4, v13  }
0x4b: {  	v23 =	vbroadcast v23, $0x0;
	v26 =	vor.u32 v6, v13;
	v25 =	vld.idx.msk [tilespmem:v12+s26+$0x0], $0xffff  }
0x4c: {  	v12 =	vld.idx.msk [tilespmem:v14+s26+$0x0], $0xffff  }
0x4d: {  	v14 =	vld.idx.msk [tilespmem:v21+s26+$0x0], $0xffff;
	v21 =	vor.u32 v0, v23  }
0x4e: {  	v28 =	vor.u32 v1, v23;
	v13 =	vld.idx.msk [tilespmem:v10+s26+$0x0], $0xffff  }
0x4f: {  	s21 =	simm.s32 $0x7500;
	v24 =	vor.u32 v3, v23;
	v10 =	vld.idx.msk [tilespmem:v11+s26+$0x0], $0xffff  }
0x50: {  	s20 =	simm.s32 $0x0;
	v29 =	vor.u32 v2, v23;
	v11 =	vld.idx.msk [tilespmem:v26+s26+$0x0], $0xffff;
	[tilespmem:s21+$0xF0] =	vst v25  }
0x51: {  	v25 =	vld.idx.msk [tilespmem:v27+s26+$0x0], $0xffff;
	v26 =	vor.u32 v4, v23;
	v27 =	vmov s20;
	[tilespmem:s21+$0xFFFFFF80] =	vst v15  }
0x52: {  	v15 =	vld.idx.msk [tilespmem:v21+s26+$0x0], $0xffff;
	v21 =	vor.u32 v5, v23;
	[tilespmem:s21+$0xFFFFFF90] =	vst v16;
	v27 =	vand.u32 $0x1C, v27  }
0x53: {  	v16 =	vld.idx.msk [tilespmem:v28+s26+$0x0], $0xffff;
	v28 =	vor.u32 v6, v23;
	[tilespmem:s21+$0xFFFFFFA0] =	vst v17;
	v27 =	vbroadcast v27, $0x0  }
0x54: {  	v24 =	vld.idx.msk [tilespmem:v24+s26+$0x0], $0xffff;
	v23 =	vor.u32 v7, v23;
	[tilespmem:s21+$0xFFFFFFB0] =	vst v18  }
0x55: {  	v17 =	vld.idx.msk [tilespmem:v29+s26+$0x0], $0xffff;
	[tilespmem:s21+$0xFFFFFFC0] =	vst v19;
	v18 =	vor.u32 v0, v27  }
0x56: {  	[tilespmem:s21+$0xFFFFFFD0] =	vst v20;
	v29 =	vor.u32 v1, v27;
	v26 =	vld.idx.msk [tilespmem:v26+s26+$0x0], $0xffff  }
0x57: {  	[tilespmem:s21+$0xFFFFFFE0] =	vst v22;
	v30 =	vor.u32 v2, v27;
	v21 =	vld.idx.msk [tilespmem:v21+s26+$0x0], $0xffff  }
0x58: {  	s22 =	simm.s32 $0x5;
	v22 =	vld.idx.msk [tilespmem:v28+s26+$0x0], $0xffff;
	v28 =	vor.u32 v3, v27;
	[tilespmem:s21+$0xFFFFFFF0] =	vst v25  }
0x59: {  	v31 =	vld.idx.msk [tilespmem:v23+s26+$0x0], $0xffff;
	v23 =	vor.u32 v4, v27;
	[tilespmem:s21+$0x0] =	vst v15;
	v15 =	vmov s22  }
0x5a: {  	v32 =	vor.u32 v5, v27;
	[tilespmem:s21+$0x10] =	vst v16;
	v15 =	vand.u32 $0x1D, v15;
	v19 =	vld.idx.msk [tilespmem:v18+s26+$0x0], $0xffff  }
0x5b: {  	[tilespmem:s21+$0x20] =	vst v17;
	v15 =	vbroadcast v15, $0x0;
	v20 =	vld.idx.msk [tilespmem:v29+s26+$0x0], $0xffff;
	v29 =	vor.u32 v6, v27  }
0x5c: {  	[tilespmem:s21+$0x30] =	vst v24;
	v25 =	vor.u32 v7, v27;
	v18 =	vld.idx.msk [tilespmem:v30+s26+$0x0], $0xffff  }
0x5d: {  	v27 =	vor.u32 v0, v15;
	v16 =	vld.idx.msk [tilespmem:v28+s26+$0x0], $0xffff;
	[tilespmem:s21+$0x40] =	vst v26  }
0x5e: {  	v17 =	vld.idx.msk [tilespmem:v23+s26+$0x0], $0xffff;
	[tilespmem:s21+$0x50] =	vst v21;
	v23 =	vor.u32 v1, v15  }
0x5f: {  	s23 =	simm.s32 $0x7;
	v21 =	vld.idx.msk [tilespmem:v32+s26+$0x0], $0xffff;
	[tilespmem:s21+$0x60] =	vst v22;
	v26 =	vor.u32 v2, v15  }
0x60: {  	s20 =	sshll.u32 s18, $0x2;
	s22 =	simm.s32 $0x4;
	v24 =	vor.u32 v3, v15;
	v28 =	vmov s23;
	s23 =	simm.s32 $0x8;
	[tilespmem:s21+$0x70] =	vst v31;
	v22 =	vld.idx.msk [tilespmem:v29+s26+$0x0], $0xffff  }
.LBB2_3:
0x61: {  	p1 =	slt.u32 s23, $0x1C;
	v29 =	vor.u32 v4, v15;
	v28 =	vand.u32 $0x1F, v28;
	v25 =	vld.idx.msk [tilespmem:v25+s26+$0x0], $0xffff;
	[tilespmem:s21+$0x80] =	vst v8  }
0x62: {  	v8 =	vor.u32 v5, v15;
	v27 =	vld.idx.msk [tilespmem:v27+s26+$0x0], $0xffff;
	v28 =	vbroadcast v28, $0x0;
	[tilespmem:s21+$0x90] =	vst v12  }
0x63: {  	v12 =	vor.u32 v6, v15;
	v23 =	vld.idx.msk [tilespmem:v23+s26+$0x0], $0xffff;
	[tilespmem:s21+$0xA0] =	vst v14  }
0x64: {  	v26 =	vld.idx.msk [tilespmem:v26+s26+$0x0], $0xffff;
	v14 =	vor.u32 v0, v28;
	[tilespmem:s21+$0xB0] =	vst v13  }
0x65: {  	v13 =	vor.u32 v7, v28;
	v24 =	vld.idx.msk [tilespmem:v24+s26+$0x0], $0xffff;
	[tilespmem:s21+$0xC0] =	vst v10  }
0x66: {  	v10 =	vor.u32 v1, v28;
	v29 =	vld.idx.msk [tilespmem:v29+s26+$0x0], $0xffff;
	[tilespmem:s21+$0xD0] =	vst v9  }
0x67: {  	v9 =	vor.u32 v2, v28;
	v30 =	vld.idx.msk [tilespmem:v8+s26+$0x0], $0xffff;
	[tilespmem:s21+$0xE0] =	vst v11  }
0x68: {  	s17 =	sadd.s32 $0x2, s22;
	v11 =	vor.u32 v3, v28;
	v31 =	vld.idx.msk [tilespmem:v12+s26+$0x0], $0xffff;
	[tilespmem:s21+$0xFFFFFF00] =	vst v19  }
0x69: {  	v12 =	vmov s17;
	v19 =	vor.u32 v4, v28;
	v8 =	vld.idx.msk [tilespmem:v14+s26+$0x0], $0xffff;
	[tilespmem:s21+$0xFFFFFF10] =	vst v20  }
0x6a: {  	v12 =	vand.u32 $0x1E, v12;
	v20 =	vor.u32 v5, v28;
	v32 =	vld.idx.msk [tilespmem:v13+s26+$0x0], $0xffff;
	[tilespmem:s21+$0xFFFFFF20] =	vst v18  }
0x6b: {  	v28 =	vor.u32 v6, v28;
	v18 =	vbroadcast v12, $0x0;
	v12 =	vld.idx.msk [tilespmem:v10+s26+$0x0], $0xffff;
	[tilespmem:s21+$0xFFFFFF30] =	vst v16  }
0x6c: {  	v15 =	vor.u32 v7, v15;
	v14 =	vld.idx.msk [tilespmem:v9+s26+$0x0], $0xffff;
	[tilespmem:s21+$0xFFFFFF40] =	vst v17  }
0x6d: {  	v16 =	vor.u32 v0, v18;
	v13 =	vld.idx.msk [tilespmem:v11+s26+$0x0], $0xffff;
	[tilespmem:s21+$0xFFFFFF50] =	vst v21  }
0x6e: {  	v17 =	vor.u32 v1, v18;
	v10 =	vld.idx.msk [tilespmem:v19+s26+$0x0], $0xffff;
	[tilespmem:s21+$0xFFFFFF60] =	vst v22  }
0x6f: {  	v19 =	vor.u32 v2, v18;
	v9 =	vld.idx.msk [tilespmem:v20+s26+$0x0], $0xffff;
	[tilespmem:s21+$0xFFFFFF70] =	vst v25;
	s21 =	sadd.s32 $0x200, s21  }
0x70: {  	v20 =	vor.u32 v3, v18;
	v11 =	vld.idx.msk [tilespmem:v28+s26+$0x0], $0xffff;
	[tilespmem:s21+$0xF0] =	vst v32  }
0x71: {  	v21 =	vmov s22;
	s22 =	smov.u32 s23;
	v22 =	vor.u32 v4, v18;
	v15 =	vld.idx.msk [tilespmem:v15+s26+$0x0], $0xffff;
	[tilespmem:s21+$0xFFFFFF80] =	vst v27  }
0x72: {  	v21 =	vand.u32 $0x1C, v21;
	[tilespmem:s21+$0xFFFFFF90] =	vst v23;
	v16 =	vld.idx.msk [tilespmem:v16+s26+$0x0], $0xffff;
	v23 =	vor.u32 v5, v18  }
0x73: {  	v21 =	vbroadcast v21, $0x0;
	v25 =	vor.u32 v6, v18;
	[tilespmem:s21+$0xFFFFFFA0] =	vst v26;
	v17 =	vld.idx.msk [tilespmem:v17+s26+$0x0], $0xffff  }
0x74: {  	v18 =	vor.u32 v7, v18;
	[tilespmem:s21+$0xFFFFFFB0] =	vst v24;
	v24 =	vld.idx.msk [tilespmem:v19+s26+$0x0], $0xffff  }
0x75: {  	v19 =	vor.u32 v0, v21;
	[tilespmem:s21+$0xFFFFFFC0] =	vst v29;
	v26 =	vld.idx.msk [tilespmem:v20+s26+$0x0], $0xffff  }
0x76: {  	v20 =	vor.u32 v1, v21;
	[tilespmem:s21+$0xFFFFFFD0] =	vst v30;
	v22 =	vld.idx.msk [tilespmem:v22+s26+$0x0], $0xffff  }
0x77: {  	v27 =	vor.u32 v2, v21;
	[tilespmem:s21+$0xFFFFFFE0] =	vst v31;
	v28 =	vld.idx.msk [tilespmem:v23+s26+$0x0], $0xffff  }
0x78: {  	s17 =	sadd.s32 $0x1, s23;
	v23 =	vor.u32 v3, v21;
	[tilespmem:s21+$0xFFFFFFF0] =	vst v15;
	v29 =	vld.idx.msk [tilespmem:v25+s26+$0x0], $0xffff  }
0x79: {  	v30 =	vor.u32 v4, v21;
	v15 =	vmov s17;
	v31 =	vld.idx.msk [tilespmem:v18+s26+$0x0], $0xffff;
	[tilespmem:s21+$0x0] =	vst v16  }
0x7a: {  	v32 =	vor.u32 v5, v21;
	v15 =	vand.u32 $0x1D, v15;
	v19 =	vld.idx.msk [tilespmem:v19+s26+$0x0], $0xffff;
	[tilespmem:s21+$0x10] =	vst v17  }
0x7b: {  	v33 =	vor.u32 v6, v21;
	v15 =	vbroadcast v15, $0x0;
	v20 =	vld.idx.msk [tilespmem:v20+s26+$0x0], $0xffff;
	[tilespmem:s21+$0x20] =	vst v24  }
.Ltmp0:
0x7c: {  	v25 =	vor.u32 v7, v21;
	v18 =	vld.idx.msk [tilespmem:v27+s26+$0x0], $0xffff;
	[tilespmem:s21+$0x30] =	vst v26;
	(pc) =	sbr.rel @p1 .LBB2_3-.Ltmp0, $4  }
0x7d: {  	v27 =	vor.u32 v0, v15;
	v16 =	vld.idx.msk [tilespmem:v23+s26+$0x0], $0xffff;
	[tilespmem:s21+$0x40] =	vst v22  }
0x7e: {  	v23 =	vor.u32 v1, v15;
	v17 =	vld.idx.msk [tilespmem:v30+s26+$0x0], $0xffff;
	[tilespmem:s21+$0x50] =	vst v28  }
0x7f: {  	s17 =	sadd.s32 $0x3, s23;
	v26 =	vor.u32 v2, v15;
	v21 =	vld.idx.msk [tilespmem:v32+s26+$0x0], $0xffff;
	[tilespmem:s21+$0x60] =	vst v29  }
0x80: {  	s23 =	sadd.s32 $0x4, s23;
	v24 =	vor.u32 v3, v15;
	v28 =	vmov s17;
	v22 =	vld.idx.msk [tilespmem:v33+s26+$0x0], $0xffff;
	[tilespmem:s21+$0x70] =	vst v31  }
0x81: {  	_ = 	snop  }
0x82: {  	[tilespmem:s21+$0x80] =	vst v8  }
0x83: {  	[tilespmem:s21+$0x90] =	vst v12  }
0x84: {  	[tilespmem:s21+$0xA0] =	vst v14  }
0x85: {  	v29 =	vor.u32 v4, v15;
	v25 =	vld.idx.msk [tilespmem:v25+s26+$0x0], $0xffff;
	[tilespmem:s21+$0xB0] =	vst v13  }
0x86: {  	v28 =	vand.u32 $0x1F, v28;
	v8 =	vld.idx.msk [tilespmem:v27+s26+$0x0], $0xffff;
	v27 =	vor.u32 v5, v15;
	[tilespmem:s21+$0xC0] =	vst v10  }
0x87: {  	v12 =	vld.idx.msk [tilespmem:v23+s26+$0x0], $0xffff;
	v23 =	vor.u32 v6, v15;
	[tilespmem:s21+$0xD0] =	vst v9;
	v28 =	vbroadcast v28, $0x0  }
0x88: {  	v14 =	vld.idx.msk [tilespmem:v26+s26+$0x0], $0xffff;
	[tilespmem:s21+$0xE0] =	vst v11;
	v15 =	vor.u32 v7, v15  }
0x89: {  	v13 =	vld.idx.msk [tilespmem:v24+s26+$0x0], $0xffff;
	[tilespmem:s21+$0xFFFFFF00] =	vst v19;
	v26 =	vor.u32 v0, v28  }
0x8a: {  	s17 =	sadd.s32 $0x2, s22;
	[tilespmem:s21+$0xFFFFFF10] =	vst v20;
	v24 =	vor.u32 v7, v28;
	v10 =	vld.idx.msk [tilespmem:v29+s26+$0x0], $0xffff  }
0x8b: {  	[tilespmem:s21+$0xFFFFFF20] =	vst v18;
	v19 =	vmov s17;
	v20 =	vor.u32 v5, v28;
	v9 =	vld.idx.msk [tilespmem:v27+s26+$0x0], $0xffff  }
0x8c: {  	[tilespmem:s21+$0xFFFFFF30] =	vst v16;
	v19 =	vand.u32 $0x1E, v19;
	v29 =	vor.u32 v1, v28;
	v11 =	vld.idx.msk [tilespmem:v23+s26+$0x0], $0xffff  }
0x8d: {  	[tilespmem:s21+$0xFFFFFF40] =	vst v17;
	v18 =	vbroadcast v19, $0x0;
	v27 =	vor.u32 v2, v28;
	v15 =	vld.idx.msk [tilespmem:v15+s26+$0x0], $0xffff  }
0x8e: {  	[tilespmem:s21+$0xFFFFFF50] =	vst v21;
	v23 =	vor.u32 v3, v28;
	v26 =	vld.idx.msk [tilespmem:v26+s26+$0x0], $0xffff  }
0x8f: {  	[tilespmem:s21+$0xFFFFFF60] =	vst v22;
	v17 =	vor.u32 v0, v18;
	v24 =	vld.idx.msk [tilespmem:v24+s26+$0x0], $0xffff  }
0x90: {  	s17 =	sadd.s32 $0x200, s21;
	v30 =	vor.u32 v4, v28;
	[tilespmem:s21+$0xFFFFFF70] =	vst v25;
	v20 =	vld.idx.msk [tilespmem:v20+s26+$0x0], $0xffff  }
0x91: {  	v21 =	vor.u32 v1, v18;
	[tilespmem:s17+$0xFFFFFF80] =	vst v8;
	v19 =	vld.idx.msk [tilespmem:v29+s26+$0x0], $0xffff  }
0x92: {  	v28 =	vor.u32 v6, v28;
	[tilespmem:s17+$0xFFFFFF90] =	vst v12;
	v16 =	vld.idx.msk [tilespmem:v27+s26+$0x0], $0xffff  }
0x93: {  	v22 =	vor.u32 v2, v18;
	[tilespmem:s17+$0xFFFFFFA0] =	vst v14;
	v23 =	vld.idx.msk [tilespmem:v23+s26+$0x0], $0xffff  }
0x94: {  	[tilespmem:s17+$0xFFFFFFB0] =	vst v13;
	v8 =	vld.idx.msk [tilespmem:v17+s26+$0x0], $0xffff;
	v17 =	vor.u32 v5, v18  }
0x95: {  	v25 =	vor.u32 v3, v18;
	v27 =	vld.idx.msk [tilespmem:v30+s26+$0x0], $0xffff;
	[tilespmem:s17+$0xFFFFFFC0] =	vst v10  }
0x96: {  	v12 =	vld.idx.msk [tilespmem:v21+s26+$0x0], $0xffff;
	v21 =	vor.u32 v6, v18;
	[tilespmem:s17+$0xFFFFFFD0] =	vst v9  }
0x97: {  	v28 =	vld.idx.msk [tilespmem:v28+s26+$0x0], $0xffff;
	[tilespmem:s17+$0xF0] =	vst v24;
	v24 =	vor.u32 v4, v18  }
0x98: {  	v14 =	vld.idx.msk [tilespmem:v22+s26+$0x0], $0xffff;
	[tilespmem:s17+$0xFFFFFFE0] =	vst v11;
	v18 =	vor.u32 v7, v18  }
0x99: {  	[tilespmem:s17+$0xFFFFFFF0] =	vst v15;
	v9 =	vld.idx.msk [tilespmem:v17+s26+$0x0], $0xffff;
	v17 =	vmov s22  }
0x9a: {  	v13 =	vld.idx.msk [tilespmem:v25+s26+$0x0], $0xffff;
	[tilespmem:s17+$0x80] =	vst v26;
	v17 =	vand.u32 $0x1C, v17  }
0x9b: {  	[tilespmem:s17+$0xD0] =	vst v20;
	v11 =	vld.idx.msk [tilespmem:v21+s26+$0x0], $0xffff;
	v17 =	vbroadcast v17, $0x0  }
0x9c: {  	[tilespmem:s17+$0x90] =	vst v19;
	v10 =	vld.idx.msk [tilespmem:v24+s26+$0x0], $0xffff  }
0x9d: {  	v15 =	vld.idx.msk [tilespmem:v18+s26+$0x0], $0xffff;
	[tilespmem:s17+$0x0] =	vst v8;
	v8 =	vor.u32 v0, v17  }
0x9e: {  	[tilespmem:s17+$0x10] =	vst v12;
	v12 =	vor.u32 v1, v17  }
0x9f: {  	[tilespmem:s17+$0x30] =	vst v13;
	v13 =	vor.u32 v2, v17  }
0xa0: {  	[tilespmem:s17+$0x20] =	vst v14;
	v14 =	vor.u32 v6, v17  }
0xa1: {  	[tilespmem:s17+$0x50] =	vst v9;
	v9 =	vor.u32 v4, v17  }
0xa2: {  	[tilespmem:s17+$0x60] =	vst v11;
	v11 =	vor.u32 v5, v17;
	v8 =	vld.idx.msk [tilespmem:v8+s26+$0x0], $0xffff  }
0xa3: {  	[tilespmem:s17+$0x40] =	vst v10;
	v10 =	vor.u32 v3, v17;
	v12 =	vld.idx.msk [tilespmem:v12+s26+$0x0], $0xffff  }
0xa4: {  	[tilespmem:s17+$0x70] =	vst v15;
	v15 =	vor.u32 v7, v17;
	v13 =	vld.idx.msk [tilespmem:v13+s26+$0x0], $0xffff  }
0xa5: {  	[tilespmem:s17+$0xA0] =	vst v16;
	v14 =	vld.idx.msk [tilespmem:v14+s26+$0x0], $0xffff  }
0xa6: {  	[tilespmem:s17+$0xB0] =	vst v23;
	v9 =	vld.idx.msk [tilespmem:v9+s26+$0x0], $0xffff  }
0xa7: {  	[tilespmem:s17+$0xC0] =	vst v27;
	v11 =	vld.idx.msk [tilespmem:v11+s26+$0x0], $0xffff  }
0xa8: {  	[tilespmem:s17+$0xE0] =	vst v28;
	v10 =	vld.idx.msk [tilespmem:v10+s26+$0x0], $0xffff  }
0xa9: {  	v15 =	vld.idx.msk [tilespmem:v15+s26+$0x0], $0xffff;
	[tilespmem:s17+$0xFFFFFF00] =	vst v8  }
0xaa: {  	s22 =	sadd.s32 s3, s20;
	[tilespmem:s17+$0xFFFFFF10] =	vst v12  }
0xab: {  	s0 =	sshrl.u32 s22, $0x7;
	[tilespmem:s17+$0xFFFFFF20] =	vst v13  }
0xac: {  	s21 =	sshll.u32 s22, $0xA;
	s23 =	sshll.u32 s0, $0x11;
	[tilespmem:s17+$0xFFFFFF60] =	vst v14  }
0xad: {  	s22 =	sshll.u32 s0, $0x13;
	s21 =	ssub.s32 s21, s23;
	[tilespmem:s17+$0xFFFFFF40] =	vst v9  }
0xae: {  	s21 =	sadd.s32 s22, s21;
	[tilespmem:s17+$0xFFFFFF50] =	vst v11  }
0xaf: {  	s22 =	sshrl.u32 s21, $0x3;
	[tilespmem:s17+$0xFFFFFF30] =	vst v10  }
0xb0: {  	s23 =	sadd.s32 s2, s22;
	[tilespmem:s17+$0xFFFFFF70] =	vst v15  }
0xb1: {  	[hbm4b:s23+s4] =	stream.linear.scatter [tilespmem:s24], [sflag:$0x5], $0x400, $0x38;
	[tilespmem:$0x9400] =	vst v63  }
0xb2: {  	s24 =	sadd.s32 $0x20000, s21  }
0xb3: {  	s17 =	sshrl.u32 s24, $0x3  }
0xb4: {  	s0 =	sadd.s32 $0x40000, s21;
	s17 =	sadd.s32 s2, s17  }
0xb5: {  	[hbm4b:s17+s4] =	stream.linear.scatter [tilespmem:s29], [sflag:$0x5], $0x400, $0x38;
	[tilespmem:$0x9400] =	vst v63  }
0xb6: {  	s17 =	sshrl.u32 s0, $0x3  }
0xb7: {  	s21 =	sadd.s32 $0x60000, s21;
	s17 =	sadd.s32 s2, s17  }
0xb8: {  	[hbm4b:s17+s4] =	stream.linear.scatter [tilespmem:s6], [sflag:$0x5], $0x400, $0x38;
	[tilespmem:$0x9400] =	vst v63  }
0xb9: {  	s22 =	sshll.u32 s18, $0x9;
	s17 =	sshrl.u32 s21, $0x3  }
0xba: {  	s23 =	simm.s32 $0x1;
	s21 =	sand.u32 $0x3FFFFE00, s22;
	s17 =	sadd.s32 s2, s17  }
0xbb: {  	v8 =	vmov s23;
	[hbm4b:s17+s4] =	stream.linear.scatter [tilespmem:s7], [sflag:$0x5], $0x400, $0x38;
	[tilespmem:$0x9400] =	vst v63  }
0xbc: {  	v8 =	vand.u32 $0x1D, v8;
	s17 =	sadd.s32 $0x200, s21  }
0xbd: {  	v9 =	vbroadcast v8, $0x0;
	[tilespmem:s26], [sflag:$0x1] =	stream.indirect.gather [hbm4b:s5+s25], $0x20, s17, s25, $0xb8;
	[tilespmem:$0x9400] =	vst v63  }
0xbe: {  	_ =	swait.ge [sflag:s8], $0x1000  }
0xbf: {  	s24 =	simm.s32 $0x3;
	v8 =	vor.u32 v0, v9;
	[sflag:s8] =	ssyncset.done $0x0  }
0xc0: {  	v13 =	vmov s24;
	v10 =	vor.u32 v1, v9;
	s17 =	simm.s32 @!p0 $0x6;
	[sflag:s8] =	ssyncadd.s32 $0xFFFFF000  }
0xc1: {  	v13 =	vand.u32 $0x1F, v13;
	v11 =	vor.u32 v2, v9;
	_ =	swait.ge @!p0 [sflag:s17], $0x1000  }
0xc2: {  	v13 =	vbroadcast v13, $0x0;
	v12 =	vor.u32 v3, v9;
	[sflag:s17] =	ssyncset.done @!p0 $0x0  }
0xc3: {  	v14 =	vor.u32 v4, v9;
	[sflag:s17] =	ssyncadd.s32 @!p0 $0xFFFFF000  }
0xc4: {  	v24 =	vor.u32 v5, v13;
	v15 =	vld.idx.msk [tilespmem:v8+s28+$0x0], $0xffff  }
0xc5: {  	v8 =	vor.u32 v5, v9;
	v16 =	vld.idx.msk [tilespmem:v10+s28+$0x0], $0xffff  }
0xc6: {  	v10 =	vor.u32 v6, v9;
	v17 =	vld.idx.msk [tilespmem:v11+s28+$0x0], $0xffff  }
0xc7: {  	v11 =	vor.u32 v0, v13;
	v18 =	vld.idx.msk [tilespmem:v12+s28+$0x0], $0xffff  }
0xc8: {  	v12 =	vor.u32 v7, v13;
	v19 =	vld.idx.msk [tilespmem:v14+s28+$0x0], $0xffff  }
0xc9: {  	v27 =	vor.u32 v7, v9;
	v14 =	vor.u32 v1, v13;
	v9 =	vld.idx.msk [tilespmem:v24+s28+$0x0], $0xffff  }
0xca: {  	s0 =	simm.s32 $0x2;
	v21 =	vor.u32 v2, v13;
	v20 =	vld.idx.msk [tilespmem:v8+s28+$0x0], $0xffff  }
0xcb: {  	v23 =	vmov s0;
	v22 =	vld.idx.msk [tilespmem:v10+s28+$0x0], $0xffff;
	v10 =	vor.u32 v3, v13  }
0xcc: {  	v23 =	vand.u32 $0x1E, v23;
	v8 =	vld.idx.msk [tilespmem:v11+s28+$0x0], $0xffff;
	v11 =	vor.u32 v4, v13  }
0xcd: {  	v23 =	vbroadcast v23, $0x0;
	v26 =	vor.u32 v6, v13;
	v25 =	vld.idx.msk [tilespmem:v12+s28+$0x0], $0xffff  }
0xce: {  	v12 =	vld.idx.msk [tilespmem:v14+s28+$0x0], $0xffff  }
0xcf: {  	v14 =	vld.idx.msk [tilespmem:v21+s28+$0x0], $0xffff;
	v21 =	vor.u32 v0, v23  }
0xd0: {  	v28 =	vor.u32 v1, v23;
	v13 =	vld.idx.msk [tilespmem:v10+s28+$0x0], $0xffff  }
0xd1: {  	s23 =	simm.s32 $0x8500;
	v24 =	vor.u32 v3, v23;
	v10 =	vld.idx.msk [tilespmem:v11+s28+$0x0], $0xffff  }
0xd2: {  	s22 =	simm.s32 $0x0;
	v29 =	vor.u32 v2, v23;
	v11 =	vld.idx.msk [tilespmem:v26+s28+$0x0], $0xffff;
	[tilespmem:s23+$0xF0] =	vst v25  }
0xd3: {  	v25 =	vld.idx.msk [tilespmem:v27+s28+$0x0], $0xffff;
	v26 =	vor.u32 v4, v23;
	v27 =	vmov s22;
	[tilespmem:s23+$0xFFFFFF80] =	vst v15  }
0xd4: {  	v15 =	vld.idx.msk [tilespmem:v21+s28+$0x0], $0xffff;
	v21 =	vor.u32 v5, v23;
	[tilespmem:s23+$0xFFFFFF90] =	vst v16;
	v27 =	vand.u32 $0x1C, v27  }
0xd5: {  	v16 =	vld.idx.msk [tilespmem:v28+s28+$0x0], $0xffff;
	v28 =	vor.u32 v6, v23;
	[tilespmem:s23+$0xFFFFFFA0] =	vst v17;
	v27 =	vbroadcast v27, $0x0  }
0xd6: {  	v24 =	vld.idx.msk [tilespmem:v24+s28+$0x0], $0xffff;
	v23 =	vor.u32 v7, v23;
	[tilespmem:s23+$0xFFFFFFB0] =	vst v18  }
0xd7: {  	v17 =	vld.idx.msk [tilespmem:v29+s28+$0x0], $0xffff;
	[tilespmem:s23+$0xFFFFFFC0] =	vst v19;
	v18 =	vor.u32 v0, v27  }
0xd8: {  	[tilespmem:s23+$0xFFFFFFD0] =	vst v20;
	v29 =	vor.u32 v1, v27;
	v26 =	vld.idx.msk [tilespmem:v26+s28+$0x0], $0xffff  }
0xd9: {  	[tilespmem:s23+$0xFFFFFFE0] =	vst v22;
	v30 =	vor.u32 v2, v27;
	v21 =	vld.idx.msk [tilespmem:v21+s28+$0x0], $0xffff  }
0xda: {  	s24 =	simm.s32 $0x5;
	v22 =	vld.idx.msk [tilespmem:v28+s28+$0x0], $0xffff;
	v28 =	vor.u32 v3, v27;
	[tilespmem:s23+$0xFFFFFFF0] =	vst v25  }
0xdb: {  	v31 =	vld.idx.msk [tilespmem:v23+s28+$0x0], $0xffff;
	v23 =	vor.u32 v4, v27;
	[tilespmem:s23+$0x0] =	vst v15;
	v15 =	vmov s24  }
0xdc: {  	v32 =	vor.u32 v5, v27;
	[tilespmem:s23+$0x10] =	vst v16;
	v15 =	vand.u32 $0x1D, v15;
	v19 =	vld.idx.msk [tilespmem:v18+s28+$0x0], $0xffff  }
0xdd: {  	[tilespmem:s23+$0x20] =	vst v17;
	v15 =	vbroadcast v15, $0x0;
	v20 =	vld.idx.msk [tilespmem:v29+s28+$0x0], $0xffff;
	v29 =	vor.u32 v6, v27  }
0xde: {  	[tilespmem:s23+$0x30] =	vst v24;
	v25 =	vor.u32 v7, v27;
	v18 =	vld.idx.msk [tilespmem:v30+s28+$0x0], $0xffff  }
0xdf: {  	v27 =	vor.u32 v0, v15;
	v16 =	vld.idx.msk [tilespmem:v28+s28+$0x0], $0xffff;
	[tilespmem:s23+$0x40] =	vst v26  }
0xe0: {  	v17 =	vld.idx.msk [tilespmem:v23+s28+$0x0], $0xffff;
	[tilespmem:s23+$0x50] =	vst v21;
	v23 =	vor.u32 v1, v15  }
0xe1: {  	s0 =	simm.s32 $0x7;
	v21 =	vld.idx.msk [tilespmem:v32+s28+$0x0], $0xffff;
	[tilespmem:s23+$0x60] =	vst v22;
	v26 =	vor.u32 v2, v15  }
0xe2: {  	s17 =	simm.s32 $0x8;
	s22 =	sor.u32 $0x1, s20;
	s24 =	simm.s32 $0x4;
	v24 =	vor.u32 v3, v15;
	v28 =	vmov s0;
	[tilespmem:s23+$0x70] =	vst v31;
	v22 =	vld.idx.msk [tilespmem:v29+s28+$0x0], $0xffff  }
.LBB2_5:
0xe3: {  	p0 =	slt.u32 s17, $0x1C;
	v29 =	vor.u32 v4, v15;
	v28 =	vand.u32 $0x1F, v28;
	v25 =	vld.idx.msk [tilespmem:v25+s28+$0x0], $0xffff;
	[tilespmem:s23+$0x80] =	vst v8  }
0xe4: {  	v8 =	vor.u32 v5, v15;
	v27 =	vld.idx.msk [tilespmem:v27+s28+$0x0], $0xffff;
	v28 =	vbroadcast v28, $0x0;
	[tilespmem:s23+$0x90] =	vst v12  }
0xe5: {  	v12 =	vor.u32 v6, v15;
	v23 =	vld.idx.msk [tilespmem:v23+s28+$0x0], $0xffff;
	[tilespmem:s23+$0xA0] =	vst v14  }
0xe6: {  	v26 =	vld.idx.msk [tilespmem:v26+s28+$0x0], $0xffff;
	v14 =	vor.u32 v0, v28;
	[tilespmem:s23+$0xB0] =	vst v13  }
0xe7: {  	v13 =	vor.u32 v7, v28;
	v24 =	vld.idx.msk [tilespmem:v24+s28+$0x0], $0xffff;
	[tilespmem:s23+$0xC0] =	vst v10  }
0xe8: {  	v10 =	vor.u32 v1, v28;
	v29 =	vld.idx.msk [tilespmem:v29+s28+$0x0], $0xffff;
	[tilespmem:s23+$0xD0] =	vst v9  }
0xe9: {  	v9 =	vor.u32 v2, v28;
	v30 =	vld.idx.msk [tilespmem:v8+s28+$0x0], $0xffff;
	[tilespmem:s23+$0xE0] =	vst v11  }
0xea: {  	s0 =	sadd.s32 $0x2, s24;
	v11 =	vor.u32 v3, v28;
	v31 =	vld.idx.msk [tilespmem:v12+s28+$0x0], $0xffff;
	[tilespmem:s23+$0xFFFFFF00] =	vst v19  }
0xeb: {  	v12 =	vmov s0;
	v19 =	vor.u32 v4, v28;
	v8 =	vld.idx.msk [tilespmem:v14+s28+$0x0], $0xffff;
	[tilespmem:s23+$0xFFFFFF10] =	vst v20  }
0xec: {  	v12 =	vand.u32 $0x1E, v12;
	v20 =	vor.u32 v5, v28;
	v32 =	vld.idx.msk [tilespmem:v13+s28+$0x0], $0xffff;
	[tilespmem:s23+$0xFFFFFF20] =	vst v18  }
0xed: {  	v28 =	vor.u32 v6, v28;
	v18 =	vbroadcast v12, $0x0;
	v12 =	vld.idx.msk [tilespmem:v10+s28+$0x0], $0xffff;
	[tilespmem:s23+$0xFFFFFF30] =	vst v16  }
0xee: {  	v15 =	vor.u32 v7, v15;
	v14 =	vld.idx.msk [tilespmem:v9+s28+$0x0], $0xffff;
	[tilespmem:s23+$0xFFFFFF40] =	vst v17  }
0xef: {  	v16 =	vor.u32 v0, v18;
	v13 =	vld.idx.msk [tilespmem:v11+s28+$0x0], $0xffff;
	[tilespmem:s23+$0xFFFFFF50] =	vst v21  }
0xf0: {  	v17 =	vor.u32 v1, v18;
	v10 =	vld.idx.msk [tilespmem:v19+s28+$0x0], $0xffff;
	[tilespmem:s23+$0xFFFFFF60] =	vst v22  }
0xf1: {  	v19 =	vor.u32 v2, v18;
	v9 =	vld.idx.msk [tilespmem:v20+s28+$0x0], $0xffff;
	[tilespmem:s23+$0xFFFFFF70] =	vst v25;
	s23 =	sadd.s32 $0x200, s23  }
0xf2: {  	v20 =	vor.u32 v3, v18;
	v11 =	vld.idx.msk [tilespmem:v28+s28+$0x0], $0xffff;
	[tilespmem:s23+$0xF0] =	vst v32  }
0xf3: {  	v21 =	vmov s24;
	s24 =	smov.u32 s17;
	v22 =	vor.u32 v4, v18;
	v15 =	vld.idx.msk [tilespmem:v15+s28+$0x0], $0xffff;
	[tilespmem:s23+$0xFFFFFF80] =	vst v27  }
0xf4: {  	v21 =	vand.u32 $0x1C, v21;
	[tilespmem:s23+$0xFFFFFF90] =	vst v23;
	v16 =	vld.idx.msk [tilespmem:v16+s28+$0x0], $0xffff;
	v23 =	vor.u32 v5, v18  }
0xf5: {  	v21 =	vbroadcast v21, $0x0;
	v25 =	vor.u32 v6, v18;
	[tilespmem:s23+$0xFFFFFFA0] =	vst v26;
	v17 =	vld.idx.msk [tilespmem:v17+s28+$0x0], $0xffff  }
0xf6: {  	v18 =	vor.u32 v7, v18;
	[tilespmem:s23+$0xFFFFFFB0] =	vst v24;
	v24 =	vld.idx.msk [tilespmem:v19+s28+$0x0], $0xffff  }
0xf7: {  	v19 =	vor.u32 v0, v21;
	[tilespmem:s23+$0xFFFFFFC0] =	vst v29;
	v26 =	vld.idx.msk [tilespmem:v20+s28+$0x0], $0xffff  }
0xf8: {  	v20 =	vor.u32 v1, v21;
	[tilespmem:s23+$0xFFFFFFD0] =	vst v30;
	v22 =	vld.idx.msk [tilespmem:v22+s28+$0x0], $0xffff  }
0xf9: {  	v27 =	vor.u32 v2, v21;
	[tilespmem:s23+$0xFFFFFFE0] =	vst v31;
	v28 =	vld.idx.msk [tilespmem:v23+s28+$0x0], $0xffff  }
0xfa: {  	s0 =	sadd.s32 $0x1, s17;
	v23 =	vor.u32 v3, v21;
	[tilespmem:s23+$0xFFFFFFF0] =	vst v15;
	v29 =	vld.idx.msk [tilespmem:v25+s28+$0x0], $0xffff  }
0xfb: {  	v30 =	vor.u32 v4, v21;
	v15 =	vmov s0;
	v31 =	vld.idx.msk [tilespmem:v18+s28+$0x0], $0xffff;
	[tilespmem:s23+$0x0] =	vst v16  }
0xfc: {  	v32 =	vor.u32 v5, v21;
	v15 =	vand.u32 $0x1D, v15;
	v19 =	vld.idx.msk [tilespmem:v19+s28+$0x0], $0xffff;
	[tilespmem:s23+$0x10] =	vst v17  }
0xfd: {  	v33 =	vor.u32 v6, v21;
	v15 =	vbroadcast v15, $0x0;
	v20 =	vld.idx.msk [tilespmem:v20+s28+$0x0], $0xffff;
	[tilespmem:s23+$0x20] =	vst v24  }
.Ltmp1:
0xfe: {  	v25 =	vor.u32 v7, v21;
	v18 =	vld.idx.msk [tilespmem:v27+s28+$0x0], $0xffff;
	[tilespmem:s23+$0x30] =	vst v26;
	(pc) =	sbr.rel @p0 .LBB2_5-.Ltmp1, $4  }
0xff: {  	v27 =	vor.u32 v0, v15;
	v16 =	vld.idx.msk [tilespmem:v23+s28+$0x0], $0xffff;
	[tilespmem:s23+$0x40] =	vst v22  }
0x100: {  	v23 =	vor.u32 v1, v15;
	v17 =	vld.idx.msk [tilespmem:v30+s28+$0x0], $0xffff;
	[tilespmem:s23+$0x50] =	vst v28  }
0x101: {  	s0 =	sadd.s32 $0x3, s17;
	v26 =	vor.u32 v2, v15;
	v21 =	vld.idx.msk [tilespmem:v32+s28+$0x0], $0xffff;
	[tilespmem:s23+$0x60] =	vst v29  }
0x102: {  	s17 =	sadd.s32 $0x4, s17;
	v24 =	vor.u32 v3, v15;
	v28 =	vmov s0;
	v22 =	vld.idx.msk [tilespmem:v33+s28+$0x0], $0xffff;
	[tilespmem:s23+$0x70] =	vst v31  }
0x103: {  	_ = 	snop  }
0x104: {  	[tilespmem:s23+$0x80] =	vst v8  }
0x105: {  	[tilespmem:s23+$0x90] =	vst v12  }
0x106: {  	[tilespmem:s23+$0xA0] =	vst v14  }
0x107: {  	v29 =	vor.u32 v4, v15;
	v25 =	vld.idx.msk [tilespmem:v25+s28+$0x0], $0xffff;
	[tilespmem:s23+$0xB0] =	vst v13  }
0x108: {  	v28 =	vand.u32 $0x1F, v28;
	v8 =	vld.idx.msk [tilespmem:v27+s28+$0x0], $0xffff;
	v27 =	vor.u32 v5, v15;
	[tilespmem:s23+$0xC0] =	vst v10  }
0x109: {  	v12 =	vld.idx.msk [tilespmem:v23+s28+$0x0], $0xffff;
	v23 =	vor.u32 v6, v15;
	[tilespmem:s23+$0xD0] =	vst v9;
	v28 =	vbroadcast v28, $0x0  }
0x10a: {  	v14 =	vld.idx.msk [tilespmem:v26+s28+$0x0], $0xffff;
	[tilespmem:s23+$0xE0] =	vst v11;
	v15 =	vor.u32 v7, v15  }
0x10b: {  	v13 =	vld.idx.msk [tilespmem:v24+s28+$0x0], $0xffff;
	[tilespmem:s23+$0xFFFFFF00] =	vst v19;
	v26 =	vor.u32 v0, v28  }
0x10c: {  	s0 =	sadd.s32 $0x2, s24;
	[tilespmem:s23+$0xFFFFFF10] =	vst v20;
	v24 =	vor.u32 v7, v28;
	v10 =	vld.idx.msk [tilespmem:v29+s28+$0x0], $0xffff  }
0x10d: {  	[tilespmem:s23+$0xFFFFFF20] =	vst v18;
	v19 =	vmov s0;
	v20 =	vor.u32 v5, v28;
	v9 =	vld.idx.msk [tilespmem:v27+s28+$0x0], $0xffff  }
0x10e: {  	[tilespmem:s23+$0xFFFFFF30] =	vst v16;
	v19 =	vand.u32 $0x1E, v19;
	v29 =	vor.u32 v1, v28;
	v11 =	vld.idx.msk [tilespmem:v23+s28+$0x0], $0xffff  }
0x10f: {  	[tilespmem:s23+$0xFFFFFF40] =	vst v17;
	v18 =	vbroadcast v19, $0x0;
	v27 =	vor.u32 v2, v28;
	v15 =	vld.idx.msk [tilespmem:v15+s28+$0x0], $0xffff  }
0x110: {  	[tilespmem:s23+$0xFFFFFF50] =	vst v21;
	v23 =	vor.u32 v3, v28;
	v26 =	vld.idx.msk [tilespmem:v26+s28+$0x0], $0xffff  }
0x111: {  	[tilespmem:s23+$0xFFFFFF60] =	vst v22;
	v17 =	vor.u32 v0, v18;
	v24 =	vld.idx.msk [tilespmem:v24+s28+$0x0], $0xffff  }
0x112: {  	s17 =	sadd.s32 $0x200, s23;
	v30 =	vor.u32 v4, v28;
	[tilespmem:s23+$0xFFFFFF70] =	vst v25;
	v20 =	vld.idx.msk [tilespmem:v20+s28+$0x0], $0xffff  }
0x113: {  	v21 =	vor.u32 v1, v18;
	[tilespmem:s17+$0xFFFFFF80] =	vst v8;
	v19 =	vld.idx.msk [tilespmem:v29+s28+$0x0], $0xffff  }
0x114: {  	v28 =	vor.u32 v6, v28;
	[tilespmem:s17+$0xFFFFFF90] =	vst v12;
	v16 =	vld.idx.msk [tilespmem:v27+s28+$0x0], $0xffff  }
0x115: {  	v22 =	vor.u32 v2, v18;
	[tilespmem:s17+$0xFFFFFFA0] =	vst v14;
	v23 =	vld.idx.msk [tilespmem:v23+s28+$0x0], $0xffff  }
0x116: {  	[tilespmem:s17+$0xFFFFFFB0] =	vst v13;
	v8 =	vld.idx.msk [tilespmem:v17+s28+$0x0], $0xffff;
	v17 =	vor.u32 v5, v18  }
0x117: {  	v25 =	vor.u32 v3, v18;
	v27 =	vld.idx.msk [tilespmem:v30+s28+$0x0], $0xffff;
	[tilespmem:s17+$0xFFFFFFC0] =	vst v10  }
0x118: {  	v12 =	vld.idx.msk [tilespmem:v21+s28+$0x0], $0xffff;
	v21 =	vor.u32 v6, v18;
	[tilespmem:s17+$0xFFFFFFD0] =	vst v9  }
0x119: {  	v28 =	vld.idx.msk [tilespmem:v28+s28+$0x0], $0xffff;
	[tilespmem:s17+$0xF0] =	vst v24;
	v24 =	vor.u32 v4, v18  }
0x11a: {  	v14 =	vld.idx.msk [tilespmem:v22+s28+$0x0], $0xffff;
	[tilespmem:s17+$0xFFFFFFE0] =	vst v11;
	v18 =	vor.u32 v7, v18  }
0x11b: {  	[tilespmem:s17+$0xFFFFFFF0] =	vst v15;
	v9 =	vld.idx.msk [tilespmem:v17+s28+$0x0], $0xffff;
	v17 =	vmov s24  }
0x11c: {  	v13 =	vld.idx.msk [tilespmem:v25+s28+$0x0], $0xffff;
	[tilespmem:s17+$0x80] =	vst v26;
	v17 =	vand.u32 $0x1C, v17  }
0x11d: {  	[tilespmem:s17+$0xD0] =	vst v20;
	v11 =	vld.idx.msk [tilespmem:v21+s28+$0x0], $0xffff;
	v17 =	vbroadcast v17, $0x0  }
0x11e: {  	[tilespmem:s17+$0x90] =	vst v19;
	v10 =	vld.idx.msk [tilespmem:v24+s28+$0x0], $0xffff  }
0x11f: {  	v15 =	vld.idx.msk [tilespmem:v18+s28+$0x0], $0xffff;
	[tilespmem:s17+$0x0] =	vst v8;
	v8 =	vor.u32 v0, v17  }
0x120: {  	[tilespmem:s17+$0x10] =	vst v12;
	v12 =	vor.u32 v1, v17  }
0x121: {  	[tilespmem:s17+$0x30] =	vst v13;
	v13 =	vor.u32 v2, v17  }
0x122: {  	[tilespmem:s17+$0x20] =	vst v14;
	v14 =	vor.u32 v6, v17  }
0x123: {  	[tilespmem:s17+$0x50] =	vst v9;
	v9 =	vor.u32 v4, v17  }
0x124: {  	[tilespmem:s17+$0x60] =	vst v11;
	v11 =	vor.u32 v5, v17;
	v8 =	vld.idx.msk [tilespmem:v8+s28+$0x0], $0xffff  }
0x125: {  	[tilespmem:s17+$0x40] =	vst v10;
	v10 =	vor.u32 v3, v17;
	v12 =	vld.idx.msk [tilespmem:v12+s28+$0x0], $0xffff  }
0x126: {  	[tilespmem:s17+$0x70] =	vst v15;
	v15 =	vor.u32 v7, v17;
	v13 =	vld.idx.msk [tilespmem:v13+s28+$0x0], $0xffff  }
0x127: {  	[tilespmem:s17+$0xA0] =	vst v16;
	v14 =	vld.idx.msk [tilespmem:v14+s28+$0x0], $0xffff  }
0x128: {  	[tilespmem:s17+$0xB0] =	vst v23;
	v9 =	vld.idx.msk [tilespmem:v9+s28+$0x0], $0xffff  }
0x129: {  	[tilespmem:s17+$0xC0] =	vst v27;
	v11 =	vld.idx.msk [tilespmem:v11+s28+$0x0], $0xffff  }
0x12a: {  	[tilespmem:s17+$0xE0] =	vst v28;
	v10 =	vld.idx.msk [tilespmem:v10+s28+$0x0], $0xffff  }
0x12b: {  	v15 =	vld.idx.msk [tilespmem:v15+s28+$0x0], $0xffff;
	[tilespmem:s17+$0xFFFFFF00] =	vst v8  }
0x12c: {  	s23 =	sadd.s32 s3, s22;
	[tilespmem:s17+$0xFFFFFF10] =	vst v12  }
0x12d: {  	s22 =	sshrl.u32 s23, $0x7;
	[tilespmem:s17+$0xFFFFFF20] =	vst v13  }
0x12e: {  	s0 =	sshll.u32 s23, $0xA;
	s24 =	sshll.u32 s22, $0x11;
	[tilespmem:s17+$0xFFFFFF60] =	vst v14  }
0x12f: {  	s22 =	sshll.u32 s22, $0x13;
	s0 =	ssub.s32 s0, s24;
	[tilespmem:s17+$0xFFFFFF40] =	vst v9  }
0x130: {  	s0 =	sadd.s32 s22, s0;
	[tilespmem:s17+$0xFFFFFF50] =	vst v11  }
0x131: {  	s22 =	sshrl.u32 s0, $0x3;
	[tilespmem:s17+$0xFFFFFF30] =	vst v10  }
0x132: {  	s24 =	sadd.s32 $0x20000, s0;
	s22 =	sadd.s32 s2, s22;
	[tilespmem:s17+$0xFFFFFF70] =	vst v15;
	s17 =	simm.s32 $0x0  }
0x133: {  	[hbm4b:s22+s17] =	stream.linear.scatter [tilespmem:s9], [sflag:$0x6], $0x400, $0x38;
	[tilespmem:$0x9400] =	vst v63  }
0x134: {  	s22 =	sshrl.u32 s24, $0x3  }
0x135: {  	s23 =	sadd.s32 $0x40000, s0;
	s22 =	sadd.s32 s2, s22  }
0x136: {  	[hbm4b:s22+s17] =	stream.linear.scatter [tilespmem:s10], [sflag:$0x6], $0x400, $0x38;
	[tilespmem:$0x9400] =	vst v63  }
0x137: {  	s0 =	sadd.s32 $0x60000, s0;
	s22 =	sshrl.u32 s23, $0x3  }
0x138: {  	s0 =	sshrl.u32 s0, $0x3;
	s22 =	sadd.s32 s2, s22  }
0x139: {  	[hbm4b:s22+s17] =	stream.linear.scatter [tilespmem:s11], [sflag:$0x6], $0x400, $0x38;
	[tilespmem:$0x9400] =	vst v63  }
0x13a: {  	s0 =	sadd.s32 s2, s0;
	s24 =	simm.s32 $0x1  }
0x13b: {  	v8 =	vmov s24;
	[hbm4b:s0+s17] =	stream.linear.scatter [tilespmem:s12], [sflag:$0x6], $0x400, $0x38;
	[tilespmem:$0x9400] =	vst v63  }
0x13c: {  	s23 =	sadd.s32 $0x280, s21;
	v8 =	vand.u32 $0x1D, v8  }
0x13d: {  	v9 =	vbroadcast v8, $0x0;
	[tilespmem:s28], [sflag:$0x2] =	stream.indirect.gather [hbm4b:s5+s25], $0x20, s23, s25, $0xb8;
	[tilespmem:$0x9400] =	vst v63  }
0x13e: {  	_ =	swait.ge [sflag:s13], $0x1000  }
0x13f: {  	s24 =	simm.s32 $0x3;
	v8 =	vor.u32 v0, v9;
	[sflag:s13] =	ssyncset.done $0x0  }
0x140: {  	v13 =	vmov s24;
	v10 =	vor.u32 v1, v9;
	[sflag:s13] =	ssyncadd.s32 $0xFFFFF000  }
0x141: {  	v13 =	vand.u32 $0x1F, v13;
	v11 =	vor.u32 v2, v9;
	_ =	swait.ge [sflag:s14], $0x1000  }
0x142: {  	v13 =	vbroadcast v13, $0x0;
	v12 =	vor.u32 v3, v9;
	[sflag:s14] =	ssyncset.done $0x0  }
0x143: {  	v14 =	vor.u32 v4, v9;
	[sflag:s14] =	ssyncadd.s32 $0xFFFFF000  }
0x144: {  	v24 =	vor.u32 v5, v13;
	v15 =	vld.idx.msk [tilespmem:v8+s30+$0x0], $0xffff  }
0x145: {  	v8 =	vor.u32 v5, v9;
	v16 =	vld.idx.msk [tilespmem:v10+s30+$0x0], $0xffff  }
0x146: {  	v10 =	vor.u32 v6, v9;
	v17 =	vld.idx.msk [tilespmem:v11+s30+$0x0], $0xffff  }
0x147: {  	v11 =	vor.u32 v0, v13;
	v18 =	vld.idx.msk [tilespmem:v12+s30+$0x0], $0xffff  }
0x148: {  	v12 =	vor.u32 v7, v13;
	v19 =	vld.idx.msk [tilespmem:v14+s30+$0x0], $0xffff  }
0x149: {  	v27 =	vor.u32 v7, v9;
	v14 =	vor.u32 v1, v13;
	v9 =	vld.idx.msk [tilespmem:v24+s30+$0x0], $0xffff  }
0x14a: {  	s22 =	simm.s32 $0x2;
	v21 =	vor.u32 v2, v13;
	v20 =	vld.idx.msk [tilespmem:v8+s30+$0x0], $0xffff  }
0x14b: {  	v23 =	vmov s22;
	v22 =	vld.idx.msk [tilespmem:v10+s30+$0x0], $0xffff;
	v10 =	vor.u32 v3, v13  }
0x14c: {  	v23 =	vand.u32 $0x1E, v23;
	v8 =	vld.idx.msk [tilespmem:v11+s30+$0x0], $0xffff;
	v11 =	vor.u32 v4, v13  }
0x14d: {  	v26 =	vor.u32 v6, v13;
	v23 =	vbroadcast v23, $0x0;
	v25 =	vld.idx.msk [tilespmem:v12+s30+$0x0], $0xffff  }
0x14e: {  	v12 =	vld.idx.msk [tilespmem:v14+s30+$0x0], $0xffff  }
0x14f: {  	v14 =	vld.idx.msk [tilespmem:v21+s30+$0x0], $0xffff;
	v21 =	vor.u32 v0, v23  }
0x150: {  	v28 =	vor.u32 v1, v23;
	v13 =	vld.idx.msk [tilespmem:v10+s30+$0x0], $0xffff  }
0x151: {  	s22 =	simm.s32 $0x7500;
	v24 =	vor.u32 v3, v23;
	v10 =	vld.idx.msk [tilespmem:v11+s30+$0x0], $0xffff  }
0x152: {  	v29 =	vor.u32 v2, v23;
	v11 =	vld.idx.msk [tilespmem:v26+s30+$0x0], $0xffff;
	[tilespmem:s22+$0xF0] =	vst v25  }
0x153: {  	v25 =	vld.idx.msk [tilespmem:v27+s30+$0x0], $0xffff;
	v26 =	vor.u32 v4, v23;
	v27 =	vmov s17;
	[tilespmem:s22+$0xFFFFFF80] =	vst v15  }
0x154: {  	v15 =	vld.idx.msk [tilespmem:v21+s30+$0x0], $0xffff;
	v21 =	vor.u32 v5, v23;
	[tilespmem:s22+$0xFFFFFF90] =	vst v16;
	v27 =	vand.u32 $0x1C, v27  }
0x155: {  	v16 =	vld.idx.msk [tilespmem:v28+s30+$0x0], $0xffff;
	v28 =	vor.u32 v6, v23;
	[tilespmem:s22+$0xFFFFFFA0] =	vst v17;
	v27 =	vbroadcast v27, $0x0  }
0x156: {  	v24 =	vld.idx.msk [tilespmem:v24+s30+$0x0], $0xffff;
	v23 =	vor.u32 v7, v23;
	[tilespmem:s22+$0xFFFFFFB0] =	vst v18  }
0x157: {  	v17 =	vld.idx.msk [tilespmem:v29+s30+$0x0], $0xffff;
	[tilespmem:s22+$0xFFFFFFC0] =	vst v19;
	v18 =	vor.u32 v0, v27  }
0x158: {  	[tilespmem:s22+$0xFFFFFFD0] =	vst v20;
	v29 =	vor.u32 v1, v27;
	v26 =	vld.idx.msk [tilespmem:v26+s30+$0x0], $0xffff  }
0x159: {  	[tilespmem:s22+$0xFFFFFFE0] =	vst v22;
	v30 =	vor.u32 v2, v27;
	v21 =	vld.idx.msk [tilespmem:v21+s30+$0x0], $0xffff  }
0x15a: {  	s23 =	simm.s32 $0x5;
	v22 =	vld.idx.msk [tilespmem:v28+s30+$0x0], $0xffff;
	v28 =	vor.u32 v3, v27;
	[tilespmem:s22+$0xFFFFFFF0] =	vst v25  }
0x15b: {  	v31 =	vld.idx.msk [tilespmem:v23+s30+$0x0], $0xffff;
	v23 =	vor.u32 v4, v27;
	[tilespmem:s22+$0x0] =	vst v15;
	v15 =	vmov s23  }
0x15c: {  	v25 =	vor.u32 v5, v27;
	[tilespmem:s22+$0x10] =	vst v16;
	v15 =	vand.u32 $0x1D, v15;
	v19 =	vld.idx.msk [tilespmem:v18+s30+$0x0], $0xffff  }
0x15d: {  	[tilespmem:s22+$0x20] =	vst v17;
	v15 =	vbroadcast v15, $0x0;
	v20 =	vld.idx.msk [tilespmem:v29+s30+$0x0], $0xffff;
	v29 =	vor.u32 v6, v27  }
0x15e: {  	v18 =	vld.idx.msk [tilespmem:v30+s30+$0x0], $0xffff;
	[tilespmem:s22+$0x40] =	vst v26;
	v26 =	vor.u32 v7, v27  }
0x15f: {  	[tilespmem:s22+$0x30] =	vst v24;
	v16 =	vld.idx.msk [tilespmem:v28+s30+$0x0], $0xffff;
	v27 =	vor.u32 v0, v15  }
0x160: {  	v17 =	vld.idx.msk [tilespmem:v23+s30+$0x0], $0xffff;
	[tilespmem:s22+$0x50] =	vst v21;
	v23 =	vor.u32 v1, v15  }
0x161: {  	s24 =	simm.s32 $0x7;
	v21 =	vld.idx.msk [tilespmem:v25+s30+$0x0], $0xffff;
	[tilespmem:s22+$0x60] =	vst v22;
	v25 =	vor.u32 v2, v15  }
0x162: {  	s17 =	simm.s32 $0x8;
	s23 =	simm.s32 $0x4;
	v24 =	vor.u32 v3, v15;
	v28 =	vmov s24;
	[tilespmem:s22+$0x70] =	vst v31;
	v22 =	vld.idx.msk [tilespmem:v29+s30+$0x0], $0xffff  }
.LBB2_7:
0x163: {  	p0 =	slt.u32 s17, $0x1C;
	v29 =	vor.u32 v4, v15;
	v28 =	vand.u32 $0x1F, v28;
	v26 =	vld.idx.msk [tilespmem:v26+s30+$0x0], $0xffff;
	[tilespmem:s22+$0x80] =	vst v8  }
0x164: {  	v8 =	vor.u32 v5, v15;
	v27 =	vld.idx.msk [tilespmem:v27+s30+$0x0], $0xffff;
	v28 =	vbroadcast v28, $0x0;
	[tilespmem:s22+$0x90] =	vst v12  }
0x165: {  	v12 =	vor.u32 v6, v15;
	v23 =	vld.idx.msk [tilespmem:v23+s30+$0x0], $0xffff;
	[tilespmem:s22+$0xA0] =	vst v14  }
0x166: {  	v25 =	vld.idx.msk [tilespmem:v25+s30+$0x0], $0xffff;
	v14 =	vor.u32 v0, v28;
	[tilespmem:s22+$0xB0] =	vst v13  }
0x167: {  	v13 =	vor.u32 v7, v28;
	v24 =	vld.idx.msk [tilespmem:v24+s30+$0x0], $0xffff;
	[tilespmem:s22+$0xC0] =	vst v10  }
0x168: {  	v10 =	vor.u32 v1, v28;
	v29 =	vld.idx.msk [tilespmem:v29+s30+$0x0], $0xffff;
	[tilespmem:s22+$0xD0] =	vst v9  }
0x169: {  	v9 =	vor.u32 v2, v28;
	v30 =	vld.idx.msk [tilespmem:v8+s30+$0x0], $0xffff;
	[tilespmem:s22+$0xE0] =	vst v11  }
0x16a: {  	s0 =	sadd.s32 $0x2, s23;
	v11 =	vor.u32 v3, v28;
	v31 =	vld.idx.msk [tilespmem:v12+s30+$0x0], $0xffff;
	[tilespmem:s22+$0xFFFFFF00] =	vst v19  }
0x16b: {  	v12 =	vmov s0;
	v19 =	vor.u32 v4, v28;
	v8 =	vld.idx.msk [tilespmem:v14+s30+$0x0], $0xffff;
	[tilespmem:s22+$0xFFFFFF10] =	vst v20  }
0x16c: {  	v12 =	vand.u32 $0x1E, v12;
	v20 =	vor.u32 v5, v28;
	v32 =	vld.idx.msk [tilespmem:v13+s30+$0x0], $0xffff;
	[tilespmem:s22+$0xFFFFFF20] =	vst v18  }
0x16d: {  	v28 =	vor.u32 v6, v28;
	v18 =	vbroadcast v12, $0x0;
	v12 =	vld.idx.msk [tilespmem:v10+s30+$0x0], $0xffff;
	[tilespmem:s22+$0xFFFFFF30] =	vst v16  }
0x16e: {  	v15 =	vor.u32 v7, v15;
	v14 =	vld.idx.msk [tilespmem:v9+s30+$0x0], $0xffff;
	[tilespmem:s22+$0xFFFFFF40] =	vst v17  }
0x16f: {  	v16 =	vor.u32 v0, v18;
	v13 =	vld.idx.msk [tilespmem:v11+s30+$0x0], $0xffff;
	[tilespmem:s22+$0xFFFFFF50] =	vst v21  }
0x170: {  	v17 =	vor.u32 v1, v18;
	v10 =	vld.idx.msk [tilespmem:v19+s30+$0x0], $0xffff;
	[tilespmem:s22+$0xFFFFFF60] =	vst v22  }
0x171: {  	v19 =	vor.u32 v2, v18;
	v9 =	vld.idx.msk [tilespmem:v20+s30+$0x0], $0xffff;
	[tilespmem:s22+$0xFFFFFF70] =	vst v26;
	s22 =	sadd.s32 $0x200, s22  }
0x172: {  	v20 =	vor.u32 v3, v18;
	v11 =	vld.idx.msk [tilespmem:v28+s30+$0x0], $0xffff;
	[tilespmem:s22+$0xF0] =	vst v32  }
0x173: {  	v21 =	vmov s23;
	s23 =	smov.u32 s17;
	v22 =	vor.u32 v4, v18;
	v15 =	vld.idx.msk [tilespmem:v15+s30+$0x0], $0xffff;
	[tilespmem:s22+$0xFFFFFF80] =	vst v27  }
0x174: {  	v21 =	vand.u32 $0x1C, v21;
	[tilespmem:s22+$0xFFFFFF90] =	vst v23;
	v16 =	vld.idx.msk [tilespmem:v16+s30+$0x0], $0xffff;
	v23 =	vor.u32 v5, v18  }
0x175: {  	v21 =	vbroadcast v21, $0x0;
	[tilespmem:s22+$0xFFFFFFA0] =	vst v25;
	v17 =	vld.idx.msk [tilespmem:v17+s30+$0x0], $0xffff;
	v25 =	vor.u32 v6, v18  }
0x176: {  	v18 =	vor.u32 v7, v18;
	[tilespmem:s22+$0xFFFFFFB0] =	vst v24;
	v24 =	vld.idx.msk [tilespmem:v19+s30+$0x0], $0xffff  }
0x177: {  	v19 =	vor.u32 v0, v21;
	[tilespmem:s22+$0xFFFFFFC0] =	vst v29;
	v27 =	vld.idx.msk [tilespmem:v20+s30+$0x0], $0xffff  }
0x178: {  	v20 =	vor.u32 v1, v21;
	[tilespmem:s22+$0xFFFFFFD0] =	vst v30;
	v22 =	vld.idx.msk [tilespmem:v22+s30+$0x0], $0xffff  }
0x179: {  	v26 =	vor.u32 v2, v21;
	[tilespmem:s22+$0xFFFFFFE0] =	vst v31;
	v28 =	vld.idx.msk [tilespmem:v23+s30+$0x0], $0xffff  }
0x17a: {  	s0 =	sadd.s32 $0x1, s17;
	v23 =	vor.u32 v3, v21;
	[tilespmem:s22+$0xFFFFFFF0] =	vst v15;
	v29 =	vld.idx.msk [tilespmem:v25+s30+$0x0], $0xffff  }
0x17b: {  	v15 =	vmov s0;
	v25 =	vor.u32 v4, v21;
	v30 =	vld.idx.msk [tilespmem:v18+s30+$0x0], $0xffff;
	[tilespmem:s22+$0x0] =	vst v16  }
0x17c: {  	v31 =	vor.u32 v5, v21;
	v15 =	vand.u32 $0x1D, v15;
	v19 =	vld.idx.msk [tilespmem:v19+s30+$0x0], $0xffff;
	[tilespmem:s22+$0x10] =	vst v17  }
0x17d: {  	v32 =	vor.u32 v6, v21;
	v15 =	vbroadcast v15, $0x0;
	v20 =	vld.idx.msk [tilespmem:v20+s30+$0x0], $0xffff;
	[tilespmem:s22+$0x20] =	vst v24  }
.Ltmp2:
0x17e: {  	v18 =	vld.idx.msk [tilespmem:v26+s30+$0x0], $0xffff;
	v26 =	vor.u32 v7, v21;
	[tilespmem:s22+$0x30] =	vst v27;
	(pc) =	sbr.rel @p0 .LBB2_7-.Ltmp2, $4  }
0x17f: {  	v27 =	vor.u32 v0, v15;
	v16 =	vld.idx.msk [tilespmem:v23+s30+$0x0], $0xffff;
	[tilespmem:s22+$0x40] =	vst v22  }
0x180: {  	v23 =	vor.u32 v1, v15;
	v17 =	vld.idx.msk [tilespmem:v25+s30+$0x0], $0xffff;
	[tilespmem:s22+$0x50] =	vst v28  }
0x181: {  	s0 =	sadd.s32 $0x3, s17;
	v25 =	vor.u32 v2, v15;
	v21 =	vld.idx.msk [tilespmem:v31+s30+$0x0], $0xffff;
	[tilespmem:s22+$0x60] =	vst v29  }
0x182: {  	s17 =	sadd.s32 $0x4, s17;
	v24 =	vor.u32 v3, v15;
	v28 =	vmov s0;
	v22 =	vld.idx.msk [tilespmem:v32+s30+$0x0], $0xffff;
	[tilespmem:s22+$0x70] =	vst v30  }
0x183: {  	_ = 	snop  }
0x184: {  	[tilespmem:s22+$0x80] =	vst v8  }
0x185: {  	[tilespmem:s22+$0x90] =	vst v12  }
0x186: {  	[tilespmem:s22+$0xA0] =	vst v14  }
0x187: {  	v29 =	vor.u32 v4, v15;
	v26 =	vld.idx.msk [tilespmem:v26+s30+$0x0], $0xffff;
	[tilespmem:s22+$0xB0] =	vst v13  }
0x188: {  	v28 =	vand.u32 $0x1F, v28;
	v8 =	vld.idx.msk [tilespmem:v27+s30+$0x0], $0xffff;
	v27 =	vor.u32 v5, v15;
	[tilespmem:s22+$0xC0] =	vst v10  }
0x189: {  	v12 =	vld.idx.msk [tilespmem:v23+s30+$0x0], $0xffff;
	v23 =	vor.u32 v6, v15;
	[tilespmem:s22+$0xD0] =	vst v9;
	v28 =	vbroadcast v28, $0x0  }
0x18a: {  	v14 =	vld.idx.msk [tilespmem:v25+s30+$0x0], $0xffff;
	[tilespmem:s22+$0xE0] =	vst v11;
	v15 =	vor.u32 v7, v15  }
0x18b: {  	v13 =	vld.idx.msk [tilespmem:v24+s30+$0x0], $0xffff;
	[tilespmem:s22+$0xFFFFFF00] =	vst v19;
	v25 =	vor.u32 v0, v28  }
0x18c: {  	s0 =	sadd.s32 $0x2, s23;
	[tilespmem:s22+$0xFFFFFF10] =	vst v20;
	v24 =	vor.u32 v7, v28;
	v10 =	vld.idx.msk [tilespmem:v29+s30+$0x0], $0xffff  }
0x18d: {  	[tilespmem:s22+$0xFFFFFF20] =	vst v18;
	v19 =	vmov s0;
	v20 =	vor.u32 v5, v28;
	v9 =	vld.idx.msk [tilespmem:v27+s30+$0x0], $0xffff  }
0x18e: {  	[tilespmem:s22+$0xFFFFFF30] =	vst v16;
	v19 =	vand.u32 $0x1E, v19;
	v29 =	vor.u32 v1, v28;
	v11 =	vld.idx.msk [tilespmem:v23+s30+$0x0], $0xffff  }
0x18f: {  	[tilespmem:s22+$0xFFFFFF40] =	vst v17;
	v18 =	vbroadcast v19, $0x0;
	v27 =	vor.u32 v2, v28;
	v15 =	vld.idx.msk [tilespmem:v15+s30+$0x0], $0xffff  }
0x190: {  	[tilespmem:s22+$0xFFFFFF50] =	vst v21;
	v23 =	vor.u32 v3, v28;
	v25 =	vld.idx.msk [tilespmem:v25+s30+$0x0], $0xffff  }
0x191: {  	[tilespmem:s22+$0xFFFFFF60] =	vst v22;
	v17 =	vor.u32 v0, v18;
	v24 =	vld.idx.msk [tilespmem:v24+s30+$0x0], $0xffff  }
0x192: {  	s17 =	sadd.s32 $0x200, s22;
	v30 =	vor.u32 v4, v28;
	[tilespmem:s22+$0xFFFFFF70] =	vst v26;
	v20 =	vld.idx.msk [tilespmem:v20+s30+$0x0], $0xffff  }
0x193: {  	v21 =	vor.u32 v1, v18;
	[tilespmem:s17+$0xFFFFFF80] =	vst v8;
	v19 =	vld.idx.msk [tilespmem:v29+s30+$0x0], $0xffff  }
0x194: {  	v28 =	vor.u32 v6, v28;
	[tilespmem:s17+$0xFFFFFF90] =	vst v12;
	v16 =	vld.idx.msk [tilespmem:v27+s30+$0x0], $0xffff  }
0x195: {  	v22 =	vor.u32 v2, v18;
	[tilespmem:s17+$0xFFFFFFA0] =	vst v14;
	v23 =	vld.idx.msk [tilespmem:v23+s30+$0x0], $0xffff  }
0x196: {  	[tilespmem:s17+$0xFFFFFFB0] =	vst v13;
	v8 =	vld.idx.msk [tilespmem:v17+s30+$0x0], $0xffff;
	v17 =	vor.u32 v5, v18  }
0x197: {  	v26 =	vor.u32 v3, v18;
	v27 =	vld.idx.msk [tilespmem:v30+s30+$0x0], $0xffff;
	[tilespmem:s17+$0xFFFFFFC0] =	vst v10  }
0x198: {  	v12 =	vld.idx.msk [tilespmem:v21+s30+$0x0], $0xffff;
	v21 =	vor.u32 v6, v18;
	[tilespmem:s17+$0xFFFFFFD0] =	vst v9  }
0x199: {  	v28 =	vld.idx.msk [tilespmem:v28+s30+$0x0], $0xffff;
	[tilespmem:s17+$0xF0] =	vst v24;
	v24 =	vor.u32 v4, v18  }
0x19a: {  	v14 =	vld.idx.msk [tilespmem:v22+s30+$0x0], $0xffff;
	[tilespmem:s17+$0xFFFFFFE0] =	vst v11;
	v18 =	vor.u32 v7, v18  }
0x19b: {  	[tilespmem:s17+$0xFFFFFFF0] =	vst v15;
	v9 =	vld.idx.msk [tilespmem:v17+s30+$0x0], $0xffff;
	v17 =	vmov s23  }
0x19c: {  	v13 =	vld.idx.msk [tilespmem:v26+s30+$0x0], $0xffff;
	[tilespmem:s17+$0x80] =	vst v25;
	v17 =	vand.u32 $0x1C, v17  }
0x19d: {  	[tilespmem:s17+$0xD0] =	vst v20;
	v11 =	vld.idx.msk [tilespmem:v21+s30+$0x0], $0xffff;
	v17 =	vbroadcast v17, $0x0  }
0x19e: {  	[tilespmem:s17+$0x90] =	vst v19;
	v10 =	vld.idx.msk [tilespmem:v24+s30+$0x0], $0xffff  }
0x19f: {  	v15 =	vld.idx.msk [tilespmem:v18+s30+$0x0], $0xffff;
	[tilespmem:s17+$0x0] =	vst v8;
	v8 =	vor.u32 v0, v17  }
0x1a0: {  	[tilespmem:s17+$0x10] =	vst v12;
	v12 =	vor.u32 v1, v17  }
0x1a1: {  	[tilespmem:s17+$0x30] =	vst v13;
	v13 =	vor.u32 v2, v17  }
0x1a2: {  	[tilespmem:s17+$0x20] =	vst v14;
	v14 =	vor.u32 v6, v17  }
0x1a3: {  	[tilespmem:s17+$0x50] =	vst v9;
	v9 =	vor.u32 v4, v17  }
0x1a4: {  	[tilespmem:s17+$0x60] =	vst v11;
	v11 =	vor.u32 v5, v17;
	v8 =	vld.idx.msk [tilespmem:v8+s30+$0x0], $0xffff  }
0x1a5: {  	[tilespmem:s17+$0x40] =	vst v10;
	v10 =	vor.u32 v3, v17;
	v12 =	vld.idx.msk [tilespmem:v12+s30+$0x0], $0xffff  }
0x1a6: {  	[tilespmem:s17+$0x70] =	vst v15;
	v15 =	vor.u32 v7, v17;
	v13 =	vld.idx.msk [tilespmem:v13+s30+$0x0], $0xffff  }
0x1a7: {  	[tilespmem:s17+$0xA0] =	vst v16;
	v14 =	vld.idx.msk [tilespmem:v14+s30+$0x0], $0xffff  }
0x1a8: {  	[tilespmem:s17+$0xB0] =	vst v23;
	v9 =	vld.idx.msk [tilespmem:v9+s30+$0x0], $0xffff  }
0x1a9: {  	[tilespmem:s17+$0xC0] =	vst v27;
	v11 =	vld.idx.msk [tilespmem:v11+s30+$0x0], $0xffff  }
0x1aa: {  	[tilespmem:s17+$0xE0] =	vst v28;
	v10 =	vld.idx.msk [tilespmem:v10+s30+$0x0], $0xffff  }
0x1ab: {  	s22 =	sadd.s32 s20, s3;
	v15 =	vld.idx.msk [tilespmem:v15+s30+$0x0], $0xffff;
	[tilespmem:s17+$0xFFFFFF00] =	vst v8  }
0x1ac: {  	s0 =	sadd.s32 $0x2, s22;
	[tilespmem:s17+$0xFFFFFF10] =	vst v12  }
0x1ad: {  	s23 =	sshrl.u32 s0, $0x7;
	[tilespmem:s17+$0xFFFFFF20] =	vst v13  }
0x1ae: {  	s0 =	sshll.u32 s0, $0xA;
	s24 =	sshll.u32 s23, $0x11;
	[tilespmem:s17+$0xFFFFFF60] =	vst v14  }
0x1af: {  	s20 =	sshll.u32 s23, $0x13;
	s0 =	ssub.s32 s0, s24;
	[tilespmem:s17+$0xFFFFFF40] =	vst v9  }
0x1b0: {  	s0 =	sadd.s32 s20, s0;
	[tilespmem:s17+$0xFFFFFF50] =	vst v11  }
0x1b1: {  	s24 =	simm.s32 $0x7400;
	s20 =	sshrl.u32 s0, $0x3;
	[tilespmem:s17+$0xFFFFFF30] =	vst v10  }
0x1b2: {  	s22 =	sadd.s32 $0x20000, s0;
	s20 =	sadd.s32 s2, s20;
	[tilespmem:s17+$0xFFFFFF70] =	vst v15;
	s17 =	simm.s32 $0x0  }
0x1b3: {  	[hbm4b:s20+s17] =	stream.linear.scatter [tilespmem:s24], [sflag:$0x5], $0x400, $0x38;
	[tilespmem:$0x9400] =	vst v63  }
0x1b4: {  	s20 =	sshrl.u32 s22, $0x3  }
0x1b5: {  	s23 =	sadd.s32 $0x40000, s0;
	s20 =	sadd.s32 s2, s20  }
0x1b6: {  	[hbm4b:s20+s17] =	stream.linear.scatter [tilespmem:s29], [sflag:$0x5], $0x400, $0x38;
	[tilespmem:$0x9400] =	vst v63  }
0x1b7: {  	s0 =	sadd.s32 $0x60000, s0;
	s20 =	sshrl.u32 s23, $0x3  }
0x1b8: {  	s0 =	sshrl.u32 s0, $0x3;
	s20 =	sadd.s32 s2, s20  }
0x1b9: {  	[hbm4b:s20+s17] =	stream.linear.scatter [tilespmem:s6], [sflag:$0x5], $0x400, $0x38;
	[tilespmem:$0x9400] =	vst v63  }
0x1ba: {  	s0 =	sadd.s32 s2, s0;
	s22 =	simm.s32 $0x1  }
0x1bb: {  	v8 =	vmov s22;
	[hbm4b:s0+s17] =	stream.linear.scatter [tilespmem:s7], [sflag:$0x5], $0x400, $0x38;
	[tilespmem:$0x9400] =	vst v63  }
0x1bc: {  	s23 =	sadd.s32 $0x300, s21;
	v8 =	vand.u32 $0x1D, v8  }
0x1bd: {  	v9 =	vbroadcast v8, $0x0;
	[tilespmem:s30], [sflag:$0x3] =	stream.indirect.gather [hbm4b:s5+s25], $0x20, s23, s25, $0xb8;
	[tilespmem:$0x9400] =	vst v63  }
0x1be: {  	_ =	swait.ge [sflag:s15], $0x1000  }
0x1bf: {  	s20 =	simm.s32 $0x3;
	v8 =	vor.u32 v0, v9;
	[sflag:s15] =	ssyncset.done $0x0  }
0x1c0: {  	v10 =	vor.u32 v1, v9;
	v13 =	vmov s20;
	[sflag:s15] =	ssyncadd.s32 $0xFFFFF000  }
0x1c1: {  	v11 =	vor.u32 v2, v9;
	v13 =	vand.u32 $0x1F, v13;
	_ =	swait.ge [sflag:s16], $0x1000  }
0x1c2: {  	v12 =	vor.u32 v3, v9;
	v13 =	vbroadcast v13, $0x0;
	[sflag:s16] =	ssyncset.done $0x0  }
0x1c3: {  	v14 =	vor.u32 v4, v9;
	[sflag:s16] =	ssyncadd.s32 $0xFFFFF000  }
0x1c4: {  	v24 =	vor.u32 v5, v13;
	v15 =	vld.idx.msk [tilespmem:v8+s31+$0x0], $0xffff  }
0x1c5: {  	v8 =	vor.u32 v5, v9;
	v16 =	vld.idx.msk [tilespmem:v10+s31+$0x0], $0xffff  }
0x1c6: {  	v10 =	vor.u32 v6, v9;
	v17 =	vld.idx.msk [tilespmem:v11+s31+$0x0], $0xffff  }
0x1c7: {  	v11 =	vor.u32 v0, v13;
	v18 =	vld.idx.msk [tilespmem:v12+s31+$0x0], $0xffff  }
0x1c8: {  	v12 =	vor.u32 v7, v13;
	v19 =	vld.idx.msk [tilespmem:v14+s31+$0x0], $0xffff  }
0x1c9: {  	v27 =	vor.u32 v7, v9;
	v14 =	vor.u32 v1, v13;
	v9 =	vld.idx.msk [tilespmem:v24+s31+$0x0], $0xffff  }
0x1ca: {  	s21 =	simm.s32 $0x2;
	v21 =	vor.u32 v2, v13;
	v20 =	vld.idx.msk [tilespmem:v8+s31+$0x0], $0xffff  }
0x1cb: {  	v23 =	vmov s21;
	v22 =	vld.idx.msk [tilespmem:v10+s31+$0x0], $0xffff;
	v10 =	vor.u32 v3, v13  }
0x1cc: {  	v23 =	vand.u32 $0x1E, v23;
	v8 =	vld.idx.msk [tilespmem:v11+s31+$0x0], $0xffff;
	v11 =	vor.u32 v4, v13  }
0x1cd: {  	v23 =	vbroadcast v23, $0x0;
	v26 =	vor.u32 v6, v13;
	v25 =	vld.idx.msk [tilespmem:v12+s31+$0x0], $0xffff  }
0x1ce: {  	v12 =	vld.idx.msk [tilespmem:v14+s31+$0x0], $0xffff  }
0x1cf: {  	v14 =	vld.idx.msk [tilespmem:v21+s31+$0x0], $0xffff;
	v21 =	vor.u32 v0, v23  }
0x1d0: {  	v28 =	vor.u32 v1, v23;
	v13 =	vld.idx.msk [tilespmem:v10+s31+$0x0], $0xffff  }
0x1d1: {  	s20 =	simm.s32 $0x8500;
	v24 =	vor.u32 v3, v23;
	v10 =	vld.idx.msk [tilespmem:v11+s31+$0x0], $0xffff  }
0x1d2: {  	v29 =	vor.u32 v2, v23;
	v11 =	vld.idx.msk [tilespmem:v26+s31+$0x0], $0xffff;
	[tilespmem:s20+$0xF0] =	vst v25  }
0x1d3: {  	v25 =	vld.idx.msk [tilespmem:v27+s31+$0x0], $0xffff;
	v26 =	vor.u32 v4, v23;
	v27 =	vmov s17;
	[tilespmem:s20+$0xFFFFFF80] =	vst v15  }
0x1d4: {  	v15 =	vld.idx.msk [tilespmem:v21+s31+$0x0], $0xffff;
	v21 =	vor.u32 v5, v23;
	[tilespmem:s20+$0xFFFFFF90] =	vst v16;
	v27 =	vand.u32 $0x1C, v27  }
0x1d5: {  	v16 =	vld.idx.msk [tilespmem:v28+s31+$0x0], $0xffff;
	v28 =	vor.u32 v6, v23;
	[tilespmem:s20+$0xFFFFFFA0] =	vst v17;
	v27 =	vbroadcast v27, $0x0  }
0x1d6: {  	v24 =	vld.idx.msk [tilespmem:v24+s31+$0x0], $0xffff;
	v23 =	vor.u32 v7, v23;
	[tilespmem:s20+$0xFFFFFFB0] =	vst v18  }
0x1d7: {  	v17 =	vld.idx.msk [tilespmem:v29+s31+$0x0], $0xffff;
	[tilespmem:s20+$0xFFFFFFC0] =	vst v19;
	v18 =	vor.u32 v0, v27  }
0x1d8: {  	[tilespmem:s20+$0xFFFFFFD0] =	vst v20;
	v29 =	vor.u32 v1, v27;
	v26 =	vld.idx.msk [tilespmem:v26+s31+$0x0], $0xffff  }
0x1d9: {  	[tilespmem:s20+$0xFFFFFFE0] =	vst v22;
	v30 =	vor.u32 v2, v27;
	v21 =	vld.idx.msk [tilespmem:v21+s31+$0x0], $0xffff  }
0x1da: {  	s22 =	simm.s32 $0x5;
	v22 =	vld.idx.msk [tilespmem:v28+s31+$0x0], $0xffff;
	v28 =	vor.u32 v3, v27;
	[tilespmem:s20+$0xFFFFFFF0] =	vst v25  }
0x1db: {  	v31 =	vld.idx.msk [tilespmem:v23+s31+$0x0], $0xffff;
	v23 =	vor.u32 v4, v27;
	[tilespmem:s20+$0x0] =	vst v15;
	v15 =	vmov s22  }
0x1dc: {  	v25 =	vor.u32 v5, v27;
	[tilespmem:s20+$0x10] =	vst v16;
	v15 =	vand.u32 $0x1D, v15;
	v19 =	vld.idx.msk [tilespmem:v18+s31+$0x0], $0xffff  }
0x1dd: {  	[tilespmem:s20+$0x20] =	vst v17;
	v15 =	vbroadcast v15, $0x0;
	v20 =	vld.idx.msk [tilespmem:v29+s31+$0x0], $0xffff;
	v29 =	vor.u32 v6, v27  }
0x1de: {  	v18 =	vld.idx.msk [tilespmem:v30+s31+$0x0], $0xffff;
	[tilespmem:s20+$0x40] =	vst v26;
	v26 =	vor.u32 v7, v27  }
0x1df: {  	[tilespmem:s20+$0x30] =	vst v24;
	v16 =	vld.idx.msk [tilespmem:v28+s31+$0x0], $0xffff;
	v27 =	vor.u32 v0, v15  }
0x1e0: {  	v17 =	vld.idx.msk [tilespmem:v23+s31+$0x0], $0xffff;
	[tilespmem:s20+$0x50] =	vst v21;
	v23 =	vor.u32 v1, v15  }
0x1e1: {  	s23 =	simm.s32 $0x7;
	v21 =	vld.idx.msk [tilespmem:v25+s31+$0x0], $0xffff;
	[tilespmem:s20+$0x60] =	vst v22;
	v25 =	vor.u32 v2, v15  }
0x1e2: {  	s21 =	simm.s32 $0x4;
	s17 =	simm.s32 $0x8;
	v24 =	vor.u32 v3, v15;
	v28 =	vmov s23;
	[tilespmem:s20+$0x70] =	vst v31;
	v22 =	vld.idx.msk [tilespmem:v29+s31+$0x0], $0xffff  }
.LBB2_9:
0x1e3: {  	p0 =	slt.u32 s17, $0x1C;
	v29 =	vor.u32 v4, v15;
	v28 =	vand.u32 $0x1F, v28;
	v26 =	vld.idx.msk [tilespmem:v26+s31+$0x0], $0xffff;
	[tilespmem:s20+$0x80] =	vst v8  }
0x1e4: {  	v8 =	vor.u32 v5, v15;
	v27 =	vld.idx.msk [tilespmem:v27+s31+$0x0], $0xffff;
	v28 =	vbroadcast v28, $0x0;
	[tilespmem:s20+$0x90] =	vst v12  }
0x1e5: {  	v12 =	vor.u32 v6, v15;
	v23 =	vld.idx.msk [tilespmem:v23+s31+$0x0], $0xffff;
	[tilespmem:s20+$0xA0] =	vst v14  }
0x1e6: {  	v25 =	vld.idx.msk [tilespmem:v25+s31+$0x0], $0xffff;
	v14 =	vor.u32 v0, v28;
	[tilespmem:s20+$0xB0] =	vst v13  }
0x1e7: {  	v13 =	vor.u32 v7, v28;
	v24 =	vld.idx.msk [tilespmem:v24+s31+$0x0], $0xffff;
	[tilespmem:s20+$0xC0] =	vst v10  }
0x1e8: {  	v10 =	vor.u32 v1, v28;
	v29 =	vld.idx.msk [tilespmem:v29+s31+$0x0], $0xffff;
	[tilespmem:s20+$0xD0] =	vst v9  }
0x1e9: {  	v9 =	vor.u32 v2, v28;
	v30 =	vld.idx.msk [tilespmem:v8+s31+$0x0], $0xffff;
	[tilespmem:s20+$0xE0] =	vst v11  }
0x1ea: {  	s0 =	sadd.s32 $0x2, s21;
	v11 =	vor.u32 v3, v28;
	v31 =	vld.idx.msk [tilespmem:v12+s31+$0x0], $0xffff;
	[tilespmem:s20+$0xFFFFFF00] =	vst v19  }
0x1eb: {  	v12 =	vmov s0;
	v19 =	vor.u32 v4, v28;
	v8 =	vld.idx.msk [tilespmem:v14+s31+$0x0], $0xffff;
	[tilespmem:s20+$0xFFFFFF10] =	vst v20  }
0x1ec: {  	v12 =	vand.u32 $0x1E, v12;
	v20 =	vor.u32 v5, v28;
	v32 =	vld.idx.msk [tilespmem:v13+s31+$0x0], $0xffff;
	[tilespmem:s20+$0xFFFFFF20] =	vst v18  }
0x1ed: {  	v28 =	vor.u32 v6, v28;
	v18 =	vbroadcast v12, $0x0;
	v12 =	vld.idx.msk [tilespmem:v10+s31+$0x0], $0xffff;
	[tilespmem:s20+$0xFFFFFF30] =	vst v16  }
0x1ee: {  	v15 =	vor.u32 v7, v15;
	v14 =	vld.idx.msk [tilespmem:v9+s31+$0x0], $0xffff;
	[tilespmem:s20+$0xFFFFFF40] =	vst v17  }
0x1ef: {  	v16 =	vor.u32 v0, v18;
	v13 =	vld.idx.msk [tilespmem:v11+s31+$0x0], $0xffff;
	[tilespmem:s20+$0xFFFFFF50] =	vst v21  }
0x1f0: {  	v17 =	vor.u32 v1, v18;
	v10 =	vld.idx.msk [tilespmem:v19+s31+$0x0], $0xffff;
	[tilespmem:s20+$0xFFFFFF60] =	vst v22  }
0x1f1: {  	v19 =	vor.u32 v2, v18;
	v9 =	vld.idx.msk [tilespmem:v20+s31+$0x0], $0xffff;
	[tilespmem:s20+$0xFFFFFF70] =	vst v26;
	s20 =	sadd.s32 $0x200, s20  }
0x1f2: {  	v20 =	vor.u32 v3, v18;
	v11 =	vld.idx.msk [tilespmem:v28+s31+$0x0], $0xffff;
	[tilespmem:s20+$0xF0] =	vst v32  }
0x1f3: {  	v21 =	vmov s21;
	s21 =	smov.u32 s17;
	v22 =	vor.u32 v4, v18;
	v15 =	vld.idx.msk [tilespmem:v15+s31+$0x0], $0xffff;
	[tilespmem:s20+$0xFFFFFF80] =	vst v27  }
0x1f4: {  	v21 =	vand.u32 $0x1C, v21;
	[tilespmem:s20+$0xFFFFFF90] =	vst v23;
	v16 =	vld.idx.msk [tilespmem:v16+s31+$0x0], $0xffff;
	v23 =	vor.u32 v5, v18  }
0x1f5: {  	v21 =	vbroadcast v21, $0x0;
	[tilespmem:s20+$0xFFFFFFA0] =	vst v25;
	v17 =	vld.idx.msk [tilespmem:v17+s31+$0x0], $0xffff;
	v25 =	vor.u32 v6, v18  }
0x1f6: {  	v18 =	vor.u32 v7, v18;
	[tilespmem:s20+$0xFFFFFFB0] =	vst v24;
	v24 =	vld.idx.msk [tilespmem:v19+s31+$0x0], $0xffff  }
0x1f7: {  	v19 =	vor.u32 v0, v21;
	[tilespmem:s20+$0xFFFFFFC0] =	vst v29;
	v27 =	vld.idx.msk [tilespmem:v20+s31+$0x0], $0xffff  }
0x1f8: {  	v20 =	vor.u32 v1, v21;
	[tilespmem:s20+$0xFFFFFFD0] =	vst v30;
	v22 =	vld.idx.msk [tilespmem:v22+s31+$0x0], $0xffff  }
0x1f9: {  	v26 =	vor.u32 v2, v21;
	[tilespmem:s20+$0xFFFFFFE0] =	vst v31;
	v28 =	vld.idx.msk [tilespmem:v23+s31+$0x0], $0xffff  }
0x1fa: {  	s0 =	sadd.s32 $0x1, s17;
	v23 =	vor.u32 v3, v21;
	[tilespmem:s20+$0xFFFFFFF0] =	vst v15;
	v29 =	vld.idx.msk [tilespmem:v25+s31+$0x0], $0xffff  }
0x1fb: {  	v15 =	vmov s0;
	v25 =	vor.u32 v4, v21;
	v30 =	vld.idx.msk [tilespmem:v18+s31+$0x0], $0xffff;
	[tilespmem:s20+$0x0] =	vst v16  }
0x1fc: {  	v31 =	vor.u32 v5, v21;
	v15 =	vand.u32 $0x1D, v15;
	v19 =	vld.idx.msk [tilespmem:v19+s31+$0x0], $0xffff;
	[tilespmem:s20+$0x10] =	vst v17  }
0x1fd: {  	v32 =	vor.u32 v6, v21;
	v15 =	vbroadcast v15, $0x0;
	v20 =	vld.idx.msk [tilespmem:v20+s31+$0x0], $0xffff;
	[tilespmem:s20+$0x20] =	vst v24  }
.Ltmp3:
0x1fe: {  	v18 =	vld.idx.msk [tilespmem:v26+s31+$0x0], $0xffff;
	v26 =	vor.u32 v7, v21;
	[tilespmem:s20+$0x30] =	vst v27;
	(pc) =	sbr.rel @p0 .LBB2_9-.Ltmp3, $4  }
0x1ff: {  	v27 =	vor.u32 v0, v15;
	v16 =	vld.idx.msk [tilespmem:v23+s31+$0x0], $0xffff;
	[tilespmem:s20+$0x40] =	vst v22  }
0x200: {  	v23 =	vor.u32 v1, v15;
	v17 =	vld.idx.msk [tilespmem:v25+s31+$0x0], $0xffff;
	[tilespmem:s20+$0x50] =	vst v28  }
0x201: {  	s0 =	sadd.s32 $0x3, s17;
	v25 =	vor.u32 v2, v15;
	v21 =	vld.idx.msk [tilespmem:v31+s31+$0x0], $0xffff;
	[tilespmem:s20+$0x60] =	vst v29  }
0x202: {  	s17 =	sadd.s32 $0x4, s17;
	v24 =	vor.u32 v3, v15;
	v28 =	vmov s0;
	v22 =	vld.idx.msk [tilespmem:v32+s31+$0x0], $0xffff;
	[tilespmem:s20+$0x70] =	vst v30  }
0x203: {  	[tilespmem:s20+$0x80] =	vst v8  }
0x204: {  	[tilespmem:s20+$0x90] =	vst v12  }
0x205: {  	[tilespmem:s20+$0xA0] =	vst v14  }
0x206: {  	[tilespmem:s20+$0xB0] =	vst v13  }
0x207: {  	[tilespmem:s20+$0xC0] =	vst v10  }
0x208: {  	[tilespmem:s20+$0xD0] =	vst v9  }
0x209: {  	[tilespmem:s20+$0xE0] =	vst v11  }
0x20a: {  	v29 =	vor.u32 v4, v15;
	v26 =	vld.idx.msk [tilespmem:v26+s31+$0x0], $0xffff;
	[tilespmem:s20+$0xFFFFFF00] =	vst v19  }
0x20b: {  	v28 =	vand.u32 $0x1F, v28;
	v8 =	vld.idx.msk [tilespmem:v27+s31+$0x0], $0xffff;
	v53 =	vor.u32 v5, v15;
	[tilespmem:s20+$0xFFFFFF10] =	vst v20  }
0x20c: {  	v54 =	vld.idx.msk [tilespmem:v23+s31+$0x0], $0xffff;
	v55 =	vor.u32 v6, v15;
	[tilespmem:s20+$0xFFFFFF20] =	vst v18;
	v28 =	vbroadcast v28, $0x0  }
0x20d: {  	v56 =	vld.idx.msk [tilespmem:v25+s31+$0x0], $0xffff;
	v39 =	vor.u32 v7, v15;
	[tilespmem:s20+$0xFFFFFF30] =	vst v16  }
0x20e: {  	v58 =	vld.idx.msk [tilespmem:v24+s31+$0x0], $0xffff;
	[tilespmem:s20+$0xFFFFFF40] =	vst v17;
	v57 =	vor.u32 v0, v28  }
0x20f: {  	v59 =	vor.u32 v7, v28;
	[tilespmem:s20+$0xFFFFFF50] =	vst v21;
	v60 =	vld.idx.msk [tilespmem:v29+s31+$0x0], $0xffff  }
0x210: {  	v61 =	vor.u32 v1, v28;
	[tilespmem:s20+$0xFFFFFF60] =	vst v22;
	v62 =	vld.idx.msk [tilespmem:v53+s31+$0x0], $0xffff  }
0x211: {  	s0 =	sadd.s32 $0x2, s21;
	s17 =	sadd.s32 $0x200, s20;
	v63 =	vor.u32 v2, v28;
	v33 =	vld.idx.msk [tilespmem:v55+s31+$0x0], $0xffff;
	[tilespmem:s20+$0xFFFFFF70] =	vst v26  }
0x212: {  	v35 =	vmov s0;
	v34 =	vor.u32 v3, v28;
	v15 =	vld.idx.msk [tilespmem:v39+s31+$0x0], $0xffff;
	[tilespmem:s17+$0xFFFFFF80] =	vst v8  }
0x213: {  	v19 =	vand.u32 $0x1E, v35;
	v30 =	vor.u32 v4, v28;
	[tilespmem:s17+$0xFFFFFF90] =	vst v54;
	v25 =	vld.idx.msk [tilespmem:v57+s31+$0x0], $0xffff  }
0x214: {  	v36 =	vor.u32 v5, v28;
	v37 =	vbroadcast v19, $0x0;
	[tilespmem:s17+$0xFFFFFFA0] =	vst v56;
	v24 =	vld.idx.msk [tilespmem:v59+s31+$0x0], $0xffff  }
0x215: {  	v28 =	vor.u32 v6, v28;
	[tilespmem:s17+$0xFFFFFFB0] =	vst v58;
	v38 =	vld.idx.msk [tilespmem:v61+s31+$0x0], $0xffff  }
0x216: {  	v41 =	vor.u32 v0, v37;
	v40 =	vld.idx.msk [tilespmem:v63+s31+$0x0], $0xffff;
	[tilespmem:s17+$0xFFFFFFC0] =	vst v60  }
0x217: {  	v42 =	vor.u32 v1, v37;
	v23 =	vld.idx.msk [tilespmem:v34+s31+$0x0], $0xffff;
	[tilespmem:s17+$0xFFFFFFD0] =	vst v62  }
0x218: {  	v44 =	vor.u32 v2, v37;
	v43 =	vld.idx.msk [tilespmem:v30+s31+$0x0], $0xffff;
	[tilespmem:s17+$0xFFFFFFE0] =	vst v33  }
0x219: {  	v45 =	vor.u32 v3, v37;
	v20 =	vld.idx.msk [tilespmem:v36+s31+$0x0], $0xffff;
	[tilespmem:s17+$0xFFFFFFF0] =	vst v15  }
0x21a: {  	v46 =	vor.u32 v4, v37;
	v54 =	vmov s21;
	v28 =	vld.idx.msk [tilespmem:v28+s31+$0x0], $0xffff;
	[tilespmem:s17+$0xF0] =	vst v24  }
0x21b: {  	v47 =	vor.u32 v5, v37;
	v17 =	vand.u32 $0x1C, v54;
	v8 =	vld.idx.msk [tilespmem:v41+s31+$0x0], $0xffff;
	[tilespmem:s17+$0x80] =	vst v25  }
0x21c: {  	v49 =	vor.u32 v6, v37;
	v17 =	vbroadcast v17, $0x0;
	v48 =	vld.idx.msk [tilespmem:v42+s31+$0x0], $0xffff;
	[tilespmem:s17+$0x90] =	vst v38  }
0x21d: {  	v18 =	vor.u32 v7, v37;
	v50 =	vld.idx.msk [tilespmem:v44+s31+$0x0], $0xffff;
	[tilespmem:s17+$0xA0] =	vst v40  }
0x21e: {  	v57 =	vor.u32 v1, v17;
	v51 =	vld.idx.msk [tilespmem:v45+s31+$0x0], $0xffff;
	[tilespmem:s17+$0xB0] =	vst v23  }
0x21f: {  	v58 =	vor.u32 v2, v17;
	v52 =	vld.idx.msk [tilespmem:v46+s31+$0x0], $0xffff;
	[tilespmem:s17+$0xC0] =	vst v43  }
0x220: {  	v59 =	vor.u32 v3, v17;
	v53 =	vld.idx.msk [tilespmem:v47+s31+$0x0], $0xffff;
	[tilespmem:s17+$0xD0] =	vst v20  }
0x221: {  	v61 =	vor.u32 v5, v17;
	v55 =	vld.idx.msk [tilespmem:v49+s31+$0x0], $0xffff;
	[tilespmem:s17+$0xE0] =	vst v28  }
0x222: {  	v63 =	vor.u32 v7, v17;
	v56 =	vld.idx.msk [tilespmem:v18+s31+$0x0], $0xffff;
	[tilespmem:s17+$0x0] =	vst v8  }
0x223: {  	v60 =	vor.u32 v4, v17;
	v12 =	vld.idx.msk [tilespmem:v57+s31+$0x0], $0xffff;
	[tilespmem:s17+$0x10] =	vst v48  }
0x224: {  	v62 =	vor.u32 v6, v17;
	v13 =	vld.idx.msk [tilespmem:v58+s31+$0x0], $0xffff;
	[tilespmem:s17+$0x20] =	vst v50  }
0x225: {  	v10 =	vld.idx.msk [tilespmem:v59+s31+$0x0], $0xffff;
	v8 =	vor.u32 v0, v17;
	[tilespmem:s17+$0x30] =	vst v51  }
0x226: {  	v11 =	vld.idx.msk [tilespmem:v61+s31+$0x0], $0xffff;
	[tilespmem:s17+$0x40] =	vst v52  }
0x227: {  	v15 =	vld.idx.msk [tilespmem:v63+s31+$0x0], $0xffff;
	[tilespmem:s17+$0x50] =	vst v53  }
0x228: {  	[tilespmem:s17+$0x60] =	vst v55;
	v9 =	vld.idx.msk [tilespmem:v60+s31+$0x0], $0xffff  }
0x229: {  	[tilespmem:s17+$0x70] =	vst v56;
	v14 =	vld.idx.msk [tilespmem:v62+s31+$0x0], $0xffff  }
0x22a: {  	v8 =	vld.idx.msk [tilespmem:v8+s31+$0x0], $0xffff;
	[tilespmem:s17+$0xFFFFFF10] =	vst v12  }
0x22b: {  	s22 =	sadd.s32 s3, s19;
	[tilespmem:s17+$0xFFFFFF20] =	vst v13  }
0x22c: {  	s19 =	sshrl.u32 s22, $0x7;
	[tilespmem:s17+$0xFFFFFF30] =	vst v10  }
0x22d: {  	s0 =	sshll.u32 s22, $0xA;
	s23 =	sshll.u32 s19, $0x11;
	[tilespmem:s17+$0xFFFFFF40] =	vst v9  }
0x22e: {  	s19 =	sshll.u32 s19, $0x13;
	s0 =	ssub.s32 s0, s23;
	[tilespmem:s17+$0xFFFFFF50] =	vst v11  }
0x22f: {  	s0 =	sadd.s32 s19, s0;
	[tilespmem:s17+$0xFFFFFF60] =	vst v14  }
0x230: {  	s19 =	sshrl.u32 s0, $0x3;
	s22 =	sadd.s32 $0x20000, s0;
	[tilespmem:s17+$0xFFFFFF70] =	vst v15  }
0x231: {  	s18 =	sadd.s32 $0x1, s18;
	s21 =	sadd.s32 s2, s19;
	[tilespmem:s17+$0xFFFFFF00] =	vst v8;
	s17 =	sshrl.u32 s22, $0x3  }
0x232: {  	[hbm4b:s21+s4] =	stream.linear.scatter [tilespmem:s9], [sflag:$0x6], $0x400, $0x38;
	[tilespmem:$0x9400] =	vst v63  }
0x233: {  	p0 =	sne.s32 s18, $0x19;
	s23 =	sadd.s32 $0x40000, s0;
	s17 =	sadd.s32 s2, s17  }
0x234: {  	[hbm4b:s17+s4] =	stream.linear.scatter [tilespmem:s10], [sflag:$0x6], $0x400, $0x38;
	[tilespmem:$0x9400] =	vst v63  }
.Ltmp4:
0x235: {  	s0 =	sadd.s32 $0x60000, s0;
	s17 =	sshrl.u32 s23, $0x3;
	(pc) =	sbr.rel @p0 .LBB2_2-.Ltmp4, $4  }
0x236: {  	s0 =	sshrl.u32 s0, $0x3;
	s17 =	sadd.s32 s2, s17  }
0x237: {  	[hbm4b:s17+s4] =	stream.linear.scatter [tilespmem:s11], [sflag:$0x6], $0x400, $0x38;
	[tilespmem:$0x9400] =	vst v63  }
0x238: {  	s0 =	sadd.s32 s2, s0  }
0x239: {  	[hbm4b:s0+s4] =	stream.linear.scatter [tilespmem:s12], [sflag:$0x6], $0x400, $0x38;
	[tilespmem:$0x9400] =	vst v63  }
0x23a: {  	s0 =	simm.s32 $0x1  }
0x23b: {  	v8 =	vmov s0  }
0x23c: {  	s18 =	simm.s32 $0x3380;
	v8 =	vand.u32 $0x1D, v8  }
0x23d: {  	[tilespmem:s31], [sflag:$0x4] =	stream.indirect.gather [hbm4b:s5+s25], $0x20, s18, s25, $0xb8;
	v9 =	vbroadcast v8, $0x0;
	[tilespmem:$0x9400] =	vst v63  }
0x23e: {  	_ =	swait.ge [sflag:s1], $0x1000  }
0x23f: {  	s19 =	simm.s32 $0x3;
	[sflag:s1] =	ssyncset.done $0x0;
	v8 =	vor.u32 v0, v9  }
0x240: {  	v13 =	vmov s19;
	[sflag:s1] =	ssyncadd.s32 $0xFFFFF000;
	v10 =	vor.u32 v1, v9  }
0x241: {  	v13 =	vand.u32 $0x1F, v13;
	_ =	swait.ge [sflag:s14], $0x1000;
	v11 =	vor.u32 v2, v9  }
0x242: {  	v13 =	vbroadcast v13, $0x0;
	v12 =	vor.u32 v3, v9;
	[sflag:s14] =	ssyncset.done $0x0  }
0x243: {  	v14 =	vor.u32 v4, v9;
	[sflag:s14] =	ssyncadd.s32 $0xFFFFF000  }
0x244: {  	v24 =	vor.u32 v5, v13;
	v15 =	vld.idx.msk [tilespmem:v8+s26+$0x0], $0xffff  }
0x245: {  	v8 =	vor.u32 v5, v9;
	v16 =	vld.idx.msk [tilespmem:v10+s26+$0x0], $0xffff  }
0x246: {  	v10 =	vor.u32 v6, v9;
	v17 =	vld.idx.msk [tilespmem:v11+s26+$0x0], $0xffff  }
0x247: {  	v11 =	vor.u32 v0, v13;
	v18 =	vld.idx.msk [tilespmem:v12+s26+$0x0], $0xffff  }
0x248: {  	v12 =	vor.u32 v7, v13;
	v19 =	vld.idx.msk [tilespmem:v14+s26+$0x0], $0xffff  }
0x249: {  	v27 =	vor.u32 v7, v9;
	v14 =	vor.u32 v1, v13;
	v9 =	vld.idx.msk [tilespmem:v24+s26+$0x0], $0xffff  }
0x24a: {  	s20 =	simm.s32 $0x2;
	v21 =	vor.u32 v2, v13;
	v20 =	vld.idx.msk [tilespmem:v8+s26+$0x0], $0xffff  }
0x24b: {  	v23 =	vmov s20;
	v22 =	vld.idx.msk [tilespmem:v10+s26+$0x0], $0xffff;
	v10 =	vor.u32 v3, v13  }
0x24c: {  	v23 =	vand.u32 $0x1E, v23;
	v8 =	vld.idx.msk [tilespmem:v11+s26+$0x0], $0xffff;
	v11 =	vor.u32 v4, v13  }
0x24d: {  	v23 =	vbroadcast v23, $0x0;
	v26 =	vor.u32 v6, v13;
	v25 =	vld.idx.msk [tilespmem:v12+s26+$0x0], $0xffff  }
0x24e: {  	v12 =	vld.idx.msk [tilespmem:v14+s26+$0x0], $0xffff  }
0x24f: {  	v14 =	vld.idx.msk [tilespmem:v21+s26+$0x0], $0xffff;
	v21 =	vor.u32 v0, v23  }
0x250: {  	v28 =	vor.u32 v1, v23;
	v13 =	vld.idx.msk [tilespmem:v10+s26+$0x0], $0xffff  }
0x251: {  	s18 =	simm.s32 $0x7500;
	v24 =	vor.u32 v3, v23;
	v10 =	vld.idx.msk [tilespmem:v11+s26+$0x0], $0xffff  }
0x252: {  	s21 =	simm.s32 $0x0;
	v29 =	vor.u32 v2, v23;
	v11 =	vld.idx.msk [tilespmem:v26+s26+$0x0], $0xffff;
	[tilespmem:s18+$0xF0] =	vst v25  }
0x253: {  	v25 =	vld.idx.msk [tilespmem:v27+s26+$0x0], $0xffff;
	v26 =	vor.u32 v4, v23;
	v27 =	vmov s21;
	[tilespmem:s18+$0xFFFFFF80] =	vst v15  }
0x254: {  	v15 =	vld.idx.msk [tilespmem:v21+s26+$0x0], $0xffff;
	v21 =	vor.u32 v5, v23;
	[tilespmem:s18+$0xFFFFFF90] =	vst v16;
	v27 =	vand.u32 $0x1C, v27  }
0x255: {  	v16 =	vld.idx.msk [tilespmem:v28+s26+$0x0], $0xffff;
	v28 =	vor.u32 v6, v23;
	[tilespmem:s18+$0xFFFFFFA0] =	vst v17;
	v27 =	vbroadcast v27, $0x0  }
0x256: {  	v24 =	vld.idx.msk [tilespmem:v24+s26+$0x0], $0xffff;
	v23 =	vor.u32 v7, v23;
	[tilespmem:s18+$0xFFFFFFB0] =	vst v18  }
0x257: {  	v17 =	vld.idx.msk [tilespmem:v29+s26+$0x0], $0xffff;
	[tilespmem:s18+$0xFFFFFFC0] =	vst v19;
	v18 =	vor.u32 v0, v27  }
0x258: {  	[tilespmem:s18+$0xFFFFFFD0] =	vst v20;
	v29 =	vor.u32 v1, v27;
	v26 =	vld.idx.msk [tilespmem:v26+s26+$0x0], $0xffff  }
0x259: {  	[tilespmem:s18+$0xFFFFFFE0] =	vst v22;
	v30 =	vor.u32 v2, v27;
	v21 =	vld.idx.msk [tilespmem:v21+s26+$0x0], $0xffff  }
0x25a: {  	s22 =	simm.s32 $0x5;
	v22 =	vld.idx.msk [tilespmem:v28+s26+$0x0], $0xffff;
	v28 =	vor.u32 v3, v27;
	[tilespmem:s18+$0xFFFFFFF0] =	vst v25  }
0x25b: {  	v31 =	vld.idx.msk [tilespmem:v23+s26+$0x0], $0xffff;
	v23 =	vor.u32 v4, v27;
	[tilespmem:s18+$0x0] =	vst v15;
	v15 =	vmov s22  }
0x25c: {  	v25 =	vor.u32 v5, v27;
	[tilespmem:s18+$0x10] =	vst v16;
	v15 =	vand.u32 $0x1D, v15;
	v19 =	vld.idx.msk [tilespmem:v18+s26+$0x0], $0xffff  }
0x25d: {  	[tilespmem:s18+$0x20] =	vst v17;
	v15 =	vbroadcast v15, $0x0;
	v20 =	vld.idx.msk [tilespmem:v29+s26+$0x0], $0xffff;
	v29 =	vor.u32 v6, v27  }
0x25e: {  	v18 =	vld.idx.msk [tilespmem:v30+s26+$0x0], $0xffff;
	[tilespmem:s18+$0x40] =	vst v26;
	v26 =	vor.u32 v7, v27  }
0x25f: {  	[tilespmem:s18+$0x30] =	vst v24;
	v16 =	vld.idx.msk [tilespmem:v28+s26+$0x0], $0xffff;
	v27 =	vor.u32 v0, v15  }
0x260: {  	v17 =	vld.idx.msk [tilespmem:v23+s26+$0x0], $0xffff;
	[tilespmem:s18+$0x50] =	vst v21;
	v23 =	vor.u32 v1, v15  }
0x261: {  	s23 =	simm.s32 $0x7;
	v21 =	vld.idx.msk [tilespmem:v25+s26+$0x0], $0xffff;
	[tilespmem:s18+$0x60] =	vst v22;
	v25 =	vor.u32 v2, v15  }
0x262: {  	s17 =	simm.s32 $0x8;
	s19 =	simm.s32 $0x4;
	v24 =	vor.u32 v3, v15;
	v28 =	vmov s23;
	[tilespmem:s18+$0x70] =	vst v31;
	v22 =	vld.idx.msk [tilespmem:v29+s26+$0x0], $0xffff  }
.LBB2_12:
0x263: {  	p0 =	slt.u32 s17, $0x1C;
	v29 =	vor.u32 v4, v15;
	v28 =	vand.u32 $0x1F, v28;
	v26 =	vld.idx.msk [tilespmem:v26+s26+$0x0], $0xffff;
	[tilespmem:s18+$0x80] =	vst v8  }
0x264: {  	v8 =	vor.u32 v5, v15;
	v27 =	vld.idx.msk [tilespmem:v27+s26+$0x0], $0xffff;
	v28 =	vbroadcast v28, $0x0;
	[tilespmem:s18+$0x90] =	vst v12  }
0x265: {  	v12 =	vor.u32 v6, v15;
	v23 =	vld.idx.msk [tilespmem:v23+s26+$0x0], $0xffff;
	[tilespmem:s18+$0xA0] =	vst v14  }
0x266: {  	v25 =	vld.idx.msk [tilespmem:v25+s26+$0x0], $0xffff;
	v14 =	vor.u32 v0, v28;
	[tilespmem:s18+$0xB0] =	vst v13  }
0x267: {  	v13 =	vor.u32 v7, v28;
	v24 =	vld.idx.msk [tilespmem:v24+s26+$0x0], $0xffff;
	[tilespmem:s18+$0xC0] =	vst v10  }
0x268: {  	v10 =	vor.u32 v1, v28;
	v29 =	vld.idx.msk [tilespmem:v29+s26+$0x0], $0xffff;
	[tilespmem:s18+$0xD0] =	vst v9  }
0x269: {  	v9 =	vor.u32 v2, v28;
	v30 =	vld.idx.msk [tilespmem:v8+s26+$0x0], $0xffff;
	[tilespmem:s18+$0xE0] =	vst v11  }
0x26a: {  	s0 =	sadd.s32 $0x2, s19;
	v11 =	vor.u32 v3, v28;
	v31 =	vld.idx.msk [tilespmem:v12+s26+$0x0], $0xffff;
	[tilespmem:s18+$0xFFFFFF00] =	vst v19  }
0x26b: {  	v12 =	vmov s0;
	v19 =	vor.u32 v4, v28;
	v8 =	vld.idx.msk [tilespmem:v14+s26+$0x0], $0xffff;
	[tilespmem:s18+$0xFFFFFF10] =	vst v20  }
0x26c: {  	v12 =	vand.u32 $0x1E, v12;
	v20 =	vor.u32 v5, v28;
	v32 =	vld.idx.msk [tilespmem:v13+s26+$0x0], $0xffff;
	[tilespmem:s18+$0xFFFFFF20] =	vst v18  }
0x26d: {  	v28 =	vor.u32 v6, v28;
	v18 =	vbroadcast v12, $0x0;
	v12 =	vld.idx.msk [tilespmem:v10+s26+$0x0], $0xffff;
	[tilespmem:s18+$0xFFFFFF30] =	vst v16  }
0x26e: {  	v15 =	vor.u32 v7, v15;
	v14 =	vld.idx.msk [tilespmem:v9+s26+$0x0], $0xffff;
	[tilespmem:s18+$0xFFFFFF40] =	vst v17  }
0x26f: {  	v16 =	vor.u32 v0, v18;
	v13 =	vld.idx.msk [tilespmem:v11+s26+$0x0], $0xffff;
	[tilespmem:s18+$0xFFFFFF50] =	vst v21  }
0x270: {  	v17 =	vor.u32 v1, v18;
	v10 =	vld.idx.msk [tilespmem:v19+s26+$0x0], $0xffff;
	[tilespmem:s18+$0xFFFFFF60] =	vst v22  }
0x271: {  	v19 =	vor.u32 v2, v18;
	v9 =	vld.idx.msk [tilespmem:v20+s26+$0x0], $0xffff;
	[tilespmem:s18+$0xFFFFFF70] =	vst v26;
	s18 =	sadd.s32 $0x200, s18  }
0x272: {  	v20 =	vor.u32 v3, v18;
	v11 =	vld.idx.msk [tilespmem:v28+s26+$0x0], $0xffff;
	[tilespmem:s18+$0xF0] =	vst v32  }
0x273: {  	v21 =	vmov s19;
	s19 =	smov.u32 s17;
	v22 =	vor.u32 v4, v18;
	v15 =	vld.idx.msk [tilespmem:v15+s26+$0x0], $0xffff;
	[tilespmem:s18+$0xFFFFFF80] =	vst v27  }
0x274: {  	v21 =	vand.u32 $0x1C, v21;
	[tilespmem:s18+$0xFFFFFF90] =	vst v23;
	v16 =	vld.idx.msk [tilespmem:v16+s26+$0x0], $0xffff;
	v23 =	vor.u32 v5, v18  }
0x275: {  	v21 =	vbroadcast v21, $0x0;
	[tilespmem:s18+$0xFFFFFFA0] =	vst v25;
	v17 =	vld.idx.msk [tilespmem:v17+s26+$0x0], $0xffff;
	v25 =	vor.u32 v6, v18  }
0x276: {  	v18 =	vor.u32 v7, v18;
	[tilespmem:s18+$0xFFFFFFB0] =	vst v24;
	v24 =	vld.idx.msk [tilespmem:v19+s26+$0x0], $0xffff  }
0x277: {  	v19 =	vor.u32 v0, v21;
	[tilespmem:s18+$0xFFFFFFC0] =	vst v29;
	v27 =	vld.idx.msk [tilespmem:v20+s26+$0x0], $0xffff  }
0x278: {  	v20 =	vor.u32 v1, v21;
	[tilespmem:s18+$0xFFFFFFD0] =	vst v30;
	v22 =	vld.idx.msk [tilespmem:v22+s26+$0x0], $0xffff  }
0x279: {  	v26 =	vor.u32 v2, v21;
	[tilespmem:s18+$0xFFFFFFE0] =	vst v31;
	v28 =	vld.idx.msk [tilespmem:v23+s26+$0x0], $0xffff  }
0x27a: {  	s0 =	sadd.s32 $0x1, s17;
	v23 =	vor.u32 v3, v21;
	[tilespmem:s18+$0xFFFFFFF0] =	vst v15;
	v29 =	vld.idx.msk [tilespmem:v25+s26+$0x0], $0xffff  }
0x27b: {  	v15 =	vmov s0;
	v25 =	vor.u32 v4, v21;
	v30 =	vld.idx.msk [tilespmem:v18+s26+$0x0], $0xffff;
	[tilespmem:s18+$0x0] =	vst v16  }
0x27c: {  	v31 =	vor.u32 v5, v21;
	v15 =	vand.u32 $0x1D, v15;
	v19 =	vld.idx.msk [tilespmem:v19+s26+$0x0], $0xffff;
	[tilespmem:s18+$0x10] =	vst v17  }
0x27d: {  	v32 =	vor.u32 v6, v21;
	v15 =	vbroadcast v15, $0x0;
	v20 =	vld.idx.msk [tilespmem:v20+s26+$0x0], $0xffff;
	[tilespmem:s18+$0x20] =	vst v24  }
.Ltmp5:
0x27e: {  	v18 =	vld.idx.msk [tilespmem:v26+s26+$0x0], $0xffff;
	v26 =	vor.u32 v7, v21;
	[tilespmem:s18+$0x30] =	vst v27;
	(pc) =	sbr.rel @p0 .LBB2_12-.Ltmp5, $4  }
0x27f: {  	v27 =	vor.u32 v0, v15;
	v16 =	vld.idx.msk [tilespmem:v23+s26+$0x0], $0xffff;
	[tilespmem:s18+$0x40] =	vst v22  }
0x280: {  	v23 =	vor.u32 v1, v15;
	v17 =	vld.idx.msk [tilespmem:v25+s26+$0x0], $0xffff;
	[tilespmem:s18+$0x50] =	vst v28  }
0x281: {  	s0 =	sadd.s32 $0x3, s17;
	v25 =	vor.u32 v2, v15;
	v21 =	vld.idx.msk [tilespmem:v31+s26+$0x0], $0xffff;
	[tilespmem:s18+$0x60] =	vst v29  }
0x282: {  	s17 =	sadd.s32 $0x4, s17;
	v24 =	vor.u32 v3, v15;
	v28 =	vmov s0;
	v22 =	vld.idx.msk [tilespmem:v32+s26+$0x0], $0xffff;
	[tilespmem:s18+$0x70] =	vst v30  }
0x283: {  	_ = 	snop  }
0x284: {  	[tilespmem:s18+$0x80] =	vst v8  }
0x285: {  	[tilespmem:s18+$0x90] =	vst v12  }
0x286: {  	[tilespmem:s18+$0xA0] =	vst v14  }
0x287: {  	v29 =	vor.u32 v4, v15;
	v26 =	vld.idx.msk [tilespmem:v26+s26+$0x0], $0xffff;
	[tilespmem:s18+$0xB0] =	vst v13  }
0x288: {  	v28 =	vand.u32 $0x1F, v28;
	v8 =	vld.idx.msk [tilespmem:v27+s26+$0x0], $0xffff;
	v27 =	vor.u32 v5, v15;
	[tilespmem:s18+$0xC0] =	vst v10  }
0x289: {  	v12 =	vld.idx.msk [tilespmem:v23+s26+$0x0], $0xffff;
	v23 =	vor.u32 v6, v15;
	[tilespmem:s18+$0xD0] =	vst v9;
	v28 =	vbroadcast v28, $0x0  }
0x28a: {  	v14 =	vld.idx.msk [tilespmem:v25+s26+$0x0], $0xffff;
	[tilespmem:s18+$0xE0] =	vst v11;
	v15 =	vor.u32 v7, v15  }
0x28b: {  	v13 =	vld.idx.msk [tilespmem:v24+s26+$0x0], $0xffff;
	[tilespmem:s18+$0xFFFFFF00] =	vst v19;
	v25 =	vor.u32 v0, v28  }
0x28c: {  	s0 =	sadd.s32 $0x2, s19;
	[tilespmem:s18+$0xFFFFFF10] =	vst v20;
	v24 =	vor.u32 v7, v28;
	v10 =	vld.idx.msk [tilespmem:v29+s26+$0x0], $0xffff  }
0x28d: {  	[tilespmem:s18+$0xFFFFFF20] =	vst v18;
	v19 =	vmov s0;
	v20 =	vor.u32 v5, v28;
	v9 =	vld.idx.msk [tilespmem:v27+s26+$0x0], $0xffff  }
0x28e: {  	[tilespmem:s18+$0xFFFFFF30] =	vst v16;
	v19 =	vand.u32 $0x1E, v19;
	v29 =	vor.u32 v1, v28;
	v11 =	vld.idx.msk [tilespmem:v23+s26+$0x0], $0xffff  }
0x28f: {  	[tilespmem:s18+$0xFFFFFF40] =	vst v17;
	v18 =	vbroadcast v19, $0x0;
	v27 =	vor.u32 v2, v28;
	v15 =	vld.idx.msk [tilespmem:v15+s26+$0x0], $0xffff  }
0x290: {  	[tilespmem:s18+$0xFFFFFF50] =	vst v21;
	v23 =	vor.u32 v3, v28;
	v25 =	vld.idx.msk [tilespmem:v25+s26+$0x0], $0xffff  }
0x291: {  	[tilespmem:s18+$0xFFFFFF60] =	vst v22;
	v17 =	vor.u32 v0, v18;
	v24 =	vld.idx.msk [tilespmem:v24+s26+$0x0], $0xffff  }
0x292: {  	s17 =	sadd.s32 $0x200, s18;
	v30 =	vor.u32 v4, v28;
	[tilespmem:s18+$0xFFFFFF70] =	vst v26;
	v20 =	vld.idx.msk [tilespmem:v20+s26+$0x0], $0xffff  }
0x293: {  	v21 =	vor.u32 v1, v18;
	[tilespmem:s17+$0xFFFFFF80] =	vst v8;
	v19 =	vld.idx.msk [tilespmem:v29+s26+$0x0], $0xffff  }
0x294: {  	v28 =	vor.u32 v6, v28;
	[tilespmem:s17+$0xFFFFFF90] =	vst v12;
	v16 =	vld.idx.msk [tilespmem:v27+s26+$0x0], $0xffff  }
0x295: {  	v22 =	vor.u32 v2, v18;
	[tilespmem:s17+$0xFFFFFFA0] =	vst v14;
	v23 =	vld.idx.msk [tilespmem:v23+s26+$0x0], $0xffff  }
0x296: {  	[tilespmem:s17+$0xFFFFFFB0] =	vst v13;
	v8 =	vld.idx.msk [tilespmem:v17+s26+$0x0], $0xffff;
	v17 =	vor.u32 v5, v18  }
0x297: {  	v26 =	vor.u32 v3, v18;
	v27 =	vld.idx.msk [tilespmem:v30+s26+$0x0], $0xffff;
	[tilespmem:s17+$0xFFFFFFC0] =	vst v10  }
0x298: {  	v12 =	vld.idx.msk [tilespmem:v21+s26+$0x0], $0xffff;
	v21 =	vor.u32 v6, v18;
	[tilespmem:s17+$0xFFFFFFD0] =	vst v9  }
0x299: {  	v28 =	vld.idx.msk [tilespmem:v28+s26+$0x0], $0xffff;
	[tilespmem:s17+$0xF0] =	vst v24;
	v24 =	vor.u32 v4, v18  }
0x29a: {  	v14 =	vld.idx.msk [tilespmem:v22+s26+$0x0], $0xffff;
	[tilespmem:s17+$0xFFFFFFE0] =	vst v11;
	v18 =	vor.u32 v7, v18  }
0x29b: {  	[tilespmem:s17+$0xFFFFFFF0] =	vst v15;
	v9 =	vld.idx.msk [tilespmem:v17+s26+$0x0], $0xffff;
	v17 =	vmov s19  }
0x29c: {  	v13 =	vld.idx.msk [tilespmem:v26+s26+$0x0], $0xffff;
	[tilespmem:s17+$0x80] =	vst v25;
	v17 =	vand.u32 $0x1C, v17  }
0x29d: {  	[tilespmem:s17+$0xD0] =	vst v20;
	v11 =	vld.idx.msk [tilespmem:v21+s26+$0x0], $0xffff;
	v17 =	vbroadcast v17, $0x0  }
0x29e: {  	[tilespmem:s17+$0x90] =	vst v19;
	v10 =	vld.idx.msk [tilespmem:v24+s26+$0x0], $0xffff  }
0x29f: {  	v15 =	vld.idx.msk [tilespmem:v18+s26+$0x0], $0xffff;
	[tilespmem:s17+$0x0] =	vst v8;
	v8 =	vor.u32 v0, v17  }
0x2a0: {  	[tilespmem:s17+$0x10] =	vst v12;
	v12 =	vor.u32 v1, v17  }
0x2a1: {  	[tilespmem:s17+$0x30] =	vst v13;
	v13 =	vor.u32 v2, v17  }
0x2a2: {  	[tilespmem:s17+$0x20] =	vst v14;
	v14 =	vor.u32 v6, v17  }
0x2a3: {  	[tilespmem:s17+$0x50] =	vst v9;
	v9 =	vor.u32 v4, v17  }
0x2a4: {  	[tilespmem:s17+$0x60] =	vst v11;
	v11 =	vor.u32 v5, v17;
	v8 =	vld.idx.msk [tilespmem:v8+s26+$0x0], $0xffff  }
0x2a5: {  	[tilespmem:s17+$0x40] =	vst v10;
	v10 =	vor.u32 v3, v17;
	v12 =	vld.idx.msk [tilespmem:v12+s26+$0x0], $0xffff  }
0x2a6: {  	[tilespmem:s17+$0x70] =	vst v15;
	v15 =	vor.u32 v7, v17;
	v13 =	vld.idx.msk [tilespmem:v13+s26+$0x0], $0xffff  }
0x2a7: {  	[tilespmem:s17+$0xA0] =	vst v16;
	v14 =	vld.idx.msk [tilespmem:v14+s26+$0x0], $0xffff  }
0x2a8: {  	[tilespmem:s17+$0xB0] =	vst v23;
	v9 =	vld.idx.msk [tilespmem:v9+s26+$0x0], $0xffff  }
0x2a9: {  	[tilespmem:s17+$0xC0] =	vst v27;
	v11 =	vld.idx.msk [tilespmem:v11+s26+$0x0], $0xffff  }
0x2aa: {  	[tilespmem:s17+$0xE0] =	vst v28;
	v10 =	vld.idx.msk [tilespmem:v10+s26+$0x0], $0xffff  }
0x2ab: {  	v15 =	vld.idx.msk [tilespmem:v15+s26+$0x0], $0xffff;
	[tilespmem:s17+$0xFFFFFF00] =	vst v8  }
0x2ac: {  	[tilespmem:s17+$0xFFFFFF10] =	vst v12  }
0x2ad: {  	[tilespmem:s17+$0xFFFFFF20] =	vst v13  }
0x2ae: {  	[tilespmem:s17+$0xFFFFFF60] =	vst v14  }
0x2af: {  	[tilespmem:s17+$0xFFFFFF40] =	vst v9  }
0x2b0: {  	[tilespmem:s17+$0xFFFFFF50] =	vst v11  }
0x2b1: {  	[tilespmem:s17+$0xFFFFFF30] =	vst v10  }
0x2b2: {  	[tilespmem:s17+$0xFFFFFF70] =	vst v15  }
0x2b3: {  	s0 =	simm.s32 $0x0;
	s17 =	rddreg [dreg:$0x5]  }
0x2b4: {  	[hbm4b:s17+s0] =	stream.linear.scatter [tilespmem:s24], [sflag:$0x5], $0x400, $0x38;
	[tilespmem:$0x9400] =	vst v63  }
0x2b5: {  	s21 =	rddreg [dreg:$0x6]  }
0x2b6: {  	[hbm4b:s21+s0] =	stream.linear.scatter [tilespmem:s29], [sflag:$0x5], $0x400, $0x38;
	[tilespmem:$0x9400] =	vst v63  }
0x2b7: {  	s22 =	simm.s32 $0x1;
	s23 =	rddreg [dreg:$0x7]  }
0x2b8: {  	v8 =	vmov s22;
	[hbm4b:s23+s0] =	stream.linear.scatter [tilespmem:s6], [sflag:$0x5], $0x400, $0x38;
	[tilespmem:$0x9400] =	vst v63  }
0x2b9: {  	v8 =	vand.u32 $0x1D, v8;
	s19 =	rddreg [dreg:$0x8]  }
0x2ba: {  	v9 =	vbroadcast v8, $0x0;
	[hbm4b:s19+s0] =	stream.linear.scatter [tilespmem:s7], [sflag:$0x5], $0x400, $0x38;
	[tilespmem:$0x9400] =	vst v63  }
0x2bb: {  	_ =	swait.ge [sflag:s8], $0x1000  }
0x2bc: {  	s20 =	simm.s32 $0x3;
	v8 =	vor.u32 v0, v9;
	[sflag:s8] =	ssyncset.done $0x0  }
0x2bd: {  	v13 =	vmov s20;
	v10 =	vor.u32 v1, v9;
	[sflag:s8] =	ssyncadd.s32 $0xFFFFF000  }
0x2be: {  	v13 =	vand.u32 $0x1F, v13;
	v11 =	vor.u32 v2, v9;
	_ =	swait.ge [sflag:s16], $0x1000  }
0x2bf: {  	v13 =	vbroadcast v13, $0x0;
	v12 =	vor.u32 v3, v9;
	[sflag:s16] =	ssyncset.done $0x0  }
0x2c0: {  	v14 =	vor.u32 v4, v9;
	[sflag:s16] =	ssyncadd.s32 $0xFFFFF000  }
0x2c1: {  	v24 =	vor.u32 v5, v13;
	v15 =	vld.idx.msk [tilespmem:v8+s28+$0x0], $0xffff  }
0x2c2: {  	v8 =	vor.u32 v5, v9;
	v16 =	vld.idx.msk [tilespmem:v10+s28+$0x0], $0xffff  }
0x2c3: {  	v10 =	vor.u32 v6, v9;
	v17 =	vld.idx.msk [tilespmem:v11+s28+$0x0], $0xffff  }
0x2c4: {  	v11 =	vor.u32 v0, v13;
	v18 =	vld.idx.msk [tilespmem:v12+s28+$0x0], $0xffff  }
0x2c5: {  	v12 =	vor.u32 v7, v13;
	v19 =	vld.idx.msk [tilespmem:v14+s28+$0x0], $0xffff  }
0x2c6: {  	v27 =	vor.u32 v7, v9;
	v14 =	vor.u32 v1, v13;
	v9 =	vld.idx.msk [tilespmem:v24+s28+$0x0], $0xffff  }
0x2c7: {  	v21 =	vor.u32 v2, v13;
	s21 =	simm.s32 $0x2;
	v20 =	vld.idx.msk [tilespmem:v8+s28+$0x0], $0xffff  }
0x2c8: {  	v23 =	vmov s21;
	v22 =	vld.idx.msk [tilespmem:v10+s28+$0x0], $0xffff;
	v10 =	vor.u32 v3, v13  }
0x2c9: {  	v23 =	vand.u32 $0x1E, v23;
	v8 =	vld.idx.msk [tilespmem:v11+s28+$0x0], $0xffff;
	v11 =	vor.u32 v4, v13  }
0x2ca: {  	v26 =	vor.u32 v6, v13;
	v23 =	vbroadcast v23, $0x0;
	v25 =	vld.idx.msk [tilespmem:v12+s28+$0x0], $0xffff  }
0x2cb: {  	v12 =	vld.idx.msk [tilespmem:v14+s28+$0x0], $0xffff  }
0x2cc: {  	v14 =	vld.idx.msk [tilespmem:v21+s28+$0x0], $0xffff;
	v21 =	vor.u32 v0, v23  }
0x2cd: {  	v28 =	vor.u32 v1, v23;
	v13 =	vld.idx.msk [tilespmem:v10+s28+$0x0], $0xffff  }
0x2ce: {  	s18 =	simm.s32 $0x8500;
	v24 =	vor.u32 v3, v23;
	v10 =	vld.idx.msk [tilespmem:v11+s28+$0x0], $0xffff  }
0x2cf: {  	v29 =	vor.u32 v2, v23;
	v11 =	vld.idx.msk [tilespmem:v26+s28+$0x0], $0xffff;
	[tilespmem:s18+$0xF0] =	vst v25  }
0x2d0: {  	v25 =	vld.idx.msk [tilespmem:v27+s28+$0x0], $0xffff;
	v26 =	vor.u32 v4, v23;
	v27 =	vmov s0;
	[tilespmem:s18+$0xFFFFFF80] =	vst v15  }
0x2d1: {  	v15 =	vld.idx.msk [tilespmem:v21+s28+$0x0], $0xffff;
	v21 =	vor.u32 v5, v23;
	[tilespmem:s18+$0xFFFFFF90] =	vst v16;
	v27 =	vand.u32 $0x1C, v27  }
0x2d2: {  	v16 =	vld.idx.msk [tilespmem:v28+s28+$0x0], $0xffff;
	v28 =	vor.u32 v6, v23;
	[tilespmem:s18+$0xFFFFFFA0] =	vst v17;
	v27 =	vbroadcast v27, $0x0  }
0x2d3: {  	v24 =	vld.idx.msk [tilespmem:v24+s28+$0x0], $0xffff;
	v23 =	vor.u32 v7, v23;
	[tilespmem:s18+$0xFFFFFFB0] =	vst v18  }
0x2d4: {  	v17 =	vld.idx.msk [tilespmem:v29+s28+$0x0], $0xffff;
	[tilespmem:s18+$0xFFFFFFC0] =	vst v19;
	v18 =	vor.u32 v0, v27  }
0x2d5: {  	[tilespmem:s18+$0xFFFFFFD0] =	vst v20;
	v29 =	vor.u32 v1, v27;
	v26 =	vld.idx.msk [tilespmem:v26+s28+$0x0], $0xffff  }
0x2d6: {  	[tilespmem:s18+$0xFFFFFFE0] =	vst v22;
	v30 =	vor.u32 v2, v27;
	v21 =	vld.idx.msk [tilespmem:v21+s28+$0x0], $0xffff  }
0x2d7: {  	s22 =	simm.s32 $0x5;
	v22 =	vld.idx.msk [tilespmem:v28+s28+$0x0], $0xffff;
	v28 =	vor.u32 v3, v27;
	[tilespmem:s18+$0xFFFFFFF0] =	vst v25  }
0x2d8: {  	v31 =	vld.idx.msk [tilespmem:v23+s28+$0x0], $0xffff;
	v23 =	vor.u32 v4, v27;
	[tilespmem:s18+$0x0] =	vst v15;
	v15 =	vmov s22  }
0x2d9: {  	v25 =	vor.u32 v5, v27;
	[tilespmem:s18+$0x10] =	vst v16;
	v15 =	vand.u32 $0x1D, v15;
	v19 =	vld.idx.msk [tilespmem:v18+s28+$0x0], $0xffff  }
0x2da: {  	[tilespmem:s18+$0x20] =	vst v17;
	v15 =	vbroadcast v15, $0x0;
	v20 =	vld.idx.msk [tilespmem:v29+s28+$0x0], $0xffff;
	v29 =	vor.u32 v6, v27  }
0x2db: {  	v18 =	vld.idx.msk [tilespmem:v30+s28+$0x0], $0xffff;
	[tilespmem:s18+$0x40] =	vst v26;
	v26 =	vor.u32 v7, v27  }
0x2dc: {  	[tilespmem:s18+$0x30] =	vst v24;
	v16 =	vld.idx.msk [tilespmem:v28+s28+$0x0], $0xffff;
	v27 =	vor.u32 v0, v15  }
0x2dd: {  	v17 =	vld.idx.msk [tilespmem:v23+s28+$0x0], $0xffff;
	[tilespmem:s18+$0x50] =	vst v21;
	v23 =	vor.u32 v1, v15  }
0x2de: {  	s23 =	simm.s32 $0x7;
	v21 =	vld.idx.msk [tilespmem:v25+s28+$0x0], $0xffff;
	[tilespmem:s18+$0x60] =	vst v22;
	v25 =	vor.u32 v2, v15  }
0x2df: {  	s17 =	simm.s32 $0x8;
	s19 =	simm.s32 $0x4;
	v24 =	vor.u32 v3, v15;
	v28 =	vmov s23;
	[tilespmem:s18+$0x70] =	vst v31;
	v22 =	vld.idx.msk [tilespmem:v29+s28+$0x0], $0xffff  }
.LBB2_14:
0x2e0: {  	p0 =	slt.u32 s17, $0x1C;
	v29 =	vor.u32 v4, v15;
	v28 =	vand.u32 $0x1F, v28;
	v26 =	vld.idx.msk [tilespmem:v26+s28+$0x0], $0xffff;
	[tilespmem:s18+$0x80] =	vst v8  }
0x2e1: {  	v8 =	vor.u32 v5, v15;
	v27 =	vld.idx.msk [tilespmem:v27+s28+$0x0], $0xffff;
	v28 =	vbroadcast v28, $0x0;
	[tilespmem:s18+$0x90] =	vst v12  }
0x2e2: {  	v12 =	vor.u32 v6, v15;
	v23 =	vld.idx.msk [tilespmem:v23+s28+$0x0], $0xffff;
	[tilespmem:s18+$0xA0] =	vst v14  }
0x2e3: {  	v25 =	vld.idx.msk [tilespmem:v25+s28+$0x0], $0xffff;
	v14 =	vor.u32 v0, v28;
	[tilespmem:s18+$0xB0] =	vst v13  }
0x2e4: {  	v13 =	vor.u32 v7, v28;
	v24 =	vld.idx.msk [tilespmem:v24+s28+$0x0], $0xffff;
	[tilespmem:s18+$0xC0] =	vst v10  }
0x2e5: {  	v10 =	vor.u32 v1, v28;
	v29 =	vld.idx.msk [tilespmem:v29+s28+$0x0], $0xffff;
	[tilespmem:s18+$0xD0] =	vst v9  }
0x2e6: {  	v9 =	vor.u32 v2, v28;
	v30 =	vld.idx.msk [tilespmem:v8+s28+$0x0], $0xffff;
	[tilespmem:s18+$0xE0] =	vst v11  }
0x2e7: {  	s0 =	sadd.s32 $0x2, s19;
	v11 =	vor.u32 v3, v28;
	v31 =	vld.idx.msk [tilespmem:v12+s28+$0x0], $0xffff;
	[tilespmem:s18+$0xFFFFFF00] =	vst v19  }
0x2e8: {  	v12 =	vmov s0;
	v19 =	vor.u32 v4, v28;
	v8 =	vld.idx.msk [tilespmem:v14+s28+$0x0], $0xffff;
	[tilespmem:s18+$0xFFFFFF10] =	vst v20  }
0x2e9: {  	v12 =	vand.u32 $0x1E, v12;
	v20 =	vor.u32 v5, v28;
	v32 =	vld.idx.msk [tilespmem:v13+s28+$0x0], $0xffff;
	[tilespmem:s18+$0xFFFFFF20] =	vst v18  }
0x2ea: {  	v28 =	vor.u32 v6, v28;
	v18 =	vbroadcast v12, $0x0;
	v12 =	vld.idx.msk [tilespmem:v10+s28+$0x0], $0xffff;
	[tilespmem:s18+$0xFFFFFF30] =	vst v16  }
0x2eb: {  	v15 =	vor.u32 v7, v15;
	v14 =	vld.idx.msk [tilespmem:v9+s28+$0x0], $0xffff;
	[tilespmem:s18+$0xFFFFFF40] =	vst v17  }
0x2ec: {  	v16 =	vor.u32 v0, v18;
	v13 =	vld.idx.msk [tilespmem:v11+s28+$0x0], $0xffff;
	[tilespmem:s18+$0xFFFFFF50] =	vst v21  }
0x2ed: {  	v17 =	vor.u32 v1, v18;
	v10 =	vld.idx.msk [tilespmem:v19+s28+$0x0], $0xffff;
	[tilespmem:s18+$0xFFFFFF60] =	vst v22  }
0x2ee: {  	v19 =	vor.u32 v2, v18;
	v9 =	vld.idx.msk [tilespmem:v20+s28+$0x0], $0xffff;
	[tilespmem:s18+$0xFFFFFF70] =	vst v26;
	s18 =	sadd.s32 $0x200, s18  }
0x2ef: {  	v20 =	vor.u32 v3, v18;
	v11 =	vld.idx.msk [tilespmem:v28+s28+$0x0], $0xffff;
	[tilespmem:s18+$0xF0] =	vst v32  }
0x2f0: {  	v21 =	vmov s19;
	s19 =	smov.u32 s17;
	v22 =	vor.u32 v4, v18;
	v15 =	vld.idx.msk [tilespmem:v15+s28+$0x0], $0xffff;
	[tilespmem:s18+$0xFFFFFF80] =	vst v27  }
0x2f1: {  	v21 =	vand.u32 $0x1C, v21;
	[tilespmem:s18+$0xFFFFFF90] =	vst v23;
	v16 =	vld.idx.msk [tilespmem:v16+s28+$0x0], $0xffff;
	v23 =	vor.u32 v5, v18  }
0x2f2: {  	v21 =	vbroadcast v21, $0x0;
	[tilespmem:s18+$0xFFFFFFA0] =	vst v25;
	v17 =	vld.idx.msk [tilespmem:v17+s28+$0x0], $0xffff;
	v25 =	vor.u32 v6, v18  }
0x2f3: {  	v18 =	vor.u32 v7, v18;
	[tilespmem:s18+$0xFFFFFFB0] =	vst v24;
	v24 =	vld.idx.msk [tilespmem:v19+s28+$0x0], $0xffff  }
0x2f4: {  	v19 =	vor.u32 v0, v21;
	[tilespmem:s18+$0xFFFFFFC0] =	vst v29;
	v27 =	vld.idx.msk [tilespmem:v20+s28+$0x0], $0xffff  }
0x2f5: {  	v20 =	vor.u32 v1, v21;
	[tilespmem:s18+$0xFFFFFFD0] =	vst v30;
	v22 =	vld.idx.msk [tilespmem:v22+s28+$0x0], $0xffff  }
0x2f6: {  	v26 =	vor.u32 v2, v21;
	[tilespmem:s18+$0xFFFFFFE0] =	vst v31;
	v28 =	vld.idx.msk [tilespmem:v23+s28+$0x0], $0xffff  }
0x2f7: {  	s0 =	sadd.s32 $0x1, s17;
	v23 =	vor.u32 v3, v21;
	[tilespmem:s18+$0xFFFFFFF0] =	vst v15;
	v29 =	vld.idx.msk [tilespmem:v25+s28+$0x0], $0xffff  }
0x2f8: {  	v15 =	vmov s0;
	v25 =	vor.u32 v4, v21;
	v30 =	vld.idx.msk [tilespmem:v18+s28+$0x0], $0xffff;
	[tilespmem:s18+$0x0] =	vst v16  }
0x2f9: {  	v31 =	vor.u32 v5, v21;
	v15 =	vand.u32 $0x1D, v15;
	v19 =	vld.idx.msk [tilespmem:v19+s28+$0x0], $0xffff;
	[tilespmem:s18+$0x10] =	vst v17  }
0x2fa: {  	v32 =	vor.u32 v6, v21;
	v15 =	vbroadcast v15, $0x0;
	v20 =	vld.idx.msk [tilespmem:v20+s28+$0x0], $0xffff;
	[tilespmem:s18+$0x20] =	vst v24  }
.Ltmp6:
0x2fb: {  	v18 =	vld.idx.msk [tilespmem:v26+s28+$0x0], $0xffff;
	v26 =	vor.u32 v7, v21;
	[tilespmem:s18+$0x30] =	vst v27;
	(pc) =	sbr.rel @p0 .LBB2_14-.Ltmp6, $4  }
0x2fc: {  	v27 =	vor.u32 v0, v15;
	v16 =	vld.idx.msk [tilespmem:v23+s28+$0x0], $0xffff;
	[tilespmem:s18+$0x40] =	vst v22  }
0x2fd: {  	v23 =	vor.u32 v1, v15;
	v17 =	vld.idx.msk [tilespmem:v25+s28+$0x0], $0xffff;
	[tilespmem:s18+$0x50] =	vst v28  }
0x2fe: {  	s0 =	sadd.s32 $0x3, s17;
	v25 =	vor.u32 v2, v15;
	v21 =	vld.idx.msk [tilespmem:v31+s28+$0x0], $0xffff;
	[tilespmem:s18+$0x60] =	vst v29  }
0x2ff: {  	s17 =	sadd.s32 $0x4, s17;
	v24 =	vor.u32 v3, v15;
	v28 =	vmov s0;
	v22 =	vld.idx.msk [tilespmem:v32+s28+$0x0], $0xffff;
	[tilespmem:s18+$0x70] =	vst v30  }
0x300: {  	_ = 	snop  }
0x301: {  	[tilespmem:s18+$0x80] =	vst v8  }
0x302: {  	[tilespmem:s18+$0x90] =	vst v12  }
0x303: {  	[tilespmem:s18+$0xA0] =	vst v14  }
0x304: {  	v29 =	vor.u32 v4, v15;
	v26 =	vld.idx.msk [tilespmem:v26+s28+$0x0], $0xffff;
	[tilespmem:s18+$0xB0] =	vst v13  }
0x305: {  	v28 =	vand.u32 $0x1F, v28;
	v8 =	vld.idx.msk [tilespmem:v27+s28+$0x0], $0xffff;
	v27 =	vor.u32 v5, v15;
	[tilespmem:s18+$0xC0] =	vst v10  }
0x306: {  	v12 =	vld.idx.msk [tilespmem:v23+s28+$0x0], $0xffff;
	v23 =	vor.u32 v6, v15;
	[tilespmem:s18+$0xD0] =	vst v9;
	v28 =	vbroadcast v28, $0x0  }
0x307: {  	v14 =	vld.idx.msk [tilespmem:v25+s28+$0x0], $0xffff;
	[tilespmem:s18+$0xE0] =	vst v11;
	v15 =	vor.u32 v7, v15  }
0x308: {  	v13 =	vld.idx.msk [tilespmem:v24+s28+$0x0], $0xffff;
	[tilespmem:s18+$0xFFFFFF00] =	vst v19;
	v25 =	vor.u32 v0, v28  }
0x309: {  	s0 =	sadd.s32 $0x2, s19;
	[tilespmem:s18+$0xFFFFFF10] =	vst v20;
	v24 =	vor.u32 v7, v28;
	v10 =	vld.idx.msk [tilespmem:v29+s28+$0x0], $0xffff  }
0x30a: {  	[tilespmem:s18+$0xFFFFFF20] =	vst v18;
	v19 =	vmov s0;
	v20 =	vor.u32 v5, v28;
	v9 =	vld.idx.msk [tilespmem:v27+s28+$0x0], $0xffff  }
0x30b: {  	[tilespmem:s18+$0xFFFFFF30] =	vst v16;
	v19 =	vand.u32 $0x1E, v19;
	v29 =	vor.u32 v1, v28;
	v11 =	vld.idx.msk [tilespmem:v23+s28+$0x0], $0xffff  }
0x30c: {  	[tilespmem:s18+$0xFFFFFF40] =	vst v17;
	v18 =	vbroadcast v19, $0x0;
	v27 =	vor.u32 v2, v28;
	v15 =	vld.idx.msk [tilespmem:v15+s28+$0x0], $0xffff  }
0x30d: {  	[tilespmem:s18+$0xFFFFFF50] =	vst v21;
	v23 =	vor.u32 v3, v28;
	v25 =	vld.idx.msk [tilespmem:v25+s28+$0x0], $0xffff  }
0x30e: {  	[tilespmem:s18+$0xFFFFFF60] =	vst v22;
	v17 =	vor.u32 v0, v18;
	v24 =	vld.idx.msk [tilespmem:v24+s28+$0x0], $0xffff  }
0x30f: {  	s17 =	sadd.s32 $0x200, s18;
	v30 =	vor.u32 v4, v28;
	[tilespmem:s18+$0xFFFFFF70] =	vst v26;
	v20 =	vld.idx.msk [tilespmem:v20+s28+$0x0], $0xffff  }
0x310: {  	v21 =	vor.u32 v1, v18;
	[tilespmem:s17+$0xFFFFFF80] =	vst v8;
	v19 =	vld.idx.msk [tilespmem:v29+s28+$0x0], $0xffff  }
0x311: {  	v28 =	vor.u32 v6, v28;
	[tilespmem:s17+$0xFFFFFF90] =	vst v12;
	v16 =	vld.idx.msk [tilespmem:v27+s28+$0x0], $0xffff  }
0x312: {  	v22 =	vor.u32 v2, v18;
	[tilespmem:s17+$0xFFFFFFA0] =	vst v14;
	v23 =	vld.idx.msk [tilespmem:v23+s28+$0x0], $0xffff  }
0x313: {  	[tilespmem:s17+$0xFFFFFFB0] =	vst v13;
	v8 =	vld.idx.msk [tilespmem:v17+s28+$0x0], $0xffff;
	v17 =	vor.u32 v5, v18  }
0x314: {  	v26 =	vor.u32 v3, v18;
	v27 =	vld.idx.msk [tilespmem:v30+s28+$0x0], $0xffff;
	[tilespmem:s17+$0xFFFFFFC0] =	vst v10  }
0x315: {  	v12 =	vld.idx.msk [tilespmem:v21+s28+$0x0], $0xffff;
	v21 =	vor.u32 v6, v18;
	[tilespmem:s17+$0xFFFFFFD0] =	vst v9  }
0x316: {  	v28 =	vld.idx.msk [tilespmem:v28+s28+$0x0], $0xffff;
	[tilespmem:s17+$0xF0] =	vst v24;
	v24 =	vor.u32 v4, v18  }
0x317: {  	v14 =	vld.idx.msk [tilespmem:v22+s28+$0x0], $0xffff;
	[tilespmem:s17+$0xFFFFFFE0] =	vst v11;
	v18 =	vor.u32 v7, v18  }
0x318: {  	[tilespmem:s17+$0xFFFFFFF0] =	vst v15;
	v9 =	vld.idx.msk [tilespmem:v17+s28+$0x0], $0xffff;
	v17 =	vmov s19  }
0x319: {  	v13 =	vld.idx.msk [tilespmem:v26+s28+$0x0], $0xffff;
	[tilespmem:s17+$0x80] =	vst v25;
	v17 =	vand.u32 $0x1C, v17  }
0x31a: {  	[tilespmem:s17+$0xD0] =	vst v20;
	v11 =	vld.idx.msk [tilespmem:v21+s28+$0x0], $0xffff;
	v17 =	vbroadcast v17, $0x0  }
0x31b: {  	[tilespmem:s17+$0x90] =	vst v19;
	v10 =	vld.idx.msk [tilespmem:v24+s28+$0x0], $0xffff  }
0x31c: {  	v15 =	vld.idx.msk [tilespmem:v18+s28+$0x0], $0xffff;
	[tilespmem:s17+$0x0] =	vst v8;
	v8 =	vor.u32 v0, v17  }
0x31d: {  	[tilespmem:s17+$0x10] =	vst v12;
	v12 =	vor.u32 v1, v17  }
0x31e: {  	[tilespmem:s17+$0x30] =	vst v13;
	v13 =	vor.u32 v2, v17  }
0x31f: {  	[tilespmem:s17+$0x20] =	vst v14;
	v14 =	vor.u32 v6, v17  }
0x320: {  	[tilespmem:s17+$0x50] =	vst v9;
	v9 =	vor.u32 v4, v17  }
0x321: {  	[tilespmem:s17+$0x60] =	vst v11;
	v11 =	vor.u32 v5, v17;
	v8 =	vld.idx.msk [tilespmem:v8+s28+$0x0], $0xffff  }
0x322: {  	[tilespmem:s17+$0x40] =	vst v10;
	v10 =	vor.u32 v3, v17;
	v12 =	vld.idx.msk [tilespmem:v12+s28+$0x0], $0xffff  }
0x323: {  	[tilespmem:s17+$0x70] =	vst v15;
	v15 =	vor.u32 v7, v17;
	v13 =	vld.idx.msk [tilespmem:v13+s28+$0x0], $0xffff  }
0x324: {  	[tilespmem:s17+$0xA0] =	vst v16;
	v14 =	vld.idx.msk [tilespmem:v14+s28+$0x0], $0xffff  }
0x325: {  	[tilespmem:s17+$0xB0] =	vst v23;
	v9 =	vld.idx.msk [tilespmem:v9+s28+$0x0], $0xffff  }
0x326: {  	[tilespmem:s17+$0xC0] =	vst v27;
	v11 =	vld.idx.msk [tilespmem:v11+s28+$0x0], $0xffff  }
0x327: {  	[tilespmem:s17+$0xE0] =	vst v28;
	v10 =	vld.idx.msk [tilespmem:v10+s28+$0x0], $0xffff  }
0x328: {  	v15 =	vld.idx.msk [tilespmem:v15+s28+$0x0], $0xffff;
	[tilespmem:s17+$0xFFFFFF00] =	vst v8  }
0x329: {  	[tilespmem:s17+$0xFFFFFF10] =	vst v12  }
0x32a: {  	[tilespmem:s17+$0xFFFFFF20] =	vst v13  }
0x32b: {  	[tilespmem:s17+$0xFFFFFF60] =	vst v14  }
0x32c: {  	[tilespmem:s17+$0xFFFFFF40] =	vst v9  }
0x32d: {  	[tilespmem:s17+$0xFFFFFF50] =	vst v11  }
0x32e: {  	[tilespmem:s17+$0xFFFFFF30] =	vst v10  }
0x32f: {  	[tilespmem:s17+$0xFFFFFF70] =	vst v15  }
0x330: {  	s0 =	simm.s32 $0x0;
	s17 =	rddreg [dreg:$0x9]  }
0x331: {  	[hbm4b:s17+s0] =	stream.linear.scatter [tilespmem:s9], [sflag:$0x6], $0x400, $0x38;
	[tilespmem:$0x9400] =	vst v63  }
0x332: {  	s21 =	rddreg [dreg:$0xa]  }
0x333: {  	[hbm4b:s21+s0] =	stream.linear.scatter [tilespmem:s10], [sflag:$0x6], $0x400, $0x38;
	[tilespmem:$0x9400] =	vst v63  }
0x334: {  	s22 =	simm.s32 $0x1;
	s23 =	rddreg [dreg:$0xb]  }
0x335: {  	v8 =	vmov s22;
	[hbm4b:s23+s0] =	stream.linear.scatter [tilespmem:s11], [sflag:$0x6], $0x400, $0x38;
	[tilespmem:$0x9400] =	vst v63  }
0x336: {  	v8 =	vand.u32 $0x1D, v8;
	s19 =	rddreg [dreg:$0xc]  }
0x337: {  	v9 =	vbroadcast v8, $0x0;
	[hbm4b:s19+s0] =	stream.linear.scatter [tilespmem:s12], [sflag:$0x6], $0x400, $0x38;
	[tilespmem:$0x9400] =	vst v63  }
0x338: {  	_ =	swait.ge [sflag:s13], $0x1000  }
0x339: {  	s20 =	simm.s32 $0x3;
	v8 =	vor.u32 v0, v9;
	[sflag:s13] =	ssyncset.done $0x0  }
0x33a: {  	v13 =	vmov s20;
	v10 =	vor.u32 v1, v9;
	[sflag:s13] =	ssyncadd.s32 $0xFFFFF000  }
0x33b: {  	v13 =	vand.u32 $0x1F, v13;
	v11 =	vor.u32 v2, v9;
	_ =	swait.ge [sflag:s14], $0x1000  }
0x33c: {  	v13 =	vbroadcast v13, $0x0;
	v12 =	vor.u32 v3, v9;
	[sflag:s14] =	ssyncset.done $0x0  }
0x33d: {  	v14 =	vor.u32 v4, v9;
	[sflag:s14] =	ssyncadd.s32 $0xFFFFF000  }
0x33e: {  	v24 =	vor.u32 v5, v13;
	v15 =	vld.idx.msk [tilespmem:v8+s30+$0x0], $0xffff  }
0x33f: {  	v8 =	vor.u32 v5, v9;
	v16 =	vld.idx.msk [tilespmem:v10+s30+$0x0], $0xffff  }
0x340: {  	v10 =	vor.u32 v6, v9;
	v17 =	vld.idx.msk [tilespmem:v11+s30+$0x0], $0xffff  }
0x341: {  	v11 =	vor.u32 v0, v13;
	v18 =	vld.idx.msk [tilespmem:v12+s30+$0x0], $0xffff  }
0x342: {  	v12 =	vor.u32 v7, v13;
	v19 =	vld.idx.msk [tilespmem:v14+s30+$0x0], $0xffff  }
0x343: {  	v27 =	vor.u32 v7, v9;
	v14 =	vor.u32 v1, v13;
	v9 =	vld.idx.msk [tilespmem:v24+s30+$0x0], $0xffff  }
0x344: {  	v21 =	vor.u32 v2, v13;
	s21 =	simm.s32 $0x2;
	v20 =	vld.idx.msk [tilespmem:v8+s30+$0x0], $0xffff  }
0x345: {  	v23 =	vmov s21;
	v22 =	vld.idx.msk [tilespmem:v10+s30+$0x0], $0xffff;
	v10 =	vor.u32 v3, v13  }
0x346: {  	v23 =	vand.u32 $0x1E, v23;
	v8 =	vld.idx.msk [tilespmem:v11+s30+$0x0], $0xffff;
	v11 =	vor.u32 v4, v13  }
0x347: {  	v26 =	vor.u32 v6, v13;
	v23 =	vbroadcast v23, $0x0;
	v25 =	vld.idx.msk [tilespmem:v12+s30+$0x0], $0xffff  }
0x348: {  	v12 =	vld.idx.msk [tilespmem:v14+s30+$0x0], $0xffff  }
0x349: {  	v14 =	vld.idx.msk [tilespmem:v21+s30+$0x0], $0xffff;
	v21 =	vor.u32 v0, v23  }
0x34a: {  	v28 =	vor.u32 v1, v23;
	v13 =	vld.idx.msk [tilespmem:v10+s30+$0x0], $0xffff  }
0x34b: {  	s18 =	simm.s32 $0x7500;
	v24 =	vor.u32 v3, v23;
	v10 =	vld.idx.msk [tilespmem:v11+s30+$0x0], $0xffff  }
0x34c: {  	v29 =	vor.u32 v2, v23;
	v11 =	vld.idx.msk [tilespmem:v26+s30+$0x0], $0xffff;
	[tilespmem:s18+$0xF0] =	vst v25  }
0x34d: {  	v25 =	vld.idx.msk [tilespmem:v27+s30+$0x0], $0xffff;
	v26 =	vor.u32 v4, v23;
	v27 =	vmov s0;
	[tilespmem:s18+$0xFFFFFF80] =	vst v15  }
0x34e: {  	v15 =	vld.idx.msk [tilespmem:v21+s30+$0x0], $0xffff;
	v21 =	vor.u32 v5, v23;
	[tilespmem:s18+$0xFFFFFF90] =	vst v16;
	v27 =	vand.u32 $0x1C, v27  }
0x34f: {  	v16 =	vld.idx.msk [tilespmem:v28+s30+$0x0], $0xffff;
	v28 =	vor.u32 v6, v23;
	[tilespmem:s18+$0xFFFFFFA0] =	vst v17;
	v27 =	vbroadcast v27, $0x0  }
0x350: {  	v24 =	vld.idx.msk [tilespmem:v24+s30+$0x0], $0xffff;
	v23 =	vor.u32 v7, v23;
	[tilespmem:s18+$0xFFFFFFB0] =	vst v18  }
0x351: {  	v17 =	vld.idx.msk [tilespmem:v29+s30+$0x0], $0xffff;
	[tilespmem:s18+$0xFFFFFFC0] =	vst v19;
	v18 =	vor.u32 v0, v27  }
0x352: {  	[tilespmem:s18+$0xFFFFFFD0] =	vst v20;
	v29 =	vor.u32 v1, v27;
	v26 =	vld.idx.msk [tilespmem:v26+s30+$0x0], $0xffff  }
0x353: {  	[tilespmem:s18+$0xFFFFFFE0] =	vst v22;
	v30 =	vor.u32 v2, v27;
	v21 =	vld.idx.msk [tilespmem:v21+s30+$0x0], $0xffff  }
0x354: {  	s22 =	simm.s32 $0x5;
	v22 =	vld.idx.msk [tilespmem:v28+s30+$0x0], $0xffff;
	v28 =	vor.u32 v3, v27;
	[tilespmem:s18+$0xFFFFFFF0] =	vst v25  }
0x355: {  	v31 =	vld.idx.msk [tilespmem:v23+s30+$0x0], $0xffff;
	v23 =	vor.u32 v4, v27;
	[tilespmem:s18+$0x0] =	vst v15;
	v15 =	vmov s22  }
0x356: {  	v25 =	vor.u32 v5, v27;
	[tilespmem:s18+$0x10] =	vst v16;
	v15 =	vand.u32 $0x1D, v15;
	v19 =	vld.idx.msk [tilespmem:v18+s30+$0x0], $0xffff  }
0x357: {  	[tilespmem:s18+$0x20] =	vst v17;
	v15 =	vbroadcast v15, $0x0;
	v20 =	vld.idx.msk [tilespmem:v29+s30+$0x0], $0xffff;
	v29 =	vor.u32 v6, v27  }
0x358: {  	v18 =	vld.idx.msk [tilespmem:v30+s30+$0x0], $0xffff;
	[tilespmem:s18+$0x40] =	vst v26;
	v26 =	vor.u32 v7, v27  }
0x359: {  	[tilespmem:s18+$0x30] =	vst v24;
	v16 =	vld.idx.msk [tilespmem:v28+s30+$0x0], $0xffff;
	v27 =	vor.u32 v0, v15  }
0x35a: {  	v17 =	vld.idx.msk [tilespmem:v23+s30+$0x0], $0xffff;
	[tilespmem:s18+$0x50] =	vst v21;
	v23 =	vor.u32 v1, v15  }
0x35b: {  	s23 =	simm.s32 $0x7;
	v21 =	vld.idx.msk [tilespmem:v25+s30+$0x0], $0xffff;
	[tilespmem:s18+$0x60] =	vst v22;
	v25 =	vor.u32 v2, v15  }
0x35c: {  	s17 =	simm.s32 $0x8;
	s19 =	simm.s32 $0x4;
	v24 =	vor.u32 v3, v15;
	v28 =	vmov s23;
	[tilespmem:s18+$0x70] =	vst v31;
	v22 =	vld.idx.msk [tilespmem:v29+s30+$0x0], $0xffff  }
.LBB2_16:
0x35d: {  	p0 =	slt.u32 s17, $0x1C;
	v29 =	vor.u32 v4, v15;
	v28 =	vand.u32 $0x1F, v28;
	v26 =	vld.idx.msk [tilespmem:v26+s30+$0x0], $0xffff;
	[tilespmem:s18+$0x80] =	vst v8  }
0x35e: {  	v8 =	vor.u32 v5, v15;
	v27 =	vld.idx.msk [tilespmem:v27+s30+$0x0], $0xffff;
	v28 =	vbroadcast v28, $0x0;
	[tilespmem:s18+$0x90] =	vst v12  }
0x35f: {  	v12 =	vor.u32 v6, v15;
	v23 =	vld.idx.msk [tilespmem:v23+s30+$0x0], $0xffff;
	[tilespmem:s18+$0xA0] =	vst v14  }
0x360: {  	v25 =	vld.idx.msk [tilespmem:v25+s30+$0x0], $0xffff;
	v14 =	vor.u32 v0, v28;
	[tilespmem:s18+$0xB0] =	vst v13  }
0x361: {  	v13 =	vor.u32 v7, v28;
	v24 =	vld.idx.msk [tilespmem:v24+s30+$0x0], $0xffff;
	[tilespmem:s18+$0xC0] =	vst v10  }
0x362: {  	v10 =	vor.u32 v1, v28;
	v29 =	vld.idx.msk [tilespmem:v29+s30+$0x0], $0xffff;
	[tilespmem:s18+$0xD0] =	vst v9  }
0x363: {  	v9 =	vor.u32 v2, v28;
	v30 =	vld.idx.msk [tilespmem:v8+s30+$0x0], $0xffff;
	[tilespmem:s18+$0xE0] =	vst v11  }
0x364: {  	s0 =	sadd.s32 $0x2, s19;
	v11 =	vor.u32 v3, v28;
	v31 =	vld.idx.msk [tilespmem:v12+s30+$0x0], $0xffff;
	[tilespmem:s18+$0xFFFFFF00] =	vst v19  }
0x365: {  	v12 =	vmov s0;
	v19 =	vor.u32 v4, v28;
	v8 =	vld.idx.msk [tilespmem:v14+s30+$0x0], $0xffff;
	[tilespmem:s18+$0xFFFFFF10] =	vst v20  }
0x366: {  	v12 =	vand.u32 $0x1E, v12;
	v20 =	vor.u32 v5, v28;
	v32 =	vld.idx.msk [tilespmem:v13+s30+$0x0], $0xffff;
	[tilespmem:s18+$0xFFFFFF20] =	vst v18  }
0x367: {  	v28 =	vor.u32 v6, v28;
	v18 =	vbroadcast v12, $0x0;
	v12 =	vld.idx.msk [tilespmem:v10+s30+$0x0], $0xffff;
	[tilespmem:s18+$0xFFFFFF30] =	vst v16  }
0x368: {  	v15 =	vor.u32 v7, v15;
	v14 =	vld.idx.msk [tilespmem:v9+s30+$0x0], $0xffff;
	[tilespmem:s18+$0xFFFFFF40] =	vst v17  }
0x369: {  	v16 =	vor.u32 v0, v18;
	v13 =	vld.idx.msk [tilespmem:v11+s30+$0x0], $0xffff;
	[tilespmem:s18+$0xFFFFFF50] =	vst v21  }
0x36a: {  	v17 =	vor.u32 v1, v18;
	v10 =	vld.idx.msk [tilespmem:v19+s30+$0x0], $0xffff;
	[tilespmem:s18+$0xFFFFFF60] =	vst v22  }
0x36b: {  	v19 =	vor.u32 v2, v18;
	v9 =	vld.idx.msk [tilespmem:v20+s30+$0x0], $0xffff;
	[tilespmem:s18+$0xFFFFFF70] =	vst v26;
	s18 =	sadd.s32 $0x200, s18  }
0x36c: {  	v20 =	vor.u32 v3, v18;
	v11 =	vld.idx.msk [tilespmem:v28+s30+$0x0], $0xffff;
	[tilespmem:s18+$0xF0] =	vst v32  }
0x36d: {  	v21 =	vmov s19;
	s19 =	smov.u32 s17;
	v22 =	vor.u32 v4, v18;
	v15 =	vld.idx.msk [tilespmem:v15+s30+$0x0], $0xffff;
	[tilespmem:s18+$0xFFFFFF80] =	vst v27  }
0x36e: {  	v21 =	vand.u32 $0x1C, v21;
	[tilespmem:s18+$0xFFFFFF90] =	vst v23;
	v16 =	vld.idx.msk [tilespmem:v16+s30+$0x0], $0xffff;
	v23 =	vor.u32 v5, v18  }
0x36f: {  	v21 =	vbroadcast v21, $0x0;
	[tilespmem:s18+$0xFFFFFFA0] =	vst v25;
	v17 =	vld.idx.msk [tilespmem:v17+s30+$0x0], $0xffff;
	v25 =	vor.u32 v6, v18  }
0x370: {  	v18 =	vor.u32 v7, v18;
	[tilespmem:s18+$0xFFFFFFB0] =	vst v24;
	v24 =	vld.idx.msk [tilespmem:v19+s30+$0x0], $0xffff  }
0x371: {  	v19 =	vor.u32 v0, v21;
	[tilespmem:s18+$0xFFFFFFC0] =	vst v29;
	v27 =	vld.idx.msk [tilespmem:v20+s30+$0x0], $0xffff  }
0x372: {  	v20 =	vor.u32 v1, v21;
	[tilespmem:s18+$0xFFFFFFD0] =	vst v30;
	v22 =	vld.idx.msk [tilespmem:v22+s30+$0x0], $0xffff  }
0x373: {  	v26 =	vor.u32 v2, v21;
	[tilespmem:s18+$0xFFFFFFE0] =	vst v31;
	v28 =	vld.idx.msk [tilespmem:v23+s30+$0x0], $0xffff  }
0x374: {  	s0 =	sadd.s32 $0x1, s17;
	v23 =	vor.u32 v3, v21;
	[tilespmem:s18+$0xFFFFFFF0] =	vst v15;
	v29 =	vld.idx.msk [tilespmem:v25+s30+$0x0], $0xffff  }
0x375: {  	v15 =	vmov s0;
	v25 =	vor.u32 v4, v21;
	v30 =	vld.idx.msk [tilespmem:v18+s30+$0x0], $0xffff;
	[tilespmem:s18+$0x0] =	vst v16  }
0x376: {  	v31 =	vor.u32 v5, v21;
	v15 =	vand.u32 $0x1D, v15;
	v19 =	vld.idx.msk [tilespmem:v19+s30+$0x0], $0xffff;
	[tilespmem:s18+$0x10] =	vst v17  }
0x377: {  	v32 =	vor.u32 v6, v21;
	v15 =	vbroadcast v15, $0x0;
	v20 =	vld.idx.msk [tilespmem:v20+s30+$0x0], $0xffff;
	[tilespmem:s18+$0x20] =	vst v24  }
.Ltmp7:
0x378: {  	v18 =	vld.idx.msk [tilespmem:v26+s30+$0x0], $0xffff;
	v26 =	vor.u32 v7, v21;
	[tilespmem:s18+$0x30] =	vst v27;
	(pc) =	sbr.rel @p0 .LBB2_16-.Ltmp7, $4  }
0x379: {  	v27 =	vor.u32 v0, v15;
	v16 =	vld.idx.msk [tilespmem:v23+s30+$0x0], $0xffff;
	[tilespmem:s18+$0x40] =	vst v22  }
0x37a: {  	v23 =	vor.u32 v1, v15;
	v17 =	vld.idx.msk [tilespmem:v25+s30+$0x0], $0xffff;
	[tilespmem:s18+$0x50] =	vst v28  }
0x37b: {  	s0 =	sadd.s32 $0x3, s17;
	v25 =	vor.u32 v2, v15;
	v21 =	vld.idx.msk [tilespmem:v31+s30+$0x0], $0xffff;
	[tilespmem:s18+$0x60] =	vst v29  }
0x37c: {  	s17 =	sadd.s32 $0x4, s17;
	v24 =	vor.u32 v3, v15;
	v28 =	vmov s0;
	v22 =	vld.idx.msk [tilespmem:v32+s30+$0x0], $0xffff;
	[tilespmem:s18+$0x70] =	vst v30  }
0x37d: {  	_ = 	snop  }
0x37e: {  	[tilespmem:s18+$0x80] =	vst v8  }
0x37f: {  	[tilespmem:s18+$0x90] =	vst v12  }
0x380: {  	[tilespmem:s18+$0xA0] =	vst v14  }
0x381: {  	v29 =	vor.u32 v4, v15;
	v26 =	vld.idx.msk [tilespmem:v26+s30+$0x0], $0xffff;
	[tilespmem:s18+$0xB0] =	vst v13  }
0x382: {  	v28 =	vand.u32 $0x1F, v28;
	v8 =	vld.idx.msk [tilespmem:v27+s30+$0x0], $0xffff;
	v27 =	vor.u32 v5, v15;
	[tilespmem:s18+$0xC0] =	vst v10  }
0x383: {  	v12 =	vld.idx.msk [tilespmem:v23+s30+$0x0], $0xffff;
	v23 =	vor.u32 v6, v15;
	[tilespmem:s18+$0xD0] =	vst v9;
	v28 =	vbroadcast v28, $0x0  }
0x384: {  	v14 =	vld.idx.msk [tilespmem:v25+s30+$0x0], $0xffff;
	[tilespmem:s18+$0xE0] =	vst v11;
	v15 =	vor.u32 v7, v15  }
0x385: {  	v13 =	vld.idx.msk [tilespmem:v24+s30+$0x0], $0xffff;
	[tilespmem:s18+$0xFFFFFF00] =	vst v19;
	v25 =	vor.u32 v0, v28  }
0x386: {  	s0 =	sadd.s32 $0x2, s19;
	[tilespmem:s18+$0xFFFFFF10] =	vst v20;
	v24 =	vor.u32 v7, v28;
	v10 =	vld.idx.msk [tilespmem:v29+s30+$0x0], $0xffff  }
0x387: {  	[tilespmem:s18+$0xFFFFFF20] =	vst v18;
	v19 =	vmov s0;
	v20 =	vor.u32 v5, v28;
	v9 =	vld.idx.msk [tilespmem:v27+s30+$0x0], $0xffff  }
0x388: {  	[tilespmem:s18+$0xFFFFFF30] =	vst v16;
	v19 =	vand.u32 $0x1E, v19;
	v29 =	vor.u32 v1, v28;
	v11 =	vld.idx.msk [tilespmem:v23+s30+$0x0], $0xffff  }
0x389: {  	[tilespmem:s18+$0xFFFFFF40] =	vst v17;
	v18 =	vbroadcast v19, $0x0;
	v27 =	vor.u32 v2, v28;
	v15 =	vld.idx.msk [tilespmem:v15+s30+$0x0], $0xffff  }
0x38a: {  	[tilespmem:s18+$0xFFFFFF50] =	vst v21;
	v23 =	vor.u32 v3, v28;
	v25 =	vld.idx.msk [tilespmem:v25+s30+$0x0], $0xffff  }
0x38b: {  	[tilespmem:s18+$0xFFFFFF60] =	vst v22;
	v17 =	vor.u32 v0, v18;
	v24 =	vld.idx.msk [tilespmem:v24+s30+$0x0], $0xffff  }
0x38c: {  	s17 =	sadd.s32 $0x200, s18;
	v30 =	vor.u32 v4, v28;
	[tilespmem:s18+$0xFFFFFF70] =	vst v26;
	v20 =	vld.idx.msk [tilespmem:v20+s30+$0x0], $0xffff  }
0x38d: {  	v21 =	vor.u32 v1, v18;
	[tilespmem:s17+$0xFFFFFF80] =	vst v8;
	v19 =	vld.idx.msk [tilespmem:v29+s30+$0x0], $0xffff  }
0x38e: {  	v28 =	vor.u32 v6, v28;
	[tilespmem:s17+$0xFFFFFF90] =	vst v12;
	v16 =	vld.idx.msk [tilespmem:v27+s30+$0x0], $0xffff  }
0x38f: {  	v22 =	vor.u32 v2, v18;
	[tilespmem:s17+$0xFFFFFFA0] =	vst v14;
	v23 =	vld.idx.msk [tilespmem:v23+s30+$0x0], $0xffff  }
0x390: {  	[tilespmem:s17+$0xFFFFFFB0] =	vst v13;
	v8 =	vld.idx.msk [tilespmem:v17+s30+$0x0], $0xffff;
	v17 =	vor.u32 v5, v18  }
0x391: {  	v26 =	vor.u32 v3, v18;
	v27 =	vld.idx.msk [tilespmem:v30+s30+$0x0], $0xffff;
	[tilespmem:s17+$0xFFFFFFC0] =	vst v10  }
0x392: {  	v12 =	vld.idx.msk [tilespmem:v21+s30+$0x0], $0xffff;
	v21 =	vor.u32 v6, v18;
	[tilespmem:s17+$0xFFFFFFD0] =	vst v9  }
0x393: {  	v28 =	vld.idx.msk [tilespmem:v28+s30+$0x0], $0xffff;
	[tilespmem:s17+$0xF0] =	vst v24;
	v24 =	vor.u32 v4, v18  }
0x394: {  	v14 =	vld.idx.msk [tilespmem:v22+s30+$0x0], $0xffff;
	[tilespmem:s17+$0xFFFFFFE0] =	vst v11;
	v18 =	vor.u32 v7, v18  }
0x395: {  	[tilespmem:s17+$0xFFFFFFF0] =	vst v15;
	v9 =	vld.idx.msk [tilespmem:v17+s30+$0x0], $0xffff;
	v17 =	vmov s19  }
0x396: {  	v13 =	vld.idx.msk [tilespmem:v26+s30+$0x0], $0xffff;
	[tilespmem:s17+$0x80] =	vst v25;
	v17 =	vand.u32 $0x1C, v17  }
0x397: {  	[tilespmem:s17+$0xD0] =	vst v20;
	v11 =	vld.idx.msk [tilespmem:v21+s30+$0x0], $0xffff;
	v17 =	vbroadcast v17, $0x0  }
0x398: {  	[tilespmem:s17+$0x90] =	vst v19;
	v10 =	vld.idx.msk [tilespmem:v24+s30+$0x0], $0xffff  }
0x399: {  	v15 =	vld.idx.msk [tilespmem:v18+s30+$0x0], $0xffff;
	[tilespmem:s17+$0x0] =	vst v8;
	v8 =	vor.u32 v0, v17  }
0x39a: {  	[tilespmem:s17+$0x10] =	vst v12;
	v12 =	vor.u32 v1, v17  }
0x39b: {  	[tilespmem:s17+$0x30] =	vst v13;
	v13 =	vor.u32 v2, v17  }
0x39c: {  	[tilespmem:s17+$0x20] =	vst v14;
	v14 =	vor.u32 v6, v17  }
0x39d: {  	[tilespmem:s17+$0x50] =	vst v9;
	v9 =	vor.u32 v4, v17  }
0x39e: {  	[tilespmem:s17+$0x60] =	vst v11;
	v11 =	vor.u32 v5, v17;
	v8 =	vld.idx.msk [tilespmem:v8+s30+$0x0], $0xffff  }
0x39f: {  	[tilespmem:s17+$0x40] =	vst v10;
	v10 =	vor.u32 v3, v17;
	v12 =	vld.idx.msk [tilespmem:v12+s30+$0x0], $0xffff  }
0x3a0: {  	[tilespmem:s17+$0x70] =	vst v15;
	v15 =	vor.u32 v7, v17;
	v13 =	vld.idx.msk [tilespmem:v13+s30+$0x0], $0xffff  }
0x3a1: {  	[tilespmem:s17+$0xA0] =	vst v16;
	v14 =	vld.idx.msk [tilespmem:v14+s30+$0x0], $0xffff  }
0x3a2: {  	[tilespmem:s17+$0xB0] =	vst v23;
	v9 =	vld.idx.msk [tilespmem:v9+s30+$0x0], $0xffff  }
0x3a3: {  	[tilespmem:s17+$0xC0] =	vst v27;
	v11 =	vld.idx.msk [tilespmem:v11+s30+$0x0], $0xffff  }
0x3a4: {  	[tilespmem:s17+$0xE0] =	vst v28;
	v10 =	vld.idx.msk [tilespmem:v10+s30+$0x0], $0xffff  }
0x3a5: {  	v15 =	vld.idx.msk [tilespmem:v15+s30+$0x0], $0xffff;
	[tilespmem:s17+$0xFFFFFF00] =	vst v8  }
0x3a6: {  	[tilespmem:s17+$0xFFFFFF10] =	vst v12  }
0x3a7: {  	[tilespmem:s17+$0xFFFFFF20] =	vst v13  }
0x3a8: {  	[tilespmem:s17+$0xFFFFFF60] =	vst v14  }
0x3a9: {  	[tilespmem:s17+$0xFFFFFF40] =	vst v9  }
0x3aa: {  	[tilespmem:s17+$0xFFFFFF50] =	vst v11  }
0x3ab: {  	[tilespmem:s17+$0xFFFFFF30] =	vst v10  }
0x3ac: {  	[tilespmem:s17+$0xFFFFFF70] =	vst v15  }
0x3ad: {  	s0 =	simm.s32 $0x0;
	s17 =	rddreg [dreg:$0xd]  }
0x3ae: {  	[hbm4b:s17+s0] =	stream.linear.scatter [tilespmem:s24], [sflag:$0x5], $0x400, $0x38;
	[tilespmem:$0x9400] =	vst v63  }
0x3af: {  	s21 =	rddreg [dreg:$0xe]  }
0x3b0: {  	[hbm4b:s21+s0] =	stream.linear.scatter [tilespmem:s29], [sflag:$0x5], $0x400, $0x38;
	[tilespmem:$0x9400] =	vst v63  }
0x3b1: {  	s22 =	simm.s32 $0x1;
	s23 =	rddreg [dreg:$0xf]  }
0x3b2: {  	v8 =	vmov s22;
	[hbm4b:s23+s0] =	stream.linear.scatter [tilespmem:s6], [sflag:$0x5], $0x400, $0x38;
	[tilespmem:$0x9400] =	vst v63  }
0x3b3: {  	v8 =	vand.u32 $0x1D, v8;
	s19 =	rddreg [dreg:$0x10]  }
0x3b4: {  	v9 =	vbroadcast v8, $0x0;
	[hbm4b:s19+s0] =	stream.linear.scatter [tilespmem:s7], [sflag:$0x5], $0x400, $0x38;
	[tilespmem:$0x9400] =	vst v63  }
0x3b5: {  	_ =	swait.ge [sflag:s15], $0x1000  }
0x3b6: {  	s20 =	simm.s32 $0x3;
	v8 =	vor.u32 v0, v9;
	[sflag:s15] =	ssyncset.done $0x0  }
0x3b7: {  	v13 =	vmov s20;
	v10 =	vor.u32 v1, v9;
	[sflag:s15] =	ssyncadd.s32 $0xFFFFF000  }
0x3b8: {  	v13 =	vand.u32 $0x1F, v13;
	v11 =	vor.u32 v2, v9;
	_ =	swait.ge [sflag:s16], $0x1000  }
0x3b9: {  	v13 =	vbroadcast v13, $0x0;
	v12 =	vor.u32 v3, v9;
	[sflag:s16] =	ssyncset.done $0x0  }
0x3ba: {  	v14 =	vor.u32 v4, v9;
	[sflag:s16] =	ssyncadd.s32 $0xFFFFF000  }
0x3bb: {  	v24 =	vor.u32 v5, v13;
	v15 =	vld.idx.msk [tilespmem:v8+s31+$0x0], $0xffff  }
0x3bc: {  	v8 =	vor.u32 v5, v9;
	v16 =	vld.idx.msk [tilespmem:v10+s31+$0x0], $0xffff  }
0x3bd: {  	v10 =	vor.u32 v6, v9;
	v17 =	vld.idx.msk [tilespmem:v11+s31+$0x0], $0xffff  }
0x3be: {  	v11 =	vor.u32 v0, v13;
	v18 =	vld.idx.msk [tilespmem:v12+s31+$0x0], $0xffff  }
0x3bf: {  	v12 =	vor.u32 v7, v13;
	v19 =	vld.idx.msk [tilespmem:v14+s31+$0x0], $0xffff  }
0x3c0: {  	v27 =	vor.u32 v7, v9;
	v14 =	vor.u32 v1, v13;
	v9 =	vld.idx.msk [tilespmem:v24+s31+$0x0], $0xffff  }
0x3c1: {  	v21 =	vor.u32 v2, v13;
	s21 =	simm.s32 $0x2;
	v20 =	vld.idx.msk [tilespmem:v8+s31+$0x0], $0xffff  }
0x3c2: {  	v23 =	vmov s21;
	v22 =	vld.idx.msk [tilespmem:v10+s31+$0x0], $0xffff;
	v10 =	vor.u32 v3, v13  }
0x3c3: {  	v23 =	vand.u32 $0x1E, v23;
	v8 =	vld.idx.msk [tilespmem:v11+s31+$0x0], $0xffff;
	v11 =	vor.u32 v4, v13  }
0x3c4: {  	v26 =	vor.u32 v6, v13;
	v23 =	vbroadcast v23, $0x0;
	v25 =	vld.idx.msk [tilespmem:v12+s31+$0x0], $0xffff  }
0x3c5: {  	v12 =	vld.idx.msk [tilespmem:v14+s31+$0x0], $0xffff  }
0x3c6: {  	v14 =	vld.idx.msk [tilespmem:v21+s31+$0x0], $0xffff;
	v21 =	vor.u32 v0, v23  }
0x3c7: {  	v28 =	vor.u32 v1, v23;
	v13 =	vld.idx.msk [tilespmem:v10+s31+$0x0], $0xffff  }
0x3c8: {  	s18 =	simm.s32 $0x8500;
	v24 =	vor.u32 v3, v23;
	v10 =	vld.idx.msk [tilespmem:v11+s31+$0x0], $0xffff  }
0x3c9: {  	v29 =	vor.u32 v2, v23;
	v11 =	vld.idx.msk [tilespmem:v26+s31+$0x0], $0xffff;
	[tilespmem:s18+$0xF0] =	vst v25  }
0x3ca: {  	v25 =	vld.idx.msk [tilespmem:v27+s31+$0x0], $0xffff;
	v26 =	vor.u32 v4, v23;
	v27 =	vmov s0;
	[tilespmem:s18+$0xFFFFFF80] =	vst v15  }
0x3cb: {  	v15 =	vld.idx.msk [tilespmem:v21+s31+$0x0], $0xffff;
	v21 =	vor.u32 v5, v23;
	[tilespmem:s18+$0xFFFFFF90] =	vst v16;
	v27 =	vand.u32 $0x1C, v27  }
0x3cc: {  	v16 =	vld.idx.msk [tilespmem:v28+s31+$0x0], $0xffff;
	v28 =	vor.u32 v6, v23;
	[tilespmem:s18+$0xFFFFFFA0] =	vst v17;
	v27 =	vbroadcast v27, $0x0  }
0x3cd: {  	v24 =	vld.idx.msk [tilespmem:v24+s31+$0x0], $0xffff;
	v23 =	vor.u32 v7, v23;
	[tilespmem:s18+$0xFFFFFFB0] =	vst v18  }
0x3ce: {  	v17 =	vld.idx.msk [tilespmem:v29+s31+$0x0], $0xffff;
	[tilespmem:s18+$0xFFFFFFC0] =	vst v19;
	v18 =	vor.u32 v0, v27  }
0x3cf: {  	[tilespmem:s18+$0xFFFFFFD0] =	vst v20;
	v29 =	vor.u32 v1, v27;
	v26 =	vld.idx.msk [tilespmem:v26+s31+$0x0], $0xffff  }
0x3d0: {  	[tilespmem:s18+$0xFFFFFFE0] =	vst v22;
	v30 =	vor.u32 v2, v27;
	v21 =	vld.idx.msk [tilespmem:v21+s31+$0x0], $0xffff  }
0x3d1: {  	s22 =	simm.s32 $0x5;
	v22 =	vld.idx.msk [tilespmem:v28+s31+$0x0], $0xffff;
	v28 =	vor.u32 v3, v27;
	[tilespmem:s18+$0xFFFFFFF0] =	vst v25  }
0x3d2: {  	v31 =	vld.idx.msk [tilespmem:v23+s31+$0x0], $0xffff;
	v23 =	vor.u32 v4, v27;
	[tilespmem:s18+$0x0] =	vst v15;
	v15 =	vmov s22  }
0x3d3: {  	v25 =	vor.u32 v5, v27;
	[tilespmem:s18+$0x10] =	vst v16;
	v15 =	vand.u32 $0x1D, v15;
	v19 =	vld.idx.msk [tilespmem:v18+s31+$0x0], $0xffff  }
0x3d4: {  	[tilespmem:s18+$0x20] =	vst v17;
	v15 =	vbroadcast v15, $0x0;
	v20 =	vld.idx.msk [tilespmem:v29+s31+$0x0], $0xffff;
	v29 =	vor.u32 v6, v27  }
0x3d5: {  	v18 =	vld.idx.msk [tilespmem:v30+s31+$0x0], $0xffff;
	[tilespmem:s18+$0x40] =	vst v26;
	v26 =	vor.u32 v7, v27  }
0x3d6: {  	[tilespmem:s18+$0x30] =	vst v24;
	v16 =	vld.idx.msk [tilespmem:v28+s31+$0x0], $0xffff;
	v27 =	vor.u32 v0, v15  }
0x3d7: {  	v17 =	vld.idx.msk [tilespmem:v23+s31+$0x0], $0xffff;
	[tilespmem:s18+$0x50] =	vst v21;
	v23 =	vor.u32 v1, v15  }
0x3d8: {  	s23 =	simm.s32 $0x7;
	v21 =	vld.idx.msk [tilespmem:v25+s31+$0x0], $0xffff;
	[tilespmem:s18+$0x60] =	vst v22;
	v25 =	vor.u32 v2, v15  }
0x3d9: {  	s17 =	simm.s32 $0x8;
	s19 =	simm.s32 $0x4;
	v24 =	vor.u32 v3, v15;
	v28 =	vmov s23;
	[tilespmem:s18+$0x70] =	vst v31;
	v22 =	vld.idx.msk [tilespmem:v29+s31+$0x0], $0xffff  }
.LBB2_18:
0x3da: {  	p0 =	slt.u32 s17, $0x1C;
	v29 =	vor.u32 v4, v15;
	v28 =	vand.u32 $0x1F, v28;
	v26 =	vld.idx.msk [tilespmem:v26+s31+$0x0], $0xffff;
	[tilespmem:s18+$0x80] =	vst v8  }
0x3db: {  	v8 =	vor.u32 v5, v15;
	v27 =	vld.idx.msk [tilespmem:v27+s31+$0x0], $0xffff;
	v28 =	vbroadcast v28, $0x0;
	[tilespmem:s18+$0x90] =	vst v12  }
0x3dc: {  	v12 =	vor.u32 v6, v15;
	v23 =	vld.idx.msk [tilespmem:v23+s31+$0x0], $0xffff;
	[tilespmem:s18+$0xA0] =	vst v14  }
0x3dd: {  	v25 =	vld.idx.msk [tilespmem:v25+s31+$0x0], $0xffff;
	v14 =	vor.u32 v0, v28;
	[tilespmem:s18+$0xB0] =	vst v13  }
0x3de: {  	v13 =	vor.u32 v7, v28;
	v24 =	vld.idx.msk [tilespmem:v24+s31+$0x0], $0xffff;
	[tilespmem:s18+$0xC0] =	vst v10  }
0x3df: {  	v10 =	vor.u32 v1, v28;
	v29 =	vld.idx.msk [tilespmem:v29+s31+$0x0], $0xffff;
	[tilespmem:s18+$0xD0] =	vst v9  }
0x3e0: {  	v9 =	vor.u32 v2, v28;
	v30 =	vld.idx.msk [tilespmem:v8+s31+$0x0], $0xffff;
	[tilespmem:s18+$0xE0] =	vst v11  }
0x3e1: {  	s0 =	sadd.s32 $0x2, s19;
	v11 =	vor.u32 v3, v28;
	v31 =	vld.idx.msk [tilespmem:v12+s31+$0x0], $0xffff;
	[tilespmem:s18+$0xFFFFFF00] =	vst v19  }
0x3e2: {  	v12 =	vmov s0;
	v19 =	vor.u32 v4, v28;
	v8 =	vld.idx.msk [tilespmem:v14+s31+$0x0], $0xffff;
	[tilespmem:s18+$0xFFFFFF10] =	vst v20  }
0x3e3: {  	v12 =	vand.u32 $0x1E, v12;
	v20 =	vor.u32 v5, v28;
	v32 =	vld.idx.msk [tilespmem:v13+s31+$0x0], $0xffff;
	[tilespmem:s18+$0xFFFFFF20] =	vst v18  }
0x3e4: {  	v28 =	vor.u32 v6, v28;
	v18 =	vbroadcast v12, $0x0;
	v12 =	vld.idx.msk [tilespmem:v10+s31+$0x0], $0xffff;
	[tilespmem:s18+$0xFFFFFF30] =	vst v16  }
0x3e5: {  	v15 =	vor.u32 v7, v15;
	v14 =	vld.idx.msk [tilespmem:v9+s31+$0x0], $0xffff;
	[tilespmem:s18+$0xFFFFFF40] =	vst v17  }
0x3e6: {  	v16 =	vor.u32 v0, v18;
	v13 =	vld.idx.msk [tilespmem:v11+s31+$0x0], $0xffff;
	[tilespmem:s18+$0xFFFFFF50] =	vst v21  }
0x3e7: {  	v17 =	vor.u32 v1, v18;
	v10 =	vld.idx.msk [tilespmem:v19+s31+$0x0], $0xffff;
	[tilespmem:s18+$0xFFFFFF60] =	vst v22  }
0x3e8: {  	v19 =	vor.u32 v2, v18;
	v9 =	vld.idx.msk [tilespmem:v20+s31+$0x0], $0xffff;
	[tilespmem:s18+$0xFFFFFF70] =	vst v26;
	s18 =	sadd.s32 $0x200, s18  }
0x3e9: {  	v20 =	vor.u32 v3, v18;
	v11 =	vld.idx.msk [tilespmem:v28+s31+$0x0], $0xffff;
	[tilespmem:s18+$0xF0] =	vst v32  }
0x3ea: {  	v21 =	vmov s19;
	s19 =	smov.u32 s17;
	v22 =	vor.u32 v4, v18;
	v15 =	vld.idx.msk [tilespmem:v15+s31+$0x0], $0xffff;
	[tilespmem:s18+$0xFFFFFF80] =	vst v27  }
0x3eb: {  	v21 =	vand.u32 $0x1C, v21;
	[tilespmem:s18+$0xFFFFFF90] =	vst v23;
	v16 =	vld.idx.msk [tilespmem:v16+s31+$0x0], $0xffff;
	v23 =	vor.u32 v5, v18  }
0x3ec: {  	v21 =	vbroadcast v21, $0x0;
	[tilespmem:s18+$0xFFFFFFA0] =	vst v25;
	v17 =	vld.idx.msk [tilespmem:v17+s31+$0x0], $0xffff;
	v25 =	vor.u32 v6, v18  }
0x3ed: {  	v18 =	vor.u32 v7, v18;
	[tilespmem:s18+$0xFFFFFFB0] =	vst v24;
	v24 =	vld.idx.msk [tilespmem:v19+s31+$0x0], $0xffff  }
0x3ee: {  	v19 =	vor.u32 v0, v21;
	[tilespmem:s18+$0xFFFFFFC0] =	vst v29;
	v27 =	vld.idx.msk [tilespmem:v20+s31+$0x0], $0xffff  }
0x3ef: {  	v20 =	vor.u32 v1, v21;
	[tilespmem:s18+$0xFFFFFFD0] =	vst v30;
	v22 =	vld.idx.msk [tilespmem:v22+s31+$0x0], $0xffff  }
0x3f0: {  	v26 =	vor.u32 v2, v21;
	[tilespmem:s18+$0xFFFFFFE0] =	vst v31;
	v28 =	vld.idx.msk [tilespmem:v23+s31+$0x0], $0xffff  }
0x3f1: {  	s0 =	sadd.s32 $0x1, s17;
	v23 =	vor.u32 v3, v21;
	[tilespmem:s18+$0xFFFFFFF0] =	vst v15;
	v29 =	vld.idx.msk [tilespmem:v25+s31+$0x0], $0xffff  }
0x3f2: {  	v15 =	vmov s0;
	v25 =	vor.u32 v4, v21;
	v30 =	vld.idx.msk [tilespmem:v18+s31+$0x0], $0xffff;
	[tilespmem:s18+$0x0] =	vst v16  }
0x3f3: {  	v31 =	vor.u32 v5, v21;
	v15 =	vand.u32 $0x1D, v15;
	v19 =	vld.idx.msk [tilespmem:v19+s31+$0x0], $0xffff;
	[tilespmem:s18+$0x10] =	vst v17  }
0x3f4: {  	v32 =	vor.u32 v6, v21;
	v15 =	vbroadcast v15, $0x0;
	v20 =	vld.idx.msk [tilespmem:v20+s31+$0x0], $0xffff;
	[tilespmem:s18+$0x20] =	vst v24  }
.Ltmp8:
0x3f5: {  	v18 =	vld.idx.msk [tilespmem:v26+s31+$0x0], $0xffff;
	v26 =	vor.u32 v7, v21;
	[tilespmem:s18+$0x30] =	vst v27;
	(pc) =	sbr.rel @p0 .LBB2_18-.Ltmp8, $4  }
0x3f6: {  	v27 =	vor.u32 v0, v15;
	v16 =	vld.idx.msk [tilespmem:v23+s31+$0x0], $0xffff;
	[tilespmem:s18+$0x40] =	vst v22  }
0x3f7: {  	v23 =	vor.u32 v1, v15;
	v17 =	vld.idx.msk [tilespmem:v25+s31+$0x0], $0xffff;
	[tilespmem:s18+$0x50] =	vst v28  }
0x3f8: {  	s0 =	sadd.s32 $0x3, s17;
	v25 =	vor.u32 v2, v15;
	v21 =	vld.idx.msk [tilespmem:v31+s31+$0x0], $0xffff;
	[tilespmem:s18+$0x60] =	vst v29  }
0x3f9: {  	s17 =	sadd.s32 $0x4, s17;
	v24 =	vor.u32 v3, v15;
	v28 =	vmov s0;
	v22 =	vld.idx.msk [tilespmem:v32+s31+$0x0], $0xffff;
	[tilespmem:s18+$0x70] =	vst v30  }
0x3fa: {  	[tilespmem:s18+$0x80] =	vst v8  }
0x3fb: {  	[tilespmem:s18+$0x90] =	vst v12  }
0x3fc: {  	[tilespmem:s18+$0xA0] =	vst v14  }
0x3fd: {  	[tilespmem:s18+$0xB0] =	vst v13  }
0x3fe: {  	[tilespmem:s18+$0xC0] =	vst v10  }
0x3ff: {  	[tilespmem:s18+$0xD0] =	vst v9  }
0x400: {  	[tilespmem:s18+$0xE0] =	vst v11  }
0x401: {  	v29 =	vor.u32 v4, v15;
	v26 =	vld.idx.msk [tilespmem:v26+s31+$0x0], $0xffff;
	[tilespmem:s18+$0xFFFFFF00] =	vst v19  }
0x402: {  	v28 =	vand.u32 $0x1F, v28;
	v8 =	vld.idx.msk [tilespmem:v27+s31+$0x0], $0xffff;
	v53 =	vor.u32 v5, v15;
	[tilespmem:s18+$0xFFFFFF10] =	vst v20  }
0x403: {  	v54 =	vld.idx.msk [tilespmem:v23+s31+$0x0], $0xffff;
	v55 =	vor.u32 v6, v15;
	[tilespmem:s18+$0xFFFFFF20] =	vst v18;
	v28 =	vbroadcast v28, $0x0  }
0x404: {  	v56 =	vld.idx.msk [tilespmem:v25+s31+$0x0], $0xffff;
	v39 =	vor.u32 v7, v15;
	[tilespmem:s18+$0xFFFFFF30] =	vst v16  }
0x405: {  	v58 =	vld.idx.msk [tilespmem:v24+s31+$0x0], $0xffff;
	[tilespmem:s18+$0xFFFFFF40] =	vst v17;
	v57 =	vor.u32 v0, v28  }
0x406: {  	v59 =	vor.u32 v7, v28;
	[tilespmem:s18+$0xFFFFFF50] =	vst v21;
	v60 =	vld.idx.msk [tilespmem:v29+s31+$0x0], $0xffff  }
0x407: {  	v61 =	vor.u32 v1, v28;
	[tilespmem:s18+$0xFFFFFF60] =	vst v22;
	v62 =	vld.idx.msk [tilespmem:v53+s31+$0x0], $0xffff  }
0x408: {  	s0 =	sadd.s32 $0x2, s19;
	s17 =	sadd.s32 $0x200, s18;
	v63 =	vor.u32 v2, v28;
	v33 =	vld.idx.msk [tilespmem:v55+s31+$0x0], $0xffff;
	[tilespmem:s18+$0xFFFFFF70] =	vst v26  }
0x409: {  	v35 =	vmov s0;
	v34 =	vor.u32 v3, v28;
	v15 =	vld.idx.msk [tilespmem:v39+s31+$0x0], $0xffff;
	[tilespmem:s17+$0xFFFFFF80] =	vst v8  }
0x40a: {  	v19 =	vand.u32 $0x1E, v35;
	v30 =	vor.u32 v4, v28;
	[tilespmem:s17+$0xFFFFFF90] =	vst v54;
	v25 =	vld.idx.msk [tilespmem:v57+s31+$0x0], $0xffff  }
0x40b: {  	v36 =	vor.u32 v5, v28;
	v37 =	vbroadcast v19, $0x0;
	[tilespmem:s17+$0xFFFFFFA0] =	vst v56;
	v24 =	vld.idx.msk [tilespmem:v59+s31+$0x0], $0xffff  }
0x40c: {  	v28 =	vor.u32 v6, v28;
	[tilespmem:s17+$0xFFFFFFB0] =	vst v58;
	v38 =	vld.idx.msk [tilespmem:v61+s31+$0x0], $0xffff  }
0x40d: {  	v41 =	vor.u32 v0, v37;
	v40 =	vld.idx.msk [tilespmem:v63+s31+$0x0], $0xffff;
	[tilespmem:s17+$0xFFFFFFC0] =	vst v60  }
0x40e: {  	v42 =	vor.u32 v1, v37;
	v23 =	vld.idx.msk [tilespmem:v34+s31+$0x0], $0xffff;
	[tilespmem:s17+$0xFFFFFFD0] =	vst v62  }
0x40f: {  	v44 =	vor.u32 v2, v37;
	v43 =	vld.idx.msk [tilespmem:v30+s31+$0x0], $0xffff;
	[tilespmem:s17+$0xFFFFFFE0] =	vst v33  }
0x410: {  	v45 =	vor.u32 v3, v37;
	v20 =	vld.idx.msk [tilespmem:v36+s31+$0x0], $0xffff;
	[tilespmem:s17+$0xFFFFFFF0] =	vst v15  }
0x411: {  	v46 =	vor.u32 v4, v37;
	v54 =	vmov s19;
	v28 =	vld.idx.msk [tilespmem:v28+s31+$0x0], $0xffff;
	[tilespmem:s17+$0xF0] =	vst v24  }
0x412: {  	v47 =	vor.u32 v5, v37;
	v17 =	vand.u32 $0x1C, v54;
	v8 =	vld.idx.msk [tilespmem:v41+s31+$0x0], $0xffff;
	[tilespmem:s17+$0x80] =	vst v25  }
0x413: {  	v49 =	vor.u32 v6, v37;
	v17 =	vbroadcast v17, $0x0;
	v48 =	vld.idx.msk [tilespmem:v42+s31+$0x0], $0xffff;
	[tilespmem:s17+$0x90] =	vst v38  }
0x414: {  	v18 =	vor.u32 v7, v37;
	v50 =	vld.idx.msk [tilespmem:v44+s31+$0x0], $0xffff;
	[tilespmem:s17+$0xA0] =	vst v40  }
0x415: {  	v57 =	vor.u32 v1, v17;
	v51 =	vld.idx.msk [tilespmem:v45+s31+$0x0], $0xffff;
	[tilespmem:s17+$0xB0] =	vst v23  }
0x416: {  	v58 =	vor.u32 v2, v17;
	v52 =	vld.idx.msk [tilespmem:v46+s31+$0x0], $0xffff;
	[tilespmem:s17+$0xC0] =	vst v43  }
0x417: {  	v59 =	vor.u32 v3, v17;
	v53 =	vld.idx.msk [tilespmem:v47+s31+$0x0], $0xffff;
	[tilespmem:s17+$0xD0] =	vst v20  }
0x418: {  	v61 =	vor.u32 v5, v17;
	v55 =	vld.idx.msk [tilespmem:v49+s31+$0x0], $0xffff;
	[tilespmem:s17+$0xE0] =	vst v28  }
0x419: {  	v63 =	vor.u32 v7, v17;
	v56 =	vld.idx.msk [tilespmem:v18+s31+$0x0], $0xffff;
	[tilespmem:s17+$0x0] =	vst v8  }
0x41a: {  	v60 =	vor.u32 v4, v17;
	v12 =	vld.idx.msk [tilespmem:v57+s31+$0x0], $0xffff;
	[tilespmem:s17+$0x10] =	vst v48  }
0x41b: {  	v62 =	vor.u32 v6, v17;
	v13 =	vld.idx.msk [tilespmem:v58+s31+$0x0], $0xffff;
	[tilespmem:s17+$0x20] =	vst v50  }
0x41c: {  	v10 =	vld.idx.msk [tilespmem:v59+s31+$0x0], $0xffff;
	v8 =	vor.u32 v0, v17;
	[tilespmem:s17+$0x30] =	vst v51  }
0x41d: {  	v11 =	vld.idx.msk [tilespmem:v61+s31+$0x0], $0xffff;
	[tilespmem:s17+$0x40] =	vst v52  }
0x41e: {  	v15 =	vld.idx.msk [tilespmem:v63+s31+$0x0], $0xffff;
	[tilespmem:s17+$0x50] =	vst v53  }
0x41f: {  	[tilespmem:s17+$0x60] =	vst v55;
	v9 =	vld.idx.msk [tilespmem:v60+s31+$0x0], $0xffff  }
0x420: {  	[tilespmem:s17+$0x70] =	vst v56;
	v14 =	vld.idx.msk [tilespmem:v62+s31+$0x0], $0xffff  }
0x421: {  	v8 =	vld.idx.msk [tilespmem:v8+s31+$0x0], $0xffff;
	[tilespmem:s17+$0xFFFFFF10] =	vst v12  }
0x422: {  	[tilespmem:s17+$0xFFFFFF20] =	vst v13  }
0x423: {  	[tilespmem:s17+$0xFFFFFF30] =	vst v10  }
0x424: {  	[tilespmem:s17+$0xFFFFFF40] =	vst v9  }
0x425: {  	[tilespmem:s17+$0xFFFFFF50] =	vst v11  }
0x426: {  	[tilespmem:s17+$0xFFFFFF60] =	vst v14  }
0x427: {  	[tilespmem:s17+$0xFFFFFF70] =	vst v15  }
0x428: {  	[tilespmem:s17+$0xFFFFFF00] =	vst v8  }
0x429: {  	s18 =	rddreg [dreg:$0x11]  }
0x42a: {  	[hbm4b:s18+s4] =	stream.linear.scatter [tilespmem:s9], [sflag:$0x6], $0x400, $0x38;
	[tilespmem:$0x9400] =	vst v63  }
0x42b: {  	s19 =	rddreg [dreg:$0x12]  }
0x42c: {  	[hbm4b:s19+s4] =	stream.linear.scatter [tilespmem:s10], [sflag:$0x6], $0x400, $0x38;
	[tilespmem:$0x9400] =	vst v63  }
0x42d: {  	s20 =	rddreg [dreg:$0x13]  }
0x42e: {  	[hbm4b:s20+s4] =	stream.linear.scatter [tilespmem:s11], [sflag:$0x6], $0x400, $0x38;
	[tilespmem:$0x9400] =	vst v63  }
0x42f: {  	s21 =	rddreg [dreg:$0x14]  }
0x430: {  	[hbm4b:s21+s4] =	stream.linear.scatter [tilespmem:s12], [sflag:$0x6], $0x400, $0x38;
	[tilespmem:$0x9400] =	vst v63  }
0x431: {  	_ =	swait.ge [sflag:s14], $0x1000  }
0x432: {  	[sflag:s14] =	ssyncset.done $0x0  }
0x433: {  	[sflag:s14] =	ssyncadd.s32 $0xFFFFF000  }
0x434: {  	_ =	swait.ge [sflag:s16], $0x1000  }
0x435: {  	s22 =	rddreg [dreg:$0x16]  }
0x436: {  	s23 =	rddreg [dreg:$0x15];
	s17 =	sadd.s32 $0x1, s22  }
0x437: {  	p0 =	sne.s32 s17, s23  }
.Ltmp9:
0x438: {  	_ = 	snop;
	(pc) =	sbr.rel @p0 .LBB2_1-.Ltmp9, $3  }
0x439: {  	_ =	sdelay $0x1  }
0x43a: {  	[sflag:s16] =	ssyncset.done $0x0  }
0x43b: {  	[sflag:s16] =	ssyncadd.s32 $0xFFFFF000  }
0x43c: {  	_ =	sfence.sel $0x180000  }
0x43d: {  	[bflag:$0x0] =	sbarrier.arrive $0xFFFF  }
0x43e: {  	_ =	strace $0x90000047  }
0x43f: {  	s0 =	stileid.u32;
	[bflag:$0x2] =	sbarrier.arrive $0xFFFF  }
0x440: {  	p0 =	sne.s32 s0, $0x0;
	s0 =	rddreg [dreg:$0x3]  }
0x441: {  	s0 =	sadd.s32 @!p0 $0x100000, s0  }
0x442: {  	[sflag:s0] =	ssyncadd.tile.s32 @!p0 $0x1;
	_ =	shalt  }
.Lfunc_end2:
_tile_overlayer_lowered:
.L_overlay_start_2:
0x443: {  	(tag) =	ssettag $0x2  }
0x444: {  	s0 =	rddreg [dreg:$0x0];
	s2 =	stileid.u32  }
0x445: {  	s1 =	rddreg [dreg:$0x1];
	p0 =	sne.s32 s2, $0x0  }
0x446: {  	s3 =	rddreg [dreg:$0x2];
	[bflag:$0x3] =	sbarrier.arrive $0xFFFF;
	s2 =	simm.s32 @!p0 $0x1C07  }
0x447: {  	[timem:s3], [sflag:s2] =	dma.local @!p0 [hbm:s0], s1  }
0x448: {  	s0 =	simm.s32 @!p0 $0x7  }
0x449: {  	_ =	swait.ge @!p0 [sflag:s0], s1  }
0x44a: {  	s1 =	ssub.s32 @!p0 $0x0, s1;
	[sflag:s0] =	ssyncset.done @!p0 $0x0  }
0x44b: {  	[sflag:s0] =	ssyncadd.s32 @!p0 s1  }
0x44c: {  	[bflag:$0x3] =	sbarrier.arrive $0xFFFF  }
0x44d: {  	_ =	shalt  }

</sc_bundles>
